<compile_context>
chip_gen: v7x
topology: tpu7x:2x2x1
jax: 0.10.2.dev20260603
libtpu: 0.0.44.dev20260713+nightly
codegen_flags: <defaults>
</compile_context>

<pallas_src>
import functools

import jax
import jax.numpy as jnp
import numpy as np
from jax import lax
from jax.experimental import pallas as pl
from jax.experimental.pallas import tpu as pltpu
from jax.experimental.pallas import tpu_sc as plsc

_B, _S, _H = 2, 2048, 4
_T, _P = 7, 3
_NC, _NS = 2, 16
_NW = _NC * _NS
_ROWS_W = _B * _S // _NW
_R = 4
_TILES = _ROWS_W // _R
_LUT = 256
_COMB = 128

_OFF_TBIDX = _LUT
_OFF_PBIDX = _OFF_TBIDX + _COMB
_OFF_TB = _OFF_PBIDX + _COMB
_OFF_PB = _OFF_TB + 128
_PK = _OFF_PB + 128

_BOUNDARIES = (1e3, 1e4, 1e5, 1e6, 1e7, 1e8)


def _build_packed_lut():
    lut = np.zeros(_LUT, np.int64)
    sentinel = 0x7E000000
    for e in range(_LUT):
        base = 0
        thr_bits = sentinel
        if e >= 127:
            lo = 2.0 ** (e - 127)
            hi = 2.0 ** (e - 126)
            base = sum(1 for bk in _BOUNDARIES if bk < lo)
            for bk in _BOUNDARIES:
                if lo < bk < hi:
                    thr_bits = int(np.float32(bk).view(np.int32))
                    assert thr_bits & 7 == 0
        lut[e] = thr_bits | base
    return lut.astype(np.int32)


def _build_static_words():
    words = np.zeros(_PK, np.int32)
    words[:_LUT] = _build_packed_lut()
    for l in range(_COMB):
        lc = min(l, _H * _T * _P - 1)
        h, r = divmod(lc, _T * _P)
        t, p = divmod(r, _P)
        words[_OFF_TBIDX + l] = _OFF_TB + h * _T + t
        words[_OFF_PBIDX + l] = _OFF_PB + h * _P + p
    return words


_STATIC_WORDS_NP = _build_static_words()

_mesh = plsc.VectorSubcoreMesh(core_axis_name="c", subcore_axis_name="s")


@functools.partial(
    pl.kernel,
    mesh=_mesh,
    out_type=jax.ShapeDtypeStruct((_B, _H, _S, _S), jnp.float32),
    compiler_params=pltpu.CompilerParams(needs_layout_passes=False),
    scratch_types=[
        pltpu.VMEM((2, _R, _S), jnp.int32),
        pltpu.VMEM((2, _R, _S), jnp.int32),
        pltpu.VMEM((2, _H, _R, _S), jnp.float32),
        pltpu.VMEM((_PK,), jnp.int32),
        pltpu.VMEM((_COMB,), jnp.float32),
        pltpu.SemaphoreType.DMA,
        pltpu.SemaphoreType.DMA,
        pltpu.SemaphoreType.DMA,
        pltpu.SemaphoreType.DMA,
    ],
)
def _hybrid_bias_sc(td_hbm, plen_hbm, pk_hbm, out_hbm, td_v, plen_v, out_v,
                    pk_v, comb_v, sem_in0, sem_in1, sem_out0, sem_out1):
    w = lax.axis_index("s") * _NC + lax.axis_index("c")
    sem_in = (sem_in0, sem_in1)
    sem_out = (sem_out0, sem_out1)

    wb = w // (_NW // _B)
    row0 = (w % (_NW // _B)) * _ROWS_W

    def start_inputs(g, buf):
        r = row0 + g * _R
        pltpu.async_copy(td_hbm.at[wb, pl.ds(r, _R), :], td_v.at[buf],
                         sem_in[buf])
        pltpu.async_copy(plen_hbm.at[wb, pl.ds(r, _R), :], plen_v.at[buf],
                         sem_in[buf])

    def wait_inputs(buf):
        pltpu.make_async_copy(td_hbm.at[wb, pl.ds(0, _R), :],
                              td_v.at[buf], sem_in[buf]).wait()
        pltpu.make_async_copy(plen_hbm.at[wb, pl.ds(0, _R), :],
                              plen_v.at[buf], sem_in[buf]).wait()

    def wait_outputs(buf):
        for h in range(_H):
            pltpu.make_async_copy(out_v.at[buf, h],
                                  out_hbm.at[wb, h, pl.ds(0, _R), :],
                                  sem_out[buf]).wait()

    for buf in range(2):
        start_inputs(buf, buf)

    pltpu.sync_copy(pk_hbm, pk_v)
    for k in range(_COMB // 16):
        ti = pk_v[pl.ds(_OFF_TBIDX + 16 * k, 16)]
        pi = pk_v[pl.ds(_OFF_PBIDX + 16 * k, 16)]
        tval = plsc.bitcast(plsc.load_gather(pk_v, [ti]), jnp.float32)
        pval = plsc.bitcast(plsc.load_gather(pk_v, [pi]), jnp.float32)
        comb_v[pl.ds(16 * k, 16)] = tval + pval

    def outer(g0, carry):
        for buf in range(2):
            g = g0 * 2 + buf
            wait_inputs(buf)

            @pl.when(g >= 2)
            def _():
                wait_outputs(buf)

            @plsc.parallel_loop(0, _S, step=16, unroll=8)
            def vec_body(o):
                for r in range(_R):
                    td = td_v[buf, r, pl.ds(o, 16)]
                    pln = plen_v[buf, r, pl.ds(o, 16)]
                    tdf = td.astype(jnp.float32)
                    bits = plsc.bitcast(tdf, jnp.int32)
                    e = jnp.minimum(bits >> 23, _LUT - 1)
                    pk = plsc.load_gather(pk_v, [e])
                    thrv = plsc.bitcast(pk & (-8), jnp.float32)
                    t = (pk & 7) + jnp.where(tdf >= thrv, 1, 0)
                    p = jnp.minimum(jnp.maximum(pln, 0), _P - 1)
                    idx = t * 3 + p
                    for h in range(_H):
                        out_v[buf, h, r, pl.ds(o, 16)] = plsc.load_gather(
                            comb_v, [idx + 21 * h])

            r = row0 + g * _R
            for h in range(_H):
                pltpu.async_copy(out_v.at[buf, h],
                                 out_hbm.at[wb, h, pl.ds(r, _R), :],
                                 sem_out[buf])

            @pl.when(g + 2 < _TILES)
            def _():
                start_inputs(g + 2, buf)

        return carry

    lax.fori_loop(0, _TILES // 2, outer, None)

    for buf in range(2):
        wait_outputs(buf)


def kernel(time_delta_ms, path_length, temporal_bias, path_bias):
    td = time_delta_ms.astype(jnp.int32)
    pln = path_length.astype(jnp.int32)
    static_words = jnp.asarray(_STATIC_WORDS_NP)
    tb_bits = jax.lax.bitcast_convert_type(
        temporal_bias.astype(jnp.float32).reshape(-1), jnp.int32)
    pb_bits = jax.lax.bitcast_convert_type(
        path_bias.astype(jnp.float32).reshape(-1), jnp.int32)
    pk = jax.lax.dynamic_update_slice(static_words, tb_bits, (_OFF_TB,))
    pk = jax.lax.dynamic_update_slice(pk, pb_bits, (_OFF_PB,))
    return _hybrid_bias_sc(td, pln, pk)

# --- scband reference (transcript-rebuilt; emitter-appended) ---
"""Pipeline reference for scband-hybrid-bias-45543833207077 (READ-ONLY COPY).

The authoritative reference and input builder live on the scoring server;
editing this copy changes nothing except your own understanding.
"""

import jax, jax.numpy as jnp
import numpy as np

NUM_TEMPORAL_BUCKETS = 7
NUM_PATH_BUCKETS = 3
NUM_HEADS = 4

# Approximation of etpgt.encodings.temporal_encoding.time_delta_to_bucket:
# log-scale bucketing of millisecond deltas into NUM_TEMPORAL_BUCKETS buckets.
_TEMPORAL_BOUNDARIES = jnp.array([1e3, 1e4, 1e5, 1e6, 1e7, 1e8], dtype=jnp.float32)

def time_delta_to_bucket(time_delta_ms):
    return jnp.digitize(time_delta_ms.astype(jnp.float32), _TEMPORAL_BOUNDARIES).astype(jnp.int32)

# Approximation of etpgt.encodings.path_encoding.path_length_to_bucket:
# clamp path lengths into NUM_PATH_BUCKETS buckets.
def path_length_to_bucket(path_length):
    return jnp.clip(path_length, 0, NUM_PATH_BUCKETS - 1).astype(jnp.int32)


def setup_inputs(seed: int = 0) -> dict:
    key = jax.random.key(seed)
    k1, k2, k3, k4 = jax.random.split(key, 4)
    B, S = 2, 2048
    time_delta_ms = jax.random.randint(k1, (B, S, S), 0, 100000000, dtype=jnp.int64) if jax.config.read('jax_enable_x64') else jax.random.randint(k1, (B, S, S), 0, 100000000, dtype=jnp.int32)
    path_length = jax.random.randint(k2, (B, S, S), 0, 10, dtype=jnp.int32)
    temporal_bias = 0.02 * jax.random.normal(k3, (NUM_HEADS, NUM_TEMPORAL_BUCKETS), dtype=jnp.float32)
    path_bias = 0.02 * jax.random.normal(k4, (NUM_HEADS, NUM_PATH_BUCKETS), dtype=jnp.float32)
    return {
        'time_delta_ms': time_delta_ms,
        'path_length': path_length,
        'temporal_bias': temporal_bias,
        'path_bias': path_bias,
    }


def reference(time_delta_ms, path_length, temporal_bias, path_bias):
    temporal_buckets = time_delta_to_bucket(time_delta_ms)   # [B, S, S] int
    path_buckets = path_length_to_bucket(path_length)        # [B, S, S] int
    # Gather per-head bias values by bucket id.
    # temporal_bias: [H, T] -> index with [B, S, S] buckets -> [H, B, S, S]
    temporal_attention_bias = jnp.take(temporal_bias, temporal_buckets, axis=1)  # [H, B, S, S]
    temporal_attention_bias = jnp.transpose(temporal_attention_bias, (1, 0, 2, 3))  # [B, H, S, S]
    path_attention_bias = jnp.take(path_bias, path_buckets, axis=1)  # [H, B, S, S]
    path_attention_bias = jnp.transpose(path_attention_bias, (1, 0, 2, 3))  # [B, H, S, S]
    hybrid_bias = temporal_attention_bias + path_attention_bias
    return hybrid_bias

if __name__ == "__main__":
    import jax
    _d = setup_inputs()
    print(jax.jit(kernel)(*tuple(_d.values())))

</pallas_src>

<mosaic_0001>
#map = affine_map<(d0, d1) -> (0, 0, 0)>
#map1 = affine_map<(d0, d1) -> (0)>
#map2 = affine_map<(d0, d1) -> (0, 0, 0, 0)>
module attributes {stable_mosaic.version = 14 : i64} {
  func.func @_hybrid_bias_sc(%arg0: i32, %arg1: i32, %arg2: memref<2x2048x2048xi32, #tpu.memory_space<hbm>>, %arg3: memref<2x2048x2048xi32, #tpu.memory_space<hbm>>, %arg4: memref<768xi32, #tpu.memory_space<hbm>>, %arg5: memref<2x4x2048x2048xf32, #tpu.memory_space<hbm>>, %arg6: memref<2x4x2048xi32, #tpu.memory_space<vmem>>, %arg7: memref<2x4x2048xi32, #tpu.memory_space<vmem>>, %arg8: memref<2x4x4x2048xf32, #tpu.memory_space<vmem>>, %arg9: memref<768xi32, #tpu.memory_space<vmem>>, %arg10: memref<128xf32, #tpu.memory_space<vmem>>, %arg11: memref<!tpu.dma_semaphore, #tpu.memory_space<semaphore_mem>>, %arg12: memref<!tpu.dma_semaphore, #tpu.memory_space<semaphore_mem>>, %arg13: memref<!tpu.dma_semaphore, #tpu.memory_space<semaphore_mem>>, %arg14: memref<!tpu.dma_semaphore, #tpu.memory_space<semaphore_mem>>) attributes {dimension_semantics = [#tpu.dimension_semantics<core_parallel>, #tpu.dimension_semantics<subcore_parallel>], iteration_bounds = array<i64: 2, 16>, scalar_prefetch = 0 : i64, scratch_operands = 9 : i64, tpu.core_type = #tpu.core_type<sc_vector_subcore>, window_params = [{transform_indices = #map}, {transform_indices = #map}, {transform_indices = #map1}, {transform_indices = #map2}]} {
    %mul3A = arith.constant 2 : i32
    %mul3A_0 = arith.muli %arg1, %mul3A : i32
    %add3A = arith.addi %mul3A_0, %arg0 : i32
    %jit3A = arith.constant 16 : i32
    %div3A = arith.divsi %add3A, %jit3A : i32
    %sign3A = arith.constant 0 : i32
    %sign3A_1 = arith.cmpi sgt, %add3A, %sign3A : i32
    %sign3A_2 = arith.extui %sign3A_1 : i1 to i32
    %sign3A_3 = arith.constant 0 : i32
    %sign3A_4 = arith.cmpi slt, %add3A, %sign3A_3 : i32
    %sign3A_5 = arith.extui %sign3A_4 : i1 to i32
    %sign3A_6 = arith.subi %sign3A_2, %sign3A_5 : i32
    %sign3A_7 = arith.constant 0 : i32
    %sign3A_8 = arith.cmpi sgt, %jit3A, %sign3A_7 : i32
    %sign3A_9 = arith.extui %sign3A_8 : i1 to i32
    %sign3A_10 = arith.constant 0 : i32
    %sign3A_11 = arith.cmpi slt, %jit3A, %sign3A_10 : i32
    %sign3A_12 = arith.extui %sign3A_11 : i1 to i32
    %sign3A_13 = arith.subi %sign3A_9, %sign3A_12 : i32
    %ne3A = arith.cmpi ne, %sign3A_6, %sign3A_13 : i32
    %rem3A = arith.remsi %add3A, %jit3A : i32
    %ne3A_14 = arith.constant 0 : i32
    %ne3A_15 = arith.cmpi ne, %rem3A, %ne3A_14 : i32
    %and3A = arith.andi %ne3A, %ne3A_15 : i1
    %sub3A = arith.constant 1 : i32
    %sub3A_16 = arith.subi %div3A, %sub3A : i32
    %select_n3A = arith.select %and3A, %sub3A_16, %div3A : i32
    %jit3A_17 = arith.constant 16 : i32
    %eq3A = arith.constant 0 : i32
    %eq3A_18 = arith.cmpi eq, %jit3A_17, %eq3A : i32
    %jit3A_19 = arith.constant 1 : i32
    %select_n3A_20 = arith.select %eq3A_18, %jit3A_19, %jit3A_17 : i32
    %rem3A_21 = arith.remsi %add3A, %select_n3A_20 : i32
    %ne3A_22 = arith.constant 0 : i32
    %ne3A_23 = arith.cmpi ne, %rem3A_21, %ne3A_22 : i32
    %lt3A = arith.constant 0 : i32
    %lt3A_24 = arith.cmpi slt, %rem3A_21, %lt3A : i32
    %lt3A_25 = arith.constant 0 : i32
    %lt3A_26 = arith.cmpi slt, %select_n3A_20, %lt3A_25 : i32
    %ne3A_27 = arith.xori %lt3A_24, %lt3A_26 : i1
    %and3A_28 = arith.andi %ne3A_27, %ne3A_23 : i1
    %add3A_29 = arith.addi %rem3A_21, %select_n3A_20 : i32
    %select_n3A_30 = arith.select %and3A_28, %add3A_29, %rem3A_21 : i32
    %mul3A_31 = arith.constant 128 : i32
    %mul3A_32 = arith.muli %select_n3A_30, %mul3A_31 : i32
    %add3A_33 = arith.constant 0 : i32
    %add3A_34 = arith.addi %mul3A_32, %add3A_33 : i32
    %dma_start3A = arith.constant 0 : i32
    %dma_start3A_35 = arith.constant 0 : i32
    %dma_start3A_36 = arith.constant 0 : i32
    %dma_start3A_37 = tpu.memref_slice %arg6[%dma_start3A, %dma_start3A_35, %dma_start3A_36] : memref<2x4x2048xi32, #tpu.memory_space<vmem>> -> memref<1x4x2048xi32, #tpu.memory_space<vmem>>
    %dma_start3A_38 = tpu.memref_squeeze %dma_start3A_37 : memref<1x4x2048xi32, #tpu.memory_space<vmem>> -> memref<4x2048xi32, #tpu.memory_space<vmem>>
    %dma_start3A_39 = arith.constant 0 : i32
    %dma_start3A_40 = tpu.memref_slice %arg2[%select_n3A, %add3A_34, %dma_start3A_39] : memref<2x2048x2048xi32, #tpu.memory_space<hbm>> -> memref<1x4x2048xi32, #tpu.memory_space<hbm>>
    %dma_start3A_41 = tpu.memref_squeeze %dma_start3A_40 : memref<1x4x2048xi32, #tpu.memory_space<hbm>> -> memref<4x2048xi32, #tpu.memory_space<hbm>>
    %dma_start3A_42 = arith.constant 0 : i32
    %dma_start3A_43 = arith.constant 0 : i32
    %dma_start3A_44 = tpu.memref_slice %arg6[%dma_start3A, %dma_start3A_42, %dma_start3A_43] : memref<2x4x2048xi32, #tpu.memory_space<vmem>> -> memref<1x4x2048xi32, #tpu.memory_space<vmem>>
    %dma_start3A_45 = tpu.memref_squeeze %dma_start3A_44 : memref<1x4x2048xi32, #tpu.memory_space<vmem>> -> memref<4x2048xi32, #tpu.memory_space<vmem>>
    %dma_start3A_46 = arith.constant 0 : i32
    %dma_start3A_47 = tpu.memref_slice %arg2[%select_n3A, %add3A_34, %dma_start3A_46] : memref<2x2048x2048xi32, #tpu.memory_space<hbm>> -> memref<1x4x2048xi32, #tpu.memory_space<hbm>>
    %dma_start3A_48 = tpu.memref_squeeze %dma_start3A_47 : memref<1x4x2048xi32, #tpu.memory_space<hbm>> -> memref<4x2048xi32, #tpu.memory_space<hbm>>
    tpu.enqueue_dma source(%dma_start3A_48 : memref<4x2048xi32, #tpu.memory_space<hbm>>) target(%dma_start3A_45 : memref<4x2048xi32, #tpu.memory_space<vmem>>) target_semaphore(%arg11 : memref<!tpu.dma_semaphore, #tpu.memory_space<semaphore_mem>>)
    %dma_start3A_49 = arith.constant 0 : i32
    %dma_start3A_50 = arith.constant 0 : i32
    %dma_start3A_51 = arith.constant 0 : i32
    %dma_start3A_52 = tpu.memref_slice %arg7[%dma_start3A_49, %dma_start3A_50, %dma_start3A_51] : memref<2x4x2048xi32, #tpu.memory_space<vmem>> -> memref<1x4x2048xi32, #tpu.memory_space<vmem>>
    %dma_start3A_53 = tpu.memref_squeeze %dma_start3A_52 : memref<1x4x2048xi32, #tpu.memory_space<vmem>> -> memref<4x2048xi32, #tpu.memory_space<vmem>>
    %dma_start3A_54 = arith.constant 0 : i32
    %dma_start3A_55 = tpu.memref_slice %arg3[%select_n3A, %add3A_34, %dma_start3A_54] : memref<2x2048x2048xi32, #tpu.memory_space<hbm>> -> memref<1x4x2048xi32, #tpu.memory_space<hbm>>
    %dma_start3A_56 = tpu.memref_squeeze %dma_start3A_55 : memref<1x4x2048xi32, #tpu.memory_space<hbm>> -> memref<4x2048xi32, #tpu.memory_space<hbm>>
    %dma_start3A_57 = arith.constant 0 : i32
    %dma_start3A_58 = arith.constant 0 : i32
    %dma_start3A_59 = tpu.memref_slice %arg7[%dma_start3A_49, %dma_start3A_57, %dma_start3A_58] : memref<2x4x2048xi32, #tpu.memory_space<vmem>> -> memref<1x4x2048xi32, #tpu.memory_space<vmem>>
    %dma_start3A_60 = tpu.memref_squeeze %dma_start3A_59 : memref<1x4x2048xi32, #tpu.memory_space<vmem>> -> memref<4x2048xi32, #tpu.memory_space<vmem>>
    %dma_start3A_61 = arith.constant 0 : i32
    %dma_start3A_62 = tpu.memref_slice %arg3[%select_n3A, %add3A_34, %dma_start3A_61] : memref<2x2048x2048xi32, #tpu.memory_space<hbm>> -> memref<1x4x2048xi32, #tpu.memory_space<hbm>>
    %dma_start3A_63 = tpu.memref_squeeze %dma_start3A_62 : memref<1x4x2048xi32, #tpu.memory_space<hbm>> -> memref<4x2048xi32, #tpu.memory_space<hbm>>
    tpu.enqueue_dma source(%dma_start3A_63 : memref<4x2048xi32, #tpu.memory_space<hbm>>) target(%dma_start3A_60 : memref<4x2048xi32, #tpu.memory_space<vmem>>) target_semaphore(%arg11 : memref<!tpu.dma_semaphore, #tpu.memory_space<semaphore_mem>>)
    %add3A_64 = arith.constant 4 : i32
    %add3A_65 = arith.addi %mul3A_32, %add3A_64 : i32
    %dma_start3A_66 = arith.constant 1 : i32
    %dma_start3A_67 = arith.constant 0 : i32
    %dma_start3A_68 = arith.constant 0 : i32
    %dma_start3A_69 = tpu.memref_slice %arg6[%dma_start3A_66, %dma_start3A_67, %dma_start3A_68] : memref<2x4x2048xi32, #tpu.memory_space<vmem>> -> memref<1x4x2048xi32, #tpu.memory_space<vmem>>
    %dma_start3A_70 = tpu.memref_squeeze %dma_start3A_69 : memref<1x4x2048xi32, #tpu.memory_space<vmem>> -> memref<4x2048xi32, #tpu.memory_space<vmem>>
    %dma_start3A_71 = arith.constant 0 : i32
    %dma_start3A_72 = tpu.memref_slice %arg2[%select_n3A, %add3A_65, %dma_start3A_71] : memref<2x2048x2048xi32, #tpu.memory_space<hbm>> -> memref<1x4x2048xi32, #tpu.memory_space<hbm>>
    %dma_start3A_73 = tpu.memref_squeeze %dma_start3A_72 : memref<1x4x2048xi32, #tpu.memory_space<hbm>> -> memref<4x2048xi32, #tpu.memory_space<hbm>>
    %dma_start3A_74 = arith.constant 0 : i32
    %dma_start3A_75 = arith.constant 0 : i32
    %dma_start3A_76 = tpu.memref_slice %arg6[%dma_start3A_66, %dma_start3A_74, %dma_start3A_75] : memref<2x4x2048xi32, #tpu.memory_space<vmem>> -> memref<1x4x2048xi32, #tpu.memory_space<vmem>>
    %dma_start3A_77 = tpu.memref_squeeze %dma_start3A_76 : memref<1x4x2048xi32, #tpu.memory_space<vmem>> -> memref<4x2048xi32, #tpu.memory_space<vmem>>
    %dma_start3A_78 = arith.constant 0 : i32
    %dma_start3A_79 = tpu.memref_slice %arg2[%select_n3A, %add3A_65, %dma_start3A_78] : memref<2x2048x2048xi32, #tpu.memory_space<hbm>> -> memref<1x4x2048xi32, #tpu.memory_space<hbm>>
    %dma_start3A_80 = tpu.memref_squeeze %dma_start3A_79 : memref<1x4x2048xi32, #tpu.memory_space<hbm>> -> memref<4x2048xi32, #tpu.memory_space<hbm>>
    tpu.enqueue_dma source(%dma_start3A_80 : memref<4x2048xi32, #tpu.memory_space<hbm>>) target(%dma_start3A_77 : memref<4x2048xi32, #tpu.memory_space<vmem>>) target_semaphore(%arg12 : memref<!tpu.dma_semaphore, #tpu.memory_space<semaphore_mem>>)
    %dma_start3A_81 = arith.constant 1 : i32
    %dma_start3A_82 = arith.constant 0 : i32
    %dma_start3A_83 = arith.constant 0 : i32
    %dma_start3A_84 = tpu.memref_slice %arg7[%dma_start3A_81, %dma_start3A_82, %dma_start3A_83] : memref<2x4x2048xi32, #tpu.memory_space<vmem>> -> memref<1x4x2048xi32, #tpu.memory_space<vmem>>
    %dma_start3A_85 = tpu.memref_squeeze %dma_start3A_84 : memref<1x4x2048xi32, #tpu.memory_space<vmem>> -> memref<4x2048xi32, #tpu.memory_space<vmem>>
    %dma_start3A_86 = arith.constant 0 : i32
    %dma_start3A_87 = tpu.memref_slice %arg3[%select_n3A, %add3A_65, %dma_start3A_86] : memref<2x2048x2048xi32, #tpu.memory_space<hbm>> -> memref<1x4x2048xi32, #tpu.memory_space<hbm>>
    %dma_start3A_88 = tpu.memref_squeeze %dma_start3A_87 : memref<1x4x2048xi32, #tpu.memory_space<hbm>> -> memref<4x2048xi32, #tpu.memory_space<hbm>>
    %dma_start3A_89 = arith.constant 0 : i32
    %dma_start3A_90 = arith.constant 0 : i32
    %dma_start3A_91 = tpu.memref_slice %arg7[%dma_start3A_81, %dma_start3A_89, %dma_start3A_90] : memref<2x4x2048xi32, #tpu.memory_space<vmem>> -> memref<1x4x2048xi32, #tpu.memory_space<vmem>>
    %dma_start3A_92 = tpu.memref_squeeze %dma_start3A_91 : memref<1x4x2048xi32, #tpu.memory_space<vmem>> -> memref<4x2048xi32, #tpu.memory_space<vmem>>
    %dma_start3A_93 = arith.constant 0 : i32
    %dma_start3A_94 = tpu.memref_slice %arg3[%select_n3A, %add3A_65, %dma_start3A_93] : memref<2x2048x2048xi32, #tpu.memory_space<hbm>> -> memref<1x4x2048xi32, #tpu.memory_space<hbm>>
    %dma_start3A_95 = tpu.memref_squeeze %dma_start3A_94 : memref<1x4x2048xi32, #tpu.memory_space<hbm>> -> memref<4x2048xi32, #tpu.memory_space<hbm>>
    tpu.enqueue_dma source(%dma_start3A_95 : memref<4x2048xi32, #tpu.memory_space<hbm>>) target(%dma_start3A_92 : memref<4x2048xi32, #tpu.memory_space<vmem>>) target_semaphore(%arg12 : memref<!tpu.dma_semaphore, #tpu.memory_space<semaphore_mem>>)
    "tpu.region"() ({
      %run_scoped3A = tpu.sem_alloc : memref<!tpu.dma_semaphore, #tpu.memory_space<semaphore_mem>>
      tpu.enqueue_dma source(%arg4 : memref<768xi32, #tpu.memory_space<hbm>>) target(%arg9 : memref<768xi32, #tpu.memory_space<vmem>>) target_semaphore(%run_scoped3A : memref<!tpu.dma_semaphore, #tpu.memory_space<semaphore_mem>>)
      tpu.wait_dma2 semaphore(%run_scoped3A : memref<!tpu.dma_semaphore, #tpu.memory_space<semaphore_mem>>) src(%arg4 : memref<768xi32, #tpu.memory_space<hbm>>) dst(%arg9 : memref<768xi32, #tpu.memory_space<vmem>>)
      tpu.yield
    }) : () -> ()
    %get3A = arith.constant 256 : index
    %get3A_96 = tpu.vector_load %arg9[%get3A] {strides = array<i32>} : memref<768xi32, #tpu.memory_space<vmem>>, vector<16xi32>,
    %get3A_97 = arith.constant 384 : index
    %get3A_98 = tpu.vector_load %arg9[%get3A_97] {strides = array<i32>} : memref<768xi32, #tpu.memory_space<vmem>>, vector<16xi32>,
    %gather3A = tpu.vector_load_idx %arg9[%get3A_96] : memref<768xi32, #tpu.memory_space<vmem>>[vector<16xi32>], vector<16xi32>,
    %bitcast3A = vector.bitcast %gather3A : vector<16xi32> to vector<16xf32>
    %gather3A_99 = tpu.vector_load_idx %arg9[%get3A_98] : memref<768xi32, #tpu.memory_space<vmem>>[vector<16xi32>], vector<16xi32>,
    %bitcast3A_100 = vector.bitcast %gather3A_99 : vector<16xi32> to vector<16xf32>
    %add3A_101 = arith.addf %bitcast3A, %bitcast3A_100 : vector<16xf32>
    %swap3A = arith.constant 0 : index
    %swap3A_102 = tpu.vector_load %arg10[%swap3A] {strides = array<i32>} : memref<128xf32, #tpu.memory_space<vmem>>, vector<16xf32>,
    tpu.vector_store %arg10[%swap3A], %add3A_101 {strides = array<i32>} : memref<128xf32, #tpu.memory_space<vmem>>, vector<16xf32>,
    %get3A_103 = arith.constant 272 : index
    %get3A_104 = tpu.vector_load %arg9[%get3A_103] {strides = array<i32>} : memref<768xi32, #tpu.memory_space<vmem>>, vector<16xi32>,
    %get3A_105 = arith.constant 400 : index
    %get3A_106 = tpu.vector_load %arg9[%get3A_105] {strides = array<i32>} : memref<768xi32, #tpu.memory_space<vmem>>, vector<16xi32>,
    %gather3A_107 = tpu.vector_load_idx %arg9[%get3A_104] : memref<768xi32, #tpu.memory_space<vmem>>[vector<16xi32>], vector<16xi32>,
    %bitcast3A_108 = vector.bitcast %gather3A_107 : vector<16xi32> to vector<16xf32>
    %gather3A_109 = tpu.vector_load_idx %arg9[%get3A_106] : memref<768xi32, #tpu.memory_space<vmem>>[vector<16xi32>], vector<16xi32>,
    %bitcast3A_110 = vector.bitcast %gather3A_109 : vector<16xi32> to vector<16xf32>
    %add3A_111 = arith.addf %bitcast3A_108, %bitcast3A_110 : vector<16xf32>
    %swap3A_112 = arith.constant 16 : index
    %swap3A_113 = tpu.vector_load %arg10[%swap3A_112] {strides = array<i32>} : memref<128xf32, #tpu.memory_space<vmem>>, vector<16xf32>,
    tpu.vector_store %arg10[%swap3A_112], %add3A_111 {strides = array<i32>} : memref<128xf32, #tpu.memory_space<vmem>>, vector<16xf32>,
    %get3A_114 = arith.constant 288 : index
    %get3A_115 = tpu.vector_load %arg9[%get3A_114] {strides = array<i32>} : memref<768xi32, #tpu.memory_space<vmem>>, vector<16xi32>,
    %get3A_116 = arith.constant 416 : index
    %get3A_117 = tpu.vector_load %arg9[%get3A_116] {strides = array<i32>} : memref<768xi32, #tpu.memory_space<vmem>>, vector<16xi32>,
    %gather3A_118 = tpu.vector_load_idx %arg9[%get3A_115] : memref<768xi32, #tpu.memory_space<vmem>>[vector<16xi32>], vector<16xi32>,
    %bitcast3A_119 = vector.bitcast %gather3A_118 : vector<16xi32> to vector<16xf32>
    %gather3A_120 = tpu.vector_load_idx %arg9[%get3A_117] : memref<768xi32, #tpu.memory_space<vmem>>[vector<16xi32>], vector<16xi32>,
    %bitcast3A_121 = vector.bitcast %gather3A_120 : vector<16xi32> to vector<16xf32>
    %add3A_122 = arith.addf %bitcast3A_119, %bitcast3A_121 : vector<16xf32>
    %swap3A_123 = arith.constant 32 : index
    %swap3A_124 = tpu.vector_load %arg10[%swap3A_123] {strides = array<i32>} : memref<128xf32, #tpu.memory_space<vmem>>, vector<16xf32>,
    tpu.vector_store %arg10[%swap3A_123], %add3A_122 {strides = array<i32>} : memref<128xf32, #tpu.memory_space<vmem>>, vector<16xf32>,
    %get3A_125 = arith.constant 304 : index
    %get3A_126 = tpu.vector_load %arg9[%get3A_125] {strides = array<i32>} : memref<768xi32, #tpu.memory_space<vmem>>, vector<16xi32>,
    %get3A_127 = arith.constant 432 : index
    %get3A_128 = tpu.vector_load %arg9[%get3A_127] {strides = array<i32>} : memref<768xi32, #tpu.memory_space<vmem>>, vector<16xi32>,
    %gather3A_129 = tpu.vector_load_idx %arg9[%get3A_126] : memref<768xi32, #tpu.memory_space<vmem>>[vector<16xi32>], vector<16xi32>,
    %bitcast3A_130 = vector.bitcast %gather3A_129 : vector<16xi32> to vector<16xf32>
    %gather3A_131 = tpu.vector_load_idx %arg9[%get3A_128] : memref<768xi32, #tpu.memory_space<vmem>>[vector<16xi32>], vector<16xi32>,
    %bitcast3A_132 = vector.bitcast %gather3A_131 : vector<16xi32> to vector<16xf32>
    %add3A_133 = arith.addf %bitcast3A_130, %bitcast3A_132 : vector<16xf32>
    %swap3A_134 = arith.constant 48 : index
    %swap3A_135 = tpu.vector_load %arg10[%swap3A_134] {strides = array<i32>} : memref<128xf32, #tpu.memory_space<vmem>>, vector<16xf32>,
    tpu.vector_store %arg10[%swap3A_134], %add3A_133 {strides = array<i32>} : memref<128xf32, #tpu.memory_space<vmem>>, vector<16xf32>,
    %get3A_136 = arith.constant 320 : index
    %get3A_137 = tpu.vector_load %arg9[%get3A_136] {strides = array<i32>} : memref<768xi32, #tpu.memory_space<vmem>>, vector<16xi32>,
    %get3A_138 = arith.constant 448 : index
    %get3A_139 = tpu.vector_load %arg9[%get3A_138] {strides = array<i32>} : memref<768xi32, #tpu.memory_space<vmem>>, vector<16xi32>,
    %gather3A_140 = tpu.vector_load_idx %arg9[%get3A_137] : memref<768xi32, #tpu.memory_space<vmem>>[vector<16xi32>], vector<16xi32>,
    %bitcast3A_141 = vector.bitcast %gather3A_140 : vector<16xi32> to vector<16xf32>
    %gather3A_142 = tpu.vector_load_idx %arg9[%get3A_139] : memref<768xi32, #tpu.memory_space<vmem>>[vector<16xi32>], vector<16xi32>,
    %bitcast3A_143 = vector.bitcast %gather3A_142 : vector<16xi32> to vector<16xf32>
    %add3A_144 = arith.addf %bitcast3A_141, %bitcast3A_143 : vector<16xf32>
    %swap3A_145 = arith.constant 64 : index
    %swap3A_146 = tpu.vector_load %arg10[%swap3A_145] {strides = array<i32>} : memref<128xf32, #tpu.memory_space<vmem>>, vector<16xf32>,
    tpu.vector_store %arg10[%swap3A_145], %add3A_144 {strides = array<i32>} : memref<128xf32, #tpu.memory_space<vmem>>, vector<16xf32>,
    %get3A_147 = arith.constant 336 : index
    %get3A_148 = tpu.vector_load %arg9[%get3A_147] {strides = array<i32>} : memref<768xi32, #tpu.memory_space<vmem>>, vector<16xi32>,
    %get3A_149 = arith.constant 464 : index
    %get3A_150 = tpu.vector_load %arg9[%get3A_149] {strides = array<i32>} : memref<768xi32, #tpu.memory_space<vmem>>, vector<16xi32>,
    %gather3A_151 = tpu.vector_load_idx %arg9[%get3A_148] : memref<768xi32, #tpu.memory_space<vmem>>[vector<16xi32>], vector<16xi32>,
    %bitcast3A_152 = vector.bitcast %gather3A_151 : vector<16xi32> to vector<16xf32>
    %gather3A_153 = tpu.vector_load_idx %arg9[%get3A_150] : memref<768xi32, #tpu.memory_space<vmem>>[vector<16xi32>], vector<16xi32>,
    %bitcast3A_154 = vector.bitcast %gather3A_153 : vector<16xi32> to vector<16xf32>
    %add3A_155 = arith.addf %bitcast3A_152, %bitcast3A_154 : vector<16xf32>
    %swap3A_156 = arith.constant 80 : index
    %swap3A_157 = tpu.vector_load %arg10[%swap3A_156] {strides = array<i32>} : memref<128xf32, #tpu.memory_space<vmem>>, vector<16xf32>,
    tpu.vector_store %arg10[%swap3A_156], %add3A_155 {strides = array<i32>} : memref<128xf32, #tpu.memory_space<vmem>>, vector<16xf32>,
    %get3A_158 = arith.constant 352 : index
    %get3A_159 = tpu.vector_load %arg9[%get3A_158] {strides = array<i32>} : memref<768xi32, #tpu.memory_space<vmem>>, vector<16xi32>,
    %get3A_160 = arith.constant 480 : index
    %get3A_161 = tpu.vector_load %arg9[%get3A_160] {strides = array<i32>} : memref<768xi32, #tpu.memory_space<vmem>>, vector<16xi32>,
    %gather3A_162 = tpu.vector_load_idx %arg9[%get3A_159] : memref<768xi32, #tpu.memory_space<vmem>>[vector<16xi32>], vector<16xi32>,
    %bitcast3A_163 = vector.bitcast %gather3A_162 : vector<16xi32> to vector<16xf32>
    %gather3A_164 = tpu.vector_load_idx %arg9[%get3A_161] : memref<768xi32, #tpu.memory_space<vmem>>[vector<16xi32>], vector<16xi32>,
    %bitcast3A_165 = vector.bitcast %gather3A_164 : vector<16xi32> to vector<16xf32>
    %add3A_166 = arith.addf %bitcast3A_163, %bitcast3A_165 : vector<16xf32>
    %swap3A_167 = arith.constant 96 : index
    %swap3A_168 = tpu.vector_load %arg10[%swap3A_167] {strides = array<i32>} : memref<128xf32, #tpu.memory_space<vmem>>, vector<16xf32>,
    tpu.vector_store %arg10[%swap3A_167], %add3A_166 {strides = array<i32>} : memref<128xf32, #tpu.memory_space<vmem>>, vector<16xf32>,
    %get3A_169 = arith.constant 368 : index
    %get3A_170 = tpu.vector_load %arg9[%get3A_169] {strides = array<i32>} : memref<768xi32, #tpu.memory_space<vmem>>, vector<16xi32>,
    %get3A_171 = arith.constant 496 : index
    %get3A_172 = tpu.vector_load %arg9[%get3A_171] {strides = array<i32>} : memref<768xi32, #tpu.memory_space<vmem>>, vector<16xi32>,
    %gather3A_173 = tpu.vector_load_idx %arg9[%get3A_170] : memref<768xi32, #tpu.memory_space<vmem>>[vector<16xi32>], vector<16xi32>,
    %bitcast3A_174 = vector.bitcast %gather3A_173 : vector<16xi32> to vector<16xf32>
    %gather3A_175 = tpu.vector_load_idx %arg9[%get3A_172] : memref<768xi32, #tpu.memory_space<vmem>>[vector<16xi32>], vector<16xi32>,
    %bitcast3A_176 = vector.bitcast %gather3A_175 : vector<16xi32> to vector<16xf32>
    %add3A_177 = arith.addf %bitcast3A_174, %bitcast3A_176 : vector<16xf32>
    %swap3A_178 = arith.constant 112 : index
    %swap3A_179 = tpu.vector_load %arg10[%swap3A_178] {strides = array<i32>} : memref<128xf32, #tpu.memory_space<vmem>>, vector<16xf32>,
    tpu.vector_store %arg10[%swap3A_178], %add3A_177 {strides = array<i32>} : memref<128xf32, #tpu.memory_space<vmem>>, vector<16xf32>,
    %scan3A = arith.constant 0 : i32
    %scan3A_180 = arith.constant 16 : i32
    %scan3A_181 = arith.addi %scan3A, %scan3A_180 : i32
    %scan3A_182 = arith.constant 1 : i32
    scf.for %scan3A_335 = %scan3A to %scan3A_181 step %scan3A_182  : i32 {
      %mul3A_336 = arith.constant 2 : i32
      %mul3A_337 = arith.muli %scan3A_335, %mul3A_336 : i32
      %add3A_338 = arith.constant 0 : i32
      %add3A_339 = arith.addi %mul3A_337, %add3A_338 : i32
      %dma_wait3A_340 = arith.constant 0 : i32
      %dma_wait3A_341 = arith.constant 0 : i32
      %dma_wait3A_342 = arith.constant 0 : i32
      %dma_wait3A_343 = tpu.memref_slice %arg6[%dma_wait3A_340, %dma_wait3A_341, %dma_wait3A_342] : memref<2x4x2048xi32, #tpu.memory_space<vmem>> -> memref<1x4x2048xi32, #tpu.memory_space<vmem>>
      %dma_wait3A_344 = tpu.memref_squeeze %dma_wait3A_343 : memref<1x4x2048xi32, #tpu.memory_space<vmem>> -> memref<4x2048xi32, #tpu.memory_space<vmem>>
      %dma_wait3A_345 = arith.constant 0 : i32
      %dma_wait3A_346 = arith.constant 0 : i32
      %dma_wait3A_347 = tpu.memref_slice %arg2[%select_n3A, %dma_wait3A_345, %dma_wait3A_346] : memref<2x2048x2048xi32, #tpu.memory_space<hbm>> -> memref<1x4x2048xi32, #tpu.memory_space<hbm>>
      %dma_wait3A_348 = tpu.memref_squeeze %dma_wait3A_347 : memref<1x4x2048xi32, #tpu.memory_space<hbm>> -> memref<4x2048xi32, #tpu.memory_space<hbm>>
      %dma_wait3A_349 = arith.constant 0 : i32
      %dma_wait3A_350 = arith.constant 0 : i32
      %dma_wait3A_351 = tpu.memref_slice %arg6[%dma_wait3A_340, %dma_wait3A_349, %dma_wait3A_350] : memref<2x4x2048xi32, #tpu.memory_space<vmem>> -> memref<1x4x2048xi32, #tpu.memory_space<vmem>>
      %dma_wait3A_352 = tpu.memref_squeeze %dma_wait3A_351 : memref<1x4x2048xi32, #tpu.memory_space<vmem>> -> memref<4x2048xi32, #tpu.memory_space<vmem>>
      %dma_wait3A_353 = arith.constant 0 : i32
      %dma_wait3A_354 = arith.constant 0 : i32
      %dma_wait3A_355 = tpu.memref_slice %arg2[%select_n3A, %dma_wait3A_353, %dma_wait3A_354] : memref<2x2048x2048xi32, #tpu.memory_space<hbm>> -> memref<1x4x2048xi32, #tpu.memory_space<hbm>>
      %dma_wait3A_356 = tpu.memref_squeeze %dma_wait3A_355 : memref<1x4x2048xi32, #tpu.memory_space<hbm>> -> memref<4x2048xi32, #tpu.memory_space<hbm>>
      tpu.wait_dma2 semaphore(%arg11 : memref<!tpu.dma_semaphore, #tpu.memory_space<semaphore_mem>>) src(%dma_wait3A_356 : memref<4x2048xi32, #tpu.memory_space<hbm>>) dst(%dma_wait3A_352 : memref<4x2048xi32, #tpu.memory_space<vmem>>)
      %dma_wait3A_357 = arith.constant 0 : i32
      %dma_wait3A_358 = arith.constant 0 : i32
      %dma_wait3A_359 = arith.constant 0 : i32
      %dma_wait3A_360 = tpu.memref_slice %arg7[%dma_wait3A_357, %dma_wait3A_358, %dma_wait3A_359] : memref<2x4x2048xi32, #tpu.memory_space<vmem>> -> memref<1x4x2048xi32, #tpu.memory_space<vmem>>
      %dma_wait3A_361 = tpu.memref_squeeze %dma_wait3A_360 : memref<1x4x2048xi32, #tpu.memory_space<vmem>> -> memref<4x2048xi32, #tpu.memory_space<vmem>>
      %dma_wait3A_362 = arith.constant 0 : i32
      %dma_wait3A_363 = arith.constant 0 : i32
      %dma_wait3A_364 = tpu.memref_slice %arg3[%select_n3A, %dma_wait3A_362, %dma_wait3A_363] : memref<2x2048x2048xi32, #tpu.memory_space<hbm>> -> memref<1x4x2048xi32, #tpu.memory_space<hbm>>
      %dma_wait3A_365 = tpu.memref_squeeze %dma_wait3A_364 : memref<1x4x2048xi32, #tpu.memory_space<hbm>> -> memref<4x2048xi32, #tpu.memory_space<hbm>>
      %dma_wait3A_366 = arith.constant 0 : i32
      %dma_wait3A_367 = arith.constant 0 : i32
      %dma_wait3A_368 = tpu.memref_slice %arg7[%dma_wait3A_357, %dma_wait3A_366, %dma_wait3A_367] : memref<2x4x2048xi32, #tpu.memory_space<vmem>> -> memref<1x4x2048xi32, #tpu.memory_space<vmem>>
      %dma_wait3A_369 = tpu.memref_squeeze %dma_wait3A_368 : memref<1x4x2048xi32, #tpu.memory_space<vmem>> -> memref<4x2048xi32, #tpu.memory_space<vmem>>
      %dma_wait3A_370 = arith.constant 0 : i32
      %dma_wait3A_371 = arith.constant 0 : i32
      %dma_wait3A_372 = tpu.memref_slice %arg3[%select_n3A, %dma_wait3A_370, %dma_wait3A_371] : memref<2x2048x2048xi32, #tpu.memory_space<hbm>> -> memref<1x4x2048xi32, #tpu.memory_space<hbm>>
      %dma_wait3A_373 = tpu.memref_squeeze %dma_wait3A_372 : memref<1x4x2048xi32, #tpu.memory_space<hbm>> -> memref<4x2048xi32, #tpu.memory_space<hbm>>
      tpu.wait_dma2 semaphore(%arg11 : memref<!tpu.dma_semaphore, #tpu.memory_space<semaphore_mem>>) src(%dma_wait3A_373 : memref<4x2048xi32, #tpu.memory_space<hbm>>) dst(%dma_wait3A_369 : memref<4x2048xi32, #tpu.memory_space<vmem>>)
      %ge3A = arith.constant 2 : i32
      %ge3A_374 = arith.cmpi sge, %add3A_339, %ge3A : i32
      %convert_element_type3A = arith.extui %ge3A_374 : i1 to i32
      %cond3A = arith.constant 0 : i32
      %cond3A_375 = arith.cmpi ne, %convert_element_type3A, %cond3A : i32
      scf.if %cond3A_375 {
        %dma_wait3A_580 = arith.constant 0 : i32
        %dma_wait3A_581 = arith.constant 0 : i32
        %dma_wait3A_582 = arith.constant 0 : i32
        %dma_wait3A_583 = arith.constant 0 : i32
        %dma_wait3A_584 = arith.constant 0 : i32
        %dma_wait3A_585 = tpu.memref_slice %arg8[%dma_wait3A_580, %dma_wait3A_581, %dma_wait3A_583, %dma_wait3A_584] : memref<2x4x4x2048xf32, #tpu.memory_space<vmem>> -> memref<1x1x4x2048xf32, #tpu.memory_space<vmem>>
        %dma_wait3A_586 = tpu.memref_squeeze %dma_wait3A_585 : memref<1x1x4x2048xf32, #tpu.memory_space<vmem>> -> memref<4x2048xf32, #tpu.memory_space<vmem>>
        %dma_wait3A_587 = arith.constant 0 : i32
        %dma_wait3A_588 = arith.constant 0 : i32
        %dma_wait3A_589 = tpu.memref_slice %arg5[%select_n3A, %dma_wait3A_582, %dma_wait3A_587, %dma_wait3A_588] : memref<2x4x2048x2048xf32, #tpu.memory_space<hbm>> -> memref<1x1x4x2048xf32, #tpu.memory_space<hbm>>
        %dma_wait3A_590 = tpu.memref_squeeze %dma_wait3A_589 : memref<1x1x4x2048xf32, #tpu.memory_space<hbm>> -> memref<4x2048xf32, #tpu.memory_space<hbm>>
        %dma_wait3A_591 = arith.constant 0 : i32
        %dma_wait3A_592 = arith.constant 0 : i32
        %dma_wait3A_593 = tpu.memref_slice %arg5[%select_n3A, %dma_wait3A_582, %dma_wait3A_591, %dma_wait3A_592] : memref<2x4x2048x2048xf32, #tpu.memory_space<hbm>> -> memref<1x1x4x2048xf32, #tpu.memory_space<hbm>>
        %dma_wait3A_594 = tpu.memref_squeeze %dma_wait3A_593 : memref<1x1x4x2048xf32, #tpu.memory_space<hbm>> -> memref<4x2048xf32, #tpu.memory_space<hbm>>
        %dma_wait3A_595 = arith.constant 0 : i32
        %dma_wait3A_596 = arith.constant 0 : i32
        %dma_wait3A_597 = tpu.memref_slice %arg8[%dma_wait3A_580, %dma_wait3A_581, %dma_wait3A_595, %dma_wait3A_596] : memref<2x4x4x2048xf32, #tpu.memory_space<vmem>> -> memref<1x1x4x2048xf32, #tpu.memory_space<vmem>>
        %dma_wait3A_598 = tpu.memref_squeeze %dma_wait3A_597 : memref<1x1x4x2048xf32, #tpu.memory_space<vmem>> -> memref<4x2048xf32, #tpu.memory_space<vmem>>
        tpu.wait_dma2 semaphore(%arg13 : memref<!tpu.dma_semaphore, #tpu.memory_space<semaphore_mem>>) src(%dma_wait3A_598 : memref<4x2048xf32, #tpu.memory_space<vmem>>) dst(%dma_wait3A_594 : memref<4x2048xf32, #tpu.memory_space<hbm>>)
        %dma_wait3A_599 = arith.constant 0 : i32
        %dma_wait3A_600 = arith.constant 1 : i32
        %dma_wait3A_601 = arith.constant 1 : i32
        %dma_wait3A_602 = arith.constant 0 : i32
        %dma_wait3A_603 = arith.constant 0 : i32
        %dma_wait3A_604 = tpu.memref_slice %arg8[%dma_wait3A_599, %dma_wait3A_600, %dma_wait3A_602, %dma_wait3A_603] : memref<2x4x4x2048xf32, #tpu.memory_space<vmem>> -> memref<1x1x4x2048xf32, #tpu.memory_space<vmem>>
        %dma_wait3A_605 = tpu.memref_squeeze %dma_wait3A_604 : memref<1x1x4x2048xf32, #tpu.memory_space<vmem>> -> memref<4x2048xf32, #tpu.memory_space<vmem>>
        %dma_wait3A_606 = arith.constant 0 : i32
        %dma_wait3A_607 = arith.constant 0 : i32
        %dma_wait3A_608 = tpu.memref_slice %arg5[%select_n3A, %dma_wait3A_601, %dma_wait3A_606, %dma_wait3A_607] : memref<2x4x2048x2048xf32, #tpu.memory_space<hbm>> -> memref<1x1x4x2048xf32, #tpu.memory_space<hbm>>
        %dma_wait3A_609 = tpu.memref_squeeze %dma_wait3A_608 : memref<1x1x4x2048xf32, #tpu.memory_space<hbm>> -> memref<4x2048xf32, #tpu.memory_space<hbm>>
        %dma_wait3A_610 = arith.constant 0 : i32
        %dma_wait3A_611 = arith.constant 0 : i32
        %dma_wait3A_612 = tpu.memref_slice %arg5[%select_n3A, %dma_wait3A_601, %dma_wait3A_610, %dma_wait3A_611] : memref<2x4x2048x2048xf32, #tpu.memory_space<hbm>> -> memref<1x1x4x2048xf32, #tpu.memory_space<hbm>>
        %dma_wait3A_613 = tpu.memref_squeeze %dma_wait3A_612 : memref<1x1x4x2048xf32, #tpu.memory_space<hbm>> -> memref<4x2048xf32, #tpu.memory_space<hbm>>
        %dma_wait3A_614 = arith.constant 0 : i32
        %dma_wait3A_615 = arith.constant 0 : i32
        %dma_wait3A_616 = tpu.memref_slice %arg8[%dma_wait3A_599, %dma_wait3A_600, %dma_wait3A_614, %dma_wait3A_615] : memref<2x4x4x2048xf32, #tpu.memory_space<vmem>> -> memref<1x1x4x2048xf32, #tpu.memory_space<vmem>>
        %dma_wait3A_617 = tpu.memref_squeeze %dma_wait3A_616 : memref<1x1x4x2048xf32, #tpu.memory_space<vmem>> -> memref<4x2048xf32, #tpu.memory_space<vmem>>
        tpu.wait_dma2 semaphore(%arg13 : memref<!tpu.dma_semaphore, #tpu.memory_space<semaphore_mem>>) src(%dma_wait3A_617 : memref<4x2048xf32, #tpu.memory_space<vmem>>) dst(%dma_wait3A_613 : memref<4x2048xf32, #tpu.memory_space<hbm>>)
        %dma_wait3A_618 = arith.constant 0 : i32
        %dma_wait3A_619 = arith.constant 2 : i32
        %dma_wait3A_620 = arith.constant 2 : i32
        %dma_wait3A_621 = arith.constant 0 : i32
        %dma_wait3A_622 = arith.constant 0 : i32
        %dma_wait3A_623 = tpu.memref_slice %arg8[%dma_wait3A_618, %dma_wait3A_619, %dma_wait3A_621, %dma_wait3A_622] : memref<2x4x4x2048xf32, #tpu.memory_space<vmem>> -> memref<1x1x4x2048xf32, #tpu.memory_space<vmem>>
        %dma_wait3A_624 = tpu.memref_squeeze %dma_wait3A_623 : memref<1x1x4x2048xf32, #tpu.memory_space<vmem>> -> memref<4x2048xf32, #tpu.memory_space<vmem>>
        %dma_wait3A_625 = arith.constant 0 : i32
        %dma_wait3A_626 = arith.constant 0 : i32
        %dma_wait3A_627 = tpu.memref_slice %arg5[%select_n3A, %dma_wait3A_620, %dma_wait3A_625, %dma_wait3A_626] : memref<2x4x2048x2048xf32, #tpu.memory_space<hbm>> -> memref<1x1x4x2048xf32, #tpu.memory_space<hbm>>
        %dma_wait3A_628 = tpu.memref_squeeze %dma_wait3A_627 : memref<1x1x4x2048xf32, #tpu.memory_space<hbm>> -> memref<4x2048xf32, #tpu.memory_space<hbm>>
        %dma_wait3A_629 = arith.constant 0 : i32
        %dma_wait3A_630 = arith.constant 0 : i32
        %dma_wait3A_631 = tpu.memref_slice %arg5[%select_n3A, %dma_wait3A_620, %dma_wait3A_629, %dma_wait3A_630] : memref<2x4x2048x2048xf32, #tpu.memory_space<hbm>> -> memref<1x1x4x2048xf32, #tpu.memory_space<hbm>>
        %dma_wait3A_632 = tpu.memref_squeeze %dma_wait3A_631 : memref<1x1x4x2048xf32, #tpu.memory_space<hbm>> -> memref<4x2048xf32, #tpu.memory_space<hbm>>
        %dma_wait3A_633 = arith.constant 0 : i32
        %dma_wait3A_634 = arith.constant 0 : i32
        %dma_wait3A_635 = tpu.memref_slice %arg8[%dma_wait3A_618, %dma_wait3A_619, %dma_wait3A_633, %dma_wait3A_634] : memref<2x4x4x2048xf32, #tpu.memory_space<vmem>> -> memref<1x1x4x2048xf32, #tpu.memory_space<vmem>>
        %dma_wait3A_636 = tpu.memref_squeeze %dma_wait3A_635 : memref<1x1x4x2048xf32, #tpu.memory_space<vmem>> -> memref<4x2048xf32, #tpu.memory_space<vmem>>
        tpu.wait_dma2 semaphore(%arg13 : memref<!tpu.dma_semaphore, #tpu.memory_space<semaphore_mem>>) src(%dma_wait3A_636 : memref<4x2048xf32, #tpu.memory_space<vmem>>) dst(%dma_wait3A_632 : memref<4x2048xf32, #tpu.memory_space<hbm>>)
        %dma_wait3A_637 = arith.constant 0 : i32
        %dma_wait3A_638 = arith.constant 3 : i32
        %dma_wait3A_639 = arith.constant 3 : i32
        %dma_wait3A_640 = arith.constant 0 : i32
        %dma_wait3A_641 = arith.constant 0 : i32
        %dma_wait3A_642 = tpu.memref_slice %arg8[%dma_wait3A_637, %dma_wait3A_638, %dma_wait3A_640, %dma_wait3A_641] : memref<2x4x4x2048xf32, #tpu.memory_space<vmem>> -> memref<1x1x4x2048xf32, #tpu.memory_space<vmem>>
        %dma_wait3A_643 = tpu.memref_squeeze %dma_wait3A_642 : memref<1x1x4x2048xf32, #tpu.memory_space<vmem>> -> memref<4x2048xf32, #tpu.memory_space<vmem>>
        %dma_wait3A_644 = arith.constant 0 : i32
        %dma_wait3A_645 = arith.constant 0 : i32
        %dma_wait3A_646 = tpu.memref_slice %arg5[%select_n3A, %dma_wait3A_639, %dma_wait3A_644, %dma_wait3A_645] : memref<2x4x2048x2048xf32, #tpu.memory_space<hbm>> -> memref<1x1x4x2048xf32, #tpu.memory_space<hbm>>
        %dma_wait3A_647 = tpu.memref_squeeze %dma_wait3A_646 : memref<1x1x4x2048xf32, #tpu.memory_space<hbm>> -> memref<4x2048xf32, #tpu.memory_space<hbm>>
        %dma_wait3A_648 = arith.constant 0 : i32
        %dma_wait3A_649 = arith.constant 0 : i32
        %dma_wait3A_650 = tpu.memref_slice %arg5[%select_n3A, %dma_wait3A_639, %dma_wait3A_648, %dma_wait3A_649] : memref<2x4x2048x2048xf32, #tpu.memory_space<hbm>> -> memref<1x1x4x2048xf32, #tpu.memory_space<hbm>>
        %dma_wait3A_651 = tpu.memref_squeeze %dma_wait3A_650 : memref<1x1x4x2048xf32, #tpu.memory_space<hbm>> -> memref<4x2048xf32, #tpu.memory_space<hbm>>
        %dma_wait3A_652 = arith.constant 0 : i32
        %dma_wait3A_653 = arith.constant 0 : i32
        %dma_wait3A_654 = tpu.memref_slice %arg8[%dma_wait3A_637, %dma_wait3A_638, %dma_wait3A_652, %dma_wait3A_653] : memref<2x4x4x2048xf32, #tpu.memory_space<vmem>> -> memref<1x1x4x2048xf32, #tpu.memory_space<vmem>>
        %dma_wait3A_655 = tpu.memref_squeeze %dma_wait3A_654 : memref<1x1x4x2048xf32, #tpu.memory_space<vmem>> -> memref<4x2048xf32, #tpu.memory_space<vmem>>
        tpu.wait_dma2 semaphore(%arg13 : memref<!tpu.dma_semaphore, #tpu.memory_space<semaphore_mem>>) src(%dma_wait3A_655 : memref<4x2048xf32, #tpu.memory_space<vmem>>) dst(%dma_wait3A_651 : memref<4x2048xf32, #tpu.memory_space<hbm>>)
      } else {
      }
      %parallel_loop3A = arith.constant 0 : i32
      %parallel_loop3A_376 = arith.constant 2048 : i32
      %parallel_loop3A_377 = arith.constant 16 : i32
      scf.for %parallel_loop3A_580 = %parallel_loop3A to %parallel_loop3A_376 step %parallel_loop3A_377  : i32 {
        %parallel_loop3A_581 = arith.constant 0 : i32
        %parallel_loop3A_582 = arith.constant 0 : i32
        %parallel_loop3A_583 = arith.index_cast %parallel_loop3A_581 : i32 to index
        %parallel_loop3A_584 = arith.index_cast %parallel_loop3A_582 : i32 to index
        %parallel_loop3A_585 = arith.index_cast %parallel_loop3A_580 : i32 to index
        %parallel_loop3A_586 = tpu.vector_load %arg6[%parallel_loop3A_583, %parallel_loop3A_584, %parallel_loop3A_585] {strides = array<i32>} : memref<2x4x2048xi32, #tpu.memory_space<vmem>>, vector<16xi32>,
        %parallel_loop3A_587 = arith.constant 0 : i32
        %parallel_loop3A_588 = arith.constant 0 : i32
        %parallel_loop3A_589 = arith.index_cast %parallel_loop3A_587 : i32 to index
        %parallel_loop3A_590 = arith.index_cast %parallel_loop3A_588 : i32 to index
        %parallel_loop3A_591 = arith.index_cast %parallel_loop3A_580 : i32 to index
        %parallel_loop3A_592 = tpu.vector_load %arg7[%parallel_loop3A_589, %parallel_loop3A_590, %parallel_loop3A_591] {strides = array<i32>} : memref<2x4x2048xi32, #tpu.memory_space<vmem>>, vector<16xi32>,
        %parallel_loop3A_593 = arith.sitofp %parallel_loop3A_586 : vector<16xi32> to vector<16xf32>
        %parallel_loop3A_594 = vector.bitcast %parallel_loop3A_593 : vector<16xf32> to vector<16xi32>
        %parallel_loop3A_595 = arith.constant 23 : i32
        %parallel_loop3A_596 = vector.broadcast %parallel_loop3A_595 : i32 to vector<16xi32>
        %parallel_loop3A_597 = arith.shrsi %parallel_loop3A_594, %parallel_loop3A_596 : vector<16xi32>
        %parallel_loop3A_598 = arith.constant 255 : i32
        %parallel_loop3A_599 = vector.broadcast %parallel_loop3A_598 : i32 to vector<16xi32>
        %parallel_loop3A_600 = arith.minsi %parallel_loop3A_597, %parallel_loop3A_599 : vector<16xi32>
        %parallel_loop3A_601 = tpu.vector_load_idx %arg9[%parallel_loop3A_600] : memref<768xi32, #tpu.memory_space<vmem>>[vector<16xi32>], vector<16xi32>,
        %parallel_loop3A_602 = arith.constant -8 : i32
        %parallel_loop3A_603 = vector.broadcast %parallel_loop3A_602 : i32 to vector<16xi32>
        %parallel_loop3A_604 = arith.andi %parallel_loop3A_601, %parallel_loop3A_603 : vector<16xi32>
        %parallel_loop3A_605 = vector.bitcast %parallel_loop3A_604 : vector<16xi32> to vector<16xf32>
        %parallel_loop3A_606 = arith.constant 7 : i32
        %parallel_loop3A_607 = vector.broadcast %parallel_loop3A_606 : i32 to vector<16xi32>
        %parallel_loop3A_608 = arith.andi %parallel_loop3A_601, %parallel_loop3A_607 : vector<16xi32>
        %parallel_loop3A_609 = arith.cmpf oge, %parallel_loop3A_593, %parallel_loop3A_605 : vector<16xf32>
        %parallel_loop3A_610 = arith.constant 1 : i32
        %parallel_loop3A_611 = arith.constant 0 : i32
        %parallel_loop3A_612 = vector.broadcast %parallel_loop3A_610 : i32 to vector<16xi32>
        %parallel_loop3A_613 = vector.broadcast %parallel_loop3A_611 : i32 to vector<16xi32>
        %parallel_loop3A_614 = arith.select %parallel_loop3A_609, %parallel_loop3A_612, %parallel_loop3A_613 : vector<16xi1>, vector<16xi32>
        %parallel_loop3A_615 = arith.addi %parallel_loop3A_608, %parallel_loop3A_614 : vector<16xi32>
        %parallel_loop3A_616 = arith.constant 0 : i32
        %parallel_loop3A_617 = vector.broadcast %parallel_loop3A_616 : i32 to vector<16xi32>
        %parallel_loop3A_618 = arith.maxsi %parallel_loop3A_592, %parallel_loop3A_617 : vector<16xi32>
        %parallel_loop3A_619 = arith.constant 2 : i32
        %parallel_loop3A_620 = vector.broadcast %parallel_loop3A_619 : i32 to vector<16xi32>
        %parallel_loop3A_621 = arith.minsi %parallel_loop3A_618, %parallel_loop3A_620 : vector<16xi32>
        %parallel_loop3A_622 = arith.constant 3 : i32
        %parallel_loop3A_623 = vector.broadcast %parallel_loop3A_622 : i32 to vector<16xi32>
        %parallel_loop3A_624 = arith.muli %parallel_loop3A_615, %parallel_loop3A_623 : vector<16xi32>
        %parallel_loop3A_625 = arith.addi %parallel_loop3A_624, %parallel_loop3A_621 : vector<16xi32>
        %parallel_loop3A_626 = arith.constant 0 : i32
        %parallel_loop3A_627 = vector.broadcast %parallel_loop3A_626 : i32 to vector<16xi32>
        %parallel_loop3A_628 = arith.addi %parallel_loop3A_625, %parallel_loop3A_627 : vector<16xi32>
        %parallel_loop3A_629 = tpu.vector_load_idx %arg10[%parallel_loop3A_628] : memref<128xf32, #tpu.memory_space<vmem>>[vector<16xi32>], vector<16xf32>,
        %parallel_loop3A_630 = arith.constant 0 : i32
        %parallel_loop3A_631 = arith.constant 0 : i32
        %parallel_loop3A_632 = arith.constant 0 : i32
        %parallel_loop3A_633 = arith.index_cast %parallel_loop3A_630 : i32 to index
        %parallel_loop3A_634 = arith.index_cast %parallel_loop3A_631 : i32 to index
        %parallel_loop3A_635 = arith.index_cast %parallel_loop3A_632 : i32 to index
        %parallel_loop3A_636 = arith.index_cast %parallel_loop3A_580 : i32 to index
        %parallel_loop3A_637 = tpu.vector_load %arg8[%parallel_loop3A_633, %parallel_loop3A_634, %parallel_loop3A_635, %parallel_loop3A_636] {strides = array<i32>} : memref<2x4x4x2048xf32, #tpu.memory_space<vmem>>, vector<16xf32>,
        tpu.vector_store %arg8[%parallel_loop3A_633, %parallel_loop3A_634, %parallel_loop3A_635, %parallel_loop3A_636], %parallel_loop3A_629 {strides = array<i32>} : memref<2x4x4x2048xf32, #tpu.memory_space<vmem>>, vector<16xf32>,
        %parallel_loop3A_638 = arith.constant 21 : i32
        %parallel_loop3A_639 = vector.broadcast %parallel_loop3A_638 : i32 to vector<16xi32>
        %parallel_loop3A_640 = arith.addi %parallel_loop3A_625, %parallel_loop3A_639 : vector<16xi32>
        %parallel_loop3A_641 = tpu.vector_load_idx %arg10[%parallel_loop3A_640] : memref<128xf32, #tpu.memory_space<vmem>>[vector<16xi32>], vector<16xf32>,
        %parallel_loop3A_642 = arith.constant 0 : i32
        %parallel_loop3A_643 = arith.constant 1 : i32
        %parallel_loop3A_644 = arith.constant 0 : i32
        %parallel_loop3A_645 = arith.index_cast %parallel_loop3A_642 : i32 to index
        %parallel_loop3A_646 = arith.index_cast %parallel_loop3A_643 : i32 to index
        %parallel_loop3A_647 = arith.index_cast %parallel_loop3A_644 : i32 to index
        %parallel_loop3A_648 = arith.index_cast %parallel_loop3A_580 : i32 to index
        %parallel_loop3A_649 = tpu.vector_load %arg8[%parallel_loop3A_645, %parallel_loop3A_646, %parallel_loop3A_647, %parallel_loop3A_648] {strides = array<i32>} : memref<2x4x4x2048xf32, #tpu.memory_space<vmem>>, vector<16xf32>,
        tpu.vector_store %arg8[%parallel_loop3A_645, %parallel_loop3A_646, %parallel_loop3A_647, %parallel_loop3A_648], %parallel_loop3A_641 {strides = array<i32>} : memref<2x4x4x2048xf32, #tpu.memory_space<vmem>>, vector<16xf32>,
        %parallel_loop3A_650 = arith.constant 42 : i32
        %parallel_loop3A_651 = vector.broadcast %parallel_loop3A_650 : i32 to vector<16xi32>
        %parallel_loop3A_652 = arith.addi %parallel_loop3A_625, %parallel_loop3A_651 : vector<16xi32>
        %parallel_loop3A_653 = tpu.vector_load_idx %arg10[%parallel_loop3A_652] : memref<128xf32, #tpu.memory_space<vmem>>[vector<16xi32>], vector<16xf32>,
        %parallel_loop3A_654 = arith.constant 0 : i32
        %parallel_loop3A_655 = arith.constant 2 : i32
        %parallel_loop3A_656 = arith.constant 0 : i32
        %parallel_loop3A_657 = arith.index_cast %parallel_loop3A_654 : i32 to index
        %parallel_loop3A_658 = arith.index_cast %parallel_loop3A_655 : i32 to index
        %parallel_loop3A_659 = arith.index_cast %parallel_loop3A_656 : i32 to index
        %parallel_loop3A_660 = arith.index_cast %parallel_loop3A_580 : i32 to index
        %parallel_loop3A_661 = tpu.vector_load %arg8[%parallel_loop3A_657, %parallel_loop3A_658, %parallel_loop3A_659, %parallel_loop3A_660] {strides = array<i32>} : memref<2x4x4x2048xf32, #tpu.memory_space<vmem>>, vector<16xf32>,
        tpu.vector_store %arg8[%parallel_loop3A_657, %parallel_loop3A_658, %parallel_loop3A_659, %parallel_loop3A_660], %parallel_loop3A_653 {strides = array<i32>} : memref<2x4x4x2048xf32, #tpu.memory_space<vmem>>, vector<16xf32>,
        %parallel_loop3A_662 = arith.constant 63 : i32
        %parallel_loop3A_663 = vector.broadcast %parallel_loop3A_662 : i32 to vector<16xi32>
        %parallel_loop3A_664 = arith.addi %parallel_loop3A_625, %parallel_loop3A_663 : vector<16xi32>
        %parallel_loop3A_665 = tpu.vector_load_idx %arg10[%parallel_loop3A_664] : memref<128xf32, #tpu.memory_space<vmem>>[vector<16xi32>], vector<16xf32>,
        %parallel_loop3A_666 = arith.constant 0 : i32
        %parallel_loop3A_667 = arith.constant 3 : i32
        %parallel_loop3A_668 = arith.constant 0 : i32
        %parallel_loop3A_669 = arith.index_cast %parallel_loop3A_666 : i32 to index
        %parallel_loop3A_670 = arith.index_cast %parallel_loop3A_667 : i32 to index
        %parallel_loop3A_671 = arith.index_cast %parallel_loop3A_668 : i32 to index
        %parallel_loop3A_672 = arith.index_cast %parallel_loop3A_580 : i32 to index
        %parallel_loop3A_673 = tpu.vector_load %arg8[%parallel_loop3A_669, %parallel_loop3A_670, %parallel_loop3A_671, %parallel_loop3A_672] {strides = array<i32>} : memref<2x4x4x2048xf32, #tpu.memory_space<vmem>>, vector<16xf32>,
        tpu.vector_store %arg8[%parallel_loop3A_669, %parallel_loop3A_670, %parallel_loop3A_671, %parallel_loop3A_672], %parallel_loop3A_665 {strides = array<i32>} : memref<2x4x4x2048xf32, #tpu.memory_space<vmem>>, vector<16xf32>,
        %parallel_loop3A_674 = arith.constant 0 : i32
        %parallel_loop3A_675 = arith.constant 1 : i32
        %parallel_loop3A_676 = arith.index_cast %parallel_loop3A_674 : i32 to index
        %parallel_loop3A_677 = arith.index_cast %parallel_loop3A_675 : i32 to index
        %parallel_loop3A_678 = arith.index_cast %parallel_loop3A_580 : i32 to index
        %parallel_loop3A_679 = tpu.vector_load %arg6[%parallel_loop3A_676, %parallel_loop3A_677, %parallel_loop3A_678] {strides = array<i32>} : memref<2x4x2048xi32, #tpu.memory_space<vmem>>, vector<16xi32>,
        %parallel_loop3A_680 = arith.constant 0 : i32
        %parallel_loop3A_681 = arith.constant 1 : i32
        %parallel_loop3A_682 = arith.index_cast %parallel_loop3A_680 : i32 to index
        %parallel_loop3A_683 = arith.index_cast %parallel_loop3A_681 : i32 to index
        %parallel_loop3A_684 = arith.index_cast %parallel_loop3A_580 : i32 to index
        %parallel_loop3A_685 = tpu.vector_load %arg7[%parallel_loop3A_682, %parallel_loop3A_683, %parallel_loop3A_684] {strides = array<i32>} : memref<2x4x2048xi32, #tpu.memory_space<vmem>>, vector<16xi32>,
        %parallel_loop3A_686 = arith.sitofp %parallel_loop3A_679 : vector<16xi32> to vector<16xf32>
        %parallel_loop3A_687 = vector.bitcast %parallel_loop3A_686 : vector<16xf32> to vector<16xi32>
        %parallel_loop3A_688 = arith.constant 23 : i32
        %parallel_loop3A_689 = vector.broadcast %parallel_loop3A_688 : i32 to vector<16xi32>
        %parallel_loop3A_690 = arith.shrsi %parallel_loop3A_687, %parallel_loop3A_689 : vector<16xi32>
        %parallel_loop3A_691 = arith.constant 255 : i32
        %parallel_loop3A_692 = vector.broadcast %parallel_loop3A_691 : i32 to vector<16xi32>
        %parallel_loop3A_693 = arith.minsi %parallel_loop3A_690, %parallel_loop3A_692 : vector<16xi32>
        %parallel_loop3A_694 = tpu.vector_load_idx %arg9[%parallel_loop3A_693] : memref<768xi32, #tpu.memory_space<vmem>>[vector<16xi32>], vector<16xi32>,
        %parallel_loop3A_695 = arith.constant -8 : i32
        %parallel_loop3A_696 = vector.broadcast %parallel_loop3A_695 : i32 to vector<16xi32>
        %parallel_loop3A_697 = arith.andi %parallel_loop3A_694, %parallel_loop3A_696 : vector<16xi32>
        %parallel_loop3A_698 = vector.bitcast %parallel_loop3A_697 : vector<16xi32> to vector<16xf32>
        %parallel_loop3A_699 = arith.constant 7 : i32
        %parallel_loop3A_700 = vector.broadcast %parallel_loop3A_699 : i32 to vector<16xi32>
        %parallel_loop3A_701 = arith.andi %parallel_loop3A_694, %parallel_loop3A_700 : vector<16xi32>
        %parallel_loop3A_702 = arith.cmpf oge, %parallel_loop3A_686, %parallel_loop3A_698 : vector<16xf32>
        %parallel_loop3A_703 = arith.constant 1 : i32
        %parallel_loop3A_704 = arith.constant 0 : i32
        %parallel_loop3A_705 = vector.broadcast %parallel_loop3A_703 : i32 to vector<16xi32>
        %parallel_loop3A_706 = vector.broadcast %parallel_loop3A_704 : i32 to vector<16xi32>
        %parallel_loop3A_707 = arith.select %parallel_loop3A_702, %parallel_loop3A_705, %parallel_loop3A_706 : vector<16xi1>, vector<16xi32>
        %parallel_loop3A_708 = arith.addi %parallel_loop3A_701, %parallel_loop3A_707 : vector<16xi32>
        %parallel_loop3A_709 = arith.constant 0 : i32
        %parallel_loop3A_710 = vector.broadcast %parallel_loop3A_709 : i32 to vector<16xi32>
        %parallel_loop3A_711 = arith.maxsi %parallel_loop3A_685, %parallel_loop3A_710 : vector<16xi32>
        %parallel_loop3A_712 = arith.constant 2 : i32
        %parallel_loop3A_713 = vector.broadcast %parallel_loop3A_712 : i32 to vector<16xi32>
        %parallel_loop3A_714 = arith.minsi %parallel_loop3A_711, %parallel_loop3A_713 : vector<16xi32>
        %parallel_loop3A_715 = arith.constant 3 : i32
        %parallel_loop3A_716 = vector.broadcast %parallel_loop3A_715 : i32 to vector<16xi32>
        %parallel_loop3A_717 = arith.muli %parallel_loop3A_708, %parallel_loop3A_716 : vector<16xi32>
        %parallel_loop3A_718 = arith.addi %parallel_loop3A_717, %parallel_loop3A_714 : vector<16xi32>
        %parallel_loop3A_719 = arith.constant 0 : i32
        %parallel_loop3A_720 = vector.broadcast %parallel_loop3A_719 : i32 to vector<16xi32>
        %parallel_loop3A_721 = arith.addi %parallel_loop3A_718, %parallel_loop3A_720 : vector<16xi32>
        %parallel_loop3A_722 = tpu.vector_load_idx %arg10[%parallel_loop3A_721] : memref<128xf32, #tpu.memory_space<vmem>>[vector<16xi32>], vector<16xf32>,
        %parallel_loop3A_723 = arith.constant 0 : i32
        %parallel_loop3A_724 = arith.constant 0 : i32
        %parallel_loop3A_725 = arith.constant 1 : i32
        %parallel_loop3A_726 = arith.index_cast %parallel_loop3A_723 : i32 to index
        %parallel_loop3A_727 = arith.index_cast %parallel_loop3A_724 : i32 to index
        %parallel_loop3A_728 = arith.index_cast %parallel_loop3A_725 : i32 to index
        %parallel_loop3A_729 = arith.index_cast %parallel_loop3A_580 : i32 to index
        %parallel_loop3A_730 = tpu.vector_load %arg8[%parallel_loop3A_726, %parallel_loop3A_727, %parallel_loop3A_728, %parallel_loop3A_729] {strides = array<i32>} : memref<2x4x4x2048xf32, #tpu.memory_space<vmem>>, vector<16xf32>,
        tpu.vector_store %arg8[%parallel_loop3A_726, %parallel_loop3A_727, %parallel_loop3A_728, %parallel_loop3A_729], %parallel_loop3A_722 {strides = array<i32>} : memref<2x4x4x2048xf32, #tpu.memory_space<vmem>>, vector<16xf32>,
        %parallel_loop3A_731 = arith.constant 21 : i32
        %parallel_loop3A_732 = vector.broadcast %parallel_loop3A_731 : i32 to vector<16xi32>
        %parallel_loop3A_733 = arith.addi %parallel_loop3A_718, %parallel_loop3A_732 : vector<16xi32>
        %parallel_loop3A_734 = tpu.vector_load_idx %arg10[%parallel_loop3A_733] : memref<128xf32, #tpu.memory_space<vmem>>[vector<16xi32>], vector<16xf32>,
        %parallel_loop3A_735 = arith.constant 0 : i32
        %parallel_loop3A_736 = arith.constant 1 : i32
        %parallel_loop3A_737 = arith.constant 1 : i32
        %parallel_loop3A_738 = arith.index_cast %parallel_loop3A_735 : i32 to index
        %parallel_loop3A_739 = arith.index_cast %parallel_loop3A_736 : i32 to index
        %parallel_loop3A_740 = arith.index_cast %parallel_loop3A_737 : i32 to index
        %parallel_loop3A_741 = arith.index_cast %parallel_loop3A_580 : i32 to index
        %parallel_loop3A_742 = tpu.vector_load %arg8[%parallel_loop3A_738, %parallel_loop3A_739, %parallel_loop3A_740, %parallel_loop3A_741] {strides = array<i32>} : memref<2x4x4x2048xf32, #tpu.memory_space<vmem>>, vector<16xf32>,
        tpu.vector_store %arg8[%parallel_loop3A_738, %parallel_loop3A_739, %parallel_loop3A_740, %parallel_loop3A_741], %parallel_loop3A_734 {strides = array<i32>} : memref<2x4x4x2048xf32, #tpu.memory_space<vmem>>, vector<16xf32>,
        %parallel_loop3A_743 = arith.constant 42 : i32
        %parallel_loop3A_744 = vector.broadcast %parallel_loop3A_743 : i32 to vector<16xi32>
        %parallel_loop3A_745 = arith.addi %parallel_loop3A_718, %parallel_loop3A_744 : vector<16xi32>
        %parallel_loop3A_746 = tpu.vector_load_idx %arg10[%parallel_loop3A_745] : memref<128xf32, #tpu.memory_space<vmem>>[vector<16xi32>], vector<16xf32>,
        %parallel_loop3A_747 = arith.constant 0 : i32
        %parallel_loop3A_748 = arith.constant 2 : i32
        %parallel_loop3A_749 = arith.constant 1 : i32
        %parallel_loop3A_750 = arith.index_cast %parallel_loop3A_747 : i32 to index
        %parallel_loop3A_751 = arith.index_cast %parallel_loop3A_748 : i32 to index
        %parallel_loop3A_752 = arith.index_cast %parallel_loop3A_749 : i32 to index
        %parallel_loop3A_753 = arith.index_cast %parallel_loop3A_580 : i32 to index
        %parallel_loop3A_754 = tpu.vector_load %arg8[%parallel_loop3A_750, %parallel_loop3A_751, %parallel_loop3A_752, %parallel_loop3A_753] {strides = array<i32>} : memref<2x4x4x2048xf32, #tpu.memory_space<vmem>>, vector<16xf32>,
        tpu.vector_store %arg8[%parallel_loop3A_750, %parallel_loop3A_751, %parallel_loop3A_752, %parallel_loop3A_753], %parallel_loop3A_746 {strides = array<i32>} : memref<2x4x4x2048xf32, #tpu.memory_space<vmem>>, vector<16xf32>,
        %parallel_loop3A_755 = arith.constant 63 : i32
        %parallel_loop3A_756 = vector.broadcast %parallel_loop3A_755 : i32 to vector<16xi32>
        %parallel_loop3A_757 = arith.addi %parallel_loop3A_718, %parallel_loop3A_756 : vector<16xi32>
        %parallel_loop3A_758 = tpu.vector_load_idx %arg10[%parallel_loop3A_757] : memref<128xf32, #tpu.memory_space<vmem>>[vector<16xi32>], vector<16xf32>,
        %parallel_loop3A_759 = arith.constant 0 : i32
        %parallel_loop3A_760 = arith.constant 3 : i32
        %parallel_loop3A_761 = arith.constant 1 : i32
        %parallel_loop3A_762 = arith.index_cast %parallel_loop3A_759 : i32 to index
        %parallel_loop3A_763 = arith.index_cast %parallel_loop3A_760 : i32 to index
        %parallel_loop3A_764 = arith.index_cast %parallel_loop3A_761 : i32 to index
        %parallel_loop3A_765 = arith.index_cast %parallel_loop3A_580 : i32 to index
        %parallel_loop3A_766 = tpu.vector_load %arg8[%parallel_loop3A_762, %parallel_loop3A_763, %parallel_loop3A_764, %parallel_loop3A_765] {strides = array<i32>} : memref<2x4x4x2048xf32, #tpu.memory_space<vmem>>, vector<16xf32>,
        tpu.vector_store %arg8[%parallel_loop3A_762, %parallel_loop3A_763, %parallel_loop3A_764, %parallel_loop3A_765], %parallel_loop3A_758 {strides = array<i32>} : memref<2x4x4x2048xf32, #tpu.memory_space<vmem>>, vector<16xf32>,
        %parallel_loop3A_767 = arith.constant 0 : i32
        %parallel_loop3A_768 = arith.constant 2 : i32
        %parallel_loop3A_769 = arith.index_cast %parallel_loop3A_767 : i32 to index
        %parallel_loop3A_770 = arith.index_cast %parallel_loop3A_768 : i32 to index
        %parallel_loop3A_771 = arith.index_cast %parallel_loop3A_580 : i32 to index
        %parallel_loop3A_772 = tpu.vector_load %arg6[%parallel_loop3A_769, %parallel_loop3A_770, %parallel_loop3A_771] {strides = array<i32>} : memref<2x4x2048xi32, #tpu.memory_space<vmem>>, vector<16xi32>,
        %parallel_loop3A_773 = arith.constant 0 : i32
        %parallel_loop3A_774 = arith.constant 2 : i32
        %parallel_loop3A_775 = arith.index_cast %parallel_loop3A_773 : i32 to index
        %parallel_loop3A_776 = arith.index_cast %parallel_loop3A_774 : i32 to index
        %parallel_loop3A_777 = arith.index_cast %parallel_loop3A_580 : i32 to index
        %parallel_loop3A_778 = tpu.vector_load %arg7[%parallel_loop3A_775, %parallel_loop3A_776, %parallel_loop3A_777] {strides = array<i32>} : memref<2x4x2048xi32, #tpu.memory_space<vmem>>, vector<16xi32>,
        %parallel_loop3A_779 = arith.sitofp %parallel_loop3A_772 : vector<16xi32> to vector<16xf32>
        %parallel_loop3A_780 = vector.bitcast %parallel_loop3A_779 : vector<16xf32> to vector<16xi32>
        %parallel_loop3A_781 = arith.constant 23 : i32
        %parallel_loop3A_782 = vector.broadcast %parallel_loop3A_781 : i32 to vector<16xi32>
        %parallel_loop3A_783 = arith.shrsi %parallel_loop3A_780, %parallel_loop3A_782 : vector<16xi32>
        %parallel_loop3A_784 = arith.constant 255 : i32
        %parallel_loop3A_785 = vector.broadcast %parallel_loop3A_784 : i32 to vector<16xi32>
        %parallel_loop3A_786 = arith.minsi %parallel_loop3A_783, %parallel_loop3A_785 : vector<16xi32>
        %parallel_loop3A_787 = tpu.vector_load_idx %arg9[%parallel_loop3A_786] : memref<768xi32, #tpu.memory_space<vmem>>[vector<16xi32>], vector<16xi32>,
        %parallel_loop3A_788 = arith.constant -8 : i32
        %parallel_loop3A_789 = vector.broadcast %parallel_loop3A_788 : i32 to vector<16xi32>
        %parallel_loop3A_790 = arith.andi %parallel_loop3A_787, %parallel_loop3A_789 : vector<16xi32>
        %parallel_loop3A_791 = vector.bitcast %parallel_loop3A_790 : vector<16xi32> to vector<16xf32>
        %parallel_loop3A_792 = arith.constant 7 : i32
        %parallel_loop3A_793 = vector.broadcast %parallel_loop3A_792 : i32 to vector<16xi32>
        %parallel_loop3A_794 = arith.andi %parallel_loop3A_787, %parallel_loop3A_793 : vector<16xi32>
        %parallel_loop3A_795 = arith.cmpf oge, %parallel_loop3A_779, %parallel_loop3A_791 : vector<16xf32>
        %parallel_loop3A_796 = arith.constant 1 : i32
        %parallel_loop3A_797 = arith.constant 0 : i32
        %parallel_loop3A_798 = vector.broadcast %parallel_loop3A_796 : i32 to vector<16xi32>
        %parallel_loop3A_799 = vector.broadcast %parallel_loop3A_797 : i32 to vector<16xi32>
        %parallel_loop3A_800 = arith.select %parallel_loop3A_795, %parallel_loop3A_798, %parallel_loop3A_799 : vector<16xi1>, vector<16xi32>
        %parallel_loop3A_801 = arith.addi %parallel_loop3A_794, %parallel_loop3A_800 : vector<16xi32>
        %parallel_loop3A_802 = arith.constant 0 : i32
        %parallel_loop3A_803 = vector.broadcast %parallel_loop3A_802 : i32 to vector<16xi32>
        %parallel_loop3A_804 = arith.maxsi %parallel_loop3A_778, %parallel_loop3A_803 : vector<16xi32>
        %parallel_loop3A_805 = arith.constant 2 : i32
        %parallel_loop3A_806 = vector.broadcast %parallel_loop3A_805 : i32 to vector<16xi32>
        %parallel_loop3A_807 = arith.minsi %parallel_loop3A_804, %parallel_loop3A_806 : vector<16xi32>
        %parallel_loop3A_808 = arith.constant 3 : i32
        %parallel_loop3A_809 = vector.broadcast %parallel_loop3A_808 : i32 to vector<16xi32>
        %parallel_loop3A_810 = arith.muli %parallel_loop3A_801, %parallel_loop3A_809 : vector<16xi32>
        %parallel_loop3A_811 = arith.addi %parallel_loop3A_810, %parallel_loop3A_807 : vector<16xi32>
        %parallel_loop3A_812 = arith.constant 0 : i32
        %parallel_loop3A_813 = vector.broadcast %parallel_loop3A_812 : i32 to vector<16xi32>
        %parallel_loop3A_814 = arith.addi %parallel_loop3A_811, %parallel_loop3A_813 : vector<16xi32>
        %parallel_loop3A_815 = tpu.vector_load_idx %arg10[%parallel_loop3A_814] : memref<128xf32, #tpu.memory_space<vmem>>[vector<16xi32>], vector<16xf32>,
        %parallel_loop3A_816 = arith.constant 0 : i32
        %parallel_loop3A_817 = arith.constant 0 : i32
        %parallel_loop3A_818 = arith.constant 2 : i32
        %parallel_loop3A_819 = arith.index_cast %parallel_loop3A_816 : i32 to index
        %parallel_loop3A_820 = arith.index_cast %parallel_loop3A_817 : i32 to index
        %parallel_loop3A_821 = arith.index_cast %parallel_loop3A_818 : i32 to index
        %parallel_loop3A_822 = arith.index_cast %parallel_loop3A_580 : i32 to index
        %parallel_loop3A_823 = tpu.vector_load %arg8[%parallel_loop3A_819, %parallel_loop3A_820, %parallel_loop3A_821, %parallel_loop3A_822] {strides = array<i32>} : memref<2x4x4x2048xf32, #tpu.memory_space<vmem>>, vector<16xf32>,
        tpu.vector_store %arg8[%parallel_loop3A_819, %parallel_loop3A_820, %parallel_loop3A_821, %parallel_loop3A_822], %parallel_loop3A_815 {strides = array<i32>} : memref<2x4x4x2048xf32, #tpu.memory_space<vmem>>, vector<16xf32>,
        %parallel_loop3A_824 = arith.constant 21 : i32
        %parallel_loop3A_825 = vector.broadcast %parallel_loop3A_824 : i32 to vector<16xi32>
        %parallel_loop3A_826 = arith.addi %parallel_loop3A_811, %parallel_loop3A_825 : vector<16xi32>
        %parallel_loop3A_827 = tpu.vector_load_idx %arg10[%parallel_loop3A_826] : memref<128xf32, #tpu.memory_space<vmem>>[vector<16xi32>], vector<16xf32>,
        %parallel_loop3A_828 = arith.constant 0 : i32
        %parallel_loop3A_829 = arith.constant 1 : i32
        %parallel_loop3A_830 = arith.constant 2 : i32
        %parallel_loop3A_831 = arith.index_cast %parallel_loop3A_828 : i32 to index
        %parallel_loop3A_832 = arith.index_cast %parallel_loop3A_829 : i32 to index
        %parallel_loop3A_833 = arith.index_cast %parallel_loop3A_830 : i32 to index
        %parallel_loop3A_834 = arith.index_cast %parallel_loop3A_580 : i32 to index
        %parallel_loop3A_835 = tpu.vector_load %arg8[%parallel_loop3A_831, %parallel_loop3A_832, %parallel_loop3A_833, %parallel_loop3A_834] {strides = array<i32>} : memref<2x4x4x2048xf32, #tpu.memory_space<vmem>>, vector<16xf32>,
        tpu.vector_store %arg8[%parallel_loop3A_831, %parallel_loop3A_832, %parallel_loop3A_833, %parallel_loop3A_834], %parallel_loop3A_827 {strides = array<i32>} : memref<2x4x4x2048xf32, #tpu.memory_space<vmem>>, vector<16xf32>,
        %parallel_loop3A_836 = arith.constant 42 : i32
        %parallel_loop3A_837 = vector.broadcast %parallel_loop3A_836 : i32 to vector<16xi32>
        %parallel_loop3A_838 = arith.addi %parallel_loop3A_811, %parallel_loop3A_837 : vector<16xi32>
        %parallel_loop3A_839 = tpu.vector_load_idx %arg10[%parallel_loop3A_838] : memref<128xf32, #tpu.memory_space<vmem>>[vector<16xi32>], vector<16xf32>,
        %parallel_loop3A_840 = arith.constant 0 : i32
        %parallel_loop3A_841 = arith.constant 2 : i32
        %parallel_loop3A_842 = arith.constant 2 : i32
        %parallel_loop3A_843 = arith.index_cast %parallel_loop3A_840 : i32 to index
        %parallel_loop3A_844 = arith.index_cast %parallel_loop3A_841 : i32 to index
        %parallel_loop3A_845 = arith.index_cast %parallel_loop3A_842 : i32 to index
        %parallel_loop3A_846 = arith.index_cast %parallel_loop3A_580 : i32 to index
        %parallel_loop3A_847 = tpu.vector_load %arg8[%parallel_loop3A_843, %parallel_loop3A_844, %parallel_loop3A_845, %parallel_loop3A_846] {strides = array<i32>} : memref<2x4x4x2048xf32, #tpu.memory_space<vmem>>, vector<16xf32>,
        tpu.vector_store %arg8[%parallel_loop3A_843, %parallel_loop3A_844, %parallel_loop3A_845, %parallel_loop3A_846], %parallel_loop3A_839 {strides = array<i32>} : memref<2x4x4x2048xf32, #tpu.memory_space<vmem>>, vector<16xf32>,
        %parallel_loop3A_848 = arith.constant 63 : i32
        %parallel_loop3A_849 = vector.broadcast %parallel_loop3A_848 : i32 to vector<16xi32>
        %parallel_loop3A_850 = arith.addi %parallel_loop3A_811, %parallel_loop3A_849 : vector<16xi32>
        %parallel_loop3A_851 = tpu.vector_load_idx %arg10[%parallel_loop3A_850] : memref<128xf32, #tpu.memory_space<vmem>>[vector<16xi32>], vector<16xf32>,
        %parallel_loop3A_852 = arith.constant 0 : i32
        %parallel_loop3A_853 = arith.constant 3 : i32
        %parallel_loop3A_854 = arith.constant 2 : i32
        %parallel_loop3A_855 = arith.index_cast %parallel_loop3A_852 : i32 to index
        %parallel_loop3A_856 = arith.index_cast %parallel_loop3A_853 : i32 to index
        %parallel_loop3A_857 = arith.index_cast %parallel_loop3A_854 : i32 to index
        %parallel_loop3A_858 = arith.index_cast %parallel_loop3A_580 : i32 to index
        %parallel_loop3A_859 = tpu.vector_load %arg8[%parallel_loop3A_855, %parallel_loop3A_856, %parallel_loop3A_857, %parallel_loop3A_858] {strides = array<i32>} : memref<2x4x4x2048xf32, #tpu.memory_space<vmem>>, vector<16xf32>,
        tpu.vector_store %arg8[%parallel_loop3A_855, %parallel_loop3A_856, %parallel_loop3A_857, %parallel_loop3A_858], %parallel_loop3A_851 {strides = array<i32>} : memref<2x4x4x2048xf32, #tpu.memory_space<vmem>>, vector<16xf32>,
        %parallel_loop3A_860 = arith.constant 0 : i32
        %parallel_loop3A_861 = arith.constant 3 : i32
        %parallel_loop3A_862 = arith.index_cast %parallel_loop3A_860 : i32 to index
        %parallel_loop3A_863 = arith.index_cast %parallel_loop3A_861 : i32 to index
        %parallel_loop3A_864 = arith.index_cast %parallel_loop3A_580 : i32 to index
        %parallel_loop3A_865 = tpu.vector_load %arg6[%parallel_loop3A_862, %parallel_loop3A_863, %parallel_loop3A_864] {strides = array<i32>} : memref<2x4x2048xi32, #tpu.memory_space<vmem>>, vector<16xi32>,
        %parallel_loop3A_866 = arith.constant 0 : i32
        %parallel_loop3A_867 = arith.constant 3 : i32
        %parallel_loop3A_868 = arith.index_cast %parallel_loop3A_866 : i32 to index
        %parallel_loop3A_869 = arith.index_cast %parallel_loop3A_867 : i32 to index
        %parallel_loop3A_870 = arith.index_cast %parallel_loop3A_580 : i32 to index
        %parallel_loop3A_871 = tpu.vector_load %arg7[%parallel_loop3A_868, %parallel_loop3A_869, %parallel_loop3A_870] {strides = array<i32>} : memref<2x4x2048xi32, #tpu.memory_space<vmem>>, vector<16xi32>,
        %parallel_loop3A_872 = arith.sitofp %parallel_loop3A_865 : vector<16xi32> to vector<16xf32>
        %parallel_loop3A_873 = vector.bitcast %parallel_loop3A_872 : vector<16xf32> to vector<16xi32>
        %parallel_loop3A_874 = arith.constant 23 : i32
        %parallel_loop3A_875 = vector.broadcast %parallel_loop3A_874 : i32 to vector<16xi32>
        %parallel_loop3A_876 = arith.shrsi %parallel_loop3A_873, %parallel_loop3A_875 : vector<16xi32>
        %parallel_loop3A_877 = arith.constant 255 : i32
        %parallel_loop3A_878 = vector.broadcast %parallel_loop3A_877 : i32 to vector<16xi32>
        %parallel_loop3A_879 = arith.minsi %parallel_loop3A_876, %parallel_loop3A_878 : vector<16xi32>
        %parallel_loop3A_880 = tpu.vector_load_idx %arg9[%parallel_loop3A_879] : memref<768xi32, #tpu.memory_space<vmem>>[vector<16xi32>], vector<16xi32>,
        %parallel_loop3A_881 = arith.constant -8 : i32
        %parallel_loop3A_882 = vector.broadcast %parallel_loop3A_881 : i32 to vector<16xi32>
        %parallel_loop3A_883 = arith.andi %parallel_loop3A_880, %parallel_loop3A_882 : vector<16xi32>
        %parallel_loop3A_884 = vector.bitcast %parallel_loop3A_883 : vector<16xi32> to vector<16xf32>
        %parallel_loop3A_885 = arith.constant 7 : i32
        %parallel_loop3A_886 = vector.broadcast %parallel_loop3A_885 : i32 to vector<16xi32>
        %parallel_loop3A_887 = arith.andi %parallel_loop3A_880, %parallel_loop3A_886 : vector<16xi32>
        %parallel_loop3A_888 = arith.cmpf oge, %parallel_loop3A_872, %parallel_loop3A_884 : vector<16xf32>
        %parallel_loop3A_889 = arith.constant 1 : i32
        %parallel_loop3A_890 = arith.constant 0 : i32
        %parallel_loop3A_891 = vector.broadcast %parallel_loop3A_889 : i32 to vector<16xi32>
        %parallel_loop3A_892 = vector.broadcast %parallel_loop3A_890 : i32 to vector<16xi32>
        %parallel_loop3A_893 = arith.select %parallel_loop3A_888, %parallel_loop3A_891, %parallel_loop3A_892 : vector<16xi1>, vector<16xi32>
        %parallel_loop3A_894 = arith.addi %parallel_loop3A_887, %parallel_loop3A_893 : vector<16xi32>
        %parallel_loop3A_895 = arith.constant 0 : i32
        %parallel_loop3A_896 = vector.broadcast %parallel_loop3A_895 : i32 to vector<16xi32>
        %parallel_loop3A_897 = arith.maxsi %parallel_loop3A_871, %parallel_loop3A_896 : vector<16xi32>
        %parallel_loop3A_898 = arith.constant 2 : i32
        %parallel_loop3A_899 = vector.broadcast %parallel_loop3A_898 : i32 to vector<16xi32>
        %parallel_loop3A_900 = arith.minsi %parallel_loop3A_897, %parallel_loop3A_899 : vector<16xi32>
        %parallel_loop3A_901 = arith.constant 3 : i32
        %parallel_loop3A_902 = vector.broadcast %parallel_loop3A_901 : i32 to vector<16xi32>
        %parallel_loop3A_903 = arith.muli %parallel_loop3A_894, %parallel_loop3A_902 : vector<16xi32>
        %parallel_loop3A_904 = arith.addi %parallel_loop3A_903, %parallel_loop3A_900 : vector<16xi32>
        %parallel_loop3A_905 = arith.constant 0 : i32
        %parallel_loop3A_906 = vector.broadcast %parallel_loop3A_905 : i32 to vector<16xi32>
        %parallel_loop3A_907 = arith.addi %parallel_loop3A_904, %parallel_loop3A_906 : vector<16xi32>
        %parallel_loop3A_908 = tpu.vector_load_idx %arg10[%parallel_loop3A_907] : memref<128xf32, #tpu.memory_space<vmem>>[vector<16xi32>], vector<16xf32>,
        %parallel_loop3A_909 = arith.constant 0 : i32
        %parallel_loop3A_910 = arith.constant 0 : i32
        %parallel_loop3A_911 = arith.constant 3 : i32
        %parallel_loop3A_912 = arith.index_cast %parallel_loop3A_909 : i32 to index
        %parallel_loop3A_913 = arith.index_cast %parallel_loop3A_910 : i32 to index
        %parallel_loop3A_914 = arith.index_cast %parallel_loop3A_911 : i32 to index
        %parallel_loop3A_915 = arith.index_cast %parallel_loop3A_580 : i32 to index
        %parallel_loop3A_916 = tpu.vector_load %arg8[%parallel_loop3A_912, %parallel_loop3A_913, %parallel_loop3A_914, %parallel_loop3A_915] {strides = array<i32>} : memref<2x4x4x2048xf32, #tpu.memory_space<vmem>>, vector<16xf32>,
        tpu.vector_store %arg8[%parallel_loop3A_912, %parallel_loop3A_913, %parallel_loop3A_914, %parallel_loop3A_915], %parallel_loop3A_908 {strides = array<i32>} : memref<2x4x4x2048xf32, #tpu.memory_space<vmem>>, vector<16xf32>,
        %parallel_loop3A_917 = arith.constant 21 : i32
        %parallel_loop3A_918 = vector.broadcast %parallel_loop3A_917 : i32 to vector<16xi32>
        %parallel_loop3A_919 = arith.addi %parallel_loop3A_904, %parallel_loop3A_918 : vector<16xi32>
        %parallel_loop3A_920 = tpu.vector_load_idx %arg10[%parallel_loop3A_919] : memref<128xf32, #tpu.memory_space<vmem>>[vector<16xi32>], vector<16xf32>,
        %parallel_loop3A_921 = arith.constant 0 : i32
        %parallel_loop3A_922 = arith.constant 1 : i32
        %parallel_loop3A_923 = arith.constant 3 : i32
        %parallel_loop3A_924 = arith.index_cast %parallel_loop3A_921 : i32 to index
        %parallel_loop3A_925 = arith.index_cast %parallel_loop3A_922 : i32 to index
        %parallel_loop3A_926 = arith.index_cast %parallel_loop3A_923 : i32 to index
        %parallel_loop3A_927 = arith.index_cast %parallel_loop3A_580 : i32 to index
        %parallel_loop3A_928 = tpu.vector_load %arg8[%parallel_loop3A_924, %parallel_loop3A_925, %parallel_loop3A_926, %parallel_loop3A_927] {strides = array<i32>} : memref<2x4x4x2048xf32, #tpu.memory_space<vmem>>, vector<16xf32>,
        tpu.vector_store %arg8[%parallel_loop3A_924, %parallel_loop3A_925, %parallel_loop3A_926, %parallel_loop3A_927], %parallel_loop3A_920 {strides = array<i32>} : memref<2x4x4x2048xf32, #tpu.memory_space<vmem>>, vector<16xf32>,
        %parallel_loop3A_929 = arith.constant 42 : i32
        %parallel_loop3A_930 = vector.broadcast %parallel_loop3A_929 : i32 to vector<16xi32>
        %parallel_loop3A_931 = arith.addi %parallel_loop3A_904, %parallel_loop3A_930 : vector<16xi32>
        %parallel_loop3A_932 = tpu.vector_load_idx %arg10[%parallel_loop3A_931] : memref<128xf32, #tpu.memory_space<vmem>>[vector<16xi32>], vector<16xf32>,
        %parallel_loop3A_933 = arith.constant 0 : i32
        %parallel_loop3A_934 = arith.constant 2 : i32
        %parallel_loop3A_935 = arith.constant 3 : i32
        %parallel_loop3A_936 = arith.index_cast %parallel_loop3A_933 : i32 to index
        %parallel_loop3A_937 = arith.index_cast %parallel_loop3A_934 : i32 to index
        %parallel_loop3A_938 = arith.index_cast %parallel_loop3A_935 : i32 to index
        %parallel_loop3A_939 = arith.index_cast %parallel_loop3A_580 : i32 to index
        %parallel_loop3A_940 = tpu.vector_load %arg8[%parallel_loop3A_936, %parallel_loop3A_937, %parallel_loop3A_938, %parallel_loop3A_939] {strides = array<i32>} : memref<2x4x4x2048xf32, #tpu.memory_space<vmem>>, vector<16xf32>,
        tpu.vector_store %arg8[%parallel_loop3A_936, %parallel_loop3A_937, %parallel_loop3A_938, %parallel_loop3A_939], %parallel_loop3A_932 {strides = array<i32>} : memref<2x4x4x2048xf32, #tpu.memory_space<vmem>>, vector<16xf32>,
        %parallel_loop3A_941 = arith.constant 63 : i32
        %parallel_loop3A_942 = vector.broadcast %parallel_loop3A_941 : i32 to vector<16xi32>
        %parallel_loop3A_943 = arith.addi %parallel_loop3A_904, %parallel_loop3A_942 : vector<16xi32>
        %parallel_loop3A_944 = tpu.vector_load_idx %arg10[%parallel_loop3A_943] : memref<128xf32, #tpu.memory_space<vmem>>[vector<16xi32>], vector<16xf32>,
        %parallel_loop3A_945 = arith.constant 0 : i32
        %parallel_loop3A_946 = arith.constant 3 : i32
        %parallel_loop3A_947 = arith.constant 3 : i32
        %parallel_loop3A_948 = arith.index_cast %parallel_loop3A_945 : i32 to index
        %parallel_loop3A_949 = arith.index_cast %parallel_loop3A_946 : i32 to index
        %parallel_loop3A_950 = arith.index_cast %parallel_loop3A_947 : i32 to index
        %parallel_loop3A_951 = arith.index_cast %parallel_loop3A_580 : i32 to index
        %parallel_loop3A_952 = tpu.vector_load %arg8[%parallel_loop3A_948, %parallel_loop3A_949, %parallel_loop3A_950, %parallel_loop3A_951] {strides = array<i32>} : memref<2x4x4x2048xf32, #tpu.memory_space<vmem>>, vector<16xf32>,
        tpu.vector_store %arg8[%parallel_loop3A_948, %parallel_loop3A_949, %parallel_loop3A_950, %parallel_loop3A_951], %parallel_loop3A_944 {strides = array<i32>} : memref<2x4x4x2048xf32, #tpu.memory_space<vmem>>, vector<16xf32>,
      } {sc.loop_unroll_factor = 8 : i64, sc.parallel_access}
      %mul3A_378 = arith.constant 4 : i32
      %mul3A_379 = arith.muli %add3A_339, %mul3A_378 : i32
      %add3A_380 = arith.addi %mul3A_32, %mul3A_379 : i32
      %dma_start3A_381 = arith.constant 0 : i32
      %dma_start3A_382 = arith.constant 0 : i32
      %dma_start3A_383 = arith.constant 0 : i32
      %dma_start3A_384 = arith.constant 0 : i32
      %dma_start3A_385 = arith.constant 0 : i32
      %dma_start3A_386 = tpu.memref_slice %arg8[%dma_start3A_381, %dma_start3A_382, %dma_start3A_384, %dma_start3A_385] : memref<2x4x4x2048xf32, #tpu.memory_space<vmem>> -> memref<1x1x4x2048xf32, #tpu.memory_space<vmem>>
      %dma_start3A_387 = tpu.memref_squeeze %dma_start3A_386 : memref<1x1x4x2048xf32, #tpu.memory_space<vmem>> -> memref<4x2048xf32, #tpu.memory_space<vmem>>
      %dma_start3A_388 = arith.constant 0 : i32
      %dma_start3A_389 = tpu.memref_slice %arg5[%select_n3A, %dma_start3A_383, %add3A_380, %dma_start3A_388] : memref<2x4x2048x2048xf32, #tpu.memory_space<hbm>> -> memref<1x1x4x2048xf32, #tpu.memory_space<hbm>>
      %dma_start3A_390 = tpu.memref_squeeze %dma_start3A_389 : memref<1x1x4x2048xf32, #tpu.memory_space<hbm>> -> memref<4x2048xf32, #tpu.memory_space<hbm>>
      %dma_start3A_391 = arith.constant 0 : i32
      %dma_start3A_392 = tpu.memref_slice %arg5[%select_n3A, %dma_start3A_383, %add3A_380, %dma_start3A_391] : memref<2x4x2048x2048xf32, #tpu.memory_space<hbm>> -> memref<1x1x4x2048xf32, #tpu.memory_space<hbm>>
      %dma_start3A_393 = tpu.memref_squeeze %dma_start3A_392 : memref<1x1x4x2048xf32, #tpu.memory_space<hbm>> -> memref<4x2048xf32, #tpu.memory_space<hbm>>
      %dma_start3A_394 = arith.constant 0 : i32
      %dma_start3A_395 = arith.constant 0 : i32
      %dma_start3A_396 = tpu.memref_slice %arg8[%dma_start3A_381, %dma_start3A_382, %dma_start3A_394, %dma_start3A_395] : memref<2x4x4x2048xf32, #tpu.memory_space<vmem>> -> memref<1x1x4x2048xf32, #tpu.memory_space<vmem>>
      %dma_start3A_397 = tpu.memref_squeeze %dma_start3A_396 : memref<1x1x4x2048xf32, #tpu.memory_space<vmem>> -> memref<4x2048xf32, #tpu.memory_space<vmem>>
      tpu.enqueue_dma source(%dma_start3A_397 : memref<4x2048xf32, #tpu.memory_space<vmem>>) target(%dma_start3A_393 : memref<4x2048xf32, #tpu.memory_space<hbm>>) target_semaphore(%arg13 : memref<!tpu.dma_semaphore, #tpu.memory_space<semaphore_mem>>)
      %dma_start3A_398 = arith.constant 0 : i32
      %dma_start3A_399 = arith.constant 1 : i32
      %dma_start3A_400 = arith.constant 1 : i32
      %dma_start3A_401 = arith.constant 0 : i32
      %dma_start3A_402 = arith.constant 0 : i32
      %dma_start3A_403 = tpu.memref_slice %arg8[%dma_start3A_398, %dma_start3A_399, %dma_start3A_401, %dma_start3A_402] : memref<2x4x4x2048xf32, #tpu.memory_space<vmem>> -> memref<1x1x4x2048xf32, #tpu.memory_space<vmem>>
      %dma_start3A_404 = tpu.memref_squeeze %dma_start3A_403 : memref<1x1x4x2048xf32, #tpu.memory_space<vmem>> -> memref<4x2048xf32, #tpu.memory_space<vmem>>
      %dma_start3A_405 = arith.constant 0 : i32
      %dma_start3A_406 = tpu.memref_slice %arg5[%select_n3A, %dma_start3A_400, %add3A_380, %dma_start3A_405] : memref<2x4x2048x2048xf32, #tpu.memory_space<hbm>> -> memref<1x1x4x2048xf32, #tpu.memory_space<hbm>>
      %dma_start3A_407 = tpu.memref_squeeze %dma_start3A_406 : memref<1x1x4x2048xf32, #tpu.memory_space<hbm>> -> memref<4x2048xf32, #tpu.memory_space<hbm>>
      %dma_start3A_408 = arith.constant 0 : i32
      %dma_start3A_409 = tpu.memref_slice %arg5[%select_n3A, %dma_start3A_400, %add3A_380, %dma_start3A_408] : memref<2x4x2048x2048xf32, #tpu.memory_space<hbm>> -> memref<1x1x4x2048xf32, #tpu.memory_space<hbm>>
      %dma_start3A_410 = tpu.memref_squeeze %dma_start3A_409 : memref<1x1x4x2048xf32, #tpu.memory_space<hbm>> -> memref<4x2048xf32, #tpu.memory_space<hbm>>
      %dma_start3A_411 = arith.constant 0 : i32
      %dma_start3A_412 = arith.constant 0 : i32
      %dma_start3A_413 = tpu.memref_slice %arg8[%dma_start3A_398, %dma_start3A_399, %dma_start3A_411, %dma_start3A_412] : memref<2x4x4x2048xf32, #tpu.memory_space<vmem>> -> memref<1x1x4x2048xf32, #tpu.memory_space<vmem>>
      %dma_start3A_414 = tpu.memref_squeeze %dma_start3A_413 : memref<1x1x4x2048xf32, #tpu.memory_space<vmem>> -> memref<4x2048xf32, #tpu.memory_space<vmem>>
      tpu.enqueue_dma source(%dma_start3A_414 : memref<4x2048xf32, #tpu.memory_space<vmem>>) target(%dma_start3A_410 : memref<4x2048xf32, #tpu.memory_space<hbm>>) target_semaphore(%arg13 : memref<!tpu.dma_semaphore, #tpu.memory_space<semaphore_mem>>)
      %dma_start3A_415 = arith.constant 0 : i32
      %dma_start3A_416 = arith.constant 2 : i32
      %dma_start3A_417 = arith.constant 2 : i32
      %dma_start3A_418 = arith.constant 0 : i32
      %dma_start3A_419 = arith.constant 0 : i32
      %dma_start3A_420 = tpu.memref_slice %arg8[%dma_start3A_415, %dma_start3A_416, %dma_start3A_418, %dma_start3A_419] : memref<2x4x4x2048xf32, #tpu.memory_space<vmem>> -> memref<1x1x4x2048xf32, #tpu.memory_space<vmem>>
      %dma_start3A_421 = tpu.memref_squeeze %dma_start3A_420 : memref<1x1x4x2048xf32, #tpu.memory_space<vmem>> -> memref<4x2048xf32, #tpu.memory_space<vmem>>
      %dma_start3A_422 = arith.constant 0 : i32
      %dma_start3A_423 = tpu.memref_slice %arg5[%select_n3A, %dma_start3A_417, %add3A_380, %dma_start3A_422] : memref<2x4x2048x2048xf32, #tpu.memory_space<hbm>> -> memref<1x1x4x2048xf32, #tpu.memory_space<hbm>>
      %dma_start3A_424 = tpu.memref_squeeze %dma_start3A_423 : memref<1x1x4x2048xf32, #tpu.memory_space<hbm>> -> memref<4x2048xf32, #tpu.memory_space<hbm>>
      %dma_start3A_425 = arith.constant 0 : i32
      %dma_start3A_426 = tpu.memref_slice %arg5[%select_n3A, %dma_start3A_417, %add3A_380, %dma_start3A_425] : memref<2x4x2048x2048xf32, #tpu.memory_space<hbm>> -> memref<1x1x4x2048xf32, #tpu.memory_space<hbm>>
      %dma_start3A_427 = tpu.memref_squeeze %dma_start3A_426 : memref<1x1x4x2048xf32, #tpu.memory_space<hbm>> -> memref<4x2048xf32, #tpu.memory_space<hbm>>
      %dma_start3A_428 = arith.constant 0 : i32
      %dma_start3A_429 = arith.constant 0 : i32
      %dma_start3A_430 = tpu.memref_slice %arg8[%dma_start3A_415, %dma_start3A_416, %dma_start3A_428, %dma_start3A_429] : memref<2x4x4x2048xf32, #tpu.memory_space<vmem>> -> memref<1x1x4x2048xf32, #tpu.memory_space<vmem>>
      %dma_start3A_431 = tpu.memref_squeeze %dma_start3A_430 : memref<1x1x4x2048xf32, #tpu.memory_space<vmem>> -> memref<4x2048xf32, #tpu.memory_space<vmem>>
      tpu.enqueue_dma source(%dma_start3A_431 : memref<4x2048xf32, #tpu.memory_space<vmem>>) target(%dma_start3A_427 : memref<4x2048xf32, #tpu.memory_space<hbm>>) target_semaphore(%arg13 : memref<!tpu.dma_semaphore, #tpu.memory_space<semaphore_mem>>)
      %dma_start3A_432 = arith.constant 0 : i32
      %dma_start3A_433 = arith.constant 3 : i32
      %dma_start3A_434 = arith.constant 3 : i32
      %dma_start3A_435 = arith.constant 0 : i32
      %dma_start3A_436 = arith.constant 0 : i32
      %dma_start3A_437 = tpu.memref_slice %arg8[%dma_start3A_432, %dma_start3A_433, %dma_start3A_435, %dma_start3A_436] : memref<2x4x4x2048xf32, #tpu.memory_space<vmem>> -> memref<1x1x4x2048xf32, #tpu.memory_space<vmem>>
      %dma_start3A_438 = tpu.memref_squeeze %dma_start3A_437 : memref<1x1x4x2048xf32, #tpu.memory_space<vmem>> -> memref<4x2048xf32, #tpu.memory_space<vmem>>
      %dma_start3A_439 = arith.constant 0 : i32
      %dma_start3A_440 = tpu.memref_slice %arg5[%select_n3A, %dma_start3A_434, %add3A_380, %dma_start3A_439] : memref<2x4x2048x2048xf32, #tpu.memory_space<hbm>> -> memref<1x1x4x2048xf32, #tpu.memory_space<hbm>>
      %dma_start3A_441 = tpu.memref_squeeze %dma_start3A_440 : memref<1x1x4x2048xf32, #tpu.memory_space<hbm>> -> memref<4x2048xf32, #tpu.memory_space<hbm>>
      %dma_start3A_442 = arith.constant 0 : i32
      %dma_start3A_443 = tpu.memref_slice %arg5[%select_n3A, %dma_start3A_434, %add3A_380, %dma_start3A_442] : memref<2x4x2048x2048xf32, #tpu.memory_space<hbm>> -> memref<1x1x4x2048xf32, #tpu.memory_space<hbm>>
      %dma_start3A_444 = tpu.memref_squeeze %dma_start3A_443 : memref<1x1x4x2048xf32, #tpu.memory_space<hbm>> -> memref<4x2048xf32, #tpu.memory_space<hbm>>
      %dma_start3A_445 = arith.constant 0 : i32
      %dma_start3A_446 = arith.constant 0 : i32
      %dma_start3A_447 = tpu.memref_slice %arg8[%dma_start3A_432, %dma_start3A_433, %dma_start3A_445, %dma_start3A_446] : memref<2x4x4x2048xf32, #tpu.memory_space<vmem>> -> memref<1x1x4x2048xf32, #tpu.memory_space<vmem>>
      %dma_start3A_448 = tpu.memref_squeeze %dma_start3A_447 : memref<1x1x4x2048xf32, #tpu.memory_space<vmem>> -> memref<4x2048xf32, #tpu.memory_space<vmem>>
      tpu.enqueue_dma source(%dma_start3A_448 : memref<4x2048xf32, #tpu.memory_space<vmem>>) target(%dma_start3A_444 : memref<4x2048xf32, #tpu.memory_space<hbm>>) target_semaphore(%arg13 : memref<!tpu.dma_semaphore, #tpu.memory_space<semaphore_mem>>)
      %add3A_449 = arith.constant 2 : i32
      %add3A_450 = arith.addi %add3A_339, %add3A_449 : i32
      %lt3A_451 = arith.constant 32 : i32
      %lt3A_452 = arith.cmpi slt, %add3A_450, %lt3A_451 : i32
      %convert_element_type3A_453 = arith.extui %lt3A_452 : i1 to i32
      %cond3A_454 = arith.constant 0 : i32
      %cond3A_455 = arith.cmpi ne, %convert_element_type3A_453, %cond3A_454 : i32
      scf.if %cond3A_455 {
        %add3A_580 = arith.constant 2 : i32
        %add3A_581 = arith.addi %add3A_339, %add3A_580 : i32
        %mul3A_582 = arith.constant 4 : i32
        %mul3A_583 = arith.muli %add3A_581, %mul3A_582 : i32
        %add3A_584 = arith.addi %mul3A_32, %mul3A_583 : i32
        %dma_start3A_585 = arith.constant 0 : i32
        %dma_start3A_586 = arith.constant 0 : i32
        %dma_start3A_587 = arith.constant 0 : i32
        %dma_start3A_588 = tpu.memref_slice %arg6[%dma_start3A_585, %dma_start3A_586, %dma_start3A_587] : memref<2x4x2048xi32, #tpu.memory_space<vmem>> -> memref<1x4x2048xi32, #tpu.memory_space<vmem>>
        %dma_start3A_589 = tpu.memref_squeeze %dma_start3A_588 : memref<1x4x2048xi32, #tpu.memory_space<vmem>> -> memref<4x2048xi32, #tpu.memory_space<vmem>>
        %dma_start3A_590 = arith.constant 0 : i32
        %dma_start3A_591 = tpu.memref_slice %arg2[%select_n3A, %add3A_584, %dma_start3A_590] : memref<2x2048x2048xi32, #tpu.memory_space<hbm>> -> memref<1x4x2048xi32, #tpu.memory_space<hbm>>
        %dma_start3A_592 = tpu.memref_squeeze %dma_start3A_591 : memref<1x4x2048xi32, #tpu.memory_space<hbm>> -> memref<4x2048xi32, #tpu.memory_space<hbm>>
        %dma_start3A_593 = arith.constant 0 : i32
        %dma_start3A_594 = arith.constant 0 : i32
        %dma_start3A_595 = tpu.memref_slice %arg6[%dma_start3A_585, %dma_start3A_593, %dma_start3A_594] : memref<2x4x2048xi32, #tpu.memory_space<vmem>> -> memref<1x4x2048xi32, #tpu.memory_space<vmem>>
        %dma_start3A_596 = tpu.memref_squeeze %dma_start3A_595 : memref<1x4x2048xi32, #tpu.memory_space<vmem>> -> memref<4x2048xi32, #tpu.memory_space<vmem>>
        %dma_start3A_597 = arith.constant 0 : i32
        %dma_start3A_598 = tpu.memref_slice %arg2[%select_n3A, %add3A_584, %dma_start3A_597] : memref<2x2048x2048xi32, #tpu.memory_space<hbm>> -> memref<1x4x2048xi32, #tpu.memory_space<hbm>>
        %dma_start3A_599 = tpu.memref_squeeze %dma_start3A_598 : memref<1x4x2048xi32, #tpu.memory_space<hbm>> -> memref<4x2048xi32, #tpu.memory_space<hbm>>
        tpu.enqueue_dma source(%dma_start3A_599 : memref<4x2048xi32, #tpu.memory_space<hbm>>) target(%dma_start3A_596 : memref<4x2048xi32, #tpu.memory_space<vmem>>) target_semaphore(%arg11 : memref<!tpu.dma_semaphore, #tpu.memory_space<semaphore_mem>>)
        %dma_start3A_600 = arith.constant 0 : i32
        %dma_start3A_601 = arith.constant 0 : i32
        %dma_start3A_602 = arith.constant 0 : i32
        %dma_start3A_603 = tpu.memref_slice %arg7[%dma_start3A_600, %dma_start3A_601, %dma_start3A_602] : memref<2x4x2048xi32, #tpu.memory_space<vmem>> -> memref<1x4x2048xi32, #tpu.memory_space<vmem>>
        %dma_start3A_604 = tpu.memref_squeeze %dma_start3A_603 : memref<1x4x2048xi32, #tpu.memory_space<vmem>> -> memref<4x2048xi32, #tpu.memory_space<vmem>>
        %dma_start3A_605 = arith.constant 0 : i32
        %dma_start3A_606 = tpu.memref_slice %arg3[%select_n3A, %add3A_584, %dma_start3A_605] : memref<2x2048x2048xi32, #tpu.memory_space<hbm>> -> memref<1x4x2048xi32, #tpu.memory_space<hbm>>
        %dma_start3A_607 = tpu.memref_squeeze %dma_start3A_606 : memref<1x4x2048xi32, #tpu.memory_space<hbm>> -> memref<4x2048xi32, #tpu.memory_space<hbm>>
        %dma_start3A_608 = arith.constant 0 : i32
        %dma_start3A_609 = arith.constant 0 : i32
        %dma_start3A_610 = tpu.memref_slice %arg7[%dma_start3A_600, %dma_start3A_608, %dma_start3A_609] : memref<2x4x2048xi32, #tpu.memory_space<vmem>> -> memref<1x4x2048xi32, #tpu.memory_space<vmem>>
        %dma_start3A_611 = tpu.memref_squeeze %dma_start3A_610 : memref<1x4x2048xi32, #tpu.memory_space<vmem>> -> memref<4x2048xi32, #tpu.memory_space<vmem>>
        %dma_start3A_612 = arith.constant 0 : i32
        %dma_start3A_613 = tpu.memref_slice %arg3[%select_n3A, %add3A_584, %dma_start3A_612] : memref<2x2048x2048xi32, #tpu.memory_space<hbm>> -> memref<1x4x2048xi32, #tpu.memory_space<hbm>>
        %dma_start3A_614 = tpu.memref_squeeze %dma_start3A_613 : memref<1x4x2048xi32, #tpu.memory_space<hbm>> -> memref<4x2048xi32, #tpu.memory_space<hbm>>
        tpu.enqueue_dma source(%dma_start3A_614 : memref<4x2048xi32, #tpu.memory_space<hbm>>) target(%dma_start3A_611 : memref<4x2048xi32, #tpu.memory_space<vmem>>) target_semaphore(%arg11 : memref<!tpu.dma_semaphore, #tpu.memory_space<semaphore_mem>>)
      } else {
      }
      %mul3A_456 = arith.constant 2 : i32
      %mul3A_457 = arith.muli %scan3A_335, %mul3A_456 : i32
      %add3A_458 = arith.constant 1 : i32
      %add3A_459 = arith.addi %mul3A_457, %add3A_458 : i32
      %dma_wait3A_460 = arith.constant 1 : i32
      %dma_wait3A_461 = arith.constant 0 : i32
      %dma_wait3A_462 = arith.constant 0 : i32
      %dma_wait3A_463 = tpu.memref_slice %arg6[%dma_wait3A_460, %dma_wait3A_461, %dma_wait3A_462] : memref<2x4x2048xi32, #tpu.memory_space<vmem>> -> memref<1x4x2048xi32, #tpu.memory_space<vmem>>
      %dma_wait3A_464 = tpu.memref_squeeze %dma_wait3A_463 : memref<1x4x2048xi32, #tpu.memory_space<vmem>> -> memref<4x2048xi32, #tpu.memory_space<vmem>>
      %dma_wait3A_465 = arith.constant 0 : i32
      %dma_wait3A_466 = arith.constant 0 : i32
      %dma_wait3A_467 = tpu.memref_slice %arg2[%select_n3A, %dma_wait3A_465, %dma_wait3A_466] : memref<2x2048x2048xi32, #tpu.memory_space<hbm>> -> memref<1x4x2048xi32, #tpu.memory_space<hbm>>
      %dma_wait3A_468 = tpu.memref_squeeze %dma_wait3A_467 : memref<1x4x2048xi32, #tpu.memory_space<hbm>> -> memref<4x2048xi32, #tpu.memory_space<hbm>>
      %dma_wait3A_469 = arith.constant 0 : i32
      %dma_wait3A_470 = arith.constant 0 : i32
      %dma_wait3A_471 = tpu.memref_slice %arg6[%dma_wait3A_460, %dma_wait3A_469, %dma_wait3A_470] : memref<2x4x2048xi32, #tpu.memory_space<vmem>> -> memref<1x4x2048xi32, #tpu.memory_space<vmem>>
      %dma_wait3A_472 = tpu.memref_squeeze %dma_wait3A_471 : memref<1x4x2048xi32, #tpu.memory_space<vmem>> -> memref<4x2048xi32, #tpu.memory_space<vmem>>
      %dma_wait3A_473 = arith.constant 0 : i32
      %dma_wait3A_474 = arith.constant 0 : i32
      %dma_wait3A_475 = tpu.memref_slice %arg2[%select_n3A, %dma_wait3A_473, %dma_wait3A_474] : memref<2x2048x2048xi32, #tpu.memory_space<hbm>> -> memref<1x4x2048xi32, #tpu.memory_space<hbm>>
      %dma_wait3A_476 = tpu.memref_squeeze %dma_wait3A_475 : memref<1x4x2048xi32, #tpu.memory_space<hbm>> -> memref<4x2048xi32, #tpu.memory_space<hbm>>
      tpu.wait_dma2 semaphore(%arg12 : memref<!tpu.dma_semaphore, #tpu.memory_space<semaphore_mem>>) src(%dma_wait3A_476 : memref<4x2048xi32, #tpu.memory_space<hbm>>) dst(%dma_wait3A_472 : memref<4x2048xi32, #tpu.memory_space<vmem>>)
      %dma_wait3A_477 = arith.constant 1 : i32
      %dma_wait3A_478 = arith.constant 0 : i32
      %dma_wait3A_479 = arith.constant 0 : i32
      %dma_wait3A_480 = tpu.memref_slice %arg7[%dma_wait3A_477, %dma_wait3A_478, %dma_wait3A_479] : memref<2x4x2048xi32, #tpu.memory_space<vmem>> -> memref<1x4x2048xi32, #tpu.memory_space<vmem>>
      %dma_wait3A_481 = tpu.memref_squeeze %dma_wait3A_480 : memref<1x4x2048xi32, #tpu.memory_space<vmem>> -> memref<4x2048xi32, #tpu.memory_space<vmem>>
      %dma_wait3A_482 = arith.constant 0 : i32
      %dma_wait3A_483 = arith.constant 0 : i32
      %dma_wait3A_484 = tpu.memref_slice %arg3[%select_n3A, %dma_wait3A_482, %dma_wait3A_483] : memref<2x2048x2048xi32, #tpu.memory_space<hbm>> -> memref<1x4x2048xi32, #tpu.memory_space<hbm>>
      %dma_wait3A_485 = tpu.memref_squeeze %dma_wait3A_484 : memref<1x4x2048xi32, #tpu.memory_space<hbm>> -> memref<4x2048xi32, #tpu.memory_space<hbm>>
      %dma_wait3A_486 = arith.constant 0 : i32
      %dma_wait3A_487 = arith.constant 0 : i32
      %dma_wait3A_488 = tpu.memref_slice %arg7[%dma_wait3A_477, %dma_wait3A_486, %dma_wait3A_487] : memref<2x4x2048xi32, #tpu.memory_space<vmem>> -> memref<1x4x2048xi32, #tpu.memory_space<vmem>>
      %dma_wait3A_489 = tpu.memref_squeeze %dma_wait3A_488 : memref<1x4x2048xi32, #tpu.memory_space<vmem>> -> memref<4x2048xi32, #tpu.memory_space<vmem>>
      %dma_wait3A_490 = arith.constant 0 : i32
      %dma_wait3A_491 = arith.constant 0 : i32
      %dma_wait3A_492 = tpu.memref_slice %arg3[%select_n3A, %dma_wait3A_490, %dma_wait3A_491] : memref<2x2048x2048xi32, #tpu.memory_space<hbm>> -> memref<1x4x2048xi32, #tpu.memory_space<hbm>>
      %dma_wait3A_493 = tpu.memref_squeeze %dma_wait3A_492 : memref<1x4x2048xi32, #tpu.memory_space<hbm>> -> memref<4x2048xi32, #tpu.memory_space<hbm>>
      tpu.wait_dma2 semaphore(%arg12 : memref<!tpu.dma_semaphore, #tpu.memory_space<semaphore_mem>>) src(%dma_wait3A_493 : memref<4x2048xi32, #tpu.memory_space<hbm>>) dst(%dma_wait3A_489 : memref<4x2048xi32, #tpu.memory_space<vmem>>)
      %ge3A_494 = arith.constant 2 : i32
      %ge3A_495 = arith.cmpi sge, %add3A_459, %ge3A_494 : i32
      %convert_element_type3A_496 = arith.extui %ge3A_495 : i1 to i32
      %cond3A_497 = arith.constant 0 : i32
      %cond3A_498 = arith.cmpi ne, %convert_element_type3A_496, %cond3A_497 : i32
      scf.if %cond3A_498 {
        %dma_wait3A_580 = arith.constant 1 : i32
        %dma_wait3A_581 = arith.constant 0 : i32
        %dma_wait3A_582 = arith.constant 0 : i32
        %dma_wait3A_583 = arith.constant 0 : i32
        %dma_wait3A_584 = arith.constant 0 : i32
        %dma_wait3A_585 = tpu.memref_slice %arg8[%dma_wait3A_580, %dma_wait3A_581, %dma_wait3A_583, %dma_wait3A_584] : memref<2x4x4x2048xf32, #tpu.memory_space<vmem>> -> memref<1x1x4x2048xf32, #tpu.memory_space<vmem>>
        %dma_wait3A_586 = tpu.memref_squeeze %dma_wait3A_585 : memref<1x1x4x2048xf32, #tpu.memory_space<vmem>> -> memref<4x2048xf32, #tpu.memory_space<vmem>>
        %dma_wait3A_587 = arith.constant 0 : i32
        %dma_wait3A_588 = arith.constant 0 : i32
        %dma_wait3A_589 = tpu.memref_slice %arg5[%select_n3A, %dma_wait3A_582, %dma_wait3A_587, %dma_wait3A_588] : memref<2x4x2048x2048xf32, #tpu.memory_space<hbm>> -> memref<1x1x4x2048xf32, #tpu.memory_space<hbm>>
        %dma_wait3A_590 = tpu.memref_squeeze %dma_wait3A_589 : memref<1x1x4x2048xf32, #tpu.memory_space<hbm>> -> memref<4x2048xf32, #tpu.memory_space<hbm>>
        %dma_wait3A_591 = arith.constant 0 : i32
        %dma_wait3A_592 = arith.constant 0 : i32
        %dma_wait3A_593 = tpu.memref_slice %arg5[%select_n3A, %dma_wait3A_582, %dma_wait3A_591, %dma_wait3A_592] : memref<2x4x2048x2048xf32, #tpu.memory_space<hbm>> -> memref<1x1x4x2048xf32, #tpu.memory_space<hbm>>
        %dma_wait3A_594 = tpu.memref_squeeze %dma_wait3A_593 : memref<1x1x4x2048xf32, #tpu.memory_space<hbm>> -> memref<4x2048xf32, #tpu.memory_space<hbm>>
        %dma_wait3A_595 = arith.constant 0 : i32
        %dma_wait3A_596 = arith.constant 0 : i32
        %dma_wait3A_597 = tpu.memref_slice %arg8[%dma_wait3A_580, %dma_wait3A_581, %dma_wait3A_595, %dma_wait3A_596] : memref<2x4x4x2048xf32, #tpu.memory_space<vmem>> -> memref<1x1x4x2048xf32, #tpu.memory_space<vmem>>
        %dma_wait3A_598 = tpu.memref_squeeze %dma_wait3A_597 : memref<1x1x4x2048xf32, #tpu.memory_space<vmem>> -> memref<4x2048xf32, #tpu.memory_space<vmem>>
        tpu.wait_dma2 semaphore(%arg14 : memref<!tpu.dma_semaphore, #tpu.memory_space<semaphore_mem>>) src(%dma_wait3A_598 : memref<4x2048xf32, #tpu.memory_space<vmem>>) dst(%dma_wait3A_594 : memref<4x2048xf32, #tpu.memory_space<hbm>>)
        %dma_wait3A_599 = arith.constant 1 : i32
        %dma_wait3A_600 = arith.constant 1 : i32
        %dma_wait3A_601 = arith.constant 1 : i32
        %dma_wait3A_602 = arith.constant 0 : i32
        %dma_wait3A_603 = arith.constant 0 : i32
        %dma_wait3A_604 = tpu.memref_slice %arg8[%dma_wait3A_599, %dma_wait3A_600, %dma_wait3A_602, %dma_wait3A_603] : memref<2x4x4x2048xf32, #tpu.memory_space<vmem>> -> memref<1x1x4x2048xf32, #tpu.memory_space<vmem>>
        %dma_wait3A_605 = tpu.memref_squeeze %dma_wait3A_604 : memref<1x1x4x2048xf32, #tpu.memory_space<vmem>> -> memref<4x2048xf32, #tpu.memory_space<vmem>>
        %dma_wait3A_606 = arith.constant 0 : i32
        %dma_wait3A_607 = arith.constant 0 : i32
        %dma_wait3A_608 = tpu.memref_slice %arg5[%select_n3A, %dma_wait3A_601, %dma_wait3A_606, %dma_wait3A_607] : memref<2x4x2048x2048xf32, #tpu.memory_space<hbm>> -> memref<1x1x4x2048xf32, #tpu.memory_space<hbm>>
        %dma_wait3A_609 = tpu.memref_squeeze %dma_wait3A_608 : memref<1x1x4x2048xf32, #tpu.memory_space<hbm>> -> memref<4x2048xf32, #tpu.memory_space<hbm>>
        %dma_wait3A_610 = arith.constant 0 : i32
        %dma_wait3A_611 = arith.constant 0 : i32
        %dma_wait3A_612 = tpu.memref_slice %arg5[%select_n3A, %dma_wait3A_601, %dma_wait3A_610, %dma_wait3A_611] : memref<2x4x2048x2048xf32, #tpu.memory_space<hbm>> -> memref<1x1x4x2048xf32, #tpu.memory_space<hbm>>
        %dma_wait3A_613 = tpu.memref_squeeze %dma_wait3A_612 : memref<1x1x4x2048xf32, #tpu.memory_space<hbm>> -> memref<4x2048xf32, #tpu.memory_space<hbm>>
        %dma_wait3A_614 = arith.constant 0 : i32
        %dma_wait3A_615 = arith.constant 0 : i32
        %dma_wait3A_616 = tpu.memref_slice %arg8[%dma_wait3A_599, %dma_wait3A_600, %dma_wait3A_614, %dma_wait3A_615] : memref<2x4x4x2048xf32, #tpu.memory_space<vmem>> -> memref<1x1x4x2048xf32, #tpu.memory_space<vmem>>
        %dma_wait3A_617 = tpu.memref_squeeze %dma_wait3A_616 : memref<1x1x4x2048xf32, #tpu.memory_space<vmem>> -> memref<4x2048xf32, #tpu.memory_space<vmem>>
        tpu.wait_dma2 semaphore(%arg14 : memref<!tpu.dma_semaphore, #tpu.memory_space<semaphore_mem>>) src(%dma_wait3A_617 : memref<4x2048xf32, #tpu.memory_space<vmem>>) dst(%dma_wait3A_613 : memref<4x2048xf32, #tpu.memory_space<hbm>>)
        %dma_wait3A_618 = arith.constant 1 : i32
        %dma_wait3A_619 = arith.constant 2 : i32
        %dma_wait3A_620 = arith.constant 2 : i32
        %dma_wait3A_621 = arith.constant 0 : i32
        %dma_wait3A_622 = arith.constant 0 : i32
        %dma_wait3A_623 = tpu.memref_slice %arg8[%dma_wait3A_618, %dma_wait3A_619, %dma_wait3A_621, %dma_wait3A_622] : memref<2x4x4x2048xf32, #tpu.memory_space<vmem>> -> memref<1x1x4x2048xf32, #tpu.memory_space<vmem>>
        %dma_wait3A_624 = tpu.memref_squeeze %dma_wait3A_623 : memref<1x1x4x2048xf32, #tpu.memory_space<vmem>> -> memref<4x2048xf32, #tpu.memory_space<vmem>>
        %dma_wait3A_625 = arith.constant 0 : i32
        %dma_wait3A_626 = arith.constant 0 : i32
        %dma_wait3A_627 = tpu.memref_slice %arg5[%select_n3A, %dma_wait3A_620, %dma_wait3A_625, %dma_wait3A_626] : memref<2x4x2048x2048xf32, #tpu.memory_space<hbm>> -> memref<1x1x4x2048xf32, #tpu.memory_space<hbm>>
        %dma_wait3A_628 = tpu.memref_squeeze %dma_wait3A_627 : memref<1x1x4x2048xf32, #tpu.memory_space<hbm>> -> memref<4x2048xf32, #tpu.memory_space<hbm>>
        %dma_wait3A_629 = arith.constant 0 : i32
        %dma_wait3A_630 = arith.constant 0 : i32
        %dma_wait3A_631 = tpu.memref_slice %arg5[%select_n3A, %dma_wait3A_620, %dma_wait3A_629, %dma_wait3A_630] : memref<2x4x2048x2048xf32, #tpu.memory_space<hbm>> -> memref<1x1x4x2048xf32, #tpu.memory_space<hbm>>
        %dma_wait3A_632 = tpu.memref_squeeze %dma_wait3A_631 : memref<1x1x4x2048xf32, #tpu.memory_space<hbm>> -> memref<4x2048xf32, #tpu.memory_space<hbm>>
        %dma_wait3A_633 = arith.constant 0 : i32
        %dma_wait3A_634 = arith.constant 0 : i32
        %dma_wait3A_635 = tpu.memref_slice %arg8[%dma_wait3A_618, %dma_wait3A_619, %dma_wait3A_633, %dma_wait3A_634] : memref<2x4x4x2048xf32, #tpu.memory_space<vmem>> -> memref<1x1x4x2048xf32, #tpu.memory_space<vmem>>
        %dma_wait3A_636 = tpu.memref_squeeze %dma_wait3A_635 : memref<1x1x4x2048xf32, #tpu.memory_space<vmem>> -> memref<4x2048xf32, #tpu.memory_space<vmem>>
        tpu.wait_dma2 semaphore(%arg14 : memref<!tpu.dma_semaphore, #tpu.memory_space<semaphore_mem>>) src(%dma_wait3A_636 : memref<4x2048xf32, #tpu.memory_space<vmem>>) dst(%dma_wait3A_632 : memref<4x2048xf32, #tpu.memory_space<hbm>>)
        %dma_wait3A_637 = arith.constant 1 : i32
        %dma_wait3A_638 = arith.constant 3 : i32
        %dma_wait3A_639 = arith.constant 3 : i32
        %dma_wait3A_640 = arith.constant 0 : i32
        %dma_wait3A_641 = arith.constant 0 : i32
        %dma_wait3A_642 = tpu.memref_slice %arg8[%dma_wait3A_637, %dma_wait3A_638, %dma_wait3A_640, %dma_wait3A_641] : memref<2x4x4x2048xf32, #tpu.memory_space<vmem>> -> memref<1x1x4x2048xf32, #tpu.memory_space<vmem>>
        %dma_wait3A_643 = tpu.memref_squeeze %dma_wait3A_642 : memref<1x1x4x2048xf32, #tpu.memory_space<vmem>> -> memref<4x2048xf32, #tpu.memory_space<vmem>>
        %dma_wait3A_644 = arith.constant 0 : i32
        %dma_wait3A_645 = arith.constant 0 : i32
        %dma_wait3A_646 = tpu.memref_slice %arg5[%select_n3A, %dma_wait3A_639, %dma_wait3A_644, %dma_wait3A_645] : memref<2x4x2048x2048xf32, #tpu.memory_space<hbm>> -> memref<1x1x4x2048xf32, #tpu.memory_space<hbm>>
        %dma_wait3A_647 = tpu.memref_squeeze %dma_wait3A_646 : memref<1x1x4x2048xf32, #tpu.memory_space<hbm>> -> memref<4x2048xf32, #tpu.memory_space<hbm>>
        %dma_wait3A_648 = arith.constant 0 : i32
        %dma_wait3A_649 = arith.constant 0 : i32
        %dma_wait3A_650 = tpu.memref_slice %arg5[%select_n3A, %dma_wait3A_639, %dma_wait3A_648, %dma_wait3A_649] : memref<2x4x2048x2048xf32, #tpu.memory_space<hbm>> -> memref<1x1x4x2048xf32, #tpu.memory_space<hbm>>
        %dma_wait3A_651 = tpu.memref_squeeze %dma_wait3A_650 : memref<1x1x4x2048xf32, #tpu.memory_space<hbm>> -> memref<4x2048xf32, #tpu.memory_space<hbm>>
        %dma_wait3A_652 = arith.constant 0 : i32
        %dma_wait3A_653 = arith.constant 0 : i32
        %dma_wait3A_654 = tpu.memref_slice %arg8[%dma_wait3A_637, %dma_wait3A_638, %dma_wait3A_652, %dma_wait3A_653] : memref<2x4x4x2048xf32, #tpu.memory_space<vmem>> -> memref<1x1x4x2048xf32, #tpu.memory_space<vmem>>
        %dma_wait3A_655 = tpu.memref_squeeze %dma_wait3A_654 : memref<1x1x4x2048xf32, #tpu.memory_space<vmem>> -> memref<4x2048xf32, #tpu.memory_space<vmem>>
        tpu.wait_dma2 semaphore(%arg14 : memref<!tpu.dma_semaphore, #tpu.memory_space<semaphore_mem>>) src(%dma_wait3A_655 : memref<4x2048xf32, #tpu.memory_space<vmem>>) dst(%dma_wait3A_651 : memref<4x2048xf32, #tpu.memory_space<hbm>>)
      } else {
      }
      %parallel_loop3A_499 = arith.constant 0 : i32
      %parallel_loop3A_500 = arith.constant 2048 : i32
      %parallel_loop3A_501 = arith.constant 16 : i32
      scf.for %parallel_loop3A_580 = %parallel_loop3A_499 to %parallel_loop3A_500 step %parallel_loop3A_501  : i32 {
        %parallel_loop3A_581 = arith.constant 1 : i32
        %parallel_loop3A_582 = arith.constant 0 : i32
        %parallel_loop3A_583 = arith.index_cast %parallel_loop3A_581 : i32 to index
        %parallel_loop3A_584 = arith.index_cast %parallel_loop3A_582 : i32 to index
        %parallel_loop3A_585 = arith.index_cast %parallel_loop3A_580 : i32 to index
        %parallel_loop3A_586 = tpu.vector_load %arg6[%parallel_loop3A_583, %parallel_loop3A_584, %parallel_loop3A_585] {strides = array<i32>} : memref<2x4x2048xi32, #tpu.memory_space<vmem>>, vector<16xi32>,
        %parallel_loop3A_587 = arith.constant 1 : i32
        %parallel_loop3A_588 = arith.constant 0 : i32
        %parallel_loop3A_589 = arith.index_cast %parallel_loop3A_587 : i32 to index
        %parallel_loop3A_590 = arith.index_cast %parallel_loop3A_588 : i32 to index
        %parallel_loop3A_591 = arith.index_cast %parallel_loop3A_580 : i32 to index
        %parallel_loop3A_592 = tpu.vector_load %arg7[%parallel_loop3A_589, %parallel_loop3A_590, %parallel_loop3A_591] {strides = array<i32>} : memref<2x4x2048xi32, #tpu.memory_space<vmem>>, vector<16xi32>,
        %parallel_loop3A_593 = arith.sitofp %parallel_loop3A_586 : vector<16xi32> to vector<16xf32>
        %parallel_loop3A_594 = vector.bitcast %parallel_loop3A_593 : vector<16xf32> to vector<16xi32>
        %parallel_loop3A_595 = arith.constant 23 : i32
        %parallel_loop3A_596 = vector.broadcast %parallel_loop3A_595 : i32 to vector<16xi32>
        %parallel_loop3A_597 = arith.shrsi %parallel_loop3A_594, %parallel_loop3A_596 : vector<16xi32>
        %parallel_loop3A_598 = arith.constant 255 : i32
        %parallel_loop3A_599 = vector.broadcast %parallel_loop3A_598 : i32 to vector<16xi32>
        %parallel_loop3A_600 = arith.minsi %parallel_loop3A_597, %parallel_loop3A_599 : vector<16xi32>
        %parallel_loop3A_601 = tpu.vector_load_idx %arg9[%parallel_loop3A_600] : memref<768xi32, #tpu.memory_space<vmem>>[vector<16xi32>], vector<16xi32>,
        %parallel_loop3A_602 = arith.constant -8 : i32
        %parallel_loop3A_603 = vector.broadcast %parallel_loop3A_602 : i32 to vector<16xi32>
        %parallel_loop3A_604 = arith.andi %parallel_loop3A_601, %parallel_loop3A_603 : vector<16xi32>
        %parallel_loop3A_605 = vector.bitcast %parallel_loop3A_604 : vector<16xi32> to vector<16xf32>
        %parallel_loop3A_606 = arith.constant 7 : i32
        %parallel_loop3A_607 = vector.broadcast %parallel_loop3A_606 : i32 to vector<16xi32>
        %parallel_loop3A_608 = arith.andi %parallel_loop3A_601, %parallel_loop3A_607 : vector<16xi32>
        %parallel_loop3A_609 = arith.cmpf oge, %parallel_loop3A_593, %parallel_loop3A_605 : vector<16xf32>
        %parallel_loop3A_610 = arith.constant 1 : i32
        %parallel_loop3A_611 = arith.constant 0 : i32
        %parallel_loop3A_612 = vector.broadcast %parallel_loop3A_610 : i32 to vector<16xi32>
        %parallel_loop3A_613 = vector.broadcast %parallel_loop3A_611 : i32 to vector<16xi32>
        %parallel_loop3A_614 = arith.select %parallel_loop3A_609, %parallel_loop3A_612, %parallel_loop3A_613 : vector<16xi1>, vector<16xi32>
        %parallel_loop3A_615 = arith.addi %parallel_loop3A_608, %parallel_loop3A_614 : vector<16xi32>
        %parallel_loop3A_616 = arith.constant 0 : i32
        %parallel_loop3A_617 = vector.broadcast %parallel_loop3A_616 : i32 to vector<16xi32>
        %parallel_loop3A_618 = arith.maxsi %parallel_loop3A_592, %parallel_loop3A_617 : vector<16xi32>
        %parallel_loop3A_619 = arith.constant 2 : i32
        %parallel_loop3A_620 = vector.broadcast %parallel_loop3A_619 : i32 to vector<16xi32>
        %parallel_loop3A_621 = arith.minsi %parallel_loop3A_618, %parallel_loop3A_620 : vector<16xi32>
        %parallel_loop3A_622 = arith.constant 3 : i32
        %parallel_loop3A_623 = vector.broadcast %parallel_loop3A_622 : i32 to vector<16xi32>
        %parallel_loop3A_624 = arith.muli %parallel_loop3A_615, %parallel_loop3A_623 : vector<16xi32>
        %parallel_loop3A_625 = arith.addi %parallel_loop3A_624, %parallel_loop3A_621 : vector<16xi32>
        %parallel_loop3A_626 = arith.constant 0 : i32
        %parallel_loop3A_627 = vector.broadcast %parallel_loop3A_626 : i32 to vector<16xi32>
        %parallel_loop3A_628 = arith.addi %parallel_loop3A_625, %parallel_loop3A_627 : vector<16xi32>
        %parallel_loop3A_629 = tpu.vector_load_idx %arg10[%parallel_loop3A_628] : memref<128xf32, #tpu.memory_space<vmem>>[vector<16xi32>], vector<16xf32>,
        %parallel_loop3A_630 = arith.constant 1 : i32
        %parallel_loop3A_631 = arith.constant 0 : i32
        %parallel_loop3A_632 = arith.constant 0 : i32
        %parallel_loop3A_633 = arith.index_cast %parallel_loop3A_630 : i32 to index
        %parallel_loop3A_634 = arith.index_cast %parallel_loop3A_631 : i32 to index
        %parallel_loop3A_635 = arith.index_cast %parallel_loop3A_632 : i32 to index
        %parallel_loop3A_636 = arith.index_cast %parallel_loop3A_580 : i32 to index
        %parallel_loop3A_637 = tpu.vector_load %arg8[%parallel_loop3A_633, %parallel_loop3A_634, %parallel_loop3A_635, %parallel_loop3A_636] {strides = array<i32>} : memref<2x4x4x2048xf32, #tpu.memory_space<vmem>>, vector<16xf32>,
        tpu.vector_store %arg8[%parallel_loop3A_633, %parallel_loop3A_634, %parallel_loop3A_635, %parallel_loop3A_636], %parallel_loop3A_629 {strides = array<i32>} : memref<2x4x4x2048xf32, #tpu.memory_space<vmem>>, vector<16xf32>,
        %parallel_loop3A_638 = arith.constant 21 : i32
        %parallel_loop3A_639 = vector.broadcast %parallel_loop3A_638 : i32 to vector<16xi32>
        %parallel_loop3A_640 = arith.addi %parallel_loop3A_625, %parallel_loop3A_639 : vector<16xi32>
        %parallel_loop3A_641 = tpu.vector_load_idx %arg10[%parallel_loop3A_640] : memref<128xf32, #tpu.memory_space<vmem>>[vector<16xi32>], vector<16xf32>,
        %parallel_loop3A_642 = arith.constant 1 : i32
        %parallel_loop3A_643 = arith.constant 1 : i32
        %parallel_loop3A_644 = arith.constant 0 : i32
        %parallel_loop3A_645 = arith.index_cast %parallel_loop3A_642 : i32 to index
        %parallel_loop3A_646 = arith.index_cast %parallel_loop3A_643 : i32 to index
        %parallel_loop3A_647 = arith.index_cast %parallel_loop3A_644 : i32 to index
        %parallel_loop3A_648 = arith.index_cast %parallel_loop3A_580 : i32 to index
        %parallel_loop3A_649 = tpu.vector_load %arg8[%parallel_loop3A_645, %parallel_loop3A_646, %parallel_loop3A_647, %parallel_loop3A_648] {strides = array<i32>} : memref<2x4x4x2048xf32, #tpu.memory_space<vmem>>, vector<16xf32>,
        tpu.vector_store %arg8[%parallel_loop3A_645, %parallel_loop3A_646, %parallel_loop3A_647, %parallel_loop3A_648], %parallel_loop3A_641 {strides = array<i32>} : memref<2x4x4x2048xf32, #tpu.memory_space<vmem>>, vector<16xf32>,
        %parallel_loop3A_650 = arith.constant 42 : i32
        %parallel_loop3A_651 = vector.broadcast %parallel_loop3A_650 : i32 to vector<16xi32>
        %parallel_loop3A_652 = arith.addi %parallel_loop3A_625, %parallel_loop3A_651 : vector<16xi32>
        %parallel_loop3A_653 = tpu.vector_load_idx %arg10[%parallel_loop3A_652] : memref<128xf32, #tpu.memory_space<vmem>>[vector<16xi32>], vector<16xf32>,
        %parallel_loop3A_654 = arith.constant 1 : i32
        %parallel_loop3A_655 = arith.constant 2 : i32
        %parallel_loop3A_656 = arith.constant 0 : i32
        %parallel_loop3A_657 = arith.index_cast %parallel_loop3A_654 : i32 to index
        %parallel_loop3A_658 = arith.index_cast %parallel_loop3A_655 : i32 to index
        %parallel_loop3A_659 = arith.index_cast %parallel_loop3A_656 : i32 to index
        %parallel_loop3A_660 = arith.index_cast %parallel_loop3A_580 : i32 to index
        %parallel_loop3A_661 = tpu.vector_load %arg8[%parallel_loop3A_657, %parallel_loop3A_658, %parallel_loop3A_659, %parallel_loop3A_660] {strides = array<i32>} : memref<2x4x4x2048xf32, #tpu.memory_space<vmem>>, vector<16xf32>,
        tpu.vector_store %arg8[%parallel_loop3A_657, %parallel_loop3A_658, %parallel_loop3A_659, %parallel_loop3A_660], %parallel_loop3A_653 {strides = array<i32>} : memref<2x4x4x2048xf32, #tpu.memory_space<vmem>>, vector<16xf32>,
        %parallel_loop3A_662 = arith.constant 63 : i32
        %parallel_loop3A_663 = vector.broadcast %parallel_loop3A_662 : i32 to vector<16xi32>
        %parallel_loop3A_664 = arith.addi %parallel_loop3A_625, %parallel_loop3A_663 : vector<16xi32>
        %parallel_loop3A_665 = tpu.vector_load_idx %arg10[%parallel_loop3A_664] : memref<128xf32, #tpu.memory_space<vmem>>[vector<16xi32>], vector<16xf32>,
        %parallel_loop3A_666 = arith.constant 1 : i32
        %parallel_loop3A_667 = arith.constant 3 : i32
        %parallel_loop3A_668 = arith.constant 0 : i32
        %parallel_loop3A_669 = arith.index_cast %parallel_loop3A_666 : i32 to index
        %parallel_loop3A_670 = arith.index_cast %parallel_loop3A_667 : i32 to index
        %parallel_loop3A_671 = arith.index_cast %parallel_loop3A_668 : i32 to index
        %parallel_loop3A_672 = arith.index_cast %parallel_loop3A_580 : i32 to index
        %parallel_loop3A_673 = tpu.vector_load %arg8[%parallel_loop3A_669, %parallel_loop3A_670, %parallel_loop3A_671, %parallel_loop3A_672] {strides = array<i32>} : memref<2x4x4x2048xf32, #tpu.memory_space<vmem>>, vector<16xf32>,
        tpu.vector_store %arg8[%parallel_loop3A_669, %parallel_loop3A_670, %parallel_loop3A_671, %parallel_loop3A_672], %parallel_loop3A_665 {strides = array<i32>} : memref<2x4x4x2048xf32, #tpu.memory_space<vmem>>, vector<16xf32>,
        %parallel_loop3A_674 = arith.constant 1 : i32
        %parallel_loop3A_675 = arith.constant 1 : i32
        %parallel_loop3A_676 = arith.index_cast %parallel_loop3A_674 : i32 to index
        %parallel_loop3A_677 = arith.index_cast %parallel_loop3A_675 : i32 to index
        %parallel_loop3A_678 = arith.index_cast %parallel_loop3A_580 : i32 to index
        %parallel_loop3A_679 = tpu.vector_load %arg6[%parallel_loop3A_676, %parallel_loop3A_677, %parallel_loop3A_678] {strides = array<i32>} : memref<2x4x2048xi32, #tpu.memory_space<vmem>>, vector<16xi32>,
        %parallel_loop3A_680 = arith.constant 1 : i32
        %parallel_loop3A_681 = arith.constant 1 : i32
        %parallel_loop3A_682 = arith.index_cast %parallel_loop3A_680 : i32 to index
        %parallel_loop3A_683 = arith.index_cast %parallel_loop3A_681 : i32 to index
        %parallel_loop3A_684 = arith.index_cast %parallel_loop3A_580 : i32 to index
        %parallel_loop3A_685 = tpu.vector_load %arg7[%parallel_loop3A_682, %parallel_loop3A_683, %parallel_loop3A_684] {strides = array<i32>} : memref<2x4x2048xi32, #tpu.memory_space<vmem>>, vector<16xi32>,
        %parallel_loop3A_686 = arith.sitofp %parallel_loop3A_679 : vector<16xi32> to vector<16xf32>
        %parallel_loop3A_687 = vector.bitcast %parallel_loop3A_686 : vector<16xf32> to vector<16xi32>
        %parallel_loop3A_688 = arith.constant 23 : i32
        %parallel_loop3A_689 = vector.broadcast %parallel_loop3A_688 : i32 to vector<16xi32>
        %parallel_loop3A_690 = arith.shrsi %parallel_loop3A_687, %parallel_loop3A_689 : vector<16xi32>
        %parallel_loop3A_691 = arith.constant 255 : i32
        %parallel_loop3A_692 = vector.broadcast %parallel_loop3A_691 : i32 to vector<16xi32>
        %parallel_loop3A_693 = arith.minsi %parallel_loop3A_690, %parallel_loop3A_692 : vector<16xi32>
        %parallel_loop3A_694 = tpu.vector_load_idx %arg9[%parallel_loop3A_693] : memref<768xi32, #tpu.memory_space<vmem>>[vector<16xi32>], vector<16xi32>,
        %parallel_loop3A_695 = arith.constant -8 : i32
        %parallel_loop3A_696 = vector.broadcast %parallel_loop3A_695 : i32 to vector<16xi32>
        %parallel_loop3A_697 = arith.andi %parallel_loop3A_694, %parallel_loop3A_696 : vector<16xi32>
        %parallel_loop3A_698 = vector.bitcast %parallel_loop3A_697 : vector<16xi32> to vector<16xf32>
        %parallel_loop3A_699 = arith.constant 7 : i32
        %parallel_loop3A_700 = vector.broadcast %parallel_loop3A_699 : i32 to vector<16xi32>
        %parallel_loop3A_701 = arith.andi %parallel_loop3A_694, %parallel_loop3A_700 : vector<16xi32>
        %parallel_loop3A_702 = arith.cmpf oge, %parallel_loop3A_686, %parallel_loop3A_698 : vector<16xf32>
        %parallel_loop3A_703 = arith.constant 1 : i32
        %parallel_loop3A_704 = arith.constant 0 : i32
        %parallel_loop3A_705 = vector.broadcast %parallel_loop3A_703 : i32 to vector<16xi32>
        %parallel_loop3A_706 = vector.broadcast %parallel_loop3A_704 : i32 to vector<16xi32>
        %parallel_loop3A_707 = arith.select %parallel_loop3A_702, %parallel_loop3A_705, %parallel_loop3A_706 : vector<16xi1>, vector<16xi32>
        %parallel_loop3A_708 = arith.addi %parallel_loop3A_701, %parallel_loop3A_707 : vector<16xi32>
        %parallel_loop3A_709 = arith.constant 0 : i32
        %parallel_loop3A_710 = vector.broadcast %parallel_loop3A_709 : i32 to vector<16xi32>
        %parallel_loop3A_711 = arith.maxsi %parallel_loop3A_685, %parallel_loop3A_710 : vector<16xi32>
        %parallel_loop3A_712 = arith.constant 2 : i32
        %parallel_loop3A_713 = vector.broadcast %parallel_loop3A_712 : i32 to vector<16xi32>
        %parallel_loop3A_714 = arith.minsi %parallel_loop3A_711, %parallel_loop3A_713 : vector<16xi32>
        %parallel_loop3A_715 = arith.constant 3 : i32
        %parallel_loop3A_716 = vector.broadcast %parallel_loop3A_715 : i32 to vector<16xi32>
        %parallel_loop3A_717 = arith.muli %parallel_loop3A_708, %parallel_loop3A_716 : vector<16xi32>
        %parallel_loop3A_718 = arith.addi %parallel_loop3A_717, %parallel_loop3A_714 : vector<16xi32>
        %parallel_loop3A_719 = arith.constant 0 : i32
        %parallel_loop3A_720 = vector.broadcast %parallel_loop3A_719 : i32 to vector<16xi32>
        %parallel_loop3A_721 = arith.addi %parallel_loop3A_718, %parallel_loop3A_720 : vector<16xi32>
        %parallel_loop3A_722 = tpu.vector_load_idx %arg10[%parallel_loop3A_721] : memref<128xf32, #tpu.memory_space<vmem>>[vector<16xi32>], vector<16xf32>,
        %parallel_loop3A_723 = arith.constant 1 : i32
        %parallel_loop3A_724 = arith.constant 0 : i32
        %parallel_loop3A_725 = arith.constant 1 : i32
        %parallel_loop3A_726 = arith.index_cast %parallel_loop3A_723 : i32 to index
        %parallel_loop3A_727 = arith.index_cast %parallel_loop3A_724 : i32 to index
        %parallel_loop3A_728 = arith.index_cast %parallel_loop3A_725 : i32 to index
        %parallel_loop3A_729 = arith.index_cast %parallel_loop3A_580 : i32 to index
        %parallel_loop3A_730 = tpu.vector_load %arg8[%parallel_loop3A_726, %parallel_loop3A_727, %parallel_loop3A_728, %parallel_loop3A_729] {strides = array<i32>} : memref<2x4x4x2048xf32, #tpu.memory_space<vmem>>, vector<16xf32>,
        tpu.vector_store %arg8[%parallel_loop3A_726, %parallel_loop3A_727, %parallel_loop3A_728, %parallel_loop3A_729], %parallel_loop3A_722 {strides = array<i32>} : memref<2x4x4x2048xf32, #tpu.memory_space<vmem>>, vector<16xf32>,
        %parallel_loop3A_731 = arith.constant 21 : i32
        %parallel_loop3A_732 = vector.broadcast %parallel_loop3A_731 : i32 to vector<16xi32>
        %parallel_loop3A_733 = arith.addi %parallel_loop3A_718, %parallel_loop3A_732 : vector<16xi32>
        %parallel_loop3A_734 = tpu.vector_load_idx %arg10[%parallel_loop3A_733] : memref<128xf32, #tpu.memory_space<vmem>>[vector<16xi32>], vector<16xf32>,
        %parallel_loop3A_735 = arith.constant 1 : i32
        %parallel_loop3A_736 = arith.constant 1 : i32
        %parallel_loop3A_737 = arith.constant 1 : i32
        %parallel_loop3A_738 = arith.index_cast %parallel_loop3A_735 : i32 to index
        %parallel_loop3A_739 = arith.index_cast %parallel_loop3A_736 : i32 to index
        %parallel_loop3A_740 = arith.index_cast %parallel_loop3A_737 : i32 to index
        %parallel_loop3A_741 = arith.index_cast %parallel_loop3A_580 : i32 to index
        %parallel_loop3A_742 = tpu.vector_load %arg8[%parallel_loop3A_738, %parallel_loop3A_739, %parallel_loop3A_740, %parallel_loop3A_741] {strides = array<i32>} : memref<2x4x4x2048xf32, #tpu.memory_space<vmem>>, vector<16xf32>,
        tpu.vector_store %arg8[%parallel_loop3A_738, %parallel_loop3A_739, %parallel_loop3A_740, %parallel_loop3A_741], %parallel_loop3A_734 {strides = array<i32>} : memref<2x4x4x2048xf32, #tpu.memory_space<vmem>>, vector<16xf32>,
        %parallel_loop3A_743 = arith.constant 42 : i32
        %parallel_loop3A_744 = vector.broadcast %parallel_loop3A_743 : i32 to vector<16xi32>
        %parallel_loop3A_745 = arith.addi %parallel_loop3A_718, %parallel_loop3A_744 : vector<16xi32>
        %parallel_loop3A_746 = tpu.vector_load_idx %arg10[%parallel_loop3A_745] : memref<128xf32, #tpu.memory_space<vmem>>[vector<16xi32>], vector<16xf32>,
        %parallel_loop3A_747 = arith.constant 1 : i32
        %parallel_loop3A_748 = arith.constant 2 : i32
        %parallel_loop3A_749 = arith.constant 1 : i32
        %parallel_loop3A_750 = arith.index_cast %parallel_loop3A_747 : i32 to index
        %parallel_loop3A_751 = arith.index_cast %parallel_loop3A_748 : i32 to index
        %parallel_loop3A_752 = arith.index_cast %parallel_loop3A_749 : i32 to index
        %parallel_loop3A_753 = arith.index_cast %parallel_loop3A_580 : i32 to index
        %parallel_loop3A_754 = tpu.vector_load %arg8[%parallel_loop3A_750, %parallel_loop3A_751, %parallel_loop3A_752, %parallel_loop3A_753] {strides = array<i32>} : memref<2x4x4x2048xf32, #tpu.memory_space<vmem>>, vector<16xf32>,
        tpu.vector_store %arg8[%parallel_loop3A_750, %parallel_loop3A_751, %parallel_loop3A_752, %parallel_loop3A_753], %parallel_loop3A_746 {strides = array<i32>} : memref<2x4x4x2048xf32, #tpu.memory_space<vmem>>, vector<16xf32>,
        %parallel_loop3A_755 = arith.constant 63 : i32
        %parallel_loop3A_756 = vector.broadcast %parallel_loop3A_755 : i32 to vector<16xi32>
        %parallel_loop3A_757 = arith.addi %parallel_loop3A_718, %parallel_loop3A_756 : vector<16xi32>
        %parallel_loop3A_758 = tpu.vector_load_idx %arg10[%parallel_loop3A_757] : memref<128xf32, #tpu.memory_space<vmem>>[vector<16xi32>], vector<16xf32>,
        %parallel_loop3A_759 = arith.constant 1 : i32
        %parallel_loop3A_760 = arith.constant 3 : i32
        %parallel_loop3A_761 = arith.constant 1 : i32
        %parallel_loop3A_762 = arith.index_cast %parallel_loop3A_759 : i32 to index
        %parallel_loop3A_763 = arith.index_cast %parallel_loop3A_760 : i32 to index
        %parallel_loop3A_764 = arith.index_cast %parallel_loop3A_761 : i32 to index
        %parallel_loop3A_765 = arith.index_cast %parallel_loop3A_580 : i32 to index
        %parallel_loop3A_766 = tpu.vector_load %arg8[%parallel_loop3A_762, %parallel_loop3A_763, %parallel_loop3A_764, %parallel_loop3A_765] {strides = array<i32>} : memref<2x4x4x2048xf32, #tpu.memory_space<vmem>>, vector<16xf32>,
        tpu.vector_store %arg8[%parallel_loop3A_762, %parallel_loop3A_763, %parallel_loop3A_764, %parallel_loop3A_765], %parallel_loop3A_758 {strides = array<i32>} : memref<2x4x4x2048xf32, #tpu.memory_space<vmem>>, vector<16xf32>,
        %parallel_loop3A_767 = arith.constant 1 : i32
        %parallel_loop3A_768 = arith.constant 2 : i32
        %parallel_loop3A_769 = arith.index_cast %parallel_loop3A_767 : i32 to index
        %parallel_loop3A_770 = arith.index_cast %parallel_loop3A_768 : i32 to index
        %parallel_loop3A_771 = arith.index_cast %parallel_loop3A_580 : i32 to index
        %parallel_loop3A_772 = tpu.vector_load %arg6[%parallel_loop3A_769, %parallel_loop3A_770, %parallel_loop3A_771] {strides = array<i32>} : memref<2x4x2048xi32, #tpu.memory_space<vmem>>, vector<16xi32>,
        %parallel_loop3A_773 = arith.constant 1 : i32
        %parallel_loop3A_774 = arith.constant 2 : i32
        %parallel_loop3A_775 = arith.index_cast %parallel_loop3A_773 : i32 to index
        %parallel_loop3A_776 = arith.index_cast %parallel_loop3A_774 : i32 to index
        %parallel_loop3A_777 = arith.index_cast %parallel_loop3A_580 : i32 to index
        %parallel_loop3A_778 = tpu.vector_load %arg7[%parallel_loop3A_775, %parallel_loop3A_776, %parallel_loop3A_777] {strides = array<i32>} : memref<2x4x2048xi32, #tpu.memory_space<vmem>>, vector<16xi32>,
        %parallel_loop3A_779 = arith.sitofp %parallel_loop3A_772 : vector<16xi32> to vector<16xf32>
        %parallel_loop3A_780 = vector.bitcast %parallel_loop3A_779 : vector<16xf32> to vector<16xi32>
        %parallel_loop3A_781 = arith.constant 23 : i32
        %parallel_loop3A_782 = vector.broadcast %parallel_loop3A_781 : i32 to vector<16xi32>
        %parallel_loop3A_783 = arith.shrsi %parallel_loop3A_780, %parallel_loop3A_782 : vector<16xi32>
        %parallel_loop3A_784 = arith.constant 255 : i32
        %parallel_loop3A_785 = vector.broadcast %parallel_loop3A_784 : i32 to vector<16xi32>
        %parallel_loop3A_786 = arith.minsi %parallel_loop3A_783, %parallel_loop3A_785 : vector<16xi32>
        %parallel_loop3A_787 = tpu.vector_load_idx %arg9[%parallel_loop3A_786] : memref<768xi32, #tpu.memory_space<vmem>>[vector<16xi32>], vector<16xi32>,
        %parallel_loop3A_788 = arith.constant -8 : i32
        %parallel_loop3A_789 = vector.broadcast %parallel_loop3A_788 : i32 to vector<16xi32>
        %parallel_loop3A_790 = arith.andi %parallel_loop3A_787, %parallel_loop3A_789 : vector<16xi32>
        %parallel_loop3A_791 = vector.bitcast %parallel_loop3A_790 : vector<16xi32> to vector<16xf32>
        %parallel_loop3A_792 = arith.constant 7 : i32
        %parallel_loop3A_793 = vector.broadcast %parallel_loop3A_792 : i32 to vector<16xi32>
        %parallel_loop3A_794 = arith.andi %parallel_loop3A_787, %parallel_loop3A_793 : vector<16xi32>
        %parallel_loop3A_795 = arith.cmpf oge, %parallel_loop3A_779, %parallel_loop3A_791 : vector<16xf32>
        %parallel_loop3A_796 = arith.constant 1 : i32
        %parallel_loop3A_797 = arith.constant 0 : i32
        %parallel_loop3A_798 = vector.broadcast %parallel_loop3A_796 : i32 to vector<16xi32>
        %parallel_loop3A_799 = vector.broadcast %parallel_loop3A_797 : i32 to vector<16xi32>
        %parallel_loop3A_800 = arith.select %parallel_loop3A_795, %parallel_loop3A_798, %parallel_loop3A_799 : vector<16xi1>, vector<16xi32>
        %parallel_loop3A_801 = arith.addi %parallel_loop3A_794, %parallel_loop3A_800 : vector<16xi32>
        %parallel_loop3A_802 = arith.constant 0 : i32
        %parallel_loop3A_803 = vector.broadcast %parallel_loop3A_802 : i32 to vector<16xi32>
        %parallel_loop3A_804 = arith.maxsi %parallel_loop3A_778, %parallel_loop3A_803 : vector<16xi32>
        %parallel_loop3A_805 = arith.constant 2 : i32
        %parallel_loop3A_806 = vector.broadcast %parallel_loop3A_805 : i32 to vector<16xi32>
        %parallel_loop3A_807 = arith.minsi %parallel_loop3A_804, %parallel_loop3A_806 : vector<16xi32>
        %parallel_loop3A_808 = arith.constant 3 : i32
        %parallel_loop3A_809 = vector.broadcast %parallel_loop3A_808 : i32 to vector<16xi32>
        %parallel_loop3A_810 = arith.muli %parallel_loop3A_801, %parallel_loop3A_809 : vector<16xi32>
        %parallel_loop3A_811 = arith.addi %parallel_loop3A_810, %parallel_loop3A_807 : vector<16xi32>
        %parallel_loop3A_812 = arith.constant 0 : i32
        %parallel_loop3A_813 = vector.broadcast %parallel_loop3A_812 : i32 to vector<16xi32>
        %parallel_loop3A_814 = arith.addi %parallel_loop3A_811, %parallel_loop3A_813 : vector<16xi32>
        %parallel_loop3A_815 = tpu.vector_load_idx %arg10[%parallel_loop3A_814] : memref<128xf32, #tpu.memory_space<vmem>>[vector<16xi32>], vector<16xf32>,
        %parallel_loop3A_816 = arith.constant 1 : i32
        %parallel_loop3A_817 = arith.constant 0 : i32
        %parallel_loop3A_818 = arith.constant 2 : i32
        %parallel_loop3A_819 = arith.index_cast %parallel_loop3A_816 : i32 to index
        %parallel_loop3A_820 = arith.index_cast %parallel_loop3A_817 : i32 to index
        %parallel_loop3A_821 = arith.index_cast %parallel_loop3A_818 : i32 to index
        %parallel_loop3A_822 = arith.index_cast %parallel_loop3A_580 : i32 to index
        %parallel_loop3A_823 = tpu.vector_load %arg8[%parallel_loop3A_819, %parallel_loop3A_820, %parallel_loop3A_821, %parallel_loop3A_822] {strides = array<i32>} : memref<2x4x4x2048xf32, #tpu.memory_space<vmem>>, vector<16xf32>,
        tpu.vector_store %arg8[%parallel_loop3A_819, %parallel_loop3A_820, %parallel_loop3A_821, %parallel_loop3A_822], %parallel_loop3A_815 {strides = array<i32>} : memref<2x4x4x2048xf32, #tpu.memory_space<vmem>>, vector<16xf32>,
        %parallel_loop3A_824 = arith.constant 21 : i32
        %parallel_loop3A_825 = vector.broadcast %parallel_loop3A_824 : i32 to vector<16xi32>
        %parallel_loop3A_826 = arith.addi %parallel_loop3A_811, %parallel_loop3A_825 : vector<16xi32>
        %parallel_loop3A_827 = tpu.vector_load_idx %arg10[%parallel_loop3A_826] : memref<128xf32, #tpu.memory_space<vmem>>[vector<16xi32>], vector<16xf32>,
        %parallel_loop3A_828 = arith.constant 1 : i32
        %parallel_loop3A_829 = arith.constant 1 : i32
        %parallel_loop3A_830 = arith.constant 2 : i32
        %parallel_loop3A_831 = arith.index_cast %parallel_loop3A_828 : i32 to index
        %parallel_loop3A_832 = arith.index_cast %parallel_loop3A_829 : i32 to index
        %parallel_loop3A_833 = arith.index_cast %parallel_loop3A_830 : i32 to index
        %parallel_loop3A_834 = arith.index_cast %parallel_loop3A_580 : i32 to index
        %parallel_loop3A_835 = tpu.vector_load %arg8[%parallel_loop3A_831, %parallel_loop3A_832, %parallel_loop3A_833, %parallel_loop3A_834] {strides = array<i32>} : memref<2x4x4x2048xf32, #tpu.memory_space<vmem>>, vector<16xf32>,
        tpu.vector_store %arg8[%parallel_loop3A_831, %parallel_loop3A_832, %parallel_loop3A_833, %parallel_loop3A_834], %parallel_loop3A_827 {strides = array<i32>} : memref<2x4x4x2048xf32, #tpu.memory_space<vmem>>, vector<16xf32>,
        %parallel_loop3A_836 = arith.constant 42 : i32
        %parallel_loop3A_837 = vector.broadcast %parallel_loop3A_836 : i32 to vector<16xi32>
        %parallel_loop3A_838 = arith.addi %parallel_loop3A_811, %parallel_loop3A_837 : vector<16xi32>
        %parallel_loop3A_839 = tpu.vector_load_idx %arg10[%parallel_loop3A_838] : memref<128xf32, #tpu.memory_space<vmem>>[vector<16xi32>], vector<16xf32>,
        %parallel_loop3A_840 = arith.constant 1 : i32
        %parallel_loop3A_841 = arith.constant 2 : i32
        %parallel_loop3A_842 = arith.constant 2 : i32
        %parallel_loop3A_843 = arith.index_cast %parallel_loop3A_840 : i32 to index
        %parallel_loop3A_844 = arith.index_cast %parallel_loop3A_841 : i32 to index
        %parallel_loop3A_845 = arith.index_cast %parallel_loop3A_842 : i32 to index
        %parallel_loop3A_846 = arith.index_cast %parallel_loop3A_580 : i32 to index
        %parallel_loop3A_847 = tpu.vector_load %arg8[%parallel_loop3A_843, %parallel_loop3A_844, %parallel_loop3A_845, %parallel_loop3A_846] {strides = array<i32>} : memref<2x4x4x2048xf32, #tpu.memory_space<vmem>>, vector<16xf32>,
        tpu.vector_store %arg8[%parallel_loop3A_843, %parallel_loop3A_844, %parallel_loop3A_845, %parallel_loop3A_846], %parallel_loop3A_839 {strides = array<i32>} : memref<2x4x4x2048xf32, #tpu.memory_space<vmem>>, vector<16xf32>,
        %parallel_loop3A_848 = arith.constant 63 : i32
        %parallel_loop3A_849 = vector.broadcast %parallel_loop3A_848 : i32 to vector<16xi32>
        %parallel_loop3A_850 = arith.addi %parallel_loop3A_811, %parallel_loop3A_849 : vector<16xi32>
        %parallel_loop3A_851 = tpu.vector_load_idx %arg10[%parallel_loop3A_850] : memref<128xf32, #tpu.memory_space<vmem>>[vector<16xi32>], vector<16xf32>,
        %parallel_loop3A_852 = arith.constant 1 : i32
        %parallel_loop3A_853 = arith.constant 3 : i32
        %parallel_loop3A_854 = arith.constant 2 : i32
        %parallel_loop3A_855 = arith.index_cast %parallel_loop3A_852 : i32 to index
        %parallel_loop3A_856 = arith.index_cast %parallel_loop3A_853 : i32 to index
        %parallel_loop3A_857 = arith.index_cast %parallel_loop3A_854 : i32 to index
        %parallel_loop3A_858 = arith.index_cast %parallel_loop3A_580 : i32 to index
        %parallel_loop3A_859 = tpu.vector_load %arg8[%parallel_loop3A_855, %parallel_loop3A_856, %parallel_loop3A_857, %parallel_loop3A_858] {strides = array<i32>} : memref<2x4x4x2048xf32, #tpu.memory_space<vmem>>, vector<16xf32>,
        tpu.vector_store %arg8[%parallel_loop3A_855, %parallel_loop3A_856, %parallel_loop3A_857, %parallel_loop3A_858], %parallel_loop3A_851 {strides = array<i32>} : memref<2x4x4x2048xf32, #tpu.memory_space<vmem>>, vector<16xf32>,
        %parallel_loop3A_860 = arith.constant 1 : i32
        %parallel_loop3A_861 = arith.constant 3 : i32
        %parallel_loop3A_862 = arith.index_cast %parallel_loop3A_860 : i32 to index
        %parallel_loop3A_863 = arith.index_cast %parallel_loop3A_861 : i32 to index
        %parallel_loop3A_864 = arith.index_cast %parallel_loop3A_580 : i32 to index
        %parallel_loop3A_865 = tpu.vector_load %arg6[%parallel_loop3A_862, %parallel_loop3A_863, %parallel_loop3A_864] {strides = array<i32>} : memref<2x4x2048xi32, #tpu.memory_space<vmem>>, vector<16xi32>,
        %parallel_loop3A_866 = arith.constant 1 : i32
        %parallel_loop3A_867 = arith.constant 3 : i32
        %parallel_loop3A_868 = arith.index_cast %parallel_loop3A_866 : i32 to index
        %parallel_loop3A_869 = arith.index_cast %parallel_loop3A_867 : i32 to index
        %parallel_loop3A_870 = arith.index_cast %parallel_loop3A_580 : i32 to index
        %parallel_loop3A_871 = tpu.vector_load %arg7[%parallel_loop3A_868, %parallel_loop3A_869, %parallel_loop3A_870] {strides = array<i32>} : memref<2x4x2048xi32, #tpu.memory_space<vmem>>, vector<16xi32>,
        %parallel_loop3A_872 = arith.sitofp %parallel_loop3A_865 : vector<16xi32> to vector<16xf32>
        %parallel_loop3A_873 = vector.bitcast %parallel_loop3A_872 : vector<16xf32> to vector<16xi32>
        %parallel_loop3A_874 = arith.constant 23 : i32
        %parallel_loop3A_875 = vector.broadcast %parallel_loop3A_874 : i32 to vector<16xi32>
        %parallel_loop3A_876 = arith.shrsi %parallel_loop3A_873, %parallel_loop3A_875 : vector<16xi32>
        %parallel_loop3A_877 = arith.constant 255 : i32
        %parallel_loop3A_878 = vector.broadcast %parallel_loop3A_877 : i32 to vector<16xi32>
        %parallel_loop3A_879 = arith.minsi %parallel_loop3A_876, %parallel_loop3A_878 : vector<16xi32>
        %parallel_loop3A_880 = tpu.vector_load_idx %arg9[%parallel_loop3A_879] : memref<768xi32, #tpu.memory_space<vmem>>[vector<16xi32>], vector<16xi32>,
        %parallel_loop3A_881 = arith.constant -8 : i32
        %parallel_loop3A_882 = vector.broadcast %parallel_loop3A_881 : i32 to vector<16xi32>
        %parallel_loop3A_883 = arith.andi %parallel_loop3A_880, %parallel_loop3A_882 : vector<16xi32>
        %parallel_loop3A_884 = vector.bitcast %parallel_loop3A_883 : vector<16xi32> to vector<16xf32>
        %parallel_loop3A_885 = arith.constant 7 : i32
        %parallel_loop3A_886 = vector.broadcast %parallel_loop3A_885 : i32 to vector<16xi32>
        %parallel_loop3A_887 = arith.andi %parallel_loop3A_880, %parallel_loop3A_886 : vector<16xi32>
        %parallel_loop3A_888 = arith.cmpf oge, %parallel_loop3A_872, %parallel_loop3A_884 : vector<16xf32>
        %parallel_loop3A_889 = arith.constant 1 : i32
        %parallel_loop3A_890 = arith.constant 0 : i32
        %parallel_loop3A_891 = vector.broadcast %parallel_loop3A_889 : i32 to vector<16xi32>
        %parallel_loop3A_892 = vector.broadcast %parallel_loop3A_890 : i32 to vector<16xi32>
        %parallel_loop3A_893 = arith.select %parallel_loop3A_888, %parallel_loop3A_891, %parallel_loop3A_892 : vector<16xi1>, vector<16xi32>
        %parallel_loop3A_894 = arith.addi %parallel_loop3A_887, %parallel_loop3A_893 : vector<16xi32>
        %parallel_loop3A_895 = arith.constant 0 : i32
        %parallel_loop3A_896 = vector.broadcast %parallel_loop3A_895 : i32 to vector<16xi32>
        %parallel_loop3A_897 = arith.maxsi %parallel_loop3A_871, %parallel_loop3A_896 : vector<16xi32>
        %parallel_loop3A_898 = arith.constant 2 : i32
        %parallel_loop3A_899 = vector.broadcast %parallel_loop3A_898 : i32 to vector<16xi32>
        %parallel_loop3A_900 = arith.minsi %parallel_loop3A_897, %parallel_loop3A_899 : vector<16xi32>
        %parallel_loop3A_901 = arith.constant 3 : i32
        %parallel_loop3A_902 = vector.broadcast %parallel_loop3A_901 : i32 to vector<16xi32>
        %parallel_loop3A_903 = arith.muli %parallel_loop3A_894, %parallel_loop3A_902 : vector<16xi32>
        %parallel_loop3A_904 = arith.addi %parallel_loop3A_903, %parallel_loop3A_900 : vector<16xi32>
        %parallel_loop3A_905 = arith.constant 0 : i32
        %parallel_loop3A_906 = vector.broadcast %parallel_loop3A_905 : i32 to vector<16xi32>
        %parallel_loop3A_907 = arith.addi %parallel_loop3A_904, %parallel_loop3A_906 : vector<16xi32>
        %parallel_loop3A_908 = tpu.vector_load_idx %arg10[%parallel_loop3A_907] : memref<128xf32, #tpu.memory_space<vmem>>[vector<16xi32>], vector<16xf32>,
        %parallel_loop3A_909 = arith.constant 1 : i32
        %parallel_loop3A_910 = arith.constant 0 : i32
        %parallel_loop3A_911 = arith.constant 3 : i32
        %parallel_loop3A_912 = arith.index_cast %parallel_loop3A_909 : i32 to index
        %parallel_loop3A_913 = arith.index_cast %parallel_loop3A_910 : i32 to index
        %parallel_loop3A_914 = arith.index_cast %parallel_loop3A_911 : i32 to index
        %parallel_loop3A_915 = arith.index_cast %parallel_loop3A_580 : i32 to index
        %parallel_loop3A_916 = tpu.vector_load %arg8[%parallel_loop3A_912, %parallel_loop3A_913, %parallel_loop3A_914, %parallel_loop3A_915] {strides = array<i32>} : memref<2x4x4x2048xf32, #tpu.memory_space<vmem>>, vector<16xf32>,
        tpu.vector_store %arg8[%parallel_loop3A_912, %parallel_loop3A_913, %parallel_loop3A_914, %parallel_loop3A_915], %parallel_loop3A_908 {strides = array<i32>} : memref<2x4x4x2048xf32, #tpu.memory_space<vmem>>, vector<16xf32>,
        %parallel_loop3A_917 = arith.constant 21 : i32
        %parallel_loop3A_918 = vector.broadcast %parallel_loop3A_917 : i32 to vector<16xi32>
        %parallel_loop3A_919 = arith.addi %parallel_loop3A_904, %parallel_loop3A_918 : vector<16xi32>
        %parallel_loop3A_920 = tpu.vector_load_idx %arg10[%parallel_loop3A_919] : memref<128xf32, #tpu.memory_space<vmem>>[vector<16xi32>], vector<16xf32>,
        %parallel_loop3A_921 = arith.constant 1 : i32
        %parallel_loop3A_922 = arith.constant 1 : i32
        %parallel_loop3A_923 = arith.constant 3 : i32
        %parallel_loop3A_924 = arith.index_cast %parallel_loop3A_921 : i32 to index
        %parallel_loop3A_925 = arith.index_cast %parallel_loop3A_922 : i32 to index
        %parallel_loop3A_926 = arith.index_cast %parallel_loop3A_923 : i32 to index
        %parallel_loop3A_927 = arith.index_cast %parallel_loop3A_580 : i32 to index
        %parallel_loop3A_928 = tpu.vector_load %arg8[%parallel_loop3A_924, %parallel_loop3A_925, %parallel_loop3A_926, %parallel_loop3A_927] {strides = array<i32>} : memref<2x4x4x2048xf32, #tpu.memory_space<vmem>>, vector<16xf32>,
        tpu.vector_store %arg8[%parallel_loop3A_924, %parallel_loop3A_925, %parallel_loop3A_926, %parallel_loop3A_927], %parallel_loop3A_920 {strides = array<i32>} : memref<2x4x4x2048xf32, #tpu.memory_space<vmem>>, vector<16xf32>,
        %parallel_loop3A_929 = arith.constant 42 : i32
        %parallel_loop3A_930 = vector.broadcast %parallel_loop3A_929 : i32 to vector<16xi32>
        %parallel_loop3A_931 = arith.addi %parallel_loop3A_904, %parallel_loop3A_930 : vector<16xi32>
        %parallel_loop3A_932 = tpu.vector_load_idx %arg10[%parallel_loop3A_931] : memref<128xf32, #tpu.memory_space<vmem>>[vector<16xi32>], vector<16xf32>,
        %parallel_loop3A_933 = arith.constant 1 : i32
        %parallel_loop3A_934 = arith.constant 2 : i32
        %parallel_loop3A_935 = arith.constant 3 : i32
        %parallel_loop3A_936 = arith.index_cast %parallel_loop3A_933 : i32 to index
        %parallel_loop3A_937 = arith.index_cast %parallel_loop3A_934 : i32 to index
        %parallel_loop3A_938 = arith.index_cast %parallel_loop3A_935 : i32 to index
        %parallel_loop3A_939 = arith.index_cast %parallel_loop3A_580 : i32 to index
        %parallel_loop3A_940 = tpu.vector_load %arg8[%parallel_loop3A_936, %parallel_loop3A_937, %parallel_loop3A_938, %parallel_loop3A_939] {strides = array<i32>} : memref<2x4x4x2048xf32, #tpu.memory_space<vmem>>, vector<16xf32>,
        tpu.vector_store %arg8[%parallel_loop3A_936, %parallel_loop3A_937, %parallel_loop3A_938, %parallel_loop3A_939], %parallel_loop3A_932 {strides = array<i32>} : memref<2x4x4x2048xf32, #tpu.memory_space<vmem>>, vector<16xf32>,
        %parallel_loop3A_941 = arith.constant 63 : i32
        %parallel_loop3A_942 = vector.broadcast %parallel_loop3A_941 : i32 to vector<16xi32>
        %parallel_loop3A_943 = arith.addi %parallel_loop3A_904, %parallel_loop3A_942 : vector<16xi32>
        %parallel_loop3A_944 = tpu.vector_load_idx %arg10[%parallel_loop3A_943] : memref<128xf32, #tpu.memory_space<vmem>>[vector<16xi32>], vector<16xf32>,
        %parallel_loop3A_945 = arith.constant 1 : i32
        %parallel_loop3A_946 = arith.constant 3 : i32
        %parallel_loop3A_947 = arith.constant 3 : i32
        %parallel_loop3A_948 = arith.index_cast %parallel_loop3A_945 : i32 to index
        %parallel_loop3A_949 = arith.index_cast %parallel_loop3A_946 : i32 to index
        %parallel_loop3A_950 = arith.index_cast %parallel_loop3A_947 : i32 to index
        %parallel_loop3A_951 = arith.index_cast %parallel_loop3A_580 : i32 to index
        %parallel_loop3A_952 = tpu.vector_load %arg8[%parallel_loop3A_948, %parallel_loop3A_949, %parallel_loop3A_950, %parallel_loop3A_951] {strides = array<i32>} : memref<2x4x4x2048xf32, #tpu.memory_space<vmem>>, vector<16xf32>,
        tpu.vector_store %arg8[%parallel_loop3A_948, %parallel_loop3A_949, %parallel_loop3A_950, %parallel_loop3A_951], %parallel_loop3A_944 {strides = array<i32>} : memref<2x4x4x2048xf32, #tpu.memory_space<vmem>>, vector<16xf32>,
      } {sc.loop_unroll_factor = 8 : i64, sc.parallel_access}
      %mul3A_502 = arith.constant 4 : i32
      %mul3A_503 = arith.muli %add3A_459, %mul3A_502 : i32
      %add3A_504 = arith.addi %mul3A_32, %mul3A_503 : i32
      %dma_start3A_505 = arith.constant 1 : i32
      %dma_start3A_506 = arith.constant 0 : i32
      %dma_start3A_507 = arith.constant 0 : i32
      %dma_start3A_508 = arith.constant 0 : i32
      %dma_start3A_509 = arith.constant 0 : i32
      %dma_start3A_510 = tpu.memref_slice %arg8[%dma_start3A_505, %dma_start3A_506, %dma_start3A_508, %dma_start3A_509] : memref<2x4x4x2048xf32, #tpu.memory_space<vmem>> -> memref<1x1x4x2048xf32, #tpu.memory_space<vmem>>
      %dma_start3A_511 = tpu.memref_squeeze %dma_start3A_510 : memref<1x1x4x2048xf32, #tpu.memory_space<vmem>> -> memref<4x2048xf32, #tpu.memory_space<vmem>>
      %dma_start3A_512 = arith.constant 0 : i32
      %dma_start3A_513 = tpu.memref_slice %arg5[%select_n3A, %dma_start3A_507, %add3A_504, %dma_start3A_512] : memref<2x4x2048x2048xf32, #tpu.memory_space<hbm>> -> memref<1x1x4x2048xf32, #tpu.memory_space<hbm>>
      %dma_start3A_514 = tpu.memref_squeeze %dma_start3A_513 : memref<1x1x4x2048xf32, #tpu.memory_space<hbm>> -> memref<4x2048xf32, #tpu.memory_space<hbm>>
      %dma_start3A_515 = arith.constant 0 : i32
      %dma_start3A_516 = tpu.memref_slice %arg5[%select_n3A, %dma_start3A_507, %add3A_504, %dma_start3A_515] : memref<2x4x2048x2048xf32, #tpu.memory_space<hbm>> -> memref<1x1x4x2048xf32, #tpu.memory_space<hbm>>
      %dma_start3A_517 = tpu.memref_squeeze %dma_start3A_516 : memref<1x1x4x2048xf32, #tpu.memory_space<hbm>> -> memref<4x2048xf32, #tpu.memory_space<hbm>>
      %dma_start3A_518 = arith.constant 0 : i32
      %dma_start3A_519 = arith.constant 0 : i32
      %dma_start3A_520 = tpu.memref_slice %arg8[%dma_start3A_505, %dma_start3A_506, %dma_start3A_518, %dma_start3A_519] : memref<2x4x4x2048xf32, #tpu.memory_space<vmem>> -> memref<1x1x4x2048xf32, #tpu.memory_space<vmem>>
      %dma_start3A_521 = tpu.memref_squeeze %dma_start3A_520 : memref<1x1x4x2048xf32, #tpu.memory_space<vmem>> -> memref<4x2048xf32, #tpu.memory_space<vmem>>
      tpu.enqueue_dma source(%dma_start3A_521 : memref<4x2048xf32, #tpu.memory_space<vmem>>) target(%dma_start3A_517 : memref<4x2048xf32, #tpu.memory_space<hbm>>) target_semaphore(%arg14 : memref<!tpu.dma_semaphore, #tpu.memory_space<semaphore_mem>>)
      %dma_start3A_522 = arith.constant 1 : i32
      %dma_start3A_523 = arith.constant 1 : i32
      %dma_start3A_524 = arith.constant 1 : i32
      %dma_start3A_525 = arith.constant 0 : i32
      %dma_start3A_526 = arith.constant 0 : i32
      %dma_start3A_527 = tpu.memref_slice %arg8[%dma_start3A_522, %dma_start3A_523, %dma_start3A_525, %dma_start3A_526] : memref<2x4x4x2048xf32, #tpu.memory_space<vmem>> -> memref<1x1x4x2048xf32, #tpu.memory_space<vmem>>
      %dma_start3A_528 = tpu.memref_squeeze %dma_start3A_527 : memref<1x1x4x2048xf32, #tpu.memory_space<vmem>> -> memref<4x2048xf32, #tpu.memory_space<vmem>>
      %dma_start3A_529 = arith.constant 0 : i32
      %dma_start3A_530 = tpu.memref_slice %arg5[%select_n3A, %dma_start3A_524, %add3A_504, %dma_start3A_529] : memref<2x4x2048x2048xf32, #tpu.memory_space<hbm>> -> memref<1x1x4x2048xf32, #tpu.memory_space<hbm>>
      %dma_start3A_531 = tpu.memref_squeeze %dma_start3A_530 : memref<1x1x4x2048xf32, #tpu.memory_space<hbm>> -> memref<4x2048xf32, #tpu.memory_space<hbm>>
      %dma_start3A_532 = arith.constant 0 : i32
      %dma_start3A_533 = tpu.memref_slice %arg5[%select_n3A, %dma_start3A_524, %add3A_504, %dma_start3A_532] : memref<2x4x2048x2048xf32, #tpu.memory_space<hbm>> -> memref<1x1x4x2048xf32, #tpu.memory_space<hbm>>
      %dma_start3A_534 = tpu.memref_squeeze %dma_start3A_533 : memref<1x1x4x2048xf32, #tpu.memory_space<hbm>> -> memref<4x2048xf32, #tpu.memory_space<hbm>>
      %dma_start3A_535 = arith.constant 0 : i32
      %dma_start3A_536 = arith.constant 0 : i32
      %dma_start3A_537 = tpu.memref_slice %arg8[%dma_start3A_522, %dma_start3A_523, %dma_start3A_535, %dma_start3A_536] : memref<2x4x4x2048xf32, #tpu.memory_space<vmem>> -> memref<1x1x4x2048xf32, #tpu.memory_space<vmem>>
      %dma_start3A_538 = tpu.memref_squeeze %dma_start3A_537 : memref<1x1x4x2048xf32, #tpu.memory_space<vmem>> -> memref<4x2048xf32, #tpu.memory_space<vmem>>
      tpu.enqueue_dma source(%dma_start3A_538 : memref<4x2048xf32, #tpu.memory_space<vmem>>) target(%dma_start3A_534 : memref<4x2048xf32, #tpu.memory_space<hbm>>) target_semaphore(%arg14 : memref<!tpu.dma_semaphore, #tpu.memory_space<semaphore_mem>>)
      %dma_start3A_539 = arith.constant 1 : i32
      %dma_start3A_540 = arith.constant 2 : i32
      %dma_start3A_541 = arith.constant 2 : i32
      %dma_start3A_542 = arith.constant 0 : i32
      %dma_start3A_543 = arith.constant 0 : i32
      %dma_start3A_544 = tpu.memref_slice %arg8[%dma_start3A_539, %dma_start3A_540, %dma_start3A_542, %dma_start3A_543] : memref<2x4x4x2048xf32, #tpu.memory_space<vmem>> -> memref<1x1x4x2048xf32, #tpu.memory_space<vmem>>
      %dma_start3A_545 = tpu.memref_squeeze %dma_start3A_544 : memref<1x1x4x2048xf32, #tpu.memory_space<vmem>> -> memref<4x2048xf32, #tpu.memory_space<vmem>>
      %dma_start3A_546 = arith.constant 0 : i32
      %dma_start3A_547 = tpu.memref_slice %arg5[%select_n3A, %dma_start3A_541, %add3A_504, %dma_start3A_546] : memref<2x4x2048x2048xf32, #tpu.memory_space<hbm>> -> memref<1x1x4x2048xf32, #tpu.memory_space<hbm>>
      %dma_start3A_548 = tpu.memref_squeeze %dma_start3A_547 : memref<1x1x4x2048xf32, #tpu.memory_space<hbm>> -> memref<4x2048xf32, #tpu.memory_space<hbm>>
      %dma_start3A_549 = arith.constant 0 : i32
      %dma_start3A_550 = tpu.memref_slice %arg5[%select_n3A, %dma_start3A_541, %add3A_504, %dma_start3A_549] : memref<2x4x2048x2048xf32, #tpu.memory_space<hbm>> -> memref<1x1x4x2048xf32, #tpu.memory_space<hbm>>
      %dma_start3A_551 = tpu.memref_squeeze %dma_start3A_550 : memref<1x1x4x2048xf32, #tpu.memory_space<hbm>> -> memref<4x2048xf32, #tpu.memory_space<hbm>>
      %dma_start3A_552 = arith.constant 0 : i32
      %dma_start3A_553 = arith.constant 0 : i32
      %dma_start3A_554 = tpu.memref_slice %arg8[%dma_start3A_539, %dma_start3A_540, %dma_start3A_552, %dma_start3A_553] : memref<2x4x4x2048xf32, #tpu.memory_space<vmem>> -> memref<1x1x4x2048xf32, #tpu.memory_space<vmem>>
      %dma_start3A_555 = tpu.memref_squeeze %dma_start3A_554 : memref<1x1x4x2048xf32, #tpu.memory_space<vmem>> -> memref<4x2048xf32, #tpu.memory_space<vmem>>
      tpu.enqueue_dma source(%dma_start3A_555 : memref<4x2048xf32, #tpu.memory_space<vmem>>) target(%dma_start3A_551 : memref<4x2048xf32, #tpu.memory_space<hbm>>) target_semaphore(%arg14 : memref<!tpu.dma_semaphore, #tpu.memory_space<semaphore_mem>>)
      %dma_start3A_556 = arith.constant 1 : i32
      %dma_start3A_557 = arith.constant 3 : i32
      %dma_start3A_558 = arith.constant 3 : i32
      %dma_start3A_559 = arith.constant 0 : i32
      %dma_start3A_560 = arith.constant 0 : i32
      %dma_start3A_561 = tpu.memref_slice %arg8[%dma_start3A_556, %dma_start3A_557, %dma_start3A_559, %dma_start3A_560] : memref<2x4x4x2048xf32, #tpu.memory_space<vmem>> -> memref<1x1x4x2048xf32, #tpu.memory_space<vmem>>
      %dma_start3A_562 = tpu.memref_squeeze %dma_start3A_561 : memref<1x1x4x2048xf32, #tpu.memory_space<vmem>> -> memref<4x2048xf32, #tpu.memory_space<vmem>>
      %dma_start3A_563 = arith.constant 0 : i32
      %dma_start3A_564 = tpu.memref_slice %arg5[%select_n3A, %dma_start3A_558, %add3A_504, %dma_start3A_563] : memref<2x4x2048x2048xf32, #tpu.memory_space<hbm>> -> memref<1x1x4x2048xf32, #tpu.memory_space<hbm>>
      %dma_start3A_565 = tpu.memref_squeeze %dma_start3A_564 : memref<1x1x4x2048xf32, #tpu.memory_space<hbm>> -> memref<4x2048xf32, #tpu.memory_space<hbm>>
      %dma_start3A_566 = arith.constant 0 : i32
      %dma_start3A_567 = tpu.memref_slice %arg5[%select_n3A, %dma_start3A_558, %add3A_504, %dma_start3A_566] : memref<2x4x2048x2048xf32, #tpu.memory_space<hbm>> -> memref<1x1x4x2048xf32, #tpu.memory_space<hbm>>
      %dma_start3A_568 = tpu.memref_squeeze %dma_start3A_567 : memref<1x1x4x2048xf32, #tpu.memory_space<hbm>> -> memref<4x2048xf32, #tpu.memory_space<hbm>>
      %dma_start3A_569 = arith.constant 0 : i32
      %dma_start3A_570 = arith.constant 0 : i32
      %dma_start3A_571 = tpu.memref_slice %arg8[%dma_start3A_556, %dma_start3A_557, %dma_start3A_569, %dma_start3A_570] : memref<2x4x4x2048xf32, #tpu.memory_space<vmem>> -> memref<1x1x4x2048xf32, #tpu.memory_space<vmem>>
      %dma_start3A_572 = tpu.memref_squeeze %dma_start3A_571 : memref<1x1x4x2048xf32, #tpu.memory_space<vmem>> -> memref<4x2048xf32, #tpu.memory_space<vmem>>
      tpu.enqueue_dma source(%dma_start3A_572 : memref<4x2048xf32, #tpu.memory_space<vmem>>) target(%dma_start3A_568 : memref<4x2048xf32, #tpu.memory_space<hbm>>) target_semaphore(%arg14 : memref<!tpu.dma_semaphore, #tpu.memory_space<semaphore_mem>>)
      %add3A_573 = arith.constant 2 : i32
      %add3A_574 = arith.addi %add3A_459, %add3A_573 : i32
      %lt3A_575 = arith.constant 32 : i32
      %lt3A_576 = arith.cmpi slt, %add3A_574, %lt3A_575 : i32
      %convert_element_type3A_577 = arith.extui %lt3A_576 : i1 to i32
      %cond3A_578 = arith.constant 0 : i32
      %cond3A_579 = arith.cmpi ne, %convert_element_type3A_577, %cond3A_578 : i32
      scf.if %cond3A_579 {
        %add3A_580 = arith.constant 2 : i32
        %add3A_581 = arith.addi %add3A_459, %add3A_580 : i32
        %mul3A_582 = arith.constant 4 : i32
        %mul3A_583 = arith.muli %add3A_581, %mul3A_582 : i32
        %add3A_584 = arith.addi %mul3A_32, %mul3A_583 : i32
        %dma_start3A_585 = arith.constant 1 : i32
        %dma_start3A_586 = arith.constant 0 : i32
        %dma_start3A_587 = arith.constant 0 : i32
        %dma_start3A_588 = tpu.memref_slice %arg6[%dma_start3A_585, %dma_start3A_586, %dma_start3A_587] : memref<2x4x2048xi32, #tpu.memory_space<vmem>> -> memref<1x4x2048xi32, #tpu.memory_space<vmem>>
        %dma_start3A_589 = tpu.memref_squeeze %dma_start3A_588 : memref<1x4x2048xi32, #tpu.memory_space<vmem>> -> memref<4x2048xi32, #tpu.memory_space<vmem>>
        %dma_start3A_590 = arith.constant 0 : i32
        %dma_start3A_591 = tpu.memref_slice %arg2[%select_n3A, %add3A_584, %dma_start3A_590] : memref<2x2048x2048xi32, #tpu.memory_space<hbm>> -> memref<1x4x2048xi32, #tpu.memory_space<hbm>>
        %dma_start3A_592 = tpu.memref_squeeze %dma_start3A_591 : memref<1x4x2048xi32, #tpu.memory_space<hbm>> -> memref<4x2048xi32, #tpu.memory_space<hbm>>
        %dma_start3A_593 = arith.constant 0 : i32
        %dma_start3A_594 = arith.constant 0 : i32
        %dma_start3A_595 = tpu.memref_slice %arg6[%dma_start3A_585, %dma_start3A_593, %dma_start3A_594] : memref<2x4x2048xi32, #tpu.memory_space<vmem>> -> memref<1x4x2048xi32, #tpu.memory_space<vmem>>
        %dma_start3A_596 = tpu.memref_squeeze %dma_start3A_595 : memref<1x4x2048xi32, #tpu.memory_space<vmem>> -> memref<4x2048xi32, #tpu.memory_space<vmem>>
        %dma_start3A_597 = arith.constant 0 : i32
        %dma_start3A_598 = tpu.memref_slice %arg2[%select_n3A, %add3A_584, %dma_start3A_597] : memref<2x2048x2048xi32, #tpu.memory_space<hbm>> -> memref<1x4x2048xi32, #tpu.memory_space<hbm>>
        %dma_start3A_599 = tpu.memref_squeeze %dma_start3A_598 : memref<1x4x2048xi32, #tpu.memory_space<hbm>> -> memref<4x2048xi32, #tpu.memory_space<hbm>>
        tpu.enqueue_dma source(%dma_start3A_599 : memref<4x2048xi32, #tpu.memory_space<hbm>>) target(%dma_start3A_596 : memref<4x2048xi32, #tpu.memory_space<vmem>>) target_semaphore(%arg12 : memref<!tpu.dma_semaphore, #tpu.memory_space<semaphore_mem>>)
        %dma_start3A_600 = arith.constant 1 : i32
        %dma_start3A_601 = arith.constant 0 : i32
        %dma_start3A_602 = arith.constant 0 : i32
        %dma_start3A_603 = tpu.memref_slice %arg7[%dma_start3A_600, %dma_start3A_601, %dma_start3A_602] : memref<2x4x2048xi32, #tpu.memory_space<vmem>> -> memref<1x4x2048xi32, #tpu.memory_space<vmem>>
        %dma_start3A_604 = tpu.memref_squeeze %dma_start3A_603 : memref<1x4x2048xi32, #tpu.memory_space<vmem>> -> memref<4x2048xi32, #tpu.memory_space<vmem>>
        %dma_start3A_605 = arith.constant 0 : i32
        %dma_start3A_606 = tpu.memref_slice %arg3[%select_n3A, %add3A_584, %dma_start3A_605] : memref<2x2048x2048xi32, #tpu.memory_space<hbm>> -> memref<1x4x2048xi32, #tpu.memory_space<hbm>>
        %dma_start3A_607 = tpu.memref_squeeze %dma_start3A_606 : memref<1x4x2048xi32, #tpu.memory_space<hbm>> -> memref<4x2048xi32, #tpu.memory_space<hbm>>
        %dma_start3A_608 = arith.constant 0 : i32
        %dma_start3A_609 = arith.constant 0 : i32
        %dma_start3A_610 = tpu.memref_slice %arg7[%dma_start3A_600, %dma_start3A_608, %dma_start3A_609] : memref<2x4x2048xi32, #tpu.memory_space<vmem>> -> memref<1x4x2048xi32, #tpu.memory_space<vmem>>
        %dma_start3A_611 = tpu.memref_squeeze %dma_start3A_610 : memref<1x4x2048xi32, #tpu.memory_space<vmem>> -> memref<4x2048xi32, #tpu.memory_space<vmem>>
        %dma_start3A_612 = arith.constant 0 : i32
        %dma_start3A_613 = tpu.memref_slice %arg3[%select_n3A, %add3A_584, %dma_start3A_612] : memref<2x2048x2048xi32, #tpu.memory_space<hbm>> -> memref<1x4x2048xi32, #tpu.memory_space<hbm>>
        %dma_start3A_614 = tpu.memref_squeeze %dma_start3A_613 : memref<1x4x2048xi32, #tpu.memory_space<hbm>> -> memref<4x2048xi32, #tpu.memory_space<hbm>>
        tpu.enqueue_dma source(%dma_start3A_614 : memref<4x2048xi32, #tpu.memory_space<hbm>>) target(%dma_start3A_611 : memref<4x2048xi32, #tpu.memory_space<vmem>>) target_semaphore(%arg12 : memref<!tpu.dma_semaphore, #tpu.memory_space<semaphore_mem>>)
      } else {
      }
    }
    %scan3A_183 = arith.constant 16 : i32
    %dma_wait3A = arith.constant 0 : i32
    %dma_wait3A_184 = arith.constant 0 : i32
    %dma_wait3A_185 = arith.constant 0 : i32
    %dma_wait3A_186 = arith.constant 0 : i32
    %dma_wait3A_187 = arith.constant 0 : i32
    %dma_wait3A_188 = tpu.memref_slice %arg8[%dma_wait3A, %dma_wait3A_184, %dma_wait3A_186, %dma_wait3A_187] : memref<2x4x4x2048xf32, #tpu.memory_space<vmem>> -> memref<1x1x4x2048xf32, #tpu.memory_space<vmem>>
    %dma_wait3A_189 = tpu.memref_squeeze %dma_wait3A_188 : memref<1x1x4x2048xf32, #tpu.memory_space<vmem>> -> memref<4x2048xf32, #tpu.memory_space<vmem>>
    %dma_wait3A_190 = arith.constant 0 : i32
    %dma_wait3A_191 = arith.constant 0 : i32
    %dma_wait3A_192 = tpu.memref_slice %arg5[%select_n3A, %dma_wait3A_185, %dma_wait3A_190, %dma_wait3A_191] : memref<2x4x2048x2048xf32, #tpu.memory_space<hbm>> -> memref<1x1x4x2048xf32, #tpu.memory_space<hbm>>
    %dma_wait3A_193 = tpu.memref_squeeze %dma_wait3A_192 : memref<1x1x4x2048xf32, #tpu.memory_space<hbm>> -> memref<4x2048xf32, #tpu.memory_space<hbm>>
    %dma_wait3A_194 = arith.constant 0 : i32
    %dma_wait3A_195 = arith.constant 0 : i32
    %dma_wait3A_196 = tpu.memref_slice %arg5[%select_n3A, %dma_wait3A_185, %dma_wait3A_194, %dma_wait3A_195] : memref<2x4x2048x2048xf32, #tpu.memory_space<hbm>> -> memref<1x1x4x2048xf32, #tpu.memory_space<hbm>>
    %dma_wait3A_197 = tpu.memref_squeeze %dma_wait3A_196 : memref<1x1x4x2048xf32, #tpu.memory_space<hbm>> -> memref<4x2048xf32, #tpu.memory_space<hbm>>
    %dma_wait3A_198 = arith.constant 0 : i32
    %dma_wait3A_199 = arith.constant 0 : i32
    %dma_wait3A_200 = tpu.memref_slice %arg8[%dma_wait3A, %dma_wait3A_184, %dma_wait3A_198, %dma_wait3A_199] : memref<2x4x4x2048xf32, #tpu.memory_space<vmem>> -> memref<1x1x4x2048xf32, #tpu.memory_space<vmem>>
    %dma_wait3A_201 = tpu.memref_squeeze %dma_wait3A_200 : memref<1x1x4x2048xf32, #tpu.memory_space<vmem>> -> memref<4x2048xf32, #tpu.memory_space<vmem>>
    tpu.wait_dma2 semaphore(%arg13 : memref<!tpu.dma_semaphore, #tpu.memory_space<semaphore_mem>>) src(%dma_wait3A_201 : memref<4x2048xf32, #tpu.memory_space<vmem>>) dst(%dma_wait3A_197 : memref<4x2048xf32, #tpu.memory_space<hbm>>)
    %dma_wait3A_202 = arith.constant 0 : i32
    %dma_wait3A_203 = arith.constant 1 : i32
    %dma_wait3A_204 = arith.constant 1 : i32
    %dma_wait3A_205 = arith.constant 0 : i32
    %dma_wait3A_206 = arith.constant 0 : i32
    %dma_wait3A_207 = tpu.memref_slice %arg8[%dma_wait3A_202, %dma_wait3A_203, %dma_wait3A_205, %dma_wait3A_206] : memref<2x4x4x2048xf32, #tpu.memory_space<vmem>> -> memref<1x1x4x2048xf32, #tpu.memory_space<vmem>>
    %dma_wait3A_208 = tpu.memref_squeeze %dma_wait3A_207 : memref<1x1x4x2048xf32, #tpu.memory_space<vmem>> -> memref<4x2048xf32, #tpu.memory_space<vmem>>
    %dma_wait3A_209 = arith.constant 0 : i32
    %dma_wait3A_210 = arith.constant 0 : i32
    %dma_wait3A_211 = tpu.memref_slice %arg5[%select_n3A, %dma_wait3A_204, %dma_wait3A_209, %dma_wait3A_210] : memref<2x4x2048x2048xf32, #tpu.memory_space<hbm>> -> memref<1x1x4x2048xf32, #tpu.memory_space<hbm>>
    %dma_wait3A_212 = tpu.memref_squeeze %dma_wait3A_211 : memref<1x1x4x2048xf32, #tpu.memory_space<hbm>> -> memref<4x2048xf32, #tpu.memory_space<hbm>>
    %dma_wait3A_213 = arith.constant 0 : i32
    %dma_wait3A_214 = arith.constant 0 : i32
    %dma_wait3A_215 = tpu.memref_slice %arg5[%select_n3A, %dma_wait3A_204, %dma_wait3A_213, %dma_wait3A_214] : memref<2x4x2048x2048xf32, #tpu.memory_space<hbm>> -> memref<1x1x4x2048xf32, #tpu.memory_space<hbm>>
    %dma_wait3A_216 = tpu.memref_squeeze %dma_wait3A_215 : memref<1x1x4x2048xf32, #tpu.memory_space<hbm>> -> memref<4x2048xf32, #tpu.memory_space<hbm>>
    %dma_wait3A_217 = arith.constant 0 : i32
    %dma_wait3A_218 = arith.constant 0 : i32
    %dma_wait3A_219 = tpu.memref_slice %arg8[%dma_wait3A_202, %dma_wait3A_203, %dma_wait3A_217, %dma_wait3A_218] : memref<2x4x4x2048xf32, #tpu.memory_space<vmem>> -> memref<1x1x4x2048xf32, #tpu.memory_space<vmem>>
    %dma_wait3A_220 = tpu.memref_squeeze %dma_wait3A_219 : memref<1x1x4x2048xf32, #tpu.memory_space<vmem>> -> memref<4x2048xf32, #tpu.memory_space<vmem>>
    tpu.wait_dma2 semaphore(%arg13 : memref<!tpu.dma_semaphore, #tpu.memory_space<semaphore_mem>>) src(%dma_wait3A_220 : memref<4x2048xf32, #tpu.memory_space<vmem>>) dst(%dma_wait3A_216 : memref<4x2048xf32, #tpu.memory_space<hbm>>)
    %dma_wait3A_221 = arith.constant 0 : i32
    %dma_wait3A_222 = arith.constant 2 : i32
    %dma_wait3A_223 = arith.constant 2 : i32
    %dma_wait3A_224 = arith.constant 0 : i32
    %dma_wait3A_225 = arith.constant 0 : i32
    %dma_wait3A_226 = tpu.memref_slice %arg8[%dma_wait3A_221, %dma_wait3A_222, %dma_wait3A_224, %dma_wait3A_225] : memref<2x4x4x2048xf32, #tpu.memory_space<vmem>> -> memref<1x1x4x2048xf32, #tpu.memory_space<vmem>>
    %dma_wait3A_227 = tpu.memref_squeeze %dma_wait3A_226 : memref<1x1x4x2048xf32, #tpu.memory_space<vmem>> -> memref<4x2048xf32, #tpu.memory_space<vmem>>
    %dma_wait3A_228 = arith.constant 0 : i32
    %dma_wait3A_229 = arith.constant 0 : i32
    %dma_wait3A_230 = tpu.memref_slice %arg5[%select_n3A, %dma_wait3A_223, %dma_wait3A_228, %dma_wait3A_229] : memref<2x4x2048x2048xf32, #tpu.memory_space<hbm>> -> memref<1x1x4x2048xf32, #tpu.memory_space<hbm>>
    %dma_wait3A_231 = tpu.memref_squeeze %dma_wait3A_230 : memref<1x1x4x2048xf32, #tpu.memory_space<hbm>> -> memref<4x2048xf32, #tpu.memory_space<hbm>>
    %dma_wait3A_232 = arith.constant 0 : i32
    %dma_wait3A_233 = arith.constant 0 : i32
    %dma_wait3A_234 = tpu.memref_slice %arg5[%select_n3A, %dma_wait3A_223, %dma_wait3A_232, %dma_wait3A_233] : memref<2x4x2048x2048xf32, #tpu.memory_space<hbm>> -> memref<1x1x4x2048xf32, #tpu.memory_space<hbm>>
    %dma_wait3A_235 = tpu.memref_squeeze %dma_wait3A_234 : memref<1x1x4x2048xf32, #tpu.memory_space<hbm>> -> memref<4x2048xf32, #tpu.memory_space<hbm>>
    %dma_wait3A_236 = arith.constant 0 : i32
    %dma_wait3A_237 = arith.constant 0 : i32
    %dma_wait3A_238 = tpu.memref_slice %arg8[%dma_wait3A_221, %dma_wait3A_222, %dma_wait3A_236, %dma_wait3A_237] : memref<2x4x4x2048xf32, #tpu.memory_space<vmem>> -> memref<1x1x4x2048xf32, #tpu.memory_space<vmem>>
    %dma_wait3A_239 = tpu.memref_squeeze %dma_wait3A_238 : memref<1x1x4x2048xf32, #tpu.memory_space<vmem>> -> memref<4x2048xf32, #tpu.memory_space<vmem>>
    tpu.wait_dma2 semaphore(%arg13 : memref<!tpu.dma_semaphore, #tpu.memory_space<semaphore_mem>>) src(%dma_wait3A_239 : memref<4x2048xf32, #tpu.memory_space<vmem>>) dst(%dma_wait3A_235 : memref<4x2048xf32, #tpu.memory_space<hbm>>)
    %dma_wait3A_240 = arith.constant 0 : i32
    %dma_wait3A_241 = arith.constant 3 : i32
    %dma_wait3A_242 = arith.constant 3 : i32
    %dma_wait3A_243 = arith.constant 0 : i32
    %dma_wait3A_244 = arith.constant 0 : i32
    %dma_wait3A_245 = tpu.memref_slice %arg8[%dma_wait3A_240, %dma_wait3A_241, %dma_wait3A_243, %dma_wait3A_244] : memref<2x4x4x2048xf32, #tpu.memory_space<vmem>> -> memref<1x1x4x2048xf32, #tpu.memory_space<vmem>>
    %dma_wait3A_246 = tpu.memref_squeeze %dma_wait3A_245 : memref<1x1x4x2048xf32, #tpu.memory_space<vmem>> -> memref<4x2048xf32, #tpu.memory_space<vmem>>
    %dma_wait3A_247 = arith.constant 0 : i32
    %dma_wait3A_248 = arith.constant 0 : i32
    %dma_wait3A_249 = tpu.memref_slice %arg5[%select_n3A, %dma_wait3A_242, %dma_wait3A_247, %dma_wait3A_248] : memref<2x4x2048x2048xf32, #tpu.memory_space<hbm>> -> memref<1x1x4x2048xf32, #tpu.memory_space<hbm>>
    %dma_wait3A_250 = tpu.memref_squeeze %dma_wait3A_249 : memref<1x1x4x2048xf32, #tpu.memory_space<hbm>> -> memref<4x2048xf32, #tpu.memory_space<hbm>>
    %dma_wait3A_251 = arith.constant 0 : i32
    %dma_wait3A_252 = arith.constant 0 : i32
    %dma_wait3A_253 = tpu.memref_slice %arg5[%select_n3A, %dma_wait3A_242, %dma_wait3A_251, %dma_wait3A_252] : memref<2x4x2048x2048xf32, #tpu.memory_space<hbm>> -> memref<1x1x4x2048xf32, #tpu.memory_space<hbm>>
    %dma_wait3A_254 = tpu.memref_squeeze %dma_wait3A_253 : memref<1x1x4x2048xf32, #tpu.memory_space<hbm>> -> memref<4x2048xf32, #tpu.memory_space<hbm>>
    %dma_wait3A_255 = arith.constant 0 : i32
    %dma_wait3A_256 = arith.constant 0 : i32
    %dma_wait3A_257 = tpu.memref_slice %arg8[%dma_wait3A_240, %dma_wait3A_241, %dma_wait3A_255, %dma_wait3A_256] : memref<2x4x4x2048xf32, #tpu.memory_space<vmem>> -> memref<1x1x4x2048xf32, #tpu.memory_space<vmem>>
    %dma_wait3A_258 = tpu.memref_squeeze %dma_wait3A_257 : memref<1x1x4x2048xf32, #tpu.memory_space<vmem>> -> memref<4x2048xf32, #tpu.memory_space<vmem>>
    tpu.wait_dma2 semaphore(%arg13 : memref<!tpu.dma_semaphore, #tpu.memory_space<semaphore_mem>>) src(%dma_wait3A_258 : memref<4x2048xf32, #tpu.memory_space<vmem>>) dst(%dma_wait3A_254 : memref<4x2048xf32, #tpu.memory_space<hbm>>)
    %dma_wait3A_259 = arith.constant 1 : i32
    %dma_wait3A_260 = arith.constant 0 : i32
    %dma_wait3A_261 = arith.constant 0 : i32
    %dma_wait3A_262 = arith.constant 0 : i32
    %dma_wait3A_263 = arith.constant 0 : i32
    %dma_wait3A_264 = tpu.memref_slice %arg8[%dma_wait3A_259, %dma_wait3A_260, %dma_wait3A_262, %dma_wait3A_263] : memref<2x4x4x2048xf32, #tpu.memory_space<vmem>> -> memref<1x1x4x2048xf32, #tpu.memory_space<vmem>>
    %dma_wait3A_265 = tpu.memref_squeeze %dma_wait3A_264 : memref<1x1x4x2048xf32, #tpu.memory_space<vmem>> -> memref<4x2048xf32, #tpu.memory_space<vmem>>
    %dma_wait3A_266 = arith.constant 0 : i32
    %dma_wait3A_267 = arith.constant 0 : i32
    %dma_wait3A_268 = tpu.memref_slice %arg5[%select_n3A, %dma_wait3A_261, %dma_wait3A_266, %dma_wait3A_267] : memref<2x4x2048x2048xf32, #tpu.memory_space<hbm>> -> memref<1x1x4x2048xf32, #tpu.memory_space<hbm>>
    %dma_wait3A_269 = tpu.memref_squeeze %dma_wait3A_268 : memref<1x1x4x2048xf32, #tpu.memory_space<hbm>> -> memref<4x2048xf32, #tpu.memory_space<hbm>>
    %dma_wait3A_270 = arith.constant 0 : i32
    %dma_wait3A_271 = arith.constant 0 : i32
    %dma_wait3A_272 = tpu.memref_slice %arg5[%select_n3A, %dma_wait3A_261, %dma_wait3A_270, %dma_wait3A_271] : memref<2x4x2048x2048xf32, #tpu.memory_space<hbm>> -> memref<1x1x4x2048xf32, #tpu.memory_space<hbm>>
    %dma_wait3A_273 = tpu.memref_squeeze %dma_wait3A_272 : memref<1x1x4x2048xf32, #tpu.memory_space<hbm>> -> memref<4x2048xf32, #tpu.memory_space<hbm>>
    %dma_wait3A_274 = arith.constant 0 : i32
    %dma_wait3A_275 = arith.constant 0 : i32
    %dma_wait3A_276 = tpu.memref_slice %arg8[%dma_wait3A_259, %dma_wait3A_260, %dma_wait3A_274, %dma_wait3A_275] : memref<2x4x4x2048xf32, #tpu.memory_space<vmem>> -> memref<1x1x4x2048xf32, #tpu.memory_space<vmem>>
    %dma_wait3A_277 = tpu.memref_squeeze %dma_wait3A_276 : memref<1x1x4x2048xf32, #tpu.memory_space<vmem>> -> memref<4x2048xf32, #tpu.memory_space<vmem>>
    tpu.wait_dma2 semaphore(%arg14 : memref<!tpu.dma_semaphore, #tpu.memory_space<semaphore_mem>>) src(%dma_wait3A_277 : memref<4x2048xf32, #tpu.memory_space<vmem>>) dst(%dma_wait3A_273 : memref<4x2048xf32, #tpu.memory_space<hbm>>)
    %dma_wait3A_278 = arith.constant 1 : i32
    %dma_wait3A_279 = arith.constant 1 : i32
    %dma_wait3A_280 = arith.constant 1 : i32
    %dma_wait3A_281 = arith.constant 0 : i32
    %dma_wait3A_282 = arith.constant 0 : i32
    %dma_wait3A_283 = tpu.memref_slice %arg8[%dma_wait3A_278, %dma_wait3A_279, %dma_wait3A_281, %dma_wait3A_282] : memref<2x4x4x2048xf32, #tpu.memory_space<vmem>> -> memref<1x1x4x2048xf32, #tpu.memory_space<vmem>>
    %dma_wait3A_284 = tpu.memref_squeeze %dma_wait3A_283 : memref<1x1x4x2048xf32, #tpu.memory_space<vmem>> -> memref<4x2048xf32, #tpu.memory_space<vmem>>
    %dma_wait3A_285 = arith.constant 0 : i32
    %dma_wait3A_286 = arith.constant 0 : i32
    %dma_wait3A_287 = tpu.memref_slice %arg5[%select_n3A, %dma_wait3A_280, %dma_wait3A_285, %dma_wait3A_286] : memref<2x4x2048x2048xf32, #tpu.memory_space<hbm>> -> memref<1x1x4x2048xf32, #tpu.memory_space<hbm>>
    %dma_wait3A_288 = tpu.memref_squeeze %dma_wait3A_287 : memref<1x1x4x2048xf32, #tpu.memory_space<hbm>> -> memref<4x2048xf32, #tpu.memory_space<hbm>>
    %dma_wait3A_289 = arith.constant 0 : i32
    %dma_wait3A_290 = arith.constant 0 : i32
    %dma_wait3A_291 = tpu.memref_slice %arg5[%select_n3A, %dma_wait3A_280, %dma_wait3A_289, %dma_wait3A_290] : memref<2x4x2048x2048xf32, #tpu.memory_space<hbm>> -> memref<1x1x4x2048xf32, #tpu.memory_space<hbm>>
    %dma_wait3A_292 = tpu.memref_squeeze %dma_wait3A_291 : memref<1x1x4x2048xf32, #tpu.memory_space<hbm>> -> memref<4x2048xf32, #tpu.memory_space<hbm>>
    %dma_wait3A_293 = arith.constant 0 : i32
    %dma_wait3A_294 = arith.constant 0 : i32
    %dma_wait3A_295 = tpu.memref_slice %arg8[%dma_wait3A_278, %dma_wait3A_279, %dma_wait3A_293, %dma_wait3A_294] : memref<2x4x4x2048xf32, #tpu.memory_space<vmem>> -> memref<1x1x4x2048xf32, #tpu.memory_space<vmem>>
    %dma_wait3A_296 = tpu.memref_squeeze %dma_wait3A_295 : memref<1x1x4x2048xf32, #tpu.memory_space<vmem>> -> memref<4x2048xf32, #tpu.memory_space<vmem>>
    tpu.wait_dma2 semaphore(%arg14 : memref<!tpu.dma_semaphore, #tpu.memory_space<semaphore_mem>>) src(%dma_wait3A_296 : memref<4x2048xf32, #tpu.memory_space<vmem>>) dst(%dma_wait3A_292 : memref<4x2048xf32, #tpu.memory_space<hbm>>)
    %dma_wait3A_297 = arith.constant 1 : i32
    %dma_wait3A_298 = arith.constant 2 : i32
    %dma_wait3A_299 = arith.constant 2 : i32
    %dma_wait3A_300 = arith.constant 0 : i32
    %dma_wait3A_301 = arith.constant 0 : i32
    %dma_wait3A_302 = tpu.memref_slice %arg8[%dma_wait3A_297, %dma_wait3A_298, %dma_wait3A_300, %dma_wait3A_301] : memref<2x4x4x2048xf32, #tpu.memory_space<vmem>> -> memref<1x1x4x2048xf32, #tpu.memory_space<vmem>>
    %dma_wait3A_303 = tpu.memref_squeeze %dma_wait3A_302 : memref<1x1x4x2048xf32, #tpu.memory_space<vmem>> -> memref<4x2048xf32, #tpu.memory_space<vmem>>
    %dma_wait3A_304 = arith.constant 0 : i32
    %dma_wait3A_305 = arith.constant 0 : i32
    %dma_wait3A_306 = tpu.memref_slice %arg5[%select_n3A, %dma_wait3A_299, %dma_wait3A_304, %dma_wait3A_305] : memref<2x4x2048x2048xf32, #tpu.memory_space<hbm>> -> memref<1x1x4x2048xf32, #tpu.memory_space<hbm>>
    %dma_wait3A_307 = tpu.memref_squeeze %dma_wait3A_306 : memref<1x1x4x2048xf32, #tpu.memory_space<hbm>> -> memref<4x2048xf32, #tpu.memory_space<hbm>>
    %dma_wait3A_308 = arith.constant 0 : i32
    %dma_wait3A_309 = arith.constant 0 : i32
    %dma_wait3A_310 = tpu.memref_slice %arg5[%select_n3A, %dma_wait3A_299, %dma_wait3A_308, %dma_wait3A_309] : memref<2x4x2048x2048xf32, #tpu.memory_space<hbm>> -> memref<1x1x4x2048xf32, #tpu.memory_space<hbm>>
    %dma_wait3A_311 = tpu.memref_squeeze %dma_wait3A_310 : memref<1x1x4x2048xf32, #tpu.memory_space<hbm>> -> memref<4x2048xf32, #tpu.memory_space<hbm>>
    %dma_wait3A_312 = arith.constant 0 : i32
    %dma_wait3A_313 = arith.constant 0 : i32
    %dma_wait3A_314 = tpu.memref_slice %arg8[%dma_wait3A_297, %dma_wait3A_298, %dma_wait3A_312, %dma_wait3A_313] : memref<2x4x4x2048xf32, #tpu.memory_space<vmem>> -> memref<1x1x4x2048xf32, #tpu.memory_space<vmem>>
    %dma_wait3A_315 = tpu.memref_squeeze %dma_wait3A_314 : memref<1x1x4x2048xf32, #tpu.memory_space<vmem>> -> memref<4x2048xf32, #tpu.memory_space<vmem>>
    tpu.wait_dma2 semaphore(%arg14 : memref<!tpu.dma_semaphore, #tpu.memory_space<semaphore_mem>>) src(%dma_wait3A_315 : memref<4x2048xf32, #tpu.memory_space<vmem>>) dst(%dma_wait3A_311 : memref<4x2048xf32, #tpu.memory_space<hbm>>)
    %dma_wait3A_316 = arith.constant 1 : i32
    %dma_wait3A_317 = arith.constant 3 : i32
    %dma_wait3A_318 = arith.constant 3 : i32
    %dma_wait3A_319 = arith.constant 0 : i32
    %dma_wait3A_320 = arith.constant 0 : i32
    %dma_wait3A_321 = tpu.memref_slice %arg8[%dma_wait3A_316, %dma_wait3A_317, %dma_wait3A_319, %dma_wait3A_320] : memref<2x4x4x2048xf32, #tpu.memory_space<vmem>> -> memref<1x1x4x2048xf32, #tpu.memory_space<vmem>>
    %dma_wait3A_322 = tpu.memref_squeeze %dma_wait3A_321 : memref<1x1x4x2048xf32, #tpu.memory_space<vmem>> -> memref<4x2048xf32, #tpu.memory_space<vmem>>
    %dma_wait3A_323 = arith.constant 0 : i32
    %dma_wait3A_324 = arith.constant 0 : i32
    %dma_wait3A_325 = tpu.memref_slice %arg5[%select_n3A, %dma_wait3A_318, %dma_wait3A_323, %dma_wait3A_324] : memref<2x4x2048x2048xf32, #tpu.memory_space<hbm>> -> memref<1x1x4x2048xf32, #tpu.memory_space<hbm>>
    %dma_wait3A_326 = tpu.memref_squeeze %dma_wait3A_325 : memref<1x1x4x2048xf32, #tpu.memory_space<hbm>> -> memref<4x2048xf32, #tpu.memory_space<hbm>>
    %dma_wait3A_327 = arith.constant 0 : i32
    %dma_wait3A_328 = arith.constant 0 : i32
    %dma_wait3A_329 = tpu.memref_slice %arg5[%select_n3A, %dma_wait3A_318, %dma_wait3A_327, %dma_wait3A_328] : memref<2x4x2048x2048xf32, #tpu.memory_space<hbm>> -> memref<1x1x4x2048xf32, #tpu.memory_space<hbm>>
    %dma_wait3A_330 = tpu.memref_squeeze %dma_wait3A_329 : memref<1x1x4x2048xf32, #tpu.memory_space<hbm>> -> memref<4x2048xf32, #tpu.memory_space<hbm>>
    %dma_wait3A_331 = arith.constant 0 : i32
    %dma_wait3A_332 = arith.constant 0 : i32
    %dma_wait3A_333 = tpu.memref_slice %arg8[%dma_wait3A_316, %dma_wait3A_317, %dma_wait3A_331, %dma_wait3A_332] : memref<2x4x4x2048xf32, #tpu.memory_space<vmem>> -> memref<1x1x4x2048xf32, #tpu.memory_space<vmem>>
    %dma_wait3A_334 = tpu.memref_squeeze %dma_wait3A_333 : memref<1x1x4x2048xf32, #tpu.memory_space<vmem>> -> memref<4x2048xf32, #tpu.memory_space<vmem>>
    tpu.wait_dma2 semaphore(%arg14 : memref<!tpu.dma_semaphore, #tpu.memory_space<semaphore_mem>>) src(%dma_wait3A_334 : memref<4x2048xf32, #tpu.memory_space<vmem>>) dst(%dma_wait3A_330 : memref<4x2048xf32, #tpu.memory_space<hbm>>)
    return
  }
}

</mosaic_0001>

<sc_bundles>
// kernel: kernel.3.cloned.1.call-start
scs
__scs_entry_jumppad:
0x0: {  	(pc) =	sbr.rel $0x88, $3  }
0x1: {  	(tag) =	ssettag $0x0;
	lr =	simm.s32 $0x1  }
0x2: {  	[smem:$0x3F9D] =	sst lr;
	_ =	strace $0xD0000000  }
0x3: {  	_ = 	snop  }
0x4: {  	_ = 	snop  }
0x5: {  	_ = 	snop  }
0x6: {  	_ = 	snop  }
0x7: {  	_ = 	snop  }
__scs_overlays_trampoline_lowered:
0x8: {  	[smem:$0x3FAC] =	sst s0  }
0x9: {  	[smem:$0x3FAD] =	sst s1  }
0xa: {  	[smem:$0x3FAE] =	sst s2  }
0xb: {  	[smem:$0x3FAF] =	sst s3  }
0xc: {  	[smem:$0x3FB0] =	sst s4  }
0xd: {  	[smem:$0x3FB1] =	sst s5  }
0xe: {  	[smem:$0x3FB2] =	sst s6  }
0xf: {  	[smem:$0x3FB3] =	sst s7  }
0x10: {  	[smem:$0x3FB4] =	sst s8  }
0x11: {  	[smem:$0x3FB5] =	sst s9;
	s0 =	simm.s32 @!p0 $0x0  }
0x12: {  	s1 =	sld [smem:$0x3F9B];
	s0 =	simm.s32 @p0 $0x1  }
0x13: {  	[smem:$0x3FB6] =	sst s0;
	s0 =	simm.s32 @!p1 $0x0  }
0x14: {  	s2 =	sld [smem:$0x3F9A];
	s0 =	simm.s32 @p1 $0x1  }
0x15: {  	[smem:$0x3FB7] =	sst s0;
	s0 =	simm.s32 @!p2 $0x0  }
0x16: {  	s3 =	sld [smem:$0x3FDB];
	s0 =	simm.s32 @p2 $0x1  }
0x17: {  	s4 =	simm.s32 $0x1BF5;
	[smem:$0x3FB9] =	sst s0  }
0x18: {  	s0 =	sld [smem:$0x3F9C];
	_ =	swait.ge [sflag:s4], $0x0  }
0x19: {  	s7 =	sld [smem:$0x3F9D]  }
0x1a: {  	s8 =	sadd.s32 $0xFFFFE003, lr  }
0x1b: {  	s9 =	sadd.s32 $0xFFFFFEF7, lr;
	s5 =	simm.s32 $0xFFFFFFFF;
	p2 =	slt.u32 s8, $0xFFFFF086  }
0x1c: {  	p1 =	slt.u32 s9, $0xF7A;
	s5 =	simm.s32 @!p2 $0x0  }
0x1d: {  	s5 =	simm.s32 @p1 $0x1;
	p0 =	seq.s32 s7, s2  }
0x1e: {  	s7 =	smul.u32 @!p0 $0xF7A, s2;
	p2 =	seq.s32 @!p0 s5, $0x0  }
0x1f: {  	s9 =	smul.u32 $0xF7A, s1;
	s8 =	simm.s32 @!p0 $0x1BF5;
	p2 =	por !p2, p0  }
0x20: {  	[sflag:s8] =	ssyncset.s32 @!p0 $0xFFFFF086;
	s6 =	sadd.s32 @!p0 s3, s7;
	s7 =	simm.s32 @!p0 $0x108  }
0x21: {  	s3 =	sadd.s32 s3, s9;
	s6 =	sadd.s32 @!p0 $0x88, s6;
	s7 =	simm.s32 @p2 $0x1082  }
0x22: {  	[simem:s7], [sflag:s8] =	dma.local @!p0 [hbm:s6], $0xF7A  }
0x23: {  	s9 =	sor.u32 $0xD0000000, s2;
	s6 =	simm.s32 $0x108;
	_ =	swait.ge @!p0 [sflag:s8], $0x0  }
0x24: {  	s3 =	sadd.s32 $0x88, s3;
	s6 =	simm.s32 @!p1 $0x1082;
	[sflag:s4] =	ssyncset.s32 $0xFFFFF086  }
0x25: {  	[simem:s6], [sflag:s4] =	dma.local [hbm:s3], $0xF7A  }
0x26: {  	[smem:$0x3F9D] =	sst s1;
	(tag) =	ssettag s2;
	_ =	strace s9  }
0x27: {  	s1 =	sld [smem:$0x3FAD]  }
0x28: {  	s2 =	sld [smem:$0x3FAE]  }
0x29: {  	s4 =	sld [smem:$0x3FB0]  }
0x2a: {  	p0 =	seq.s32 s5, $0x0;
	s5 =	sld [smem:$0x3FB1]  }
0x2b: {  	s6 =	sld [smem:$0x3FB2]  }
0x2c: {  	s7 =	sld [smem:$0x3FB3]  }
0x2d: {  	s3 =	simm.s32 $0x108;
	s8 =	sld [smem:$0x3FB4]  }
0x2e: {  	s3 =	simm.s32 @!p0 $0x1082;
	s9 =	sld [smem:$0x3FB5]  }
0x2f: {  	lr =	sadd.s32 s0, s3;
	s0 =	sld [smem:$0x3FAC]  }
0x30: {  	s3 =	sld [smem:$0x3FAF]  }
0x31: {  	[smem:$0x3FB8] =	sst s10  }
0x32: {  	s10 =	sld [smem:$0x3FB6];
	_ =	sdelay $0x3  }
0x33: {  	p0 =	seq.s32 s10, $0x1;
	s10 =	sld [smem:$0x3FB8];
	_ =	sdelay $0x3  }
0x34: {  	[smem:$0x3FB8] =	sst s10  }
0x35: {  	s10 =	sld [smem:$0x3FB7];
	_ =	sdelay $0x3  }
0x36: {  	p1 =	seq.s32 s10, $0x1;
	s10 =	sld [smem:$0x3FB8];
	_ =	sdelay $0x3  }
0x37: {  	[smem:$0x3FB8] =	sst s10  }
0x38: {  	s10 =	sld [smem:$0x3FB9]  }
0x39: {  	_ = 	snop;
	(pc) =	sbr.ind lr, $3  }
0x3a: {  	_ = 	snop  }
0x3b: {  	_ = 	snop  }
0x3c: {  	p2 =	seq.s32 s10, $0x1;
	s10 =	sld [smem:$0x3FB8]  }
0x3d: {  	_ =	shalt  }
0x3e: {  	_ =	shalt  }
0x3f: {  	_ =	shalt  }
0x40: {  	_ =	shalt  }
0x41: {  	_ =	shalt  }
0x42: {  	_ =	shalt  }
0x43: {  	_ =	shalt  }
0x44: {  	_ =	shalt  }
0x45: {  	_ =	shalt  }
0x46: {  	_ =	shalt  }
0x47: {  	_ =	shalt  }
0x48: {  	_ =	shalt  }
0x49: {  	_ =	shalt  }
0x4a: {  	_ =	shalt  }
0x4b: {  	_ =	shalt  }
0x4c: {  	_ =	shalt  }
0x4d: {  	_ =	shalt  }
0x4e: {  	_ =	shalt  }
0x4f: {  	_ =	shalt  }
0x50: {  	_ =	shalt  }
0x51: {  	_ =	shalt  }
0x52: {  	_ =	shalt  }
0x53: {  	_ =	shalt  }
0x54: {  	_ =	shalt  }
0x55: {  	_ =	shalt  }
0x56: {  	_ =	shalt  }
0x57: {  	_ =	shalt  }
0x58: {  	_ =	shalt  }
0x59: {  	_ =	shalt  }
0x5a: {  	_ =	shalt  }
0x5b: {  	_ =	shalt  }
0x5c: {  	_ =	shalt  }
0x5d: {  	_ =	shalt  }
0x5e: {  	_ =	shalt  }
0x5f: {  	_ =	shalt  }
0x60: {  	_ =	shalt  }
0x61: {  	_ =	shalt  }
0x62: {  	_ =	shalt  }
0x63: {  	_ =	shalt  }
0x64: {  	_ =	shalt  }
0x65: {  	_ =	shalt  }
0x66: {  	_ =	shalt  }
0x67: {  	_ =	shalt  }
0x68: {  	_ =	shalt  }
0x69: {  	_ =	shalt  }
0x6a: {  	_ =	shalt  }
0x6b: {  	_ =	shalt  }
0x6c: {  	_ =	shalt  }
0x6d: {  	_ =	shalt  }
0x6e: {  	_ =	shalt  }
0x6f: {  	_ =	shalt  }
0x70: {  	_ =	shalt  }
0x71: {  	_ =	shalt  }
0x72: {  	_ =	shalt  }
0x73: {  	_ =	shalt  }
0x74: {  	_ =	shalt  }
0x75: {  	_ =	shalt  }
0x76: {  	_ =	shalt  }
0x77: {  	_ =	shalt  }
0x78: {  	_ =	shalt  }
0x79: {  	_ =	shalt  }
0x7a: {  	_ =	shalt  }
0x7b: {  	_ =	shalt  }
0x7c: {  	_ =	shalt  }
0x7d: {  	_ =	shalt  }
0x7e: {  	_ =	shalt  }
0x7f: {  	_ =	shalt  }
0x80: {  	_ =	shalt  }
0x81: {  	_ =	shalt  }
0x82: {  	_ =	shalt  }
0x83: {  	_ =	shalt  }
0x84: {  	_ =	shalt  }
0x85: {  	_ =	shalt  }
0x86: {  	_ =	shalt  }
0x87: {  	_ =	shalt  }
.Lfunc_end0:
.L_simem_size_0:
called_computation_lowered:
.L_overlay_start_0:
0x88: {  	s2 =	sld [smem:$0x3FD9]  }
0x89: {  	s3 =	sld [smem:$0x3FFE];
	_ =	sdelay $0x1  }
0x8a: {  	s1 =	srdreg.scid  }
0x8b: {  	s0 =	sand.u32 $0x1, s1  }
0x8c: {  	s17 =	sshll.u32 s0, $0xA;
	s2 =	sadd.s32 s3, s2  }
0x8d: {  	s2 =	sadd.s32 s2, s17  }
0x8e: {  	[smem:$0x3FC4] =	sst s2  }
0x8f: {  	_ = 	snop  }
0x90: {  	s2 =	sld [smem:$0x3FC9]  }
0x91: {  	s18 =	sld [smem:$0x3FC8]  }
0x92: {  	s4 =	sld [smem:$0x3FD0];
	(tm) =	ssettm $0x1  }
0x93: {  	s5 =	sld [smem:$0x3FFB];
	_ =	sdelay $0x3  }
0x94: {  	_ =	strace s5  }
0x95: {  	s5 =	sld [smem:$0x3FFC];
	_ =	sdelay $0x3  }
0x96: {  	_ =	strace s5  }
0x97: {  	s5 =	sld [smem:$0x3FFD];
	_ =	sdelay $0x3  }
0x98: {  	_ =	strace s5  }
0x99: {  	_ =	strace $0x8FFFFFFF  }
0x9a: {  	s19 =	sld [smem:$0x3FDB];
	_ =	sdelay $0x1  }
0x9b: {  	s6 =	simm.s32 $_scs_section_size  }
0x9c: {  	s7 =	simm.s32 $_size__tile_overlayer_lowered;
	s8 =	simm.s32 $_tile_overlayer_lowered  }
0x9d: {  	s22 =	simm.s32 $0x1BFF;
	s21 =	sshll.u32 s8, $0x1;
	s5 =	sadd.s32 s6, s19  }
0x9e: {  	s9 =	simm.s32 $0x0;
	s20 =	sshll.u32 s7, $0x1;
	s7 =	sadd.s32 s21, s5  }
0x9f: {  	[timem:s9], [sflag:s22] =	dma.local [hbm:s7], s20  }
0xa0: {  	_ =	swait.ge [sflag:s22], s20  }
0xa1: {  	s6 =	ssub.s32 $0x0, s20;
	[sflag:s22] =	ssyncset.done $0x0  }
0xa2: {  	[sflag:s22] =	ssyncadd.s32 s6;
	_ =	sdelay $0x1  }
0xa3: {  	s23 =	simm.s32 $0x1B8B  }
0xa4: {  	_ =	swait.ge [sflag:s23], $0x1  }
0xa5: {  	[sflag:s23] =	ssyncset.done $0x0  }
0xa6: {  	s25 =	simm.s32 $0x1B8E;
	s24 =	sld [smem:$0x3FFE];
	[sflag:s23] =	ssyncadd.s32 $0xFFFFFFFF  }
0xa7: {  	s26 =	simm.s32 $execute0_lowered;
	[smem:$0x3FD2] =	sst s25  }
0xa8: {  	s7 =	sshll.u32 s26, $0x1;
	_ =	strace $0x80000046;
	[dreg:$0x1] =	wrdreg $0xFFFFFFFF  }
0xa9: {  	s28 =	simm.s32 $_size_execute0_lowered;
	s5 =	sadd.s32 s5, s7;
	[dreg:$0x0] =	wrdreg $0x0  }
0xaa: {  	s7 =	sshll.u32 s28, $0x1;
	[dreg:$0x2] =	wrdreg s5  }
0xab: {  	[dreg:$0x3] =	wrdreg s7  }
0xac: {  	[dreg:$0x4] =	wrdreg $0xC0  }
0xad: {  	_ =	task [dreg:s9], $0x5FFFF  }
0xae: {  	[dreg:$0x1] =	wrdreg $0xFFFFFFFF  }
0xaf: {  	[dreg:$0x0] =	wrdreg $0x60  }
0xb0: {  	[dreg:$0x2] =	wrdreg s2  }
0xb1: {  	[dreg:$0x3] =	wrdreg s18  }
0xb2: {  	[dreg:$0x4] =	wrdreg s24  }
0xb3: {  	[dreg:$0x5] =	wrdreg s4  }
0xb4: {  	[dreg:$0x6] =	wrdreg $0x9  }
0xb5: {  	_ =	task.clear_ibuf [dreg:s9], $0x7FFFF;
	_ =	strace $0x90000046  }
0xb6: {  	s29 =	simm.s32 $0x9;
	_ =	strace $0x80000048  }
0xb7: {  	_ =	swait.ge [sflag:s29], $0x1  }
0xb8: {  	[sflag:s29] =	ssyncadd.s32 $0xFFFFFFFF  }
0xb9: {  	_ =	strace $0x90000048  }
0xba: {  	_ =	sfence  }
0xbb: {  	s30 =	sld [smem:$0x0];
	_ =	sdelay $0x2  }
0xbc: {  	s31 =	sshll.u32 s1, $0xD;
	s1 =	sshrl.u32 s1, $0x2  }
0xbd: {  	s3 =	sand.u32 $0x4000, s31;
	s1 =	sadd.s32 s1, s30  }
0xbe: {  	s0 =	sor.u32 s3, s0;
	s1 =	sshll.u32 s1, $0x11  }
0xbf: {  	s0 =	sor.u32 s1, s0  }
0xc0: {  	s0 =	sadd.s32 $0x8F2B, s0  }
0xc1: {  	[sflag:s0] =	ssyncadd.remote.s32 $0x1  }
0xc2: {  	_ =	sfence.sel $0xFFFF  }
0xc3: {  	[dreg:$0x0] =	wrdreg $0xFFFFFFFF;
	(pc) =	sbr.abs _section_cstart, $3  }
0xc4: {  	[dreg:$0x1] =	wrdreg $0xFFFFFFFF  }
0xc5: {  	_ =	task.clear_ibuf [dreg:s9], $0x2FFFF;
	_ =	strace $0x9FFFFFFF  }
0xc6: {  	(tm) =	ssettm $0x7FFFFFFF  }
0xc7: {  	_ =	shalt  }
tec
execute0_lowered:
.L_overlay_start_1:
0x0: {  	(tag) =	ssettag $0x1  }
0x1: {  	s1 =	rddreg [dreg:$0x0]  }
0x2: {  	s2 =	rddreg [dreg:$0x1];
	s6 =	stileid.u32  }
0x3: {  	s0 =	rddreg [dreg:$0x2];
	s3 =	srdreg.scid  }
0x4: {  	s4 =	rddreg [dreg:$0x3];
	s8 =	simm.s32 $0x0;
	s15 =	simm.s32 $0x200  }
0x5: {  	s16 =	simm.s32 $0x400;
	s18 =	simm.s32 $0x2000;
	s19 =	simm.s32 $0x6000  }
0x6: {  	s28 =	simm.s32 $0xE000;
	s29 =	simm.s32 $0x2;
	s30 =	simm.s32 $0x10000  }
0x7: {  	s31 =	simm.s32 $0x12000;
	s5 =	sshll.u32 s6, $0x1;
	s3 =	sand.u32 $0x1, s3  }
0x8: {  	s6 =	sshrl.u32 s6, $0x3;
	[smem:$0x7FF] =	sst s8;
	s0 =	sadd.s32 $0x600, s0  }
0x9: {  	s12 =	sadd.s32 $0x40, s4;
	s5 =	sand.u32 $0xE, s5;
	s7 =	sshll.u32 s6, $0x16  }
0xa: {  	_ =	strace $0x80000047;
	[dreg:$0x5] =	wrdreg s0;
	s5 =	sor.u32 s3, s5  }
0xb: {  	s26 =	sshll.u32 s6, $0x18;
	s3 =	ssub.s32 $0x2, s3;
	s5 =	sshll.u32 s5, $0x12  }
0xc: {  	s6 =	simm.s32 $0x0;
	s20 =	sshrl.u32 s3, $0x1;
	s7 =	sor.u32 s7, s5  }
0xd: {  	s21 =	ssub.s32 s3, s20;
	s14 =	sor.u32 s26, s5;
	s20 =	simm.s32 $0x18000  }
0xe: {  	s26 =	simm.s32 $0xC000;
	s9 =	sshrl.u32 s7, $0x3;
	s0 =	smax.u32 s21, $0x1  }
0xf: {  	s11 =	sor.u32 $0x4000, s7;
	s23 =	sadd.s32 s1, s9;
	[dreg:$0xa] =	wrdreg s0  }
.Ltmp0:
0x10: {  	s24 =	sadd.s32 s2, s9;
	[dreg:$0x6] =	wrdreg s23;
	(pc) =	sbr.rel .LBB2_1-.Ltmp0, $4  }
0x11: {  	s22 =	sor.u32 $0x40, s9;
	s0 =	simm.s32 $0x16000;
	[dreg:$0x7] =	wrdreg s24  }
0x12: {  	s25 =	sadd.s32 s1, s22;
	s3 =	sadd.s32 s2, s22;
	s22 =	simm.s32 $0x1  }
0x13: {  	s23 =	simm.s32 $0x18300;
	s24 =	simm.s32 $0x8000;
	[dreg:$0x8] =	wrdreg s25  }
0x14: {  	v0 =	vimm.s32 $0x0;
	[dreg:$0x9] =	wrdreg s3;
	s25 =	simm.s32 $0xA000;
	s3 =	simm.s32 $0x14000  }
.LBB2_8:
0x15: {  	s5 =	simm.s32 $0x3  }
0x16: {  	_ =	swait.ge [sflag:s5], $0x2000  }
0x17: {  	[sflag:s5] =	ssyncset.done $0x0  }
0x18: {  	[sflag:s5] =	ssyncadd.s32 $0xFFFFE000  }
0x19: {  	_ =	swait.ge [sflag:s5], $0x2000  }
0x1a: {  	[sflag:s5] =	ssyncset.done $0x0  }
0x1b: {  	[sflag:s5] =	ssyncadd.s32 $0xFFFFE000  }
0x1c: {  	_ =	swait.ge [sflag:s5], $0x2000  }
0x1d: {  	[sflag:s5] =	ssyncset.done $0x0  }
0x1e: {  	[sflag:s5] =	ssyncadd.s32 $0xFFFFE000  }
0x1f: {  	_ =	swait.ge [sflag:s5], $0x2000  }
0x20: {  	[sflag:s5] =	ssyncset.done $0x0  }
0x21: {  	s7 =	simm.s32 $0x4;
	[sflag:s5] =	ssyncadd.s32 $0xFFFFE000  }
0x22: {  	_ =	swait.ge [sflag:s7], $0x2000  }
0x23: {  	[sflag:s7] =	ssyncset.done $0x0  }
0x24: {  	[sflag:s7] =	ssyncadd.s32 $0xFFFFE000  }
0x25: {  	_ =	swait.ge [sflag:s7], $0x2000  }
0x26: {  	[sflag:s7] =	ssyncset.done $0x0  }
0x27: {  	[sflag:s7] =	ssyncadd.s32 $0xFFFFE000  }
0x28: {  	_ =	swait.ge [sflag:s7], $0x2000  }
0x29: {  	[sflag:s7] =	ssyncset.done $0x0  }
0x2a: {  	[sflag:s7] =	ssyncadd.s32 $0xFFFFE000  }
0x2b: {  	_ =	swait.ge [sflag:s7], $0x2000  }
0x2c: {  	s6 =	sadd.s32 $0x1, s6;
	s21 =	rddreg [dreg:$0xa]  }
0x2d: {  	p0 =	sne.s32 s6, s21  }
.Ltmp1:
0x2e: {  	_ = 	snop;
	(pc) =	sbr.rel @!p0 .LBB2_9-.Ltmp1, $3  }
0x2f: {  	_ =	sdelay $0x1  }
0x30: {  	[sflag:s7] =	ssyncset.done $0x0  }
0x31: {  	[sflag:s7] =	ssyncadd.s32 $0xFFFFE000  }
.LBB2_1:
0x32: {  	s5 =	simm.s32 $0x0;
	s7 =	rddreg [dreg:$0x6]  }
0x33: {  	[tilespmem:s5], [sflag:$0x1] =	stream.strided.gather [hbm4b:s7+s15], $0x2000, s16, s15, $0x38;
	[tilespmem:$0x18380] =	vst v63  }
0x34: {  	s9 =	rddreg [dreg:$0x7];
	s8 =	simm.s32 $0x4000  }
0x35: {  	[tilespmem:s8], [sflag:$0x1] =	stream.strided.gather [hbm4b:s9+s15], $0x2000, s16, s15, $0x38;
	[tilespmem:$0x18380] =	vst v63  }
0x36: {  	s10 =	rddreg [dreg:$0x8]  }
0x37: {  	[tilespmem:s18], [sflag:$0x2] =	stream.strided.gather [hbm4b:s10+s15], $0x2000, s16, s15, $0x38;
	[tilespmem:$0x18380] =	vst v63  }
0x38: {  	s13 =	rddreg [dreg:$0x9]  }
0x39: {  	[tilespmem:s19], [sflag:$0x2] =	stream.strided.gather [hbm4b:s13+s15], $0x2000, s16, s15, $0x38;
	[tilespmem:$0x18380] =	vst v63  }
0x3a: {  	s17 =	rddreg [dreg:$0x5];
	s21 =	simm.s32 $0x5  }
0x3b: {  	[tilespmem:s20], [sflag:$0x5] =	stream.linear.gather [hbm4b:s17+s5], $0x300, $0x38;
	[tilespmem:$0x18380] =	vst v63  }
0x3c: {  	_ =	swait.ge [sflag:s21], $0x300  }
0x3d: {  	[sflag:s21] =	ssyncset.done $0x0  }
0x3e: {  	[sflag:s21] =	ssyncadd.s32 $0xFFFFFD00  }
0x3f: {  	v1 =	vld [tilespmem:$0x18100]  }
0x40: {  	v2 =	vld [tilespmem:$0x18180];
	_ =	sdelay $0x5  }
0x41: {  	v3 =	vld [tilespmem:$0x18110]  }
0x42: {  	v1 =	vld.idx.msk [tilespmem:v1+s20+$0x0], $0xffff  }
0x43: {  	v2 =	vld.idx.msk [tilespmem:v2+s20+$0x0], $0xffff  }
0x44: {  	v4 =	vld [tilespmem:$0x18190];
	_ =	sdelay $0x3  }
0x45: {  	v1 =	vadd.f32 v2, v1;
	_ =	sdelay $0x1  }
0x46: {  	[tilespmem:$0x18300] =	vst v1  }
0x47: {  	v1 =	vld.idx.msk [tilespmem:v3+s20+$0x0], $0xffff  }
0x48: {  	v2 =	vld.idx.msk [tilespmem:v4+s20+$0x0], $0xffff  }
0x49: {  	v3 =	vld [tilespmem:$0x18120]  }
0x4a: {  	v58 =	vld [tilespmem:$0x181A0];
	_ =	sdelay $0x3  }
0x4b: {  	v1 =	vadd.f32 v2, v1;
	_ =	sdelay $0x1  }
0x4c: {  	[tilespmem:$0x18310] =	vst v1  }
0x4d: {  	v1 =	vld.idx.msk [tilespmem:v3+s20+$0x0], $0xffff  }
0x4e: {  	v2 =	vld.idx.msk [tilespmem:v58+s20+$0x0], $0xffff  }
0x4f: {  	v3 =	vld [tilespmem:$0x18130]  }
0x50: {  	v59 =	vld [tilespmem:$0x181B0];
	_ =	sdelay $0x3  }
0x51: {  	v1 =	vadd.f32 v2, v1;
	_ =	sdelay $0x1  }
0x52: {  	[tilespmem:$0x18320] =	vst v1  }
0x53: {  	v1 =	vld.idx.msk [tilespmem:v3+s20+$0x0], $0xffff  }
0x54: {  	v2 =	vld.idx.msk [tilespmem:v59+s20+$0x0], $0xffff  }
0x55: {  	v3 =	vld [tilespmem:$0x18140]  }
0x56: {  	v60 =	vld [tilespmem:$0x181C0];
	_ =	sdelay $0x3  }
0x57: {  	v1 =	vadd.f32 v2, v1;
	_ =	sdelay $0x1  }
0x58: {  	[tilespmem:$0x18330] =	vst v1  }
0x59: {  	v1 =	vld.idx.msk [tilespmem:v3+s20+$0x0], $0xffff  }
0x5a: {  	v2 =	vld.idx.msk [tilespmem:v60+s20+$0x0], $0xffff  }
0x5b: {  	v3 =	vld [tilespmem:$0x18150]  }
0x5c: {  	v61 =	vld [tilespmem:$0x181D0];
	_ =	sdelay $0x3  }
0x5d: {  	v1 =	vadd.f32 v2, v1;
	_ =	sdelay $0x1  }
0x5e: {  	[tilespmem:$0x18340] =	vst v1  }
0x5f: {  	v1 =	vld.idx.msk [tilespmem:v3+s20+$0x0], $0xffff  }
0x60: {  	v2 =	vld.idx.msk [tilespmem:v61+s20+$0x0], $0xffff  }
0x61: {  	v3 =	vld [tilespmem:$0x18160]  }
0x62: {  	v62 =	vld [tilespmem:$0x181E0];
	_ =	sdelay $0x3  }
0x63: {  	v1 =	vadd.f32 v2, v1;
	_ =	sdelay $0x1  }
0x64: {  	[tilespmem:$0x18350] =	vst v1  }
0x65: {  	v1 =	vld.idx.msk [tilespmem:v3+s20+$0x0], $0xffff  }
0x66: {  	v2 =	vld.idx.msk [tilespmem:v62+s20+$0x0], $0xffff  }
0x67: {  	v3 =	vld [tilespmem:$0x18170]  }
0x68: {  	v63 =	vld [tilespmem:$0x181F0];
	_ =	sdelay $0x3  }
0x69: {  	v1 =	vadd.f32 v2, v1;
	_ =	sdelay $0x1  }
0x6a: {  	[tilespmem:$0x18360] =	vst v1  }
0x6b: {  	v1 =	vld.idx.msk [tilespmem:v3+s20+$0x0], $0xffff  }
0x6c: {  	v2 =	vld.idx.msk [tilespmem:v63+s20+$0x0], $0xffff;
	_ =	sdelay $0x4  }
0x6d: {  	v1 =	vadd.f32 v2, v1;
	_ =	sdelay $0x1  }
0x6e: {  	s7 =	simm.s32 $0x0;
	[tilespmem:$0x18370] =	vst v1  }
.LBB2_2:
0x6f: {  	_ =	swait.ge [sflag:s22], $0x2000  }
0x70: {  	[sflag:s22] =	ssyncset.done $0x0  }
0x71: {  	[sflag:s22] =	ssyncadd.s32 $0xFFFFE000  }
0x72: {  	_ =	swait.ge [sflag:s22], $0x2000  }
0x73: {  	p0 =	seq.s32 s7, $0x0;
	[sflag:s22] =	ssyncset.done $0x0  }
0x74: {  	s8 =	simm.s32 @!p0 $0x3;
	[sflag:s22] =	ssyncadd.s32 $0xFFFFE000  }
0x75: {  	_ =	swait.ge @!p0 [sflag:s8], $0x2000  }
0x76: {  	[sflag:s8] =	ssyncset.done @!p0 $0x0  }
0x77: {  	[sflag:s8] =	ssyncadd.s32 @!p0 $0xFFFFE000  }
0x78: {  	_ =	swait.ge @!p0 [sflag:s8], $0x2000  }
0x79: {  	[sflag:s8] =	ssyncset.done @!p0 $0x0  }
0x7a: {  	[sflag:s8] =	ssyncadd.s32 @!p0 $0xFFFFE000  }
0x7b: {  	_ =	swait.ge @!p0 [sflag:s8], $0x2000  }
0x7c: {  	[sflag:s8] =	ssyncset.done @!p0 $0x0  }
0x7d: {  	[sflag:s8] =	ssyncadd.s32 @!p0 $0xFFFFE000  }
0x7e: {  	_ =	swait.ge @!p0 [sflag:s8], $0x2000  }
0x7f: {  	[sflag:s8] =	ssyncset.done @!p0 $0x0  }
0x80: {  	s10 =	simm.s32 $0x0;
	[sflag:s8] =	ssyncadd.s32 @!p0 $0xFFFFE000  }
0x81: {  	v1 =	vld [tilespmem:s10+$0x70]  }
0x82: {  	v2 =	vld [tilespmem:s10+$0x0]  }
0x83: {  	v3 =	vld [tilespmem:s10+$0x10]  }
0x84: {  	v4 =	vld [tilespmem:s10+$0x20]  }
0x85: {  	v5 =	vld [tilespmem:s10+$0x30]  }
0x86: {  	v6 =	vld [tilespmem:s10+$0x40]  }
0x87: {  	v7 =	vld [tilespmem:s10+$0x50]  }
0x88: {  	v8 =	vld [tilespmem:s10+$0x60]  }
0x89: {  	v10 =	vld [tilespmem:s10+$0x4000];
	v1 =	vcvt.s32.f32 v1  }
0x8a: {  	v12 =	vld [tilespmem:s10+$0x4010]  }
0x8b: {  	v14 =	vld [tilespmem:s10+$0x4020];
	v3 =	vcvt.s32.f32 v3;
	v9 =	vshra.s32 v1, $0x17  }
0x8c: {  	v21 =	vld [tilespmem:s10+$0x4070]  }
0x8d: {  	v16 =	vld [tilespmem:s10+$0x4030];
	v13 =	vshra.s32 v3, $0x17  }
0x8e: {  	v23 =	vld [tilespmem:s10+$0x4040];
	v2 =	vcvt.s32.f32 v2;
	v5 =	vcvt.s32.f32 v5  }
0x8f: {  	v24 =	vld [tilespmem:s10+$0x4050];
	v4 =	vcvt.s32.f32 v4;
	v6 =	vcvt.s32.f32 v6  }
0x90: {  	v7 =	vcvt.s32.f32 v7;
	v8 =	vcvt.s32.f32 v8;
	v17 =	vshra.s32 v5, $0x17;
	v9 =	vld.idx.msk [tilespmem:v9+s20+$0x0], $0xffff  }
0x91: {  	vm1 =	vgt.s32 v10, $0x0;
	vm9 =	vgt.s32 v21, $0x0;
	v11 =	vshra.s32 v2, $0x17  }
0x92: {  	vm10 =	vgt.s32 v12, $0x0;
	vm11 =	vgt.s32 v14, $0x0;
	v20 =	vld.idx.msk [tilespmem:v13+s20+$0x0], $0xffff;
	v13 =	vshra.s32 v8, $0x17  }
0x93: {  	v25 =	vld [tilespmem:s10+$0x4060];
	vm12 =	vgt.s32 v16, $0x0;
	vm6 =	vgt.s32 v23, $0x0;
	v18 =	vshra.s32 v6, $0x17  }
0x94: {  	v53 =	vld [tilespmem:s10+$0x4080];
	vm7 =	vgt.s32 v24, $0x0;
	v10 =	vnsel vm1, $0x0, v10;
	v15 =	vshra.s32 v4, $0x17  }
0x95: {  	v23 =	vnsel vm6, $0x0, v23;
	v19 =	vshra.s32 v7, $0x17;
	v22 =	vld.idx.msk [tilespmem:v17+s20+$0x0], $0xffff;
	v17 =	vand.u32 $0xFFFFFFF8, v9  }
0x96: {  	v24 =	vnsel vm7, $0x0, v24;
	v23 =	vmin.u32 v23, $0x2;
	v11 =	vld.idx.msk [tilespmem:v11+s20+$0x0], $0xffff;
	vm0 =	vge.f32 v1, v17  }
0x97: {  	v24 =	vmin.u32 v24, $0x2;
	v9 =	vand.u32 $0x7, v9;
	v1 =	vld.idx.msk [tilespmem:v13+s20+$0x0], $0xffff;
	v13 =	vsel vm0, $0x1, v0  }
0x98: {  	v18 =	vld.idx.msk [tilespmem:v18+s20+$0x0], $0xffff;
	v9 =	vadd.s32 v13, v9;
	v13 =	vnsel vm9, $0x0, v21;
	v21 =	vmin.u32 v10, $0x2  }
0x99: {  	v15 =	vld.idx.msk [tilespmem:v15+s20+$0x0], $0xffff;
	v10 =	vnsel vm10, $0x0, v12;
	v17 =	vmul.u32 $0x3, v9;
	v12 =	vmin.u32 v13, $0x2  }
0x9a: {  	v19 =	vld.idx.msk [tilespmem:v19+s20+$0x0], $0xffff;
	v27 =	vmin.u32 v10, $0x2;
	v10 =	vnsel vm11, $0x0, v14;
	v13 =	vnsel vm12, $0x0, v16  }
0x9b: {  	v54 =	vld [tilespmem:s10+$0x4090];
	v16 =	vand.u32 $0xFFFFFFF8, v20;
	v28 =	vmin.u32 v10, $0x2;
	v29 =	vmin.u32 v13, $0x2  }
0x9c: {  	v9 =	vld [tilespmem:s10+$0x80];
	v10 =	vand.u32 $0xFFFFFFF8, v11;
	v11 =	vand.u32 $0x7, v11;
	vm14 =	vge.f32 v3, v16  }
0x9d: {  	v14 =	vld [tilespmem:s10+$0xB0];
	v3 =	vand.u32 $0xFFFFFFF8, v18;
	v18 =	vand.u32 $0x7, v18;
	v26 =	vadd.s32 v12, v17  }
0x9e: {  	v13 =	vld [tilespmem:s10+$0xA0];
	v17 =	vand.u32 $0xFFFFFFF8, v15;
	vm13 =	vge.f32 v2, v10;
	v2 =	vand.u32 $0xFFFFFFF8, v22  }
0x9f: {  	v16 =	vld [tilespmem:s10+$0xE0];
	vm4 =	vge.f32 v6, v3;
	v3 =	vand.u32 $0xFFFFFFF8, v19;
	v15 =	vand.u32 $0x7, v15  }
0xa0: {  	v12 =	vld [tilespmem:s10+$0x90];
	v22 =	vand.u32 $0x7, v22;
	v19 =	vand.u32 $0x7, v19;
	vm2 =	vge.f32 v4, v17  }
0xa1: {  	v10 =	vld [tilespmem:s10+$0xC0];
	vm3 =	vge.f32 v5, v2;
	vm15 =	vge.f32 v7, v3;
	v3 =	vand.u32 $0xFFFFFFF8, v1  }
0xa2: {  	v6 =	vld [tilespmem:s10+$0x40A0];
	v31 =	vadd.s32 $0x15, v26;
	v34 =	vsel vm4, $0x1, v0;
	v1 =	vand.u32 $0x7, v1  }
0xa3: {  	v17 =	vld [tilespmem:s10+$0xD0];
	v33 =	vsel vm2, $0x1, v0;
	vm5 =	vge.f32 v8, v3;
	v3 =	vsel vm3, $0x1, v0  }
0xa4: {  	v35 =	vsel vm15, $0x1, v0;
	v8 =	vand.u32 $0x7, v20;
	v18 =	vadd.s32 v34, v18;
	v2 =	vld.idx.msk [tilespmem:v26+s23+$0x0], $0xffff  }
0xa5: {  	v7 =	vld [tilespmem:s10+$0x40B0];
	v20 =	vsel vm5, $0x1, v0;
	v3 =	vadd.s32 v3, v22;
	v18 =	vmul.u32 $0x3, v18  }
0xa6: {  	v55 =	vadd.s32 v33, v15;
	v19 =	vadd.s32 v35, v19;
	v15 =	vld [tilespmem:s10+$0x40E0];
	v56 =	vmul.u32 $0x3, v3  }
0xa7: {  	v20 =	vadd.s32 v20, v1;
	v1 =	vld [tilespmem:s10+$0x100];
	v19 =	vmul.u32 $0x3, v19;
	v18 =	vadd.s32 v23, v18  }
0xa8: {  	v32 =	vsel vm14, $0x1, v0;
	v30 =	vsel vm13, $0x1, v0;
	v3 =	vld [tilespmem:s10+$0x120];
	v29 =	vadd.s32 v29, v56  }
0xa9: {  	v19 =	vadd.s32 v24, v19;
	[tilespmem:s10+$0x8070] =	vst v2;
	v2 =	vadd.s32 v30, v11;
	v30 =	vadd.s32 v32, v8;
	v8 =	vld [tilespmem:s10+$0x40C0]  }
0xaa: {  	v31 =	vld.idx.msk [tilespmem:v31+s23+$0x0], $0xffff  }
0xab: {  	v22 =	vadd.s32 $0x2A, v26;
	v11 =	vld [tilespmem:s10+$0x40D0];
	v2 =	vmul.u32 $0x3, v2  }
0xac: {  	v59 =	vld.idx.msk [tilespmem:v18+s23+$0x0], $0xffff;
	v30 =	vmul.u32 $0x3, v30  }
0xad: {  	v57 =	vld.idx.msk [tilespmem:v29+s23+$0x0], $0xffff;
	v21 =	vadd.s32 v21, v2  }
0xae: {  	v32 =	vmul.u32 $0x3, v55;
	v36 =	vld.idx.msk [tilespmem:v19+s23+$0x0], $0xffff;
	v27 =	vadd.s32 v27, v30  }
0xaf: {  	vm8 =	vgt.s32 v25, $0x0;
	v38 =	vadd.s32 $0x15, v18;
	v30 =	vld [tilespmem:s10+$0xF0];
	[tilespmem:s10+$0xA070] =	vst v31  }
0xb0: {  	v25 =	vnsel vm8, $0x0, v25;
	v20 =	vmul.u32 $0x3, v20;
	v28 =	vadd.s32 v28, v32;
	v22 =	vld.idx.msk [tilespmem:v22+s23+$0x0], $0xffff  }
0xb1: {  	v25 =	vmin.u32 v25, $0x2;
	v26 =	vadd.s32 $0x3F, v26;
	v2 =	vld [tilespmem:s10+$0x110]  }
0xb2: {  	v20 =	vadd.s32 v25, v20;
	v23 =	vld.idx.msk [tilespmem:v21+s23+$0x0], $0xffff  }
0xb3: {  	[tilespmem:s10+$0x8040] =	vst v59;
	v31 =	vadd.s32 $0x15, v21;
	v24 =	vld.idx.msk [tilespmem:v27+s23+$0x0], $0xffff  }
0xb4: {  	v60 =	vadd.s32 $0x15, v29;
	v42 =	vld.idx.msk [tilespmem:v38+s23+$0x0], $0xffff  }
0xb5: {  	v58 =	vadd.s32 $0x15, v27;
	v25 =	vld.idx.msk [tilespmem:v28+s23+$0x0], $0xffff;
	v30 =	vcvt.s32.f32 v30;
	[tilespmem:s10+$0xC070] =	vst v22  }
0xb6: {  	[tilespmem:s10+$0x8030] =	vst v57;
	v22 =	vadd.s32 $0x15, v28;
	v26 =	vld.idx.msk [tilespmem:v26+s23+$0x0], $0xffff  }
0xb7: {  	v37 =	vshra.s32 v30, $0x17;
	[tilespmem:s10+$0x8000] =	vst v23;
	v23 =	vld.idx.msk [tilespmem:v20+s23+$0x0], $0xffff  }
0xb8: {  	[tilespmem:s10+$0x8010] =	vst v24;
	v24 =	vld.idx.msk [tilespmem:v31+s23+$0x0], $0xffff;
	v31 =	vadd.s32 $0x15, v19  }
0xb9: {  	v61 =	vadd.s32 $0x15, v20;
	v32 =	vld.idx.msk [tilespmem:v60+s23+$0x0], $0xffff  }
0xba: {  	[tilespmem:s10+$0x8020] =	vst v25;
	v25 =	vld.idx.msk [tilespmem:v58+s23+$0x0], $0xffff  }
0xbb: {  	v63 =	vadd.s32 $0x2A, v27;
	v22 =	vld.idx.msk [tilespmem:v22+s23+$0x0], $0xffff;
	[tilespmem:s10+$0xE070] =	vst v26  }
0xbc: {  	[tilespmem:s10+$0x8050] =	vst v36;
	v26 =	vadd.s32 $0x2A, v21;
	v62 =	vld.idx.msk [tilespmem:v37+s20+$0x0], $0xffff  }
0xbd: {  	v43 =	vadd.s32 $0x2A, v28;
	[tilespmem:s10+$0x8060] =	vst v23;
	v23 =	vld.idx.msk [tilespmem:v31+s23+$0x0], $0xffff  }
0xbe: {  	v44 =	vadd.s32 $0x2A, v18;
	v33 =	vld.idx.msk [tilespmem:v61+s23+$0x0], $0xffff;
	[tilespmem:s10+$0xA000] =	vst v24  }
0xbf: {  	v31 =	vadd.s32 $0x2A, v29;
	v24 =	vld [tilespmem:s10+$0x40F0];
	[tilespmem:s10+$0xA010] =	vst v25  }
0xc0: {  	v39 =	vadd.s32 $0x2A, v19;
	[tilespmem:s10+$0xA020] =	vst v22;
	v22 =	vld.idx.msk [tilespmem:v63+s23+$0x0], $0xffff  }
0xc1: {  	[tilespmem:s10+$0xA040] =	vst v42;
	v25 =	vld.idx.msk [tilespmem:v26+s23+$0x0], $0xffff;
	v26 =	vadd.s32 $0x2A, v20  }
0xc2: {  	[tilespmem:s10+$0xA030] =	vst v32;
	v21 =	vadd.s32 $0x3F, v21;
	v46 =	vld.idx.msk [tilespmem:v43+s23+$0x0], $0xffff  }
0xc3: {  	v28 =	vadd.s32 $0x3F, v28;
	v45 =	vand.u32 $0xFFFFFFF8, v62;
	[tilespmem:s10+$0xA050] =	vst v23;
	v23 =	vld.idx.msk [tilespmem:v44+s23+$0x0], $0xffff  }
0xc4: {  	v27 =	vadd.s32 $0x3F, v27;
	vm9 =	vge.f32 v30, v45;
	v30 =	vld.idx.msk [tilespmem:v31+s23+$0x0], $0xffff  }
0xc5: {  	v18 =	vadd.s32 $0x3F, v18;
	[tilespmem:s10+$0xA060] =	vst v33;
	v31 =	vand.u32 $0x7, v62;
	v48 =	vld.idx.msk [tilespmem:v39+s23+$0x0], $0xffff;
	v47 =	vsel vm9, $0x1, v0  }
0xc6: {  	v29 =	vadd.s32 $0x3F, v29;
	vm10 =	vgt.s32 v24, $0x0;
	v31 =	vadd.s32 v47, v31;
	[tilespmem:s10+$0xC000] =	vst v25;
	v25 =	vld.idx.msk [tilespmem:v26+s23+$0x0], $0xffff  }
0xc7: {  	v19 =	vadd.s32 $0x3F, v19;
	v24 =	vnsel vm10, $0x0, v24;
	v31 =	vmul.u32 $0x3, v31;
	[tilespmem:s10+$0xC020] =	vst v46;
	v21 =	vld.idx.msk [tilespmem:v21+s23+$0x0], $0xffff  }
0xc8: {  	v9 =	vcvt.s32.f32 v9;
	v20 =	vadd.s32 $0x3F, v20;
	v24 =	vmin.u32 v24, $0x2;
	[tilespmem:s10+$0xC010] =	vst v22;
	v26 =	vld.idx.msk [tilespmem:v28+s23+$0x0], $0xffff  }
0xc9: {  	v12 =	vcvt.s32.f32 v12;
	[tilespmem:s10+$0xC040] =	vst v23;
	v22 =	vadd.s32 v24, v31;
	v24 =	vld.idx.msk [tilespmem:v27+s23+$0x0], $0xffff  }
0xca: {  	[tilespmem:s10+$0xC030] =	vst v30;
	v27 =	vcvt.s32.f32 v13;
	v13 =	vshra.s32 v9, $0x17;
	v18 =	vld.idx.msk [tilespmem:v18+s23+$0x0], $0xffff  }
0xcb: {  	v14 =	vcvt.s32.f32 v14;
	v23 =	vshra.s32 v12, $0x17;
	[tilespmem:s10+$0xC050] =	vst v48;
	v28 =	vld.idx.msk [tilespmem:v29+s23+$0x0], $0xffff  }
0xcc: {  	v10 =	vcvt.s32.f32 v10;
	v19 =	vld.idx.msk [tilespmem:v19+s23+$0x0], $0xffff;
	v29 =	vshra.s32 v27, $0x17;
	[tilespmem:s10+$0xC060] =	vst v25  }
0xcd: {  	vm11 =	vgt.s32 v53, $0x0;
	v17 =	vcvt.s32.f32 v17;
	v31 =	vshra.s32 v14, $0x17;
	[tilespmem:s10+$0xE000] =	vst v21;
	v20 =	vld.idx.msk [tilespmem:v20+s23+$0x0], $0xffff  }
0xce: {  	vm12 =	vgt.s32 v54, $0x0;
	v4 =	vnsel vm11, $0x0, v53;
	v25 =	vshra.s32 v10, $0x17;
	[tilespmem:s10+$0xE020] =	vst v26;
	v30 =	vld.idx.msk [tilespmem:v22+s23+$0x0], $0xffff  }
0xcf: {  	v5 =	vnsel vm12, $0x0, v54;
	v4 =	vmin.u32 v4, $0x2;
	[tilespmem:s10+$0xE010] =	vst v24;
	v13 =	vld.idx.msk [tilespmem:v13+s20+$0x0], $0xffff;
	v24 =	vshra.s32 v17, $0x17  }
0xd0: {  	v16 =	vcvt.s32.f32 v16;
	vm13 =	vgt.s32 v6, $0x0;
	v21 =	vadd.s32 $0x15, v22;
	[tilespmem:s10+$0xE040] =	vst v18;
	v23 =	vld.idx.msk [tilespmem:v23+s20+$0x0], $0xffff  }
0xd1: {  	v5 =	vmin.u32 v5, $0x2;
	vm14 =	vgt.s32 v7, $0x0;
	v6 =	vnsel vm13, $0x0, v6;
	[tilespmem:s10+$0xE030] =	vst v28;
	v28 =	vld.idx.msk [tilespmem:v29+s20+$0x0], $0xffff  }
0xd2: {  	v7 =	vnsel vm14, $0x0, v7;
	vm5 =	vgt.s32 v11, $0x0;
	v26 =	vshra.s32 v16, $0x17;
	[tilespmem:s10+$0xE050] =	vst v19;
	v29 =	vld.idx.msk [tilespmem:v31+s20+$0x0], $0xffff  }
0xd3: {  	v6 =	vmin.u32 v6, $0x2;
	vm6 =	vgt.s32 v15, $0x0;
	v19 =	vld.idx.msk [tilespmem:v25+s20+$0x0], $0xffff;
	v25 =	vnsel vm5, $0x0, v11;
	[tilespmem:s10+$0xE060] =	vst v20  }
0xd4: {  	vm15 =	vgt.s32 v8, $0x0;
	v31 =	vmin.u32 v7, $0x2;
	v25 =	vmin.u32 v25, $0x2;
	[tilespmem:s10+$0x80F0] =	vst v30;
	v20 =	vld.idx.msk [tilespmem:v24+s20+$0x0], $0xffff  }
0xd5: {  	v24 =	vnsel vm15, $0x0, v8;
	v30 =	vnsel vm6, $0x0, v15;
	v7 =	vand.u32 $0xFFFFFFF8, v13;
	v18 =	vld.idx.msk [tilespmem:v21+s23+$0x0], $0xffff  }
0xd6: {  	v11 =	vld [tilespmem:s10+$0x140];
	v49 =	vand.u32 $0x7, v13;
	v21 =	vadd.s32 $0x2A, v22;
	v24 =	vmin.u32 v24, $0x2  }
0xd7: {  	v26 =	vld.idx.msk [tilespmem:v26+s20+$0x0], $0xffff;
	v15 =	vand.u32 $0xFFFFFFF8, v23;
	vm4 =	vge.f32 v9, v7;
	v22 =	vadd.s32 $0x3F, v22  }
0xd8: {  	v8 =	vld [tilespmem:s10+$0x130];
	vm5 =	vge.f32 v12, v15;
	v7 =	vand.u32 $0xFFFFFFF8, v28;
	v28 =	vand.u32 $0x7, v28  }
0xd9: {  	v13 =	vld [tilespmem:s10+$0x150];
	v50 =	vsel vm5, $0x1, v0;
	vm6 =	vge.f32 v27, v7;
	v7 =	vand.u32 $0xFFFFFFF8, v29  }
0xda: {  	v27 =	vld [tilespmem:s10+$0x170];
	v29 =	vand.u32 $0x7, v29;
	v12 =	vand.u32 $0xFFFFFFF8, v19;
	v19 =	vand.u32 $0x7, v19;
	[tilespmem:s10+$0xA0F0] =	vst v18  }
0xdb: {  	v51 =	vsel vm6, $0x1, v0;
	vm7 =	vge.f32 v14, v7;
	vm8 =	vge.f32 v10, v12;
	v21 =	vld.idx.msk [tilespmem:v21+s23+$0x0], $0xffff  }
0xdc: {  	v9 =	vld [tilespmem:s10+$0x4110];
	v12 =	vand.u32 $0xFFFFFFF8, v20;
	v14 =	vand.u32 $0xFFFFFFF8, v26;
	v53 =	vsel vm8, $0x1, v0  }
0xdd: {  	v15 =	vld [tilespmem:s10+$0x160];
	v18 =	vand.u32 $0x7, v23;
	v23 =	vsel vm4, $0x1, v0;
	v19 =	vadd.s32 v53, v19  }
0xde: {  	v7 =	vld [tilespmem:s10+$0x4100];
	vm9 =	vge.f32 v17, v12;
	v17 =	vadd.s32 v23, v49;
	v19 =	vmul.u32 $0x3, v19  }
0xdf: {  	v10 =	vld [tilespmem:s10+$0x4120];
	v52 =	vsel vm7, $0x1, v0;
	vm10 =	vge.f32 v16, v14;
	v17 =	vmul.u32 $0x3, v17  }
0xe0: {  	v12 =	vld [tilespmem:s10+$0x4130];
	v16 =	vadd.s32 v50, v18;
	v23 =	vcvt.s32.f32 v27;
	v19 =	vadd.s32 v24, v19;
	[tilespmem:s10+$0xC0F0] =	vst v21  }
0xe1: {  	v20 =	vand.u32 $0x7, v20;
	v27 =	vmul.u32 $0x3, v16;
	v54 =	vadd.s32 v4, v17;
	v22 =	vld.idx.msk [tilespmem:v22+s23+$0x0], $0xffff  }
0xe2: {  	v14 =	vld [tilespmem:s10+$0x4140];
	v18 =	vadd.s32 v51, v28;
	v28 =	vshra.s32 v23, $0x17;
	v21 =	vsel vm9, $0x1, v0  }
0xe3: {  	v16 =	vld [tilespmem:s10+$0x4150];
	v18 =	vmul.u32 $0x3, v18;
	v27 =	vadd.s32 v5, v27;
	v20 =	vadd.s32 v21, v20  }
0xe4: {  	v26 =	vand.u32 $0x7, v26;
	v29 =	vadd.s32 v52, v29;
	v17 =	vld [tilespmem:s10+$0x4160];
	v20 =	vmul.u32 $0x3, v20  }
0xe5: {  	v29 =	vmul.u32 $0x3, v29;
	v55 =	vsel vm10, $0x1, v0;
	v18 =	vadd.s32 v6, v18;
	v58 =	vld.idx.msk [tilespmem:v19+s23+$0x0], $0xffff  }
0xe6: {  	v21 =	vadd.s32 v55, v26;
	v24 =	vld.idx.msk [tilespmem:v54+s23+$0x0], $0xffff;
	v20 =	vadd.s32 v25, v20;
	[tilespmem:s10+$0xE0F0] =	vst v22  }
0xe7: {  	v21 =	vmul.u32 $0x3, v21;
	v22 =	vadd.s32 v31, v29;
	v26 =	vld.idx.msk [tilespmem:v28+s20+$0x0], $0xffff  }
0xe8: {  	v25 =	vld.idx.msk [tilespmem:v27+s23+$0x0], $0xffff;
	v29 =	vadd.s32 $0x15, v54;
	v28 =	vmin.u32 v30, $0x2  }
0xe9: {  	v30 =	vld [tilespmem:s10+$0x4170];
	v21 =	vadd.s32 v28, v21  }
0xea: {  	v31 =	vadd.s32 $0x15, v27;
	v28 =	vld.idx.msk [tilespmem:v18+s23+$0x0], $0xffff  }
0xeb: {  	v57 =	vadd.s32 $0x15, v18;
	v61 =	vld.idx.msk [tilespmem:v20+s23+$0x0], $0xffff  }
0xec: {  	v62 =	vadd.s32 $0x15, v20;
	[tilespmem:s10+$0x8080] =	vst v24;
	v56 =	vld.idx.msk [tilespmem:v22+s23+$0x0], $0xffff;
	v59 =	vand.u32 $0xFFFFFFF8, v26  }
0xed: {  	v60 =	vadd.s32 $0x15, v22;
	[tilespmem:s10+$0x8090] =	vst v25;
	v25 =	vld.idx.msk [tilespmem:v29+s23+$0x0], $0xffff;
	vm11 =	vge.f32 v23, v59  }
0xee: {  	v26 =	vand.u32 $0x7, v26;
	v23 =	vadd.s32 $0x15, v19;
	v24 =	vld.idx.msk [tilespmem:v21+s23+$0x0], $0xffff;
	v36 =	vsel vm11, $0x1, v0  }
0xef: {  	vm12 =	vgt.s32 v30, $0x0;
	[tilespmem:s10+$0x80A0] =	vst v28;
	v28 =	vld.idx.msk [tilespmem:v31+s23+$0x0], $0xffff;
	v31 =	vadd.s32 $0x2A, v54;
	v26 =	vadd.s32 v36, v26  }
0xf0: {  	v29 =	vadd.s32 $0x15, v21;
	v30 =	vnsel vm12, $0x0, v30;
	v34 =	vld.idx.msk [tilespmem:v57+s23+$0x0], $0xffff;
	[tilespmem:s10+$0x80D0] =	vst v61;
	v26 =	vmul.u32 $0x3, v26  }
0xf1: {  	v63 =	vadd.s32 $0x2A, v18;
	v30 =	vmin.u32 v30, $0x2;
	v40 =	vld.idx.msk [tilespmem:v62+s23+$0x0], $0xffff;
	[tilespmem:s10+$0x80B0] =	vst v56  }
0xf2: {  	[tilespmem:s10+$0x80C0] =	vst v58;
	v33 =	vld.idx.msk [tilespmem:v60+s23+$0x0], $0xffff;
	v26 =	vadd.s32 v30, v26  }
0xf3: {  	[tilespmem:s10+$0xA080] =	vst v25;
	v30 =	vadd.s32 $0x2A, v27;
	v23 =	vld.idx.msk [tilespmem:v23+s23+$0x0], $0xffff  }
0xf4: {  	[tilespmem:s10+$0x80E0] =	vst v24;
	v24 =	vadd.s32 $0x2A, v22;
	v31 =	vld.idx.msk [tilespmem:v31+s23+$0x0], $0xffff  }
0xf5: {  	v25 =	vld.idx.msk [tilespmem:v29+s23+$0x0], $0xffff;
	v29 =	vadd.s32 $0x2A, v19;
	[tilespmem:s10+$0xA0A0] =	vst v34  }
0xf6: {  	v41 =	vadd.s32 $0x2A, v20;
	[tilespmem:s10+$0xA090] =	vst v28;
	v43 =	vld.idx.msk [tilespmem:v63+s23+$0x0], $0xffff  }
0xf7: {  	v42 =	vadd.s32 $0x2A, v21;
	[tilespmem:s10+$0xA0D0] =	vst v40;
	v28 =	vld.idx.msk [tilespmem:v26+s23+$0x0], $0xffff  }
0xf8: {  	v18 =	vadd.s32 $0x3F, v18;
	[tilespmem:s10+$0xA0B0] =	vst v33;
	v30 =	vld.idx.msk [tilespmem:v30+s23+$0x0], $0xffff  }
0xf9: {  	v32 =	vadd.s32 $0x3F, v54;
	[tilespmem:s10+$0xA0C0] =	vst v23;
	v23 =	vld.idx.msk [tilespmem:v24+s23+$0x0], $0xffff  }
0xfa: {  	v44 =	vadd.s32 $0x15, v26;
	v24 =	vadd.s32 $0x3F, v27;
	[tilespmem:s10+$0xC080] =	vst v31;
	v27 =	vld.idx.msk [tilespmem:v29+s23+$0x0], $0xffff  }
0xfb: {  	[tilespmem:s10+$0xA0E0] =	vst v25;
	v25 =	vld.idx.msk [tilespmem:v41+s23+$0x0], $0xffff  }
0xfc: {  	v22 =	vadd.s32 $0x3F, v22;
	v29 =	vld.idx.msk [tilespmem:v42+s23+$0x0], $0xffff;
	[tilespmem:s10+$0xC0A0] =	vst v43  }
0xfd: {  	v1 =	vcvt.s32.f32 v1;
	v18 =	vld.idx.msk [tilespmem:v18+s23+$0x0], $0xffff;
	[tilespmem:s10+$0x8170] =	vst v28  }
0xfe: {  	v19 =	vadd.s32 $0x3F, v19;
	[tilespmem:s10+$0xC090] =	vst v30;
	v30 =	vld.idx.msk [tilespmem:v32+s23+$0x0], $0xffff  }
0xff: {  	v2 =	vcvt.s32.f32 v2;
	[tilespmem:s10+$0xC0B0] =	vst v23;
	v23 =	vshra.s32 v1, $0x17;
	v28 =	vld.idx.msk [tilespmem:v44+s23+$0x0], $0xffff  }
0x100: {  	v31 =	vadd.s32 $0x2A, v26;
	v24 =	vld.idx.msk [tilespmem:v24+s23+$0x0], $0xffff;
	[tilespmem:s10+$0xC0C0] =	vst v27  }
0x101: {  	v11 =	vcvt.s32.f32 v11;
	v22 =	vld.idx.msk [tilespmem:v22+s23+$0x0], $0xffff;
	v27 =	vshra.s32 v2, $0x17;
	[tilespmem:s10+$0xC0D0] =	vst v25  }
0x102: {  	v3 =	vcvt.s32.f32 v3;
	v8 =	vcvt.s32.f32 v8;
	v21 =	vadd.s32 $0x3F, v21;
	v25 =	vld [tilespmem:s10+$0x1F0];
	[tilespmem:s10+$0xC0E0] =	vst v29  }
0x103: {  	v13 =	vcvt.s32.f32 v13;
	v46 =	vshra.s32 v11, $0x17;
	vm14 =	vgt.s32 v9, $0x0;
	v19 =	vld.idx.msk [tilespmem:v19+s23+$0x0], $0xffff;
	[tilespmem:s10+$0xE080] =	vst v30  }
0x104: {  	v15 =	vcvt.s32.f32 v15;
	v9 =	vnsel vm14, $0x0, v9;
	v20 =	vadd.s32 $0x3F, v20;
	[tilespmem:s10+$0xA170] =	vst v28;
	v23 =	vld.idx.msk [tilespmem:v23+s20+$0x0], $0xffff  }
0x105: {  	v45 =	vshra.s32 v8, $0x17;
	v9 =	vmin.u32 v9, $0x2;
	[tilespmem:s10+$0xE090] =	vst v24;
	v28 =	vld.idx.msk [tilespmem:v31+s23+$0x0], $0xffff;
	v31 =	vshra.s32 v3, $0x17  }
0x106: {  	vm13 =	vgt.s32 v7, $0x0;
	vm15 =	vgt.s32 v10, $0x0;
	v26 =	vadd.s32 $0x3F, v26;
	[tilespmem:s10+$0xE0A0] =	vst v18;
	v18 =	vld.idx.msk [tilespmem:v27+s20+$0x0], $0xffff  }
0x107: {  	v47 =	vshra.s32 v15, $0x17;
	v7 =	vnsel vm13, $0x0, v7;
	v10 =	vnsel vm15, $0x0, v10;
	v21 =	vld.idx.msk [tilespmem:v21+s23+$0x0], $0xffff  }
0x108: {  	v4 =	vld [tilespmem:s10+$0x180];
	vm10 =	vgt.s32 v14, $0x0;
	v7 =	vmin.u32 v7, $0x2;
	v10 =	vmin.u32 v10, $0x2  }
0x109: {  	vm9 =	vgt.s32 v12, $0x0;
	v14 =	vnsel vm10, $0x0, v14;
	v20 =	vld.idx.msk [tilespmem:v20+s23+$0x0], $0xffff;
	v25 =	vcvt.s32.f32 v25;
	[tilespmem:s10+$0xE0B0] =	vst v22  }
0x10a: {  	v12 =	vnsel vm9, $0x0, v12;
	v29 =	vshra.s32 v13, $0x17;
	v27 =	vand.u32 $0xFFFFFFF8, v23;
	v24 =	vld.idx.msk [tilespmem:v31+s20+$0x0], $0xffff;
	[tilespmem:s10+$0xC170] =	vst v28  }
0x10b: {  	[tilespmem:s10+$0xE0C0] =	vst v19;
	v22 =	vshra.s32 v25, $0x17;
	vm13 =	vge.f32 v1, v27;
	v1 =	vand.u32 $0xFFFFFFF8, v18;
	v26 =	vld.idx.msk [tilespmem:v26+s23+$0x0], $0xffff  }
0x10c: {  	v19 =	vld.idx.msk [tilespmem:v45+s20+$0x0], $0xffff;
	[tilespmem:s10+$0xE0E0] =	vst v21;
	v21 =	vand.u32 $0x7, v23;
	vm14 =	vge.f32 v2, v1;
	v2 =	vsel vm13, $0x1, v0  }
0x10d: {  	v5 =	vld [tilespmem:s10+$0x190];
	v14 =	vmin.u32 v14, $0x2;
	v12 =	vmin.u32 v12, $0x2;
	v2 =	vadd.s32 v2, v21  }
0x10e: {  	vm12 =	vgt.s32 v17, $0x0;
	vm11 =	vgt.s32 v16, $0x0;
	[tilespmem:s10+$0xE0D0] =	vst v20;
	v20 =	vld.idx.msk [tilespmem:v46+s20+$0x0], $0xffff;
	v2 =	vmul.u32 $0x3, v2  }
0x10f: {  	v17 =	vnsel vm12, $0x0, v17;
	v16 =	vnsel vm11, $0x0, v16;
	v23 =	vld.idx.msk [tilespmem:v29+s20+$0x0], $0xffff;
	v18 =	vand.u32 $0x7, v18  }
0x110: {  	v27 =	vld.idx.msk [tilespmem:v47+s20+$0x0], $0xffff;
	v1 =	vand.u32 $0xFFFFFFF8, v24;
	v7 =	vadd.s32 v7, v2;
	[tilespmem:s10+$0xE170] =	vst v26;
	v26 =	vsel vm14, $0x1, v0  }
0x111: {  	vm15 =	vge.f32 v3, v1;
	v3 =	vand.u32 $0xFFFFFFF8, v19;
	v1 =	vld.idx.msk [tilespmem:v22+s20+$0x0], $0xffff;
	v22 =	vand.u32 $0x7, v24  }
0x112: {  	v6 =	vld [tilespmem:s10+$0x1A0];
	v24 =	vsel vm15, $0x1, v0;
	vm4 =	vge.f32 v8, v3;
	v3 =	vand.u32 $0x7, v19  }
0x113: {  	v30 =	vld [tilespmem:s10+$0x1C0];
	v8 =	vand.u32 $0xFFFFFFF8, v20;
	v20 =	vand.u32 $0x7, v20;
	v18 =	vadd.s32 v26, v18  }
0x114: {  	v21 =	vld [tilespmem:s10+$0x1E0];
	v19 =	vsel vm4, $0x1, v0;
	vm5 =	vge.f32 v11, v8;
	v8 =	vand.u32 $0xFFFFFFF8, v23  }
0x115: {  	v11 =	vld [tilespmem:s10+$0x41F0];
	v23 =	vand.u32 $0x7, v23;
	v22 =	vadd.s32 v24, v22;
	v18 =	vmul.u32 $0x3, v18  }
0x116: {  	v24 =	vld [tilespmem:s10+$0x41A0];
	v28 =	vsel vm5, $0x1, v0;
	vm6 =	vge.f32 v13, v8;
	v13 =	vand.u32 $0xFFFFFFF8, v27  }
0x117: {  	v8 =	vld [tilespmem:s10+$0x1B0];
	v3 =	vadd.s32 v19, v3;
	v19 =	vmul.u32 $0x3, v22;
	v31 =	vsel vm6, $0x1, v0  }
0x118: {  	v22 =	vld [tilespmem:s10+$0x41D0];
	vm7 =	vge.f32 v15, v13;
	v2 =	vadd.s32 v28, v20;
	v3 =	vmul.u32 $0x3, v3  }
0x119: {  	v13 =	vld [tilespmem:s10+$0x1D0];
	v9 =	vadd.s32 v9, v18;
	v18 =	vadd.s32 v31, v23;
	v2 =	vmul.u32 $0x3, v2  }
0x11a: {  	v20 =	vld [tilespmem:s10+$0x41C0];
	v10 =	vadd.s32 v10, v19;
	v29 =	vand.u32 $0xFFFFFFF8, v1;
	v1 =	vand.u32 $0x7, v1  }
0x11b: {  	v23 =	vld [tilespmem:s10+$0x41E0];
	v18 =	vmul.u32 $0x3, v18;
	v3 =	vadd.s32 v12, v3;
	v12 =	vmin.u32 v16, $0x2  }
0x11c: {  	vm8 =	vge.f32 v25, v29;
	v25 =	vand.u32 $0x7, v27;
	v27 =	vsel vm7, $0x1, v0;
	v29 =	vld [tilespmem:s10+$0x4190]  }
0x11d: {  	v15 =	vsel vm8, $0x1, v0;
	v19 =	vadd.s32 v27, v25;
	v12 =	vadd.s32 v12, v18;
	v18 =	vld.idx.msk [tilespmem:v7+s23+$0x0], $0xffff  }
0x11e: {  	v14 =	vadd.s32 v14, v2;
	v1 =	vadd.s32 v15, v1;
	v15 =	vld [tilespmem:s10+$0x4180];
	v16 =	vmul.u32 $0x3, v19  }
0x11f: {  	v17 =	vmin.u32 v17, $0x2;
	vm9 =	vgt.s32 v11, $0x0;
	v25 =	vld.idx.msk [tilespmem:v10+s23+$0x0], $0xffff  }
0x120: {  	v11 =	vnsel vm9, $0x0, v11;
	v1 =	vmul.u32 $0x3, v1;
	v16 =	vadd.s32 v17, v16;
	v17 =	vld.idx.msk [tilespmem:v9+s23+$0x0], $0xffff  }
0x121: {  	v11 =	vmin.u32 v11, $0x2;
	v19 =	vadd.s32 $0x15, v7;
	v27 =	vld.idx.msk [tilespmem:v3+s23+$0x0], $0xffff  }
0x122: {  	v28 =	vadd.s32 $0x15, v10;
	v1 =	vadd.s32 v11, v1;
	v11 =	vld [tilespmem:s10+$0x41B0]  }
0x123: {  	v31 =	vld.idx.msk [tilespmem:v14+s23+$0x0], $0xffff  }
0x124: {  	v26 =	vadd.s32 $0x15, v9;
	v49 =	vld.idx.msk [tilespmem:v12+s23+$0x0], $0xffff;
	[tilespmem:s10+$0x8100] =	vst v18  }
0x125: {  	v48 =	vadd.s32 $0x15, v3;
	[tilespmem:s10+$0x8120] =	vst v25;
	v18 =	vld.idx.msk [tilespmem:v16+s23+$0x0], $0xffff  }
0x126: {  	v50 =	vadd.s32 $0x15, v14;
	[tilespmem:s10+$0x8110] =	vst v17;
	v17 =	vld.idx.msk [tilespmem:v19+s23+$0x0], $0xffff  }
0x127: {  	v51 =	vadd.s32 $0x15, v12;
	[tilespmem:s10+$0x8130] =	vst v27;
	v27 =	vld.idx.msk [tilespmem:v28+s23+$0x0], $0xffff  }
0x128: {  	v19 =	vadd.s32 $0x15, v16;
	v2 =	vld.idx.msk [tilespmem:v1+s23+$0x0], $0xffff  }
0x129: {  	v25 =	vld.idx.msk [tilespmem:v26+s23+$0x0], $0xffff;
	v26 =	vadd.s32 $0x2A, v7  }
0x12a: {  	v28 =	vadd.s32 $0x2A, v9;
	[tilespmem:s10+$0x8140] =	vst v31;
	v31 =	vld.idx.msk [tilespmem:v48+s23+$0x0], $0xffff  }
0x12b: {  	v52 =	vadd.s32 $0x2A, v10;
	[tilespmem:s10+$0x8150] =	vst v49;
	v53 =	vld.idx.msk [tilespmem:v50+s23+$0x0], $0xffff  }
0x12c: {  	v54 =	vadd.s32 $0x2A, v3;
	[tilespmem:s10+$0x8160] =	vst v18;
	v18 =	vld.idx.msk [tilespmem:v51+s23+$0x0], $0xffff  }
0x12d: {  	v55 =	vadd.s32 $0x2A, v14;
	[tilespmem:s10+$0xA100] =	vst v17;
	v17 =	vld.idx.msk [tilespmem:v19+s23+$0x0], $0xffff  }
0x12e: {  	v19 =	vadd.s32 $0x2A, v12;
	[tilespmem:s10+$0xA110] =	vst v25;
	v25 =	vld.idx.msk [tilespmem:v26+s23+$0x0], $0xffff  }
0x12f: {  	[tilespmem:s10+$0xA120] =	vst v27;
	v26 =	vadd.s32 $0x2A, v16;
	v27 =	vld.idx.msk [tilespmem:v28+s23+$0x0], $0xffff  }
0x130: {  	v7 =	vadd.s32 $0x3F, v7;
	[tilespmem:s10+$0xA130] =	vst v31;
	v28 =	vld.idx.msk [tilespmem:v52+s23+$0x0], $0xffff  }
0x131: {  	v9 =	vadd.s32 $0x3F, v9;
	[tilespmem:s10+$0xA140] =	vst v53;
	v31 =	vld.idx.msk [tilespmem:v54+s23+$0x0], $0xffff  }
0x132: {  	v10 =	vadd.s32 $0x3F, v10;
	[tilespmem:s10+$0xA150] =	vst v18;
	v18 =	vld.idx.msk [tilespmem:v55+s23+$0x0], $0xffff  }
0x133: {  	v3 =	vadd.s32 $0x3F, v3;
	[tilespmem:s10+$0xA160] =	vst v17;
	v17 =	vld.idx.msk [tilespmem:v19+s23+$0x0], $0xffff  }
0x134: {  	v4 =	vcvt.s32.f32 v4;
	v21 =	vcvt.s32.f32 v21;
	v14 =	vadd.s32 $0x3F, v14;
	[tilespmem:s10+$0xC100] =	vst v25;
	v19 =	vld.idx.msk [tilespmem:v26+s23+$0x0], $0xffff  }
0x135: {  	v5 =	vcvt.s32.f32 v5;
	v6 =	vcvt.s32.f32 v6;
	v12 =	vadd.s32 $0x3F, v12;
	[tilespmem:s10+$0xC110] =	vst v27;
	v7 =	vld.idx.msk [tilespmem:v7+s23+$0x0], $0xffff  }
0x136: {  	v30 =	vcvt.s32.f32 v30;
	v56 =	vshra.s32 v21, $0x17;
	v16 =	vadd.s32 $0x3F, v16;
	[tilespmem:s10+$0xC120] =	vst v28;
	v9 =	vld.idx.msk [tilespmem:v9+s23+$0x0], $0xffff  }
0x137: {  	vm12 =	vgt.s32 v24, $0x0;
	v8 =	vcvt.s32.f32 v8;
	v25 =	vshra.s32 v4, $0x17;
	[tilespmem:s10+$0xC130] =	vst v31;
	v10 =	vld.idx.msk [tilespmem:v10+s23+$0x0], $0xffff  }
0x138: {  	vm15 =	vgt.s32 v22, $0x0;
	v24 =	vnsel vm12, $0x0, v24;
	v26 =	vshra.s32 v5, $0x17;
	v3 =	vld.idx.msk [tilespmem:v3+s23+$0x0], $0xffff;
	[tilespmem:s10+$0xC140] =	vst v18  }
0x139: {  	v13 =	vcvt.s32.f32 v13;
	vm14 =	vgt.s32 v20, $0x0;
	v27 =	vshra.s32 v6, $0x17;
	v14 =	vld.idx.msk [tilespmem:v14+s23+$0x0], $0xffff;
	[tilespmem:s10+$0xC150] =	vst v17  }
0x13a: {  	vm8 =	vgt.s32 v23, $0x0;
	vm13 =	vgt.s32 v11, $0x0;
	v18 =	vshra.s32 v8, $0x17;
	v12 =	vld.idx.msk [tilespmem:v12+s23+$0x0], $0xffff;
	[tilespmem:s10+$0xC160] =	vst v19  }
0x13b: {  	vm11 =	vgt.s32 v29, $0x0;
	vm10 =	vgt.s32 v15, $0x0;
	v11 =	vnsel vm13, $0x0, v11;
	[tilespmem:s10+$0xE100] =	vst v7;
	v7 =	vld.idx.msk [tilespmem:v16+s23+$0x0], $0xffff  }
0x13c: {  	v15 =	vnsel vm10, $0x0, v15;
	v11 =	vmin.u32 v11, $0x2;
	v31 =	vshra.s32 v30, $0x17;
	v16 =	vld.idx.msk [tilespmem:v25+s20+$0x0], $0xffff;
	[tilespmem:s10+$0xE110] =	vst v9  }
0x13d: {  	v28 =	vadd.s32 $0x15, v1;
	v17 =	vshra.s32 v13, $0x17;
	v19 =	vadd.s32 $0x2A, v1;
	[tilespmem:s10+$0xE120] =	vst v10;
	v25 =	vld.idx.msk [tilespmem:v26+s20+$0x0], $0xffff  }
0x13e: {  	v10 =	vnsel vm14, $0x0, v20;
	v20 =	vnsel vm15, $0x0, v22;
	v22 =	vnsel vm8, $0x0, v23;
	[tilespmem:s10+$0xE130] =	vst v3;
	v23 =	vld.idx.msk [tilespmem:v27+s20+$0x0], $0xffff  }
0x13f: {  	v1 =	vadd.s32 $0x3F, v1;
	v9 =	vnsel vm11, $0x0, v29;
	v3 =	vmin.u32 v15, $0x2;
	v18 =	vld.idx.msk [tilespmem:v18+s20+$0x0], $0xffff  }
0x140: {  	v15 =	vmin.u32 v24, $0x2;
	v9 =	vmin.u32 v9, $0x2;
	v10 =	vmin.u32 v10, $0x2;
	[tilespmem:s10+$0xE140] =	vst v14  }
0x141: {  	v14 =	vmin.u32 v20, $0x2;
	v20 =	vld.idx.msk [tilespmem:v31+s20+$0x0], $0xffff;
	[tilespmem:s10+$0xE150] =	vst v12;
	v12 =	vmin.u32 v22, $0x2;
	v22 =	vand.u32 $0xFFFFFFF8, v16  }
0x142: {  	v17 =	vld.idx.msk [tilespmem:v17+s20+$0x0], $0xffff;
	[tilespmem:s10+$0xE160] =	vst v7;
	v7 =	vand.u32 $0x7, v16;
	vm9 =	vge.f32 v4, v22;
	v57 =	vand.u32 $0xFFFFFFF8, v25  }
0x143: {  	v22 =	vand.u32 $0x7, v25;
	v58 =	vand.u32 $0xFFFFFFF8, v23;
	vm10 =	vge.f32 v5, v57  }
0x144: {  	v16 =	vld.idx.msk [tilespmem:v56+s20+$0x0], $0xffff;
	v59 =	vsel vm9, $0x1, v0;
	vm11 =	vge.f32 v6, v58;
	v60 =	vand.u32 $0xFFFFFFF8, v18  }
0x145: {  	v24 =	vsel vm10, $0x1, v0;
	v6 =	vsel vm11, $0x1, v0;
	vm12 =	vge.f32 v8, v60  }
0x146: {  	[tilespmem:s10+$0x81F0] =	vst v2;
	v5 =	vadd.s32 v59, v7;
	v25 =	vand.u32 $0xFFFFFFF8, v20;
	v8 =	vsel vm12, $0x1, v0  }
0x147: {  	v61 =	vld.idx.msk [tilespmem:v28+s23+$0x0], $0xffff;
	v5 =	vmul.u32 $0x3, v5;
	vm13 =	vge.f32 v30, v25;
	v2 =	vand.u32 $0xFFFFFFF8, v17  }
0x148: {  	v7 =	vand.u32 $0x7, v17;
	v17 =	vadd.s32 v24, v22;
	v25 =	vsel vm13, $0x1, v0  }
0x149: {  	vm14 =	vge.f32 v13, v2;
	v2 =	vand.u32 $0xFFFFFFF8, v16;
	v13 =	vand.u32 $0x7, v23  }
0x14a: {  	v16 =	vand.u32 $0x7, v16;
	v3 =	vadd.s32 v3, v5;
	v23 =	vsel vm14, $0x1, v0  }
0x14b: {  	vm15 =	vge.f32 v21, v2;
	v2 =	vand.u32 $0x7, v18;
	v18 =	vand.u32 $0x7, v20  }
0x14c: {  	[tilespmem:s10+$0xA1F0] =	vst v61;
	v6 =	vadd.s32 v6, v13;
	v35 =	vadd.s32 $0x2A, v3;
	v20 =	vsel vm15, $0x1, v0  }
0x14d: {  	v2 =	vadd.s32 v8, v2;
	v62 =	vadd.s32 v25, v18;
	v7 =	vadd.s32 v23, v7;
	v8 =	vld.idx.msk [tilespmem:v19+s23+$0x0], $0xffff  }
0x14e: {  	v6 =	vmul.u32 $0x3, v6;
	v13 =	vadd.s32 v20, v16;
	v16 =	vmul.u32 $0x3, v17  }
0x14f: {  	v2 =	vmul.u32 $0x3, v2;
	v4 =	vmul.u32 $0x3, v62;
	v7 =	vmul.u32 $0x3, v7  }
0x150: {  	v20 =	vadd.s32 $0x15, v3;
	v6 =	vadd.s32 v15, v6;
	v63 =	vadd.s32 v9, v16  }
0x151: {  	v9 =	vmul.u32 $0x3, v13;
	v2 =	vadd.s32 v11, v2;
	v28 =	vadd.s32 v10, v4  }
0x152: {  	v24 =	vadd.s32 v14, v7;
	v19 =	vadd.s32 $0x15, v6;
	v33 =	vadd.s32 $0x2A, v6;
	[tilespmem:s10+$0xC1F0] =	vst v8  }
0x153: {  	v14 =	vadd.s32 $0x3F, v3;
	v13 =	vadd.s32 $0x3F, v6;
	v21 =	vadd.s32 $0x15, v63;
	v1 =	vld.idx.msk [tilespmem:v1+s23+$0x0], $0xffff  }
0x154: {  	v23 =	vld.idx.msk [tilespmem:v3+s23+$0x0], $0xffff;
	v18 =	vadd.s32 $0x15, v2;
	v17 =	vadd.s32 $0x15, v28;
	v16 =	vadd.s32 $0x15, v24  }
0x155: {  	v34 =	vadd.s32 $0x2A, v63;
	v32 =	vadd.s32 $0x2A, v2;
	v31 =	vadd.s32 $0x2A, v28;
	v26 =	vld.idx.msk [tilespmem:v6+s23+$0x0], $0xffff  }
0x156: {  	v29 =	vadd.s32 $0x2A, v24;
	v11 =	vadd.s32 $0x3F, v2;
	v10 =	vadd.s32 $0x3F, v28;
	v25 =	vld.idx.msk [tilespmem:v63+s23+$0x0], $0xffff  }
0x157: {  	v22 =	vadd.s32 v12, v9;
	v12 =	vadd.s32 $0x3F, v63;
	v9 =	vadd.s32 $0x3F, v24;
	v27 =	vld.idx.msk [tilespmem:v2+s23+$0x0], $0xffff  }
0x158: {  	s9 =	simm.s32 $0x0;
	s13 =	simm.s32 $0x800;
	s8 =	sshll.u32 s7, $0xE;
	v15 =	vadd.s32 $0x15, v22;
	v30 =	vadd.s32 $0x2A, v22;
	v8 =	vadd.s32 $0x3F, v22;
	v28 =	vld.idx.msk [tilespmem:v28+s23+$0x0], $0xffff;
	[tilespmem:s10+$0xE1F0] =	vst v1  }
.LBB2_3:
0x159: {  	s21 =	sshra.s32 s13, $0x2;
	v24 =	vld.idx.msk [tilespmem:v24+s23+$0x0], $0xffff  }
0x15a: {  	[tilespmem:$0x1FF70] =	vst v29;
	v29 =	vld [tilespmem:s21+$0x70]  }
0x15b: {  	[tilespmem:$0x1FF80] =	vst v30;
	v30 =	vld [tilespmem:s21+$0x60]  }
0x15c: {  	v43 =	vld [tilespmem:s21+$0x4070];
	[tilespmem:s10+$0x8180] =	vst v23  }
0x15d: {  	[tilespmem:s10+$0x8190] =	vst v25;
	v23 =	vld [tilespmem:s21+$0x0]  }
0x15e: {  	[tilespmem:s10+$0x81A0] =	vst v26;
	v25 =	vld [tilespmem:s21+$0x10]  }
0x15f: {  	[tilespmem:s10+$0x81B0] =	vst v27;
	v26 =	vld [tilespmem:s21+$0x20]  }
0x160: {  	[tilespmem:s10+$0x81C0] =	vst v28;
	v27 =	vld [tilespmem:s21+$0x30]  }
0x161: {  	v28 =	vld [tilespmem:s21+$0x40]  }
0x162: {  	v52 =	vld [tilespmem:s21+$0x4000]  }
0x163: {  	v54 =	vld [tilespmem:s21+$0x4010];
	v29 =	vcvt.s32.f32 v29  }
0x164: {  	v36 =	vld [tilespmem:s21+$0x4020];
	v30 =	vcvt.s32.f32 v30  }
0x165: {  	[tilespmem:$0x1FF60] =	vst v31;
	v38 =	vld [tilespmem:s21+$0x4030];
	v31 =	vshra.s32 v29, $0x17;
	v23 =	vcvt.s32.f32 v23  }
0x166: {  	[tilespmem:s10+$0x81D0] =	vst v24;
	v47 =	vld [tilespmem:s21+$0x4040];
	v42 =	vshra.s32 v30, $0x17;
	v25 =	vcvt.s32.f32 v25  }
0x167: {  	v24 =	vld [tilespmem:s21+$0x50];
	v26 =	vcvt.s32.f32 v26;
	v53 =	vshra.s32 v23, $0x17  }
0x168: {  	v2 =	vld [tilespmem:s21+$0xF0];
	vm13 =	vgt.s32 v43, $0x0;
	v55 =	vshra.s32 v25, $0x17  }
0x169: {  	v56 =	vld [tilespmem:s21+$0x4050];
	v27 =	vcvt.s32.f32 v27;
	v28 =	vcvt.s32.f32 v28;
	v37 =	vshra.s32 v26, $0x17  }
0x16a: {  	[tilespmem:$0x1FF20] =	vst v35;
	vm0 =	vgt.s32 v52, $0x0;
	vm9 =	vgt.s32 v54, $0x0;
	vm10 =	vgt.s32 v36, $0x0;
	v31 =	vld.idx.msk [tilespmem:v31+s20+$0x0], $0xffff  }
0x16b: {  	[tilespmem:$0x1FF40] =	vst v33;
	vm11 =	vgt.s32 v38, $0x0;
	vm6 =	vgt.s32 v47, $0x0;
	v39 =	vshra.s32 v27, $0x17;
	v42 =	vld.idx.msk [tilespmem:v42+s20+$0x0], $0xffff  }
0x16c: {  	[tilespmem:$0x1FF50] =	vst v32;
	v24 =	vcvt.s32.f32 v24;
	v32 =	vnsel vm0, $0x0, v52;
	v40 =	vshra.s32 v28, $0x17;
	v33 =	vld.idx.msk [tilespmem:v53+s20+$0x0], $0xffff  }
0x16d: {  	[tilespmem:$0x1FF30] =	vst v34;
	v34 =	vnsel vm9, $0x0, v54;
	v36 =	vnsel vm10, $0x0, v36;
	v38 =	vnsel vm11, $0x0, v38;
	v35 =	vld.idx.msk [tilespmem:v55+s20+$0x0], $0xffff  }
0x16e: {  	vm7 =	vgt.s32 v56, $0x0;
	v63 =	vnsel vm6, $0x0, v47;
	v32 =	vmin.u32 v32, $0x2;
	v37 =	vld.idx.msk [tilespmem:v37+s20+$0x0], $0xffff  }
0x16f: {  	v48 =	vld [tilespmem:s21+$0xC0];
	v34 =	vmin.u32 v34, $0x2;
	v41 =	vshra.s32 v24, $0x17;
	v44 =	vand.u32 $0xFFFFFFF8, v31  }
0x170: {  	v36 =	vmin.u32 v36, $0x2;
	v38 =	vmin.u32 v38, $0x2;
	v39 =	vld.idx.msk [tilespmem:v39+s20+$0x0], $0xffff;
	vm12 =	vge.f32 v29, v44  }
0x171: {  	v4 =	vnsel vm7, $0x0, v56;
	v40 =	vld.idx.msk [tilespmem:v40+s20+$0x0], $0xffff;
	v31 =	vand.u32 $0x7, v31;
	v44 =	vsel vm12, $0x1, v0  }
0x172: {  	v52 =	vld [tilespmem:s21+$0xD0];
	v58 =	vand.u32 $0x7, v42;
	v31 =	vadd.s32 v44, v31;
	v45 =	vand.u32 $0xFFFFFFF8, v33  }
0x173: {  	v47 =	vld [tilespmem:s21+$0x40C0];
	v33 =	vand.u32 $0x7, v33;
	v29 =	vand.u32 $0xFFFFFFF8, v35;
	v46 =	vand.u32 $0xFFFFFFF8, v37  }
0x174: {  	v41 =	vld.idx.msk [tilespmem:v41+s20+$0x0], $0xffff;
	v31 =	vmul.u32 $0x3, v31;
	v35 =	vand.u32 $0x7, v35;
	v37 =	vand.u32 $0x7, v37  }
0x175: {  	v54 =	vld [tilespmem:s21+$0x40E0];
	vm1 =	vge.f32 v23, v45;
	v23 =	vnsel vm13, $0x0, v43;
	vm14 =	vge.f32 v25, v29  }
0x176: {  	v56 =	vld [tilespmem:s21+$0x110];
	v25 =	vand.u32 $0xFFFFFFF8, v39;
	vm2 =	vge.f32 v26, v46;
	v26 =	vand.u32 $0xFFFFFFF8, v40  }
0x177: {  	v53 =	vld [tilespmem:s21+$0xE0];
	v39 =	vand.u32 $0x7, v39;
	v40 =	vand.u32 $0x7, v40;
	v23 =	vmin.u32 v23, $0x2  }
0x178: {  	v55 =	vld [tilespmem:s21+$0x100];
	vm3 =	vge.f32 v27, v25;
	vm4 =	vge.f32 v28, v26;
	v25 =	vsel vm1, $0x1, v0  }
0x179: {  	v29 =	vld [tilespmem:s21+$0x4060];
	v27 =	vsel vm2, $0x1, v0;
	v31 =	vadd.s32 v23, v31;
	v23 =	vand.u32 $0xFFFFFFF8, v41  }
0x17a: {  	v45 =	vld [tilespmem:s21+$0x80];
	v57 =	vsel vm4, $0x1, v0;
	v41 =	vand.u32 $0x7, v41;
	v25 =	vadd.s32 v25, v33  }
0x17b: {  	v46 =	vld [tilespmem:s21+$0x90];
	v27 =	vadd.s32 v27, v37;
	vm15 =	vge.f32 v24, v23;
	v23 =	vand.u32 $0xFFFFFFF8, v42  }
0x17c: {  	v26 =	vld [tilespmem:s21+$0xA0];
	v24 =	vsel vm14, $0x1, v0;
	v59 =	vadd.s32 $0x15, v31;
	v60 =	vadd.s32 v57, v40  }
0x17d: {  	v28 =	vld [tilespmem:s21+$0xB0];
	v25 =	vmul.u32 $0x3, v25;
	v27 =	vmul.u32 $0x3, v27;
	vm5 =	vge.f32 v30, v23  }
0x17e: {  	v57 =	vld [tilespmem:s21+$0x120];
	v30 =	vsel vm3, $0x1, v0;
	v49 =	vsel vm15, $0x1, v0;
	v35 =	vadd.s32 v24, v35  }
0x17f: {  	v23 =	vld [tilespmem:s21+$0x4080];
	v37 =	vmul.u32 $0x3, v60;
	v50 =	vsel vm5, $0x1, v0;
	v25 =	vadd.s32 v32, v25  }
0x180: {  	v24 =	vld [tilespmem:s21+$0x4090];
	v30 =	vadd.s32 v30, v39;
	v35 =	vmul.u32 $0x3, v35;
	v27 =	vadd.s32 v36, v27  }
0x181: {  	v61 =	vadd.s32 v49, v41;
	vm8 =	vgt.s32 v29, $0x0;
	v41 =	vmin.u32 v63, $0x2;
	v51 =	vld.idx.msk [tilespmem:v31+s23+$0x0], $0xffff  }
0x182: {  	v49 =	vld [tilespmem:s21+$0x40A0];
	v33 =	vadd.s32 v50, v58;
	v30 =	vmul.u32 $0x3, v30;
	v34 =	vadd.s32 v34, v35  }
0x183: {  	v50 =	vld [tilespmem:s21+$0x40B0];
	v29 =	vnsel vm8, $0x0, v29;
	v60 =	vadd.s32 $0x2A, v25;
	v33 =	vmul.u32 $0x3, v33  }
0x184: {  	v29 =	vmin.u32 v29, $0x2;
	v35 =	vadd.s32 v41, v37;
	v30 =	vadd.s32 v38, v30;
	v41 =	vld.idx.msk [tilespmem:v25+s23+$0x0], $0xffff  }
0x185: {  	v7 =	vadd.s32 $0x3F, v25;
	v29 =	vadd.s32 v29, v33;
	v33 =	vadd.s32 $0x15, v25;
	v25 =	vld.idx.msk [tilespmem:v27+s23+$0x0], $0xffff  }
0x186: {  	[tilespmem:s21+$0x8070] =	vst v51;
	v51 =	vld [tilespmem:s21+$0x40D0]  }
0x187: {  	v37 =	vadd.s32 $0x15, v27;
	v3 =	vld.idx.msk [tilespmem:v34+s23+$0x0], $0xffff  }
0x188: {  	[tilespmem:$0x1FFD0] =	vst v10;
	v44 =	vmin.u32 v4, $0x2;
	v5 =	vadd.s32 $0x2A, v31;
	v39 =	vmul.u32 $0x3, v61;
	v62 =	vld.idx.msk [tilespmem:v59+s23+$0x0], $0xffff  }
0x189: {  	[tilespmem:$0x1FFF0] =	vst v8;
	v36 =	vadd.s32 $0x15, v34;
	v61 =	vadd.s32 $0x2A, v34;
	v8 =	vadd.s32 $0x3F, v34;
	v34 =	vld.idx.msk [tilespmem:v30+s23+$0x0], $0xffff  }
0x18a: {  	v38 =	vadd.s32 $0x15, v30;
	v1 =	vadd.s32 $0x2A, v30;
	v10 =	vadd.s32 $0x3F, v30;
	v30 =	vld.idx.msk [tilespmem:v35+s23+$0x0], $0xffff;
	[tilespmem:s21+$0x8000] =	vst v41  }
0x18b: {  	v32 =	vadd.s32 v44, v39;
	[tilespmem:s21+$0x8020] =	vst v25;
	v33 =	vld.idx.msk [tilespmem:v33+s23+$0x0], $0xffff  }
0x18c: {  	v37 =	vld.idx.msk [tilespmem:v37+s23+$0x0], $0xffff;
	[tilespmem:s21+$0x8010] =	vst v3  }
0x18d: {  	v3 =	vld.idx.msk [tilespmem:v29+s23+$0x0], $0xffff;
	[tilespmem:s21+$0xA070] =	vst v62  }
0x18e: {  	v63 =	vadd.s32 $0x2A, v27;
	v40 =	vld.idx.msk [tilespmem:v5+s23+$0x0], $0xffff  }
0x18f: {  	v31 =	vadd.s32 $0x3F, v31;
	v43 =	vadd.s32 $0x3F, v32;
	v25 =	vld.idx.msk [tilespmem:v36+s23+$0x0], $0xffff;
	[tilespmem:s21+$0x8030] =	vst v34  }
0x190: {  	v59 =	vadd.s32 $0x15, v32;
	v62 =	vadd.s32 $0x15, v29;
	[tilespmem:s21+$0x8040] =	vst v30;
	v5 =	vadd.s32 $0x2A, v32;
	v32 =	vld.idx.msk [tilespmem:v32+s23+$0x0], $0xffff  }
0x191: {  	v30 =	vld.idx.msk [tilespmem:v38+s23+$0x0], $0xffff;
	[tilespmem:s21+$0xA000] =	vst v33  }
0x192: {  	[tilespmem:s21+$0xA020] =	vst v37;
	v60 =	vld.idx.msk [tilespmem:v60+s23+$0x0], $0xffff  }
0x193: {  	v2 =	vcvt.s32.f32 v2;
	vm13 =	vgt.s32 v47, $0x0;
	v63 =	vld.idx.msk [tilespmem:v63+s23+$0x0], $0xffff;
	[tilespmem:s21+$0xC070] =	vst v40  }
0x194: {  	v47 =	vnsel vm13, $0x0, v47;
	v6 =	vadd.s32 $0x2A, v29;
	[tilespmem:s21+$0x8060] =	vst v3;
	v31 =	vld.idx.msk [tilespmem:v31+s23+$0x0], $0xffff  }
0x195: {  	v44 =	vadd.s32 $0x3F, v29;
	v29 =	vshra.s32 v2, $0x17;
	v36 =	vmin.u32 v47, $0x2;
	[tilespmem:s21+$0xA010] =	vst v25;
	v47 =	vld.idx.msk [tilespmem:v62+s23+$0x0], $0xffff  }
0x196: {  	v58 =	vadd.s32 $0x15, v35;
	[tilespmem:s21+$0x8050] =	vst v32;
	v61 =	vld.idx.msk [tilespmem:v61+s23+$0x0], $0xffff  }
0x197: {  	[tilespmem:s21+$0xA030] =	vst v30;
	v3 =	vld.idx.msk [tilespmem:v59+s23+$0x0], $0xffff  }
0x198: {  	v1 =	vld.idx.msk [tilespmem:v1+s23+$0x0], $0xffff;
	[tilespmem:s21+$0xC000] =	vst v60  }
0x199: {  	vm11 =	vgt.s32 v49, $0x0;
	v60 =	vld [tilespmem:s21+$0x170];
	[tilespmem:s21+$0xE070] =	vst v31  }
0x19a: {  	vm12 =	vgt.s32 v50, $0x0;
	v31 =	vnsel vm11, $0x0, v49;
	v49 =	vld.idx.msk [tilespmem:v29+s20+$0x0], $0xffff  }
0x19b: {  	[tilespmem:$0x1FFE0] =	vst v9;
	v42 =	vcvt.s32.f32 v45;
	v29 =	vnsel vm12, $0x0, v50;
	v50 =	vld.idx.msk [tilespmem:v58+s23+$0x0], $0xffff  }
0x19c: {  	v9 =	vadd.s32 $0x3F, v27;
	[tilespmem:s21+$0xA060] =	vst v47;
	v7 =	vld.idx.msk [tilespmem:v7+s23+$0x0], $0xffff  }
0x19d: {  	v39 =	vcvt.s32.f32 v46;
	v46 =	vshra.s32 v42, $0x17;
	vm5 =	vgt.s32 v51, $0x0;
	[tilespmem:s21+$0xC020] =	vst v63;
	v6 =	vld.idx.msk [tilespmem:v6+s23+$0x0], $0xffff  }
0x19e: {  	v4 =	vadd.s32 $0x2A, v35;
	[tilespmem:s21+$0xC030] =	vst v1;
	v58 =	vnsel vm5, $0x0, v51;
	v51 =	vld [tilespmem:s21+$0x40F0]  }
0x19f: {  	[tilespmem:s21+$0xC010] =	vst v61;
	v1 =	vld.idx.msk [tilespmem:v10+s23+$0x0], $0xffff  }
0x1a0: {  	v27 =	vcvt.s32.f32 v48;
	v48 =	vshra.s32 v39, $0x17;
	v41 =	vcvt.s32.f32 v26;
	[tilespmem:s21+$0xA040] =	vst v50;
	v50 =	vld.idx.msk [tilespmem:v8+s23+$0x0], $0xffff  }
0x1a1: {  	v26 =	vcvt.s32.f32 v53;
	v40 =	vcvt.s32.f32 v28;
	[tilespmem:s21+$0xE000] =	vst v7;
	v62 =	vand.u32 $0xFFFFFFF8, v49;
	v8 =	vld.idx.msk [tilespmem:v9+s23+$0x0], $0xffff  }
0x1a2: {  	v28 =	vcvt.s32.f32 v52;
	v52 =	vshra.s32 v41, $0x17;
	[tilespmem:s21+$0xA050] =	vst v3;
	v9 =	vld.idx.msk [tilespmem:v46+s20+$0x0], $0xffff;
	vm14 =	vge.f32 v2, v62  }
0x1a3: {  	[tilespmem:s21+$0xC060] =	vst v6;
	vm15 =	vgt.s32 v51, $0x0;
	v2 =	vand.u32 $0x7, v49;
	v4 =	vld.idx.msk [tilespmem:v4+s23+$0x0], $0xffff;
	v3 =	vsel vm14, $0x1, v0  }
0x1a4: {  	[tilespmem:$0x1FFA0] =	vst v12;
	v53 =	vshra.s32 v40, $0x17;
	v49 =	vnsel vm15, $0x0, v51;
	v51 =	vld.idx.msk [tilespmem:v44+s23+$0x0], $0xffff;
	v2 =	vadd.s32 v3, v2  }
0x1a5: {  	[tilespmem:$0x1FFC0] =	vst v11;
	v11 =	vadd.s32 $0x3F, v35;
	v3 =	vld.idx.msk [tilespmem:v5+s23+$0x0], $0xffff;
	v2 =	vmul.u32 $0x3, v2  }
0x1a6: {  	v5 =	vmin.u32 v49, $0x2;
	[tilespmem:s21+$0xE010] =	vst v50;
	v50 =	vld [tilespmem:s21+$0x190]  }
0x1a7: {  	[tilespmem:s21+$0xE020] =	vst v8;
	v2 =	vadd.s32 v5, v2;
	v8 =	vld.idx.msk [tilespmem:v48+s20+$0x0], $0xffff  }
0x1a8: {  	vm9 =	vgt.s32 v23, $0x0;
	vm10 =	vgt.s32 v24, $0x0;
	[tilespmem:s21+$0xE030] =	vst v1;
	v1 =	vld.idx.msk [tilespmem:v52+s20+$0x0], $0xffff  }
0x1a9: {  	vm6 =	vgt.s32 v54, $0x0;
	v23 =	vnsel vm9, $0x0, v23;
	v24 =	vnsel vm10, $0x0, v24;
	[tilespmem:s21+$0xC040] =	vst v4;
	v52 =	vld.idx.msk [tilespmem:v53+s20+$0x0], $0xffff  }
0x1aa: {  	v12 =	vshra.s32 v27, $0x17;
	v45 =	vshra.s32 v26, $0x17;
	v33 =	vmin.u32 v24, $0x2;
	v4 =	vld.idx.msk [tilespmem:v11+s23+$0x0], $0xffff;
	[tilespmem:s21+$0xC050] =	vst v3  }
0x1ab: {  	v24 =	vcvt.s32.f32 v55;
	v32 =	vmin.u32 v23, $0x2;
	v23 =	vnsel vm6, $0x0, v54;
	v6 =	vld.idx.msk [tilespmem:v43+s23+$0x0], $0xffff  }
0x1ac: {  	v25 =	vcvt.s32.f32 v56;
	v38 =	vmin.u32 v23, $0x2;
	v23 =	vcvt.s32.f32 v57;
	v3 =	vld.idx.msk [tilespmem:v2+s23+$0x0], $0xffff  }
0x1ad: {  	[tilespmem:$0x1FFB0] =	vst v13;
	v13 =	vshra.s32 v28, $0x17;
	v34 =	vmin.u32 v31, $0x2;
	v5 =	vld [tilespmem:s21+$0x150];
	v7 =	vadd.s32 $0x15, v2  }
0x1ae: {  	v35 =	vmin.u32 v29, $0x2;
	v37 =	vmin.u32 v58, $0x2;
	[tilespmem:s21+$0xE060] =	vst v51;
	v53 =	vand.u32 $0xFFFFFFF8, v9;
	v51 =	vld [tilespmem:s21+$0x1A0]  }
0x1af: {  	v10 =	vadd.s32 $0x2A, v2;
	vm4 =	vge.f32 v42, v53;
	v11 =	vld.idx.msk [tilespmem:v45+s20+$0x0], $0xffff;
	v55 =	vand.u32 $0xFFFFFFF8, v1;
	[tilespmem:s21+$0xE040] =	vst v4  }
0x1b0: {  	v54 =	vand.u32 $0xFFFFFFF8, v8;
	v8 =	vand.u32 $0x7, v8;
	vm6 =	vge.f32 v41, v55;
	v41 =	vld [tilespmem:s21+$0x140];
	[tilespmem:s21+$0xE050] =	vst v6  }
0x1b1: {  	v56 =	vand.u32 $0xFFFFFFF8, v52;
	v1 =	vand.u32 $0x7, v1;
	vm5 =	vge.f32 v39, v54;
	v6 =	vld.idx.msk [tilespmem:v12+s20+$0x0], $0xffff;
	[tilespmem:s21+$0x80F0] =	vst v3  }
0x1b2: {  	v2 =	vadd.s32 $0x3F, v2;
	vm7 =	vge.f32 v40, v56;
	v39 =	vsel vm5, $0x1, v0;
	v3 =	vld.idx.msk [tilespmem:v7+s23+$0x0], $0xffff  }
0x1b3: {  	v57 =	vsel vm6, $0x1, v0;
	v8 =	vadd.s32 v39, v8;
	v7 =	vand.u32 $0x7, v9;
	v9 =	vld.idx.msk [tilespmem:v13+s20+$0x0], $0xffff  }
0x1b4: {  	v40 =	vld [tilespmem:s21+$0x160];
	v12 =	vsel vm4, $0x1, v0;
	v1 =	vadd.s32 v57, v1;
	v8 =	vmul.u32 $0x3, v8  }
0x1b5: {  	v4 =	vld [tilespmem:s21+$0x4130];
	v58 =	vsel vm7, $0x1, v0;
	v1 =	vmul.u32 $0x3, v1;
	v7 =	vadd.s32 v12, v7  }
0x1b6: {  	v39 =	vld [tilespmem:s21+$0x4150];
	v8 =	vadd.s32 v33, v8;
	v59 =	vand.u32 $0xFFFFFFF8, v6;
	v7 =	vmul.u32 $0x3, v7  }
0x1b7: {  	v13 =	vld [tilespmem:s21+$0x130];
	v1 =	vadd.s32 v34, v1;
	v6 =	vand.u32 $0x7, v6;
	vm8 =	vge.f32 v27, v59  }
0x1b8: {  	v33 =	vld [tilespmem:s21+$0x180];
	v61 =	vsel vm8, $0x1, v0;
	v7 =	vadd.s32 v32, v7;
	[tilespmem:s21+$0xA0F0] =	vst v3;
	v27 =	vand.u32 $0xFFFFFFF8, v9  }
0x1b9: {  	v3 =	vand.u32 $0x7, v52;
	v9 =	vand.u32 $0x7, v9;
	v10 =	vld.idx.msk [tilespmem:v10+s23+$0x0], $0xffff;
	vm9 =	vge.f32 v28, v27  }
0x1ba: {  	v32 =	vld [tilespmem:s21+$0x4160];
	v6 =	vadd.s32 v61, v6;
	v3 =	vadd.s32 v58, v3;
	v62 =	vsel vm9, $0x1, v0  }
0x1bb: {  	v46 =	vld.idx.msk [tilespmem:v8+s23+$0x0], $0xffff;
	v28 =	vand.u32 $0xFFFFFFF8, v11;
	v3 =	vmul.u32 $0x3, v3;
	v9 =	vadd.s32 v62, v9  }
0x1bc: {  	v48 =	vld.idx.msk [tilespmem:v1+s23+$0x0], $0xffff;
	v11 =	vand.u32 $0x7, v11;
	vm10 =	vge.f32 v26, v28;
	v9 =	vmul.u32 $0x3, v9  }
0x1bd: {  	v27 =	vld [tilespmem:s21+$0x4100];
	v6 =	vmul.u32 $0x3, v6;
	v28 =	vsel vm10, $0x1, v0;
	v3 =	vadd.s32 v35, v3  }
0x1be: {  	v26 =	vld [tilespmem:s21+$0x4110];
	[tilespmem:s21+$0xC0F0] =	vst v10;
	v10 =	vadd.s32 v28, v11;
	v11 =	vcvt.s32.f32 v60;
	v9 =	vadd.s32 v37, v9  }
0x1bf: {  	v6 =	vadd.s32 v36, v6;
	v2 =	vld.idx.msk [tilespmem:v2+s23+$0x0], $0xffff  }
0x1c0: {  	v44 =	vadd.s32 $0x15, v1;
	v36 =	vld.idx.msk [tilespmem:v7+s23+$0x0], $0xffff;
	v63 =	vshra.s32 v11, $0x17  }
0x1c1: {  	v34 =	vadd.s32 $0x15, v7;
	v43 =	vcvt.s32.f32 v13;
	v58 =	vadd.s32 $0x2A, v6;
	v28 =	vld [tilespmem:s21+$0x4140]  }
0x1c2: {  	v45 =	vadd.s32 $0x15, v3;
	v57 =	vadd.s32 $0x2A, v3;
	v61 =	vadd.s32 $0x3F, v3;
	v3 =	vld.idx.msk [tilespmem:v3+s23+$0x0], $0xffff  }
0x1c3: {  	v52 =	vadd.s32 $0x15, v9;
	v59 =	vadd.s32 $0x2A, v9;
	v13 =	vadd.s32 $0x3F, v9;
	v9 =	vld.idx.msk [tilespmem:v9+s23+$0x0], $0xffff  }
0x1c4: {  	v62 =	vadd.s32 $0x3F, v6;
	v10 =	vmul.u32 $0x3, v10;
	[tilespmem:s21+$0xE0F0] =	vst v2;
	v2 =	vadd.s32 $0x15, v6;
	v6 =	vld.idx.msk [tilespmem:v6+s23+$0x0], $0xffff  }
0x1c5: {  	[tilespmem:$0x1FF90] =	vst v14;
	v56 =	vadd.s32 $0x2A, v1;
	v54 =	vadd.s32 $0x2A, v7;
	v42 =	vld.idx.msk [tilespmem:v63+s20+$0x0], $0xffff  }
0x1c6: {  	v35 =	vcvt.s32.f32 v5;
	v37 =	vcvt.s32.f32 v41;
	v10 =	vadd.s32 v38, v10;
	[tilespmem:s21+$0x8080] =	vst v36;
	v63 =	vld [tilespmem:s21+$0x4170]  }
0x1c7: {  	[tilespmem:s21+$0x80A0] =	vst v48;
	vm13 =	vgt.s32 v27, $0x0;
	vm14 =	vgt.s32 v26, $0x0;
	v38 =	vadd.s32 $0x15, v8;
	v34 =	vld.idx.msk [tilespmem:v34+s23+$0x0], $0xffff  }
0x1c8: {  	v41 =	vld.idx.msk [tilespmem:v44+s23+$0x0], $0xffff;
	v36 =	vcvt.s32.f32 v40;
	v53 =	vadd.s32 $0x15, v10;
	vm10 =	vgt.s32 v28, $0x0;
	[tilespmem:s21+$0x80B0] =	vst v3  }
0x1c9: {  	v60 =	vadd.s32 $0x2A, v10;
	v14 =	vadd.s32 $0x3F, v10;
	v44 =	vld.idx.msk [tilespmem:v45+s23+$0x0], $0xffff;
	v45 =	vnsel vm10, $0x0, v28;
	[tilespmem:s21+$0x80D0] =	vst v9  }
0x1ca: {  	v12 =	vld [tilespmem:s21+$0x4120];
	v9 =	vnsel vm14, $0x0, v26;
	[tilespmem:s21+$0x80C0] =	vst v6;
	v6 =	vnsel vm13, $0x0, v27;
	v49 =	vand.u32 $0xFFFFFFF8, v42  }
0x1cb: {  	v5 =	vld.idx.msk [tilespmem:v10+s23+$0x0], $0xffff;
	v10 =	vand.u32 $0x7, v42;
	vm12 =	vgt.s32 v63, $0x0;
	v40 =	vmin.u32 v6, $0x2  }
0x1cc: {  	[tilespmem:s21+$0xA080] =	vst v34;
	v2 =	vld.idx.msk [tilespmem:v2+s23+$0x0], $0xffff;
	vm11 =	vge.f32 v11, v49;
	v63 =	vnsel vm12, $0x0, v63;
	vm12 =	vgt.s32 v32, $0x0  }
0x1cd: {  	[tilespmem:s21+$0x8090] =	vst v46;
	v11 =	vsel vm11, $0x1, v0;
	v3 =	vmin.u32 v63, $0x2;
	vm11 =	vgt.s32 v39, $0x0;
	v63 =	vld.idx.msk [tilespmem:v54+s23+$0x0], $0xffff  }
0x1ce: {  	[tilespmem:s21+$0xA0A0] =	vst v41;
	v6 =	vnsel vm12, $0x0, v32;
	v10 =	vadd.s32 v11, v10;
	v11 =	vld.idx.msk [tilespmem:v38+s23+$0x0], $0xffff;
	v26 =	vnsel vm11, $0x0, v39  }
0x1cf: {  	[tilespmem:s21+$0xA0B0] =	vst v44;
	v39 =	vmin.u32 v45, $0x2;
	v45 =	vmin.u32 v6, $0x2;
	v6 =	vld.idx.msk [tilespmem:v56+s23+$0x0], $0xffff;
	v10 =	vmul.u32 $0x3, v10  }
0x1d0: {  	vm15 =	vgt.s32 v12, $0x0;
	v7 =	vadd.s32 $0x3F, v7;
	v38 =	vmin.u32 v9, $0x2;
	v9 =	vld.idx.msk [tilespmem:v57+s23+$0x0], $0xffff  }
0x1d1: {  	v55 =	vadd.s32 $0x2A, v8;
	[tilespmem:s21+$0x80E0] =	vst v5;
	v3 =	vadd.s32 v3, v10;
	v10 =	vnsel vm15, $0x0, v12;
	v12 =	vld.idx.msk [tilespmem:v52+s23+$0x0], $0xffff  }
0x1d2: {  	v1 =	vadd.s32 $0x3F, v1;
	[tilespmem:s21+$0xA0C0] =	vst v2;
	v52 =	vld.idx.msk [tilespmem:v53+s23+$0x0], $0xffff  }
0x1d3: {  	v41 =	vmin.u32 v10, $0x2;
	v10 =	vld.idx.msk [tilespmem:v58+s23+$0x0], $0xffff  }
0x1d4: {  	[tilespmem:s21+$0xC080] =	vst v63;
	v63 =	vld [tilespmem:s21+$0x1D0]  }
0x1d5: {  	[tilespmem:s21+$0xA090] =	vst v11;
	v56 =	vld.idx.msk [tilespmem:v7+s23+$0x0], $0xffff  }
0x1d6: {  	[tilespmem:s21+$0xC0A0] =	vst v6;
	v55 =	vld.idx.msk [tilespmem:v55+s23+$0x0], $0xffff  }
0x1d7: {  	[tilespmem:s21+$0xC0B0] =	vst v9;
	v1 =	vld.idx.msk [tilespmem:v1+s23+$0x0], $0xffff  }
0x1d8: {  	v29 =	vshra.s32 v24, $0x17;
	v7 =	vld.idx.msk [tilespmem:v61+s23+$0x0], $0xffff  }
0x1d9: {  	v54 =	vld.idx.msk [tilespmem:v3+s23+$0x0], $0xffff;
	[tilespmem:s21+$0xA0D0] =	vst v12  }
0x1da: {  	[tilespmem:s21+$0xA0E0] =	vst v52;
	v11 =	vld.idx.msk [tilespmem:v59+s23+$0x0], $0xffff  }
0x1db: {  	v8 =	vadd.s32 $0x3F, v8;
	v12 =	vld.idx.msk [tilespmem:v60+s23+$0x0], $0xffff;
	[tilespmem:s21+$0xE080] =	vst v56  }
0x1dc: {  	v2 =	vadd.s32 $0x15, v3;
	v6 =	vadd.s32 $0x2A, v3;
	[tilespmem:s21+$0xE0A0] =	vst v1;
	v1 =	vadd.s32 $0x3F, v3;
	v3 =	vld [tilespmem:s21+$0x1F0]  }
0x1dd: {  	v58 =	vld.idx.msk [tilespmem:v29+s20+$0x0], $0xffff  }
0x1de: {  	v30 =	vshra.s32 v23, $0x17;
	[tilespmem:s21+$0xC090] =	vst v55;
	v55 =	vld [tilespmem:s21+$0x41F0]  }
0x1df: {  	v20 =	vld.idx.msk [tilespmem:v20+s23+$0x0], $0xffff  }
0x1e0: {  	[tilespmem:s21+$0xC0C0] =	vst v10;
	v5 =	vld.idx.msk [tilespmem:v8+s23+$0x0], $0xffff  }
0x1e1: {  	v8 =	vld.idx.msk [tilespmem:v62+s23+$0x0], $0xffff;
	[tilespmem:s21+$0x8170] =	vst v54  }
0x1e2: {  	v47 =	vshra.s32 v43, $0x17;
	[tilespmem:s21+$0xE0B0] =	vst v7;
	v2 =	vld.idx.msk [tilespmem:v2+s23+$0x0], $0xffff  }
0x1e3: {  	v7 =	vld.idx.msk [tilespmem:v30+s20+$0x0], $0xffff;
	[tilespmem:s21+$0xC0E0] =	vst v12  }
0x1e4: {  	v31 =	vshra.s32 v25, $0x17;
	v57 =	vld.idx.msk [tilespmem:v14+s23+$0x0], $0xffff  }
0x1e5: {  	v48 =	vshra.s32 v36, $0x17;
	v30 =	vld [tilespmem:s21+$0x4180];
	[tilespmem:s21+$0xC0D0] =	vst v11  }
0x1e6: {  	v9 =	vld.idx.msk [tilespmem:v13+s23+$0x0], $0xffff;
	[tilespmem:s21+$0xE0C0] =	vst v8  }
0x1e7: {  	vm9 =	vgt.s32 v4, $0x0;
	v59 =	vand.u32 $0xFFFFFFF8, v58;
	v8 =	vld.idx.msk [tilespmem:v47+s20+$0x0], $0xffff;
	[tilespmem:s21+$0xA170] =	vst v2  }
0x1e8: {  	v4 =	vnsel vm9, $0x0, v4;
	v46 =	vshra.s32 v37, $0x17;
	[tilespmem:s21+$0xE090] =	vst v5;
	vm13 =	vge.f32 v24, v59;
	v2 =	vld.idx.msk [tilespmem:v6+s23+$0x0], $0xffff  }
0x1e9: {  	v28 =	vcvt.s32.f32 v50;
	v5 =	vand.u32 $0x7, v58;
	v12 =	vsel vm13, $0x1, v0;
	v6 =	vld.idx.msk [tilespmem:v31+s20+$0x0], $0xffff;
	[tilespmem:s21+$0xE0E0] =	vst v57  }
0x1ea: {  	v42 =	vmin.u32 v4, $0x2;
	v49 =	vshra.s32 v35, $0x17;
	v5 =	vadd.s32 v12, v5;
	v11 =	vld.idx.msk [tilespmem:v48+s20+$0x0], $0xffff  }
0x1eb: {  	v44 =	vmin.u32 v26, $0x2;
	v19 =	vld.idx.msk [tilespmem:v19+s23+$0x0], $0xffff;
	vm9 =	vgt.s32 v55, $0x0;
	v5 =	vmul.u32 $0x3, v5  }
0x1ec: {  	v18 =	vld.idx.msk [tilespmem:v18+s23+$0x0], $0xffff;
	v61 =	vand.u32 $0xFFFFFFF8, v7;
	v7 =	vand.u32 $0x7, v7;
	v62 =	vand.u32 $0xFFFFFFF8, v8  }
0x1ed: {  	v14 =	vld [tilespmem:s21+$0x1C0];
	vm15 =	vge.f32 v23, v61;
	v5 =	vadd.s32 v40, v5;
	vm4 =	vge.f32 v43, v62  }
0x1ee: {  	[tilespmem:s21+$0xC170] =	vst v2;
	v2 =	vcvt.s32.f32 v3;
	v3 =	vld.idx.msk [tilespmem:v46+s20+$0x0], $0xffff;
	v60 =	vand.u32 $0xFFFFFFF8, v6;
	v6 =	vand.u32 $0x7, v6  }
0x1ef: {  	[tilespmem:s21+$0xE0D0] =	vst v9;
	v1 =	vld.idx.msk [tilespmem:v1+s23+$0x0], $0xffff;
	vm14 =	vge.f32 v25, v60;
	v25 =	vsel vm15, $0x1, v0;
	v53 =	vand.u32 $0xFFFFFFF8, v11  }
0x1f0: {  	v9 =	vld.idx.msk [tilespmem:v49+s20+$0x0], $0xffff;
	v11 =	vand.u32 $0x7, v11;
	v10 =	vshra.s32 v2, $0x17;
	vm7 =	vge.f32 v36, v53  }
0x1f1: {  	v24 =	vld [tilespmem:s21+$0x1B0];
	v13 =	vsel vm14, $0x1, v0;
	v7 =	vadd.s32 v25, v7;
	v12 =	vsel vm7, $0x1, v0  }
0x1f2: {  	v17 =	vld.idx.msk [tilespmem:v17+s23+$0x0], $0xffff;
	v6 =	vadd.s32 v13, v6;
	v7 =	vmul.u32 $0x3, v7;
	v11 =	vadd.s32 v12, v11  }
0x1f3: {  	v31 =	vld [tilespmem:s21+$0x1E0];
	v23 =	vand.u32 $0xFFFFFFF8, v3;
	v3 =	vand.u32 $0x7, v3;
	v11 =	vmul.u32 $0x3, v11  }
0x1f4: {  	v22 =	vld.idx.msk [tilespmem:v22+s23+$0x0], $0xffff;
	v7 =	vadd.s32 v41, v7;
	[tilespmem:s21+$0xE170] =	vst v1;
	v1 =	vand.u32 $0x7, v8;
	v8 =	vsel vm4, $0x1, v0  }
0x1f5: {  	v16 =	vld.idx.msk [tilespmem:v16+s23+$0x0], $0xffff;
	vm5 =	vge.f32 v37, v23;
	v23 =	vand.u32 $0xFFFFFFF8, v9;
	v9 =	vand.u32 $0x7, v9  }
0x1f6: {  	v10 =	vld.idx.msk [tilespmem:v10+s20+$0x0], $0xffff;
	v29 =	vsel vm5, $0x1, v0;
	vm6 =	vge.f32 v35, v23;
	v1 =	vadd.s32 v8, v1  }
0x1f7: {  	[tilespmem:s10+$0xA180] =	vst v20;
	v36 =	vld [tilespmem:s21+$0x41C0];
	v11 =	vadd.s32 v45, v11;
	v54 =	vsel vm6, $0x1, v0;
	v3 =	vadd.s32 v29, v3  }
0x1f8: {  	v56 =	vld.idx.msk [tilespmem:v5+s23+$0x0], $0xffff;
	v1 =	vmul.u32 $0x3, v1;
	v50 =	vadd.s32 $0x2A, v11;
	v29 =	vcvt.s32.f32 v24  }
0x1f9: {  	v13 =	vld [tilespmem:s21+$0x41A0];
	v24 =	vcvt.s32.f32 v14;
	v9 =	vadd.s32 v54, v9;
	v3 =	vmul.u32 $0x3, v3  }
0x1fa: {  	v37 =	vld [tilespmem:s21+$0x41E0];
	v14 =	vadd.s32 $0x3F, v11;
	v9 =	vmul.u32 $0x3, v9;
	v1 =	vadd.s32 v42, v1  }
0x1fb: {  	v23 =	vld [tilespmem:s21+$0x4190];
	v3 =	vadd.s32 v39, v3;
	v39 =	vadd.s32 $0x15, v1;
	v25 =	vand.u32 $0xFFFFFFF8, v10  }
0x1fc: {  	[tilespmem:s10+$0xA1A0] =	vst v19;
	v8 =	vld [tilespmem:s21+$0x41B0];
	v10 =	vand.u32 $0x7, v10;
	v9 =	vadd.s32 v44, v9;
	vm8 =	vge.f32 v2, v25  }
0x1fd: {  	[tilespmem:s10+$0x81E0] =	vst v22;
	v19 =	vld.idx.msk [tilespmem:v7+s23+$0x0], $0xffff;
	v40 =	vadd.s32 $0x15, v3;
	v2 =	vmul.u32 $0x3, v6;
	v12 =	vsel vm8, $0x1, v0  }
0x1fe: {  	[tilespmem:s10+$0xA1B0] =	vst v18;
	v44 =	vadd.s32 $0x15, v11;
	v11 =	vld.idx.msk [tilespmem:v11+s23+$0x0], $0xffff;
	v10 =	vadd.s32 v12, v10;
	v12 =	vnsel vm9, $0x0, v55  }
0x1ff: {  	[tilespmem:s10+$0xA1C0] =	vst v17;
	v2 =	vadd.s32 v38, v2;
	v38 =	vadd.s32 $0x15, v7;
	v18 =	vld.idx.msk [tilespmem:v1+s23+$0x0], $0xffff;
	v10 =	vmul.u32 $0x3, v10  }
0x200: {  	v48 =	vadd.s32 $0x2A, v3;
	v58 =	vadd.s32 $0x3F, v3;
	v12 =	vmin.u32 v12, $0x2;
	v3 =	vld.idx.msk [tilespmem:v3+s23+$0x0], $0xffff  }
0x201: {  	v6 =	vld [tilespmem:s21+$0x41D0];
	v10 =	vadd.s32 v12, v10  }
0x202: {  	[tilespmem:s10+$0xA1D0] =	vst v16;
	v12 =	vld.idx.msk [tilespmem:v21+s23+$0x0], $0xffff;
	v21 =	vadd.s32 $0x15, v5  }
0x203: {  	v41 =	vadd.s32 $0x15, v9;
	v49 =	vadd.s32 $0x2A, v9;
	v59 =	vadd.s32 $0x3F, v9;
	[tilespmem:s21+$0x8120] =	vst v19;
	v9 =	vld.idx.msk [tilespmem:v9+s23+$0x0], $0xffff  }
0x204: {  	[tilespmem:s21+$0x8130] =	vst v18;
	v38 =	vld.idx.msk [tilespmem:v38+s23+$0x0], $0xffff  }
0x205: {  	vm10 =	vgt.s32 v30, $0x0;
	vm12 =	vgt.s32 v13, $0x0;
	[tilespmem:s21+$0x8140] =	vst v3;
	v3 =	vld.idx.msk [tilespmem:v39+s23+$0x0], $0xffff  }
0x206: {  	v46 =	vadd.s32 $0x2A, v7;
	[tilespmem:s21+$0x8100] =	vst v56;
	v13 =	vnsel vm12, $0x0, v13;
	v47 =	vadd.s32 $0x2A, v1;
	v22 =	vld.idx.msk [tilespmem:v10+s23+$0x0], $0xffff  }
0x207: {  	vm11 =	vgt.s32 v23, $0x0;
	v16 =	vnsel vm10, $0x0, v30;
	vm8 =	vgt.s32 v37, $0x0;
	[tilespmem:s21+$0x8160] =	vst v11;
	v62 =	vld.idx.msk [tilespmem:v21+s23+$0x0], $0xffff  }
0x208: {  	[tilespmem:s21+$0x8150] =	vst v9;
	v9 =	vnsel vm8, $0x0, v37;
	v21 =	vmin.u32 v16, $0x2;
	v16 =	vmin.u32 v13, $0x2;
	v13 =	vld.idx.msk [tilespmem:v40+s23+$0x0], $0xffff  }
0x209: {  	v18 =	vnsel vm11, $0x0, v23;
	[tilespmem:s10+$0xA190] =	vst v12;
	v23 =	vmin.u32 v9, $0x2;
	v9 =	vld.idx.msk [tilespmem:v44+s23+$0x0], $0xffff  }
0x20a: {  	vm13 =	vgt.s32 v8, $0x0;
	v57 =	vadd.s32 $0x15, v10;
	v12 =	vld.idx.msk [tilespmem:v2+s23+$0x0], $0xffff;
	[tilespmem:s21+$0xA120] =	vst v38  }
0x20b: {  	v42 =	vadd.s32 $0x2A, v5;
	v8 =	vnsel vm13, $0x0, v8;
	[tilespmem:s21+$0xA130] =	vst v3;
	v3 =	vld.idx.msk [tilespmem:v46+s23+$0x0], $0xffff  }
0x20c: {  	v35 =	vadd.s32 $0x15, v2;
	[tilespmem:s21+$0x81F0] =	vst v22;
	v22 =	vmin.u32 v18, $0x2;
	v18 =	vmin.u32 v8, $0x2;
	v8 =	vld.idx.msk [tilespmem:v41+s23+$0x0], $0xffff  }
0x20d: {  	v7 =	vadd.s32 $0x3F, v7;
	[tilespmem:s21+$0xA140] =	vst v13;
	v13 =	vld.idx.msk [tilespmem:v47+s23+$0x0], $0xffff  }
0x20e: {  	[tilespmem:s21+$0xA100] =	vst v62;
	v62 =	vld [tilespmem:$0x1FF70]  }
0x20f: {  	v17 =	vld.idx.msk [tilespmem:v57+s23+$0x0], $0xffff  }
0x210: {  	v25 =	vcvt.s32.f32 v63;
	v63 =	vadd.s32 $0x2A, v10;
	[tilespmem:s21+$0x8110] =	vst v12;
	v11 =	vld.idx.msk [tilespmem:v42+s23+$0x0], $0xffff  }
0x211: {  	v30 =	vld.idx.msk [tilespmem:v35+s23+$0x0], $0xffff;
	[tilespmem:s21+$0xC120] =	vst v3  }
0x212: {  	v3 =	vld.idx.msk [tilespmem:v7+s23+$0x0], $0xffff;
	[tilespmem:s21+$0xA150] =	vst v8  }
0x213: {  	v1 =	vadd.s32 $0x3F, v1;
	vm15 =	vgt.s32 v6, $0x0;
	v8 =	vld.idx.msk [tilespmem:v48+s23+$0x0], $0xffff;
	[tilespmem:s21+$0xC130] =	vst v13  }
0x214: {  	v5 =	vadd.s32 $0x3F, v5;
	v6 =	vnsel vm15, $0x0, v6;
	v13 =	vld [tilespmem:$0x1FF30];
	[tilespmem:s21+$0xA1F0] =	vst v17  }
0x215: {  	v26 =	vcvt.s32.f32 v51;
	v43 =	vadd.s32 $0x2A, v2;
	v17 =	vmin.u32 v6, $0x2;
	v6 =	vld.idx.msk [tilespmem:v63+s23+$0x0], $0xffff  }
0x216: {  	v10 =	vadd.s32 $0x3F, v10;
	[tilespmem:s21+$0xA160] =	vst v9;
	v9 =	vld.idx.msk [tilespmem:v49+s23+$0x0], $0xffff  }
0x217: {  	v32 =	vshra.s32 v26, $0x17;
	[tilespmem:s21+$0xC100] =	vst v11;
	v11 =	vld [tilespmem:$0x1FF20]  }
0x218: {  	v1 =	vld.idx.msk [tilespmem:v1+s23+$0x0], $0xffff  }
0x219: {  	[tilespmem:s21+$0xA110] =	vst v30;
	v5 =	vld.idx.msk [tilespmem:v5+s23+$0x0], $0xffff  }
0x21a: {  	v30 =	vld.idx.msk [tilespmem:v43+s23+$0x0], $0xffff;
	[tilespmem:s21+$0xC1F0] =	vst v6  }
0x21b: {  	[tilespmem:s21+$0xE120] =	vst v3;
	v6 =	vld.idx.msk [tilespmem:v10+s23+$0x0], $0xffff  }
0x21c: {  	v2 =	vadd.s32 $0x3F, v2;
	[tilespmem:s21+$0xC140] =	vst v8;
	v3 =	vld.idx.msk [tilespmem:v32+s20+$0x0], $0xffff  }
0x21d: {  	v27 =	vcvt.s32.f32 v33;
	v60 =	vshra.s32 v29, $0x17;
	[tilespmem:s21+$0xC150] =	vst v9;
	v10 =	vld.idx.msk [tilespmem:v50+s23+$0x0], $0xffff  }
0x21e: {  	v7 =	vld.idx.msk [tilespmem:v59+s23+$0x0], $0xffff;
	[tilespmem:s21+$0xE100] =	vst v5  }
0x21f: {  	v33 =	vshra.s32 v27, $0x17;
	[tilespmem:s21+$0xC110] =	vst v30;
	v11 =	vld.idx.msk [tilespmem:v11+s23+$0x0], $0xffff  }
0x220: {  	[tilespmem:s21+$0xE1F0] =	vst v6;
	v6 =	vld.idx.msk [tilespmem:v58+s23+$0x0], $0xffff  }
0x221: {  	v20 =	vcvt.s32.f32 v31;
	v31 =	vshra.s32 v24, $0x17;
	[tilespmem:s21+$0xE130] =	vst v1;
	v2 =	vld.idx.msk [tilespmem:v2+s23+$0x0], $0xffff  }
0x222: {  	v34 =	vshra.s32 v28, $0x17;
	v1 =	vld.idx.msk [tilespmem:v60+s20+$0x0], $0xffff;
	[tilespmem:s21+$0xC160] =	vst v10  }
0x223: {  	v12 =	vshra.s32 v25, $0x17;
	v53 =	vld.idx.msk [tilespmem:v14+s23+$0x0], $0xffff  }
0x224: {  	v8 =	vld.idx.msk [tilespmem:v33+s20+$0x0], $0xffff;
	[tilespmem:s10+$0xC180] =	vst v11  }
0x225: {  	v11 =	vld [tilespmem:$0x1FF80];
	[tilespmem:s21+$0xE140] =	vst v6  }
0x226: {  	v61 =	vshra.s32 v20, $0x17;
	[tilespmem:s21+$0xE110] =	vst v2;
	v54 =	vld.idx.msk [tilespmem:v31+s20+$0x0], $0xffff  }
0x227: {  	[tilespmem:s21+$0xE150] =	vst v7;
	v2 =	vld.idx.msk [tilespmem:v34+s20+$0x0], $0xffff  }
0x228: {  	v6 =	vld.idx.msk [tilespmem:v12+s20+$0x0], $0xffff;
	[tilespmem:s21+$0xE160] =	vst v53  }
0x229: {  	v9 =	vld.idx.msk [tilespmem:v15+s23+$0x0], $0xffff  }
0x22a: {  	v15 =	vld [tilespmem:$0x1FF40]  }
0x22b: {  	v55 =	vand.u32 $0xFFFFFFF8, v8;
	v7 =	vand.u32 $0x7, v8;
	v8 =	vld.idx.msk [tilespmem:v61+s20+$0x0], $0xffff;
	v59 =	vand.u32 $0xFFFFFFF8, v54  }
0x22c: {  	vm9 =	vge.f32 v27, v55;
	v56 =	vand.u32 $0xFFFFFFF8, v2;
	vm13 =	vge.f32 v24, v59;
	v24 =	vld [tilespmem:$0x1FF50]  }
0x22d: {  	v10 =	vsel vm9, $0x1, v0;
	v13 =	vld.idx.msk [tilespmem:v13+s23+$0x0], $0xffff;
	vm10 =	vge.f32 v28, v56  }
0x22e: {  	v7 =	vadd.s32 v10, v7;
	v10 =	vld [tilespmem:$0x1FF90];
	v2 =	vand.u32 $0x7, v2;
	v12 =	vsel vm10, $0x1, v0  }
0x22f: {  	vm14 =	vgt.s32 v36, $0x0;
	v60 =	vand.u32 $0xFFFFFFF8, v6;
	v2 =	vadd.s32 v12, v2;
	v12 =	vld [tilespmem:$0x1FFB0]  }
0x230: {  	v19 =	vnsel vm14, $0x0, v36;
	vm14 =	vge.f32 v25, v60;
	v25 =	vld [tilespmem:$0x1FF60];
	v61 =	vand.u32 $0xFFFFFFF8, v8;
	[tilespmem:s10+$0xA1E0] =	vst v9  }
0x231: {  	vm15 =	vge.f32 v20, v61;
	v11 =	vld.idx.msk [tilespmem:v11+s23+$0x0], $0xffff  }
0x232: {  	v7 =	vmul.u32 $0x3, v7;
	v8 =	vand.u32 $0x7, v8;
	v9 =	vsel vm15, $0x1, v0;
	v15 =	vld.idx.msk [tilespmem:v15+s23+$0x0], $0xffff  }
0x233: {  	v8 =	vadd.s32 v9, v8;
	v9 =	vld [tilespmem:$0x1FFA0]  }
0x234: {  	v63 =	vadd.s32 v21, v7;
	v6 =	vand.u32 $0x7, v6;
	v24 =	vld.idx.msk [tilespmem:v24+s23+$0x0], $0xffff  }
0x235: {  	v2 =	vmul.u32 $0x3, v2;
	v28 =	vsel vm14, $0x1, v0;
	v7 =	vmul.u32 $0x3, v8;
	v8 =	vld [tilespmem:$0x1FFC0]  }
0x236: {  	v6 =	vadd.s32 v28, v6;
	[tilespmem:s10+$0xC1E0] =	vst v11;
	v11 =	vld [tilespmem:$0x1FFD0]  }
0x237: {  	v2 =	vadd.s32 v22, v2;
	v6 =	vmul.u32 $0x3, v6;
	v22 =	vadd.s32 v23, v7;
	v7 =	vld [tilespmem:$0x1FFF0]  }
0x238: {  	v57 =	vand.u32 $0xFFFFFFF8, v3;
	v25 =	vld.idx.msk [tilespmem:v25+s23+$0x0], $0xffff  }
0x239: {  	vm11 =	vge.f32 v26, v57;
	v58 =	vand.u32 $0xFFFFFFF8, v1;
	[tilespmem:s10+$0xC1B0] =	vst v24;
	v24 =	vadd.s32 v17, v6;
	v6 =	vld [tilespmem:$0x1FFE0]  }
0x23a: {  	v3 =	vand.u32 $0x7, v3;
	v5 =	vld.idx.msk [tilespmem:v62+s23+$0x0], $0xffff;
	v14 =	vsel vm11, $0x1, v0;
	vm12 =	vge.f32 v29, v58  }
0x23b: {  	v1 =	vand.u32 $0x7, v1;
	v26 =	vsel vm12, $0x1, v0;
	v3 =	vadd.s32 v14, v3;
	v10 =	vld.idx.msk [tilespmem:v10+s23+$0x0], $0xffff;
	[tilespmem:s10+$0xC1A0] =	vst v15  }
0x23c: {  	v1 =	vadd.s32 v26, v1;
	v3 =	vmul.u32 $0x3, v3;
	[tilespmem:s10+$0xC190] =	vst v13;
	v12 =	vld.idx.msk [tilespmem:v12+s23+$0x0], $0xffff  }
0x23d: {  	v1 =	vmul.u32 $0x3, v1;
	v4 =	vand.u32 $0x7, v54;
	v27 =	vsel vm13, $0x1, v0;
	v9 =	vld.idx.msk [tilespmem:v9+s23+$0x0], $0xffff  }
0x23e: {  	v19 =	vmin.u32 v19, $0x2;
	v3 =	vadd.s32 v16, v3;
	v4 =	vadd.s32 v27, v4;
	[tilespmem:s10+$0xC1C0] =	vst v25;
	v8 =	vld.idx.msk [tilespmem:v8+s23+$0x0], $0xffff  }
0x23f: {  	[tilespmem:s10+$0xC1D0] =	vst v5;
	v1 =	vadd.s32 v18, v1;
	v33 =	vadd.s32 $0x2A, v3;
	v4 =	vmul.u32 $0x3, v4;
	v11 =	vld.idx.msk [tilespmem:v11+s23+$0x0], $0xffff  }
0x240: {  	s9 =	sadd.s32 $0x80, s9;
	v18 =	vadd.s32 $0x15, v1;
	v35 =	vadd.s32 $0x2A, v63;
	v32 =	vadd.s32 $0x2A, v1;
	[tilespmem:s10+$0xE180] =	vst v10;
	v7 =	vld.idx.msk [tilespmem:v7+s23+$0x0], $0xffff  }
0x241: {  	p1 =	slt.u32 s9, $0x780;
	v14 =	vadd.s32 $0x3F, v63;
	v13 =	vadd.s32 $0x3F, v3;
	v4 =	vadd.s32 v19, v4;
	[tilespmem:s10+$0xE1A0] =	vst v12;
	v6 =	vld.idx.msk [tilespmem:v6+s23+$0x0], $0xffff  }
.Ltmp2:
0x242: {  	v20 =	vadd.s32 $0x15, v63;
	v21 =	vadd.s32 $0x15, v2;
	v34 =	vadd.s32 $0x2A, v2;
	v23 =	vld.idx.msk [tilespmem:v63+s23+$0x0], $0xffff;
	[tilespmem:s10+$0xE190] =	vst v9;
	(pc) =	sbr.rel @p1 .LBB2_3-.Ltmp2, $4  }
0x243: {  	v19 =	vadd.s32 $0x15, v3;
	v31 =	vadd.s32 $0x2A, v4;
	v10 =	vadd.s32 $0x3F, v4;
	v26 =	vld.idx.msk [tilespmem:v3+s23+$0x0], $0xffff;
	[tilespmem:s10+$0xE1B0] =	vst v8  }
0x244: {  	v30 =	vadd.s32 $0x2A, v22;
	v15 =	vadd.s32 $0x15, v22;
	v17 =	vadd.s32 $0x15, v4;
	v25 =	vld.idx.msk [tilespmem:v2+s23+$0x0], $0xffff;
	[tilespmem:s10+$0xE1C0] =	vst v11  }
0x245: {  	v16 =	vadd.s32 $0x15, v24;
	v29 =	vadd.s32 $0x2A, v24;
	v12 =	vadd.s32 $0x3F, v2;
	[tilespmem:s10+$0xE1E0] =	vst v7;
	v27 =	vld.idx.msk [tilespmem:v1+s23+$0x0], $0xffff  }
0x246: {  	s13 =	sadd.s32 $0x800, s13;
	v9 =	vadd.s32 $0x3F, v24;
	v11 =	vadd.s32 $0x3F, v1;
	v8 =	vadd.s32 $0x3F, v22;
	v28 =	vld.idx.msk [tilespmem:v4+s23+$0x0], $0xffff;
	[tilespmem:s10+$0xE1D0] =	vst v6;
	s10 =	smov.u32 s21  }
0x247: {  	_ =	sdelay $0x3  }
0x248: {  	v1 =	vld.idx.msk [tilespmem:v24+s23+$0x0], $0xffff;
	[tilespmem:s10+$0x8180] =	vst v23  }
0x249: {  	v2 =	vld.idx.msk [tilespmem:v22+s23+$0x0], $0xffff;
	[tilespmem:s10+$0x81A0] =	vst v26  }
0x24a: {  	v3 =	vld.idx.msk [tilespmem:v20+s23+$0x0], $0xffff;
	[tilespmem:s10+$0x8190] =	vst v25  }
0x24b: {  	v5 =	vld.idx.msk [tilespmem:v19+s23+$0x0], $0xffff;
	[tilespmem:s10+$0x81B0] =	vst v27  }
0x24c: {  	v4 =	vld.idx.msk [tilespmem:v21+s23+$0x0], $0xffff;
	[tilespmem:s10+$0x81C0] =	vst v28  }
0x24d: {  	[tilespmem:s10+$0x81D0] =	vst v1;
	v1 =	vld.idx.msk [tilespmem:v18+s23+$0x0], $0xffff  }
0x24e: {  	v6 =	vld.idx.msk [tilespmem:v17+s23+$0x0], $0xffff;
	[tilespmem:s10+$0x81E0] =	vst v2  }
0x24f: {  	v2 =	vld.idx.msk [tilespmem:v16+s23+$0x0], $0xffff;
	[tilespmem:s10+$0xA180] =	vst v3  }
0x250: {  	v3 =	vld.idx.msk [tilespmem:v15+s23+$0x0], $0xffff;
	[tilespmem:s10+$0xA1A0] =	vst v5  }
0x251: {  	v44 =	vld.idx.msk [tilespmem:v35+s23+$0x0], $0xffff;
	[tilespmem:s10+$0xA190] =	vst v4  }
0x252: {  	v5 =	vld.idx.msk [tilespmem:v33+s23+$0x0], $0xffff;
	[tilespmem:s10+$0xA1B0] =	vst v1  }
0x253: {  	v1 =	vld.idx.msk [tilespmem:v34+s23+$0x0], $0xffff;
	[tilespmem:s10+$0xA1C0] =	vst v6  }
0x254: {  	[tilespmem:s10+$0xA1D0] =	vst v2;
	v2 =	vld.idx.msk [tilespmem:v32+s23+$0x0], $0xffff  }
0x255: {  	v6 =	vld.idx.msk [tilespmem:v31+s23+$0x0], $0xffff;
	[tilespmem:s10+$0xA1E0] =	vst v3  }
0x256: {  	v3 =	vld.idx.msk [tilespmem:v29+s23+$0x0], $0xffff;
	[tilespmem:s10+$0xC180] =	vst v44  }
0x257: {  	v45 =	vld.idx.msk [tilespmem:v30+s23+$0x0], $0xffff;
	[tilespmem:s10+$0xC1A0] =	vst v5  }
0x258: {  	v5 =	vld.idx.msk [tilespmem:v13+s23+$0x0], $0xffff;
	[tilespmem:s10+$0xC190] =	vst v1  }
0x259: {  	v1 =	vld.idx.msk [tilespmem:v14+s23+$0x0], $0xffff;
	[tilespmem:s10+$0xC1B0] =	vst v2  }
0x25a: {  	v2 =	vld.idx.msk [tilespmem:v12+s23+$0x0], $0xffff;
	[tilespmem:s10+$0xC1C0] =	vst v6  }
0x25b: {  	[tilespmem:s10+$0xC1D0] =	vst v3;
	v3 =	vld.idx.msk [tilespmem:v11+s23+$0x0], $0xffff  }
0x25c: {  	[tilespmem:s10+$0xC1E0] =	vst v45;
	v46 =	vld.idx.msk [tilespmem:v10+s23+$0x0], $0xffff  }
0x25d: {  	v6 =	vld.idx.msk [tilespmem:v8+s23+$0x0], $0xffff;
	[tilespmem:s10+$0xE1A0] =	vst v5  }
0x25e: {  	[tilespmem:s10+$0xE180] =	vst v1;
	v1 =	vld.idx.msk [tilespmem:v9+s23+$0x0], $0xffff  }
0x25f: {  	[tilespmem:s10+$0xE190] =	vst v2  }
0x260: {  	[tilespmem:s10+$0xE1B0] =	vst v3  }
0x261: {  	s9 =	sor.u32 s8, s14;
	[tilespmem:s10+$0xE1C0] =	vst v46  }
0x262: {  	s9 =	sshrl.u32 s9, $0x3;
	[tilespmem:s10+$0xE1E0] =	vst v6  }
0x263: {  	s5 =	sadd.s32 s4, s9;
	s13 =	sor.u32 $0x80000, s9;
	[tilespmem:s10+$0xE1D0] =	vst v1  }
0x264: {  	[hbm4b:s5+s15] =	stream.strided.scatter [tilespmem:s24], [sflag:$0x3], $0x2000, s16, s15, $0x38;
	[tilespmem:$0x18380] =	vst v63  }
0x265: {  	s17 =	sor.u32 $0x100000, s9;
	s10 =	sadd.s32 s4, s13  }
0x266: {  	[hbm4b:s10+s15] =	stream.strided.scatter [tilespmem:s25], [sflag:$0x3], $0x2000, s16, s15, $0x38;
	[tilespmem:$0x18380] =	vst v63  }
0x267: {  	s21 =	sor.u32 $0x180000, s9;
	s10 =	sadd.s32 s4, s17  }
0x268: {  	[hbm4b:s10+s15] =	stream.strided.scatter [tilespmem:s26], [sflag:$0x3], $0x2000, s16, s15, $0x38;
	[tilespmem:$0x18380] =	vst v63  }
0x269: {  	p1 =	seq.s32 s7, $0xF;
	s10 =	sadd.s32 s4, s21  }
0x26a: {  	[hbm4b:s10+s15] =	stream.strided.scatter [tilespmem:s28], [sflag:$0x3], $0x2000, s16, s15, $0x38;
	[tilespmem:$0x18380] =	vst v63  }
0x26b: {  	s10 =	sadd.s32 @!p1 s8, s11  }
0x26c: {  	s5 =	simm.s32 @!p1 $0x0;
	s10 =	sshrl.u32 @!p1 s10, $0x3  }
0x26d: {  	s17 =	simm.s32 @!p1 $0x200;
	s21 =	simm.s32 @!p1 $0x400;
	s13 =	sadd.s32 @!p1 s1, s10  }
0x26e: {  	[tilespmem:s5], [sflag:$0x1] =	stream.strided.gather @!p1 [hbm4b:s13+s17], $0x2000, s21, s17, $0x38;
	[tilespmem:$0x18380] =	vst v63  }
0x26f: {  	s5 =	sadd.s32 @!p1 s2, s10;
	s10 =	simm.s32 @!p1 $0x4000  }
0x270: {  	[tilespmem:s10], [sflag:$0x1] =	stream.strided.gather @!p1 [hbm4b:s5+s17], $0x2000, s21, s17, $0x38;
	[tilespmem:$0x18380] =	vst v63  }
0x271: {  	_ =	swait.ge [sflag:s29], $0x2000  }
0x272: {  	[sflag:s29] =	ssyncset.done $0x0  }
0x273: {  	[sflag:s29] =	ssyncadd.s32 $0xFFFFE000  }
0x274: {  	_ =	swait.ge [sflag:s29], $0x2000  }
0x275: {  	[sflag:s29] =	ssyncset.done $0x0  }
0x276: {  	s5 =	simm.s32 @!p0 $0x4;
	[sflag:s29] =	ssyncadd.s32 $0xFFFFE000  }
0x277: {  	_ =	swait.ge @!p0 [sflag:s5], $0x2000  }
0x278: {  	[sflag:s5] =	ssyncset.done @!p0 $0x0  }
0x279: {  	[sflag:s5] =	ssyncadd.s32 @!p0 $0xFFFFE000  }
0x27a: {  	_ =	swait.ge @!p0 [sflag:s5], $0x2000  }
0x27b: {  	[sflag:s5] =	ssyncset.done @!p0 $0x0  }
0x27c: {  	[sflag:s5] =	ssyncadd.s32 @!p0 $0xFFFFE000  }
0x27d: {  	_ =	swait.ge @!p0 [sflag:s5], $0x2000  }
0x27e: {  	[sflag:s5] =	ssyncset.done @!p0 $0x0  }
0x27f: {  	[sflag:s5] =	ssyncadd.s32 @!p0 $0xFFFFE000  }
0x280: {  	_ =	swait.ge @!p0 [sflag:s5], $0x2000  }
0x281: {  	[sflag:s5] =	ssyncset.done @!p0 $0x0  }
0x282: {  	s10 =	simm.s32 $0x0;
	[sflag:s5] =	ssyncadd.s32 @!p0 $0xFFFFE000  }
0x283: {  	v1 =	vld [tilespmem:s10+$0x2070]  }
0x284: {  	v2 =	vld [tilespmem:s10+$0x2000]  }
0x285: {  	v3 =	vld [tilespmem:s10+$0x2010]  }
0x286: {  	v47 =	vld [tilespmem:s10+$0x2020]  }
0x287: {  	v48 =	vld [tilespmem:s10+$0x2030]  }
0x288: {  	v6 =	vld [tilespmem:s10+$0x2040]  }
0x289: {  	v7 =	vld [tilespmem:s10+$0x2050]  }
0x28a: {  	v8 =	vld [tilespmem:s10+$0x2060]  }
0x28b: {  	v10 =	vld [tilespmem:s10+$0x6000]  }
0x28c: {  	v12 =	vld [tilespmem:s10+$0x6010];
	v1 =	vcvt.s32.f32 v1  }
0x28d: {  	v14 =	vld [tilespmem:s10+$0x6020]  }
0x28e: {  	v16 =	vld [tilespmem:s10+$0x6030];
	v3 =	vcvt.s32.f32 v3;
	v9 =	vshra.s32 v1, $0x17  }
0x28f: {  	v21 =	vld [tilespmem:s10+$0x6070]  }
0x290: {  	v23 =	vld [tilespmem:s10+$0x6040];
	v13 =	vshra.s32 v3, $0x17  }
0x291: {  	v24 =	vld [tilespmem:s10+$0x6050];
	v2 =	vcvt.s32.f32 v2;
	v5 =	vcvt.s32.f32 v48  }
0x292: {  	v25 =	vld [tilespmem:s10+$0x6060];
	v4 =	vcvt.s32.f32 v47;
	v6 =	vcvt.s32.f32 v6  }
0x293: {  	v7 =	vcvt.s32.f32 v7;
	v8 =	vcvt.s32.f32 v8;
	v17 =	vshra.s32 v5, $0x17;
	v9 =	vld.idx.msk [tilespmem:v9+s20+$0x0], $0xffff  }
0x294: {  	vm1 =	vgt.s32 v10, $0x0;
	vm9 =	vgt.s32 v21, $0x0;
	v11 =	vshra.s32 v2, $0x17  }
0x295: {  	vm10 =	vgt.s32 v12, $0x0;
	vm11 =	vgt.s32 v14, $0x0;
	v20 =	vld.idx.msk [tilespmem:v13+s20+$0x0], $0xffff;
	v13 =	vshra.s32 v8, $0x17  }
0x296: {  	vm12 =	vgt.s32 v16, $0x0;
	vm6 =	vgt.s32 v23, $0x0;
	v18 =	vshra.s32 v6, $0x17  }
0x297: {  	v51 =	vld [tilespmem:s10+$0x6080];
	vm7 =	vgt.s32 v24, $0x0;
	vm8 =	vgt.s32 v25, $0x0;
	v15 =	vshra.s32 v4, $0x17  }
0x298: {  	v10 =	vnsel vm1, $0x0, v10;
	v19 =	vshra.s32 v7, $0x17;
	v22 =	vld.idx.msk [tilespmem:v17+s20+$0x0], $0xffff;
	v17 =	vand.u32 $0xFFFFFFF8, v9  }
0x299: {  	v23 =	vnsel vm6, $0x0, v23;
	v24 =	vnsel vm7, $0x0, v24;
	v11 =	vld.idx.msk [tilespmem:v11+s20+$0x0], $0xffff;
	vm0 =	vge.f32 v1, v17  }
0x29a: {  	v23 =	vmin.u32 v23, $0x2;
	v9 =	vand.u32 $0x7, v9;
	v1 =	vld.idx.msk [tilespmem:v13+s20+$0x0], $0xffff;
	v13 =	vsel vm0, $0x1, v0  }
0x29b: {  	v18 =	vld.idx.msk [tilespmem:v18+s20+$0x0], $0xffff;
	v9 =	vadd.s32 v13, v9;
	v13 =	vnsel vm9, $0x0, v21;
	v21 =	vmin.u32 v10, $0x2  }
0x29c: {  	v15 =	vld.idx.msk [tilespmem:v15+s20+$0x0], $0xffff;
	v10 =	vnsel vm10, $0x0, v12;
	v17 =	vmul.u32 $0x3, v9;
	v12 =	vmin.u32 v13, $0x2  }
0x29d: {  	v19 =	vld.idx.msk [tilespmem:v19+s20+$0x0], $0xffff;
	v27 =	vmin.u32 v10, $0x2;
	v10 =	vnsel vm11, $0x0, v14;
	v13 =	vnsel vm12, $0x0, v16  }
0x29e: {  	v54 =	vld [tilespmem:s10+$0x6090];
	v16 =	vand.u32 $0xFFFFFFF8, v20;
	v28 =	vmin.u32 v10, $0x2;
	v29 =	vmin.u32 v13, $0x2  }
0x29f: {  	v9 =	vld [tilespmem:s10+$0x2080];
	v10 =	vand.u32 $0xFFFFFFF8, v11;
	v11 =	vand.u32 $0x7, v11;
	vm14 =	vge.f32 v3, v16  }
0x2a0: {  	v14 =	vld [tilespmem:s10+$0x20B0];
	v3 =	vand.u32 $0xFFFFFFF8, v18;
	v18 =	vand.u32 $0x7, v18;
	v26 =	vadd.s32 v12, v17  }
0x2a1: {  	v13 =	vld [tilespmem:s10+$0x20A0];
	v17 =	vand.u32 $0xFFFFFFF8, v15;
	vm13 =	vge.f32 v2, v10;
	v2 =	vand.u32 $0xFFFFFFF8, v22  }
0x2a2: {  	v16 =	vld [tilespmem:s10+$0x20E0];
	vm4 =	vge.f32 v6, v3;
	v3 =	vand.u32 $0xFFFFFFF8, v19;
	v49 =	vsel vm14, $0x1, v0  }
0x2a3: {  	v12 =	vld [tilespmem:s10+$0x2090];
	v15 =	vand.u32 $0x7, v15;
	v22 =	vand.u32 $0x7, v22;
	v19 =	vand.u32 $0x7, v19  }
0x2a4: {  	v10 =	vld [tilespmem:s10+$0x20C0];
	vm2 =	vge.f32 v4, v17;
	vm3 =	vge.f32 v5, v2;
	vm15 =	vge.f32 v7, v3  }
0x2a5: {  	v6 =	vld [tilespmem:s10+$0x60A0];
	v3 =	vand.u32 $0xFFFFFFF8, v1;
	v31 =	vadd.s32 $0x15, v26;
	v52 =	vsel vm4, $0x1, v0  }
0x2a6: {  	v17 =	vld [tilespmem:s10+$0x20D0];
	v1 =	vand.u32 $0x7, v1;
	v50 =	vsel vm2, $0x1, v0;
	vm5 =	vge.f32 v8, v3  }
0x2a7: {  	v3 =	vsel vm3, $0x1, v0;
	v53 =	vsel vm15, $0x1, v0;
	v18 =	vadd.s32 v52, v18;
	v2 =	vld.idx.msk [tilespmem:v26+s23+$0x0], $0xffff  }
0x2a8: {  	v7 =	vld [tilespmem:s10+$0x60B0];
	v8 =	vand.u32 $0x7, v20;
	v55 =	vadd.s32 v50, v15;
	v18 =	vmul.u32 $0x3, v18  }
0x2a9: {  	v20 =	vsel vm5, $0x1, v0;
	v3 =	vadd.s32 v3, v22;
	v15 =	vld [tilespmem:s10+$0x60E0];
	v32 =	vmul.u32 $0x3, v55  }
0x2aa: {  	v20 =	vadd.s32 v20, v1;
	v1 =	vld [tilespmem:s10+$0x2100];
	v56 =	vmul.u32 $0x3, v3;
	v18 =	vadd.s32 v23, v18  }
0x2ab: {  	v30 =	vsel vm13, $0x1, v0;
	v19 =	vadd.s32 v53, v19;
	v3 =	vld [tilespmem:s10+$0x2120];
	v28 =	vadd.s32 v28, v32  }
0x2ac: {  	v29 =	vadd.s32 v29, v56;
	[tilespmem:s10+$0x10070] =	vst v2;
	v2 =	vadd.s32 v30, v11;
	v30 =	vadd.s32 v49, v8;
	v8 =	vld [tilespmem:s10+$0x60C0]  }
0x2ad: {  	v25 =	vnsel vm8, $0x0, v25;
	v24 =	vmin.u32 v24, $0x2;
	v19 =	vmul.u32 $0x3, v19;
	v31 =	vld.idx.msk [tilespmem:v31+s23+$0x0], $0xffff  }
0x2ae: {  	v22 =	vadd.s32 $0x2A, v26;
	v20 =	vmul.u32 $0x3, v20;
	v11 =	vld [tilespmem:s10+$0x60D0];
	v2 =	vmul.u32 $0x3, v2  }
0x2af: {  	v25 =	vmin.u32 v25, $0x2;
	v19 =	vadd.s32 v24, v19;
	v59 =	vld.idx.msk [tilespmem:v18+s23+$0x0], $0xffff;
	v30 =	vmul.u32 $0x3, v30  }
0x2b0: {  	v20 =	vadd.s32 v25, v20;
	v25 =	vld.idx.msk [tilespmem:v28+s23+$0x0], $0xffff;
	v21 =	vadd.s32 v21, v2  }
0x2b1: {  	v57 =	vld.idx.msk [tilespmem:v29+s23+$0x0], $0xffff;
	v27 =	vadd.s32 v27, v30  }
0x2b2: {  	v30 =	vld [tilespmem:s10+$0x20F0];
	[tilespmem:s10+$0x12070] =	vst v31  }
0x2b3: {  	v38 =	vadd.s32 $0x15, v18;
	v22 =	vld.idx.msk [tilespmem:v22+s23+$0x0], $0xffff  }
0x2b4: {  	v26 =	vadd.s32 $0x3F, v26;
	v36 =	vld.idx.msk [tilespmem:v19+s23+$0x0], $0xffff  }
0x2b5: {  	v23 =	vld.idx.msk [tilespmem:v21+s23+$0x0], $0xffff  }
0x2b6: {  	v31 =	vadd.s32 $0x15, v21;
	v24 =	vld.idx.msk [tilespmem:v27+s23+$0x0], $0xffff  }
0x2b7: {  	v60 =	vadd.s32 $0x15, v29;
	v2 =	vld [tilespmem:s10+$0x2110];
	[tilespmem:s10+$0x10040] =	vst v59  }
0x2b8: {  	v58 =	vadd.s32 $0x15, v27;
	v42 =	vld.idx.msk [tilespmem:v38+s23+$0x0], $0xffff;
	v30 =	vcvt.s32.f32 v30;
	[tilespmem:s10+$0x14070] =	vst v22  }
0x2b9: {  	[tilespmem:s10+$0x10030] =	vst v57;
	v22 =	vadd.s32 $0x15, v28;
	v26 =	vld.idx.msk [tilespmem:v26+s23+$0x0], $0xffff  }
0x2ba: {  	v37 =	vshra.s32 v30, $0x17;
	[tilespmem:s10+$0x10000] =	vst v23;
	v23 =	vld.idx.msk [tilespmem:v20+s23+$0x0], $0xffff  }
0x2bb: {  	[tilespmem:s10+$0x10010] =	vst v24;
	v24 =	vld.idx.msk [tilespmem:v31+s23+$0x0], $0xffff;
	v31 =	vadd.s32 $0x15, v19  }
0x2bc: {  	v61 =	vadd.s32 $0x15, v20;
	v32 =	vld.idx.msk [tilespmem:v60+s23+$0x0], $0xffff  }
0x2bd: {  	[tilespmem:s10+$0x10020] =	vst v25;
	v25 =	vld.idx.msk [tilespmem:v58+s23+$0x0], $0xffff  }
0x2be: {  	v63 =	vadd.s32 $0x2A, v27;
	v22 =	vld.idx.msk [tilespmem:v22+s23+$0x0], $0xffff;
	[tilespmem:s10+$0x16070] =	vst v26  }
0x2bf: {  	[tilespmem:s10+$0x10050] =	vst v36;
	v26 =	vadd.s32 $0x2A, v21;
	v62 =	vld.idx.msk [tilespmem:v37+s20+$0x0], $0xffff  }
0x2c0: {  	v43 =	vadd.s32 $0x2A, v28;
	[tilespmem:s10+$0x10060] =	vst v23;
	v23 =	vld.idx.msk [tilespmem:v31+s23+$0x0], $0xffff  }
0x2c1: {  	v44 =	vadd.s32 $0x2A, v18;
	v33 =	vld.idx.msk [tilespmem:v61+s23+$0x0], $0xffff;
	[tilespmem:s10+$0x12000] =	vst v24  }
0x2c2: {  	v31 =	vadd.s32 $0x2A, v29;
	v24 =	vld [tilespmem:s10+$0x60F0];
	[tilespmem:s10+$0x12010] =	vst v25  }
0x2c3: {  	v39 =	vadd.s32 $0x2A, v19;
	[tilespmem:s10+$0x12020] =	vst v22;
	v22 =	vld.idx.msk [tilespmem:v63+s23+$0x0], $0xffff  }
0x2c4: {  	[tilespmem:s10+$0x12040] =	vst v42;
	v25 =	vld.idx.msk [tilespmem:v26+s23+$0x0], $0xffff;
	v26 =	vadd.s32 $0x2A, v20  }
0x2c5: {  	[tilespmem:s10+$0x12030] =	vst v32;
	v21 =	vadd.s32 $0x3F, v21;
	v46 =	vld.idx.msk [tilespmem:v43+s23+$0x0], $0xffff  }
0x2c6: {  	v28 =	vadd.s32 $0x3F, v28;
	v45 =	vand.u32 $0xFFFFFFF8, v62;
	[tilespmem:s10+$0x12050] =	vst v23;
	v23 =	vld.idx.msk [tilespmem:v44+s23+$0x0], $0xffff  }
0x2c7: {  	v27 =	vadd.s32 $0x3F, v27;
	vm9 =	vge.f32 v30, v45;
	v30 =	vld.idx.msk [tilespmem:v31+s23+$0x0], $0xffff  }
0x2c8: {  	v18 =	vadd.s32 $0x3F, v18;
	[tilespmem:s10+$0x12060] =	vst v33;
	v31 =	vand.u32 $0x7, v62;
	v48 =	vld.idx.msk [tilespmem:v39+s23+$0x0], $0xffff;
	v47 =	vsel vm9, $0x1, v0  }
0x2c9: {  	v29 =	vadd.s32 $0x3F, v29;
	vm10 =	vgt.s32 v24, $0x0;
	v31 =	vadd.s32 v47, v31;
	[tilespmem:s10+$0x14000] =	vst v25;
	v25 =	vld.idx.msk [tilespmem:v26+s23+$0x0], $0xffff  }
0x2ca: {  	v19 =	vadd.s32 $0x3F, v19;
	v24 =	vnsel vm10, $0x0, v24;
	v31 =	vmul.u32 $0x3, v31;
	[tilespmem:s10+$0x14020] =	vst v46;
	v21 =	vld.idx.msk [tilespmem:v21+s23+$0x0], $0xffff  }
0x2cb: {  	v9 =	vcvt.s32.f32 v9;
	v20 =	vadd.s32 $0x3F, v20;
	v24 =	vmin.u32 v24, $0x2;
	[tilespmem:s10+$0x14010] =	vst v22;
	v26 =	vld.idx.msk [tilespmem:v28+s23+$0x0], $0xffff  }
0x2cc: {  	v12 =	vcvt.s32.f32 v12;
	[tilespmem:s10+$0x14040] =	vst v23;
	v22 =	vadd.s32 v24, v31;
	v24 =	vld.idx.msk [tilespmem:v27+s23+$0x0], $0xffff  }
0x2cd: {  	[tilespmem:s10+$0x14030] =	vst v30;
	v27 =	vcvt.s32.f32 v13;
	v13 =	vshra.s32 v9, $0x17;
	v18 =	vld.idx.msk [tilespmem:v18+s23+$0x0], $0xffff  }
0x2ce: {  	v14 =	vcvt.s32.f32 v14;
	v23 =	vshra.s32 v12, $0x17;
	[tilespmem:s10+$0x14050] =	vst v48;
	v28 =	vld.idx.msk [tilespmem:v29+s23+$0x0], $0xffff  }
0x2cf: {  	v10 =	vcvt.s32.f32 v10;
	v19 =	vld.idx.msk [tilespmem:v19+s23+$0x0], $0xffff;
	v29 =	vshra.s32 v27, $0x17;
	[tilespmem:s10+$0x14060] =	vst v25  }
0x2d0: {  	vm11 =	vgt.s32 v51, $0x0;
	v17 =	vcvt.s32.f32 v17;
	v31 =	vshra.s32 v14, $0x17;
	[tilespmem:s10+$0x16000] =	vst v21;
	v20 =	vld.idx.msk [tilespmem:v20+s23+$0x0], $0xffff  }
0x2d1: {  	vm12 =	vgt.s32 v54, $0x0;
	v4 =	vnsel vm11, $0x0, v51;
	v25 =	vshra.s32 v10, $0x17;
	[tilespmem:s10+$0x16020] =	vst v26;
	v30 =	vld.idx.msk [tilespmem:v22+s23+$0x0], $0xffff  }
0x2d2: {  	v5 =	vnsel vm12, $0x0, v54;
	v4 =	vmin.u32 v4, $0x2;
	[tilespmem:s10+$0x16010] =	vst v24;
	v13 =	vld.idx.msk [tilespmem:v13+s20+$0x0], $0xffff;
	v24 =	vshra.s32 v17, $0x17  }
0x2d3: {  	v16 =	vcvt.s32.f32 v16;
	vm13 =	vgt.s32 v6, $0x0;
	v21 =	vadd.s32 $0x15, v22;
	[tilespmem:s10+$0x16040] =	vst v18;
	v23 =	vld.idx.msk [tilespmem:v23+s20+$0x0], $0xffff  }
0x2d4: {  	v5 =	vmin.u32 v5, $0x2;
	vm14 =	vgt.s32 v7, $0x0;
	v6 =	vnsel vm13, $0x0, v6;
	[tilespmem:s10+$0x16030] =	vst v28;
	v28 =	vld.idx.msk [tilespmem:v29+s20+$0x0], $0xffff  }
0x2d5: {  	v7 =	vnsel vm14, $0x0, v7;
	vm5 =	vgt.s32 v11, $0x0;
	v26 =	vshra.s32 v16, $0x17;
	[tilespmem:s10+$0x16050] =	vst v19;
	v29 =	vld.idx.msk [tilespmem:v31+s20+$0x0], $0xffff  }
0x2d6: {  	v6 =	vmin.u32 v6, $0x2;
	vm6 =	vgt.s32 v15, $0x0;
	v19 =	vld.idx.msk [tilespmem:v25+s20+$0x0], $0xffff;
	v25 =	vnsel vm5, $0x0, v11;
	[tilespmem:s10+$0x16060] =	vst v20  }
0x2d7: {  	vm15 =	vgt.s32 v8, $0x0;
	v31 =	vmin.u32 v7, $0x2;
	v25 =	vmin.u32 v25, $0x2;
	[tilespmem:s10+$0x100F0] =	vst v30;
	v20 =	vld.idx.msk [tilespmem:v24+s20+$0x0], $0xffff  }
0x2d8: {  	v24 =	vnsel vm15, $0x0, v8;
	v30 =	vnsel vm6, $0x0, v15;
	v7 =	vand.u32 $0xFFFFFFF8, v13;
	v18 =	vld.idx.msk [tilespmem:v21+s23+$0x0], $0xffff  }
0x2d9: {  	v11 =	vld [tilespmem:s10+$0x2140];
	v49 =	vand.u32 $0x7, v13;
	v21 =	vadd.s32 $0x2A, v22;
	v24 =	vmin.u32 v24, $0x2  }
0x2da: {  	v26 =	vld.idx.msk [tilespmem:v26+s20+$0x0], $0xffff;
	v15 =	vand.u32 $0xFFFFFFF8, v23;
	vm4 =	vge.f32 v9, v7;
	v22 =	vadd.s32 $0x3F, v22  }
0x2db: {  	v8 =	vld [tilespmem:s10+$0x2130];
	vm5 =	vge.f32 v12, v15;
	v7 =	vand.u32 $0xFFFFFFF8, v28;
	v28 =	vand.u32 $0x7, v28  }
0x2dc: {  	v13 =	vld [tilespmem:s10+$0x2150];
	v50 =	vsel vm5, $0x1, v0;
	vm6 =	vge.f32 v27, v7;
	v7 =	vand.u32 $0xFFFFFFF8, v29  }
0x2dd: {  	v27 =	vld [tilespmem:s10+$0x2170];
	v29 =	vand.u32 $0x7, v29;
	v12 =	vand.u32 $0xFFFFFFF8, v19;
	v19 =	vand.u32 $0x7, v19;
	[tilespmem:s10+$0x120F0] =	vst v18  }
0x2de: {  	v51 =	vsel vm6, $0x1, v0;
	vm7 =	vge.f32 v14, v7;
	vm8 =	vge.f32 v10, v12;
	v21 =	vld.idx.msk [tilespmem:v21+s23+$0x0], $0xffff  }
0x2df: {  	v9 =	vld [tilespmem:s10+$0x6110];
	v12 =	vand.u32 $0xFFFFFFF8, v20;
	v14 =	vand.u32 $0xFFFFFFF8, v26;
	v53 =	vsel vm8, $0x1, v0  }
0x2e0: {  	v15 =	vld [tilespmem:s10+$0x2160];
	v18 =	vand.u32 $0x7, v23;
	v23 =	vsel vm4, $0x1, v0;
	v19 =	vadd.s32 v53, v19  }
0x2e1: {  	v7 =	vld [tilespmem:s10+$0x6100];
	vm9 =	vge.f32 v17, v12;
	v17 =	vadd.s32 v23, v49;
	v19 =	vmul.u32 $0x3, v19  }
0x2e2: {  	v10 =	vld [tilespmem:s10+$0x6120];
	v52 =	vsel vm7, $0x1, v0;
	vm10 =	vge.f32 v16, v14;
	v17 =	vmul.u32 $0x3, v17  }
0x2e3: {  	v12 =	vld [tilespmem:s10+$0x6130];
	v16 =	vadd.s32 v50, v18;
	v23 =	vcvt.s32.f32 v27;
	v19 =	vadd.s32 v24, v19;
	[tilespmem:s10+$0x140F0] =	vst v21  }
0x2e4: {  	v20 =	vand.u32 $0x7, v20;
	v27 =	vmul.u32 $0x3, v16;
	v54 =	vadd.s32 v4, v17;
	v22 =	vld.idx.msk [tilespmem:v22+s23+$0x0], $0xffff  }
0x2e5: {  	v14 =	vld [tilespmem:s10+$0x6140];
	v18 =	vadd.s32 v51, v28;
	v28 =	vshra.s32 v23, $0x17;
	v21 =	vsel vm9, $0x1, v0  }
0x2e6: {  	v16 =	vld [tilespmem:s10+$0x6150];
	v18 =	vmul.u32 $0x3, v18;
	v27 =	vadd.s32 v5, v27;
	v20 =	vadd.s32 v21, v20  }
0x2e7: {  	v26 =	vand.u32 $0x7, v26;
	v29 =	vadd.s32 v52, v29;
	v17 =	vld [tilespmem:s10+$0x6160];
	v20 =	vmul.u32 $0x3, v20  }
0x2e8: {  	v29 =	vmul.u32 $0x3, v29;
	v55 =	vsel vm10, $0x1, v0;
	v18 =	vadd.s32 v6, v18;
	v58 =	vld.idx.msk [tilespmem:v19+s23+$0x0], $0xffff  }
0x2e9: {  	v21 =	vadd.s32 v55, v26;
	v24 =	vld.idx.msk [tilespmem:v54+s23+$0x0], $0xffff;
	v20 =	vadd.s32 v25, v20;
	[tilespmem:s10+$0x160F0] =	vst v22  }
0x2ea: {  	v21 =	vmul.u32 $0x3, v21;
	v22 =	vadd.s32 v31, v29;
	v26 =	vld.idx.msk [tilespmem:v28+s20+$0x0], $0xffff  }
0x2eb: {  	v25 =	vld.idx.msk [tilespmem:v27+s23+$0x0], $0xffff;
	v29 =	vadd.s32 $0x15, v54;
	v28 =	vmin.u32 v30, $0x2  }
0x2ec: {  	v30 =	vld [tilespmem:s10+$0x6170];
	v21 =	vadd.s32 v28, v21  }
0x2ed: {  	v31 =	vadd.s32 $0x15, v27;
	v28 =	vld.idx.msk [tilespmem:v18+s23+$0x0], $0xffff  }
0x2ee: {  	v57 =	vadd.s32 $0x15, v18;
	v61 =	vld.idx.msk [tilespmem:v20+s23+$0x0], $0xffff  }
0x2ef: {  	v62 =	vadd.s32 $0x15, v20;
	[tilespmem:s10+$0x10080] =	vst v24;
	v56 =	vld.idx.msk [tilespmem:v22+s23+$0x0], $0xffff;
	v59 =	vand.u32 $0xFFFFFFF8, v26  }
0x2f0: {  	v60 =	vadd.s32 $0x15, v22;
	[tilespmem:s10+$0x10090] =	vst v25;
	v25 =	vld.idx.msk [tilespmem:v29+s23+$0x0], $0xffff;
	vm11 =	vge.f32 v23, v59  }
0x2f1: {  	v26 =	vand.u32 $0x7, v26;
	v23 =	vadd.s32 $0x15, v19;
	v24 =	vld.idx.msk [tilespmem:v21+s23+$0x0], $0xffff;
	v36 =	vsel vm11, $0x1, v0  }
0x2f2: {  	vm12 =	vgt.s32 v30, $0x0;
	[tilespmem:s10+$0x100A0] =	vst v28;
	v28 =	vld.idx.msk [tilespmem:v31+s23+$0x0], $0xffff;
	v31 =	vadd.s32 $0x2A, v54;
	v26 =	vadd.s32 v36, v26  }
0x2f3: {  	v29 =	vadd.s32 $0x15, v21;
	v30 =	vnsel vm12, $0x0, v30;
	v34 =	vld.idx.msk [tilespmem:v57+s23+$0x0], $0xffff;
	[tilespmem:s10+$0x100D0] =	vst v61;
	v26 =	vmul.u32 $0x3, v26  }
0x2f4: {  	v63 =	vadd.s32 $0x2A, v18;
	v30 =	vmin.u32 v30, $0x2;
	v40 =	vld.idx.msk [tilespmem:v62+s23+$0x0], $0xffff;
	[tilespmem:s10+$0x100B0] =	vst v56  }
0x2f5: {  	[tilespmem:s10+$0x100C0] =	vst v58;
	v33 =	vld.idx.msk [tilespmem:v60+s23+$0x0], $0xffff;
	v26 =	vadd.s32 v30, v26  }
0x2f6: {  	[tilespmem:s10+$0x12080] =	vst v25;
	v30 =	vadd.s32 $0x2A, v27;
	v23 =	vld.idx.msk [tilespmem:v23+s23+$0x0], $0xffff  }
0x2f7: {  	[tilespmem:s10+$0x100E0] =	vst v24;
	v24 =	vadd.s32 $0x2A, v22;
	v31 =	vld.idx.msk [tilespmem:v31+s23+$0x0], $0xffff  }
0x2f8: {  	v25 =	vld.idx.msk [tilespmem:v29+s23+$0x0], $0xffff;
	v29 =	vadd.s32 $0x2A, v19;
	[tilespmem:s10+$0x120A0] =	vst v34  }
0x2f9: {  	v41 =	vadd.s32 $0x2A, v20;
	[tilespmem:s10+$0x12090] =	vst v28;
	v43 =	vld.idx.msk [tilespmem:v63+s23+$0x0], $0xffff  }
0x2fa: {  	v42 =	vadd.s32 $0x2A, v21;
	[tilespmem:s10+$0x120D0] =	vst v40;
	v28 =	vld.idx.msk [tilespmem:v26+s23+$0x0], $0xffff  }
0x2fb: {  	v18 =	vadd.s32 $0x3F, v18;
	[tilespmem:s10+$0x120B0] =	vst v33;
	v30 =	vld.idx.msk [tilespmem:v30+s23+$0x0], $0xffff  }
0x2fc: {  	v32 =	vadd.s32 $0x3F, v54;
	[tilespmem:s10+$0x120C0] =	vst v23;
	v23 =	vld.idx.msk [tilespmem:v24+s23+$0x0], $0xffff  }
0x2fd: {  	v44 =	vadd.s32 $0x15, v26;
	v24 =	vadd.s32 $0x3F, v27;
	[tilespmem:s10+$0x14080] =	vst v31;
	v27 =	vld.idx.msk [tilespmem:v29+s23+$0x0], $0xffff  }
0x2fe: {  	[tilespmem:s10+$0x120E0] =	vst v25;
	v25 =	vld.idx.msk [tilespmem:v41+s23+$0x0], $0xffff  }
0x2ff: {  	v22 =	vadd.s32 $0x3F, v22;
	v29 =	vld.idx.msk [tilespmem:v42+s23+$0x0], $0xffff;
	[tilespmem:s10+$0x140A0] =	vst v43  }
0x300: {  	v1 =	vcvt.s32.f32 v1;
	v18 =	vld.idx.msk [tilespmem:v18+s23+$0x0], $0xffff;
	[tilespmem:s10+$0x10170] =	vst v28  }
0x301: {  	v19 =	vadd.s32 $0x3F, v19;
	[tilespmem:s10+$0x14090] =	vst v30;
	v30 =	vld.idx.msk [tilespmem:v32+s23+$0x0], $0xffff  }
0x302: {  	v2 =	vcvt.s32.f32 v2;
	[tilespmem:s10+$0x140B0] =	vst v23;
	v23 =	vshra.s32 v1, $0x17;
	v28 =	vld.idx.msk [tilespmem:v44+s23+$0x0], $0xffff  }
0x303: {  	v31 =	vadd.s32 $0x2A, v26;
	v24 =	vld.idx.msk [tilespmem:v24+s23+$0x0], $0xffff;
	[tilespmem:s10+$0x140C0] =	vst v27  }
0x304: {  	v11 =	vcvt.s32.f32 v11;
	v22 =	vld.idx.msk [tilespmem:v22+s23+$0x0], $0xffff;
	v27 =	vshra.s32 v2, $0x17;
	[tilespmem:s10+$0x140D0] =	vst v25  }
0x305: {  	v3 =	vcvt.s32.f32 v3;
	v8 =	vcvt.s32.f32 v8;
	v21 =	vadd.s32 $0x3F, v21;
	v25 =	vld [tilespmem:s10+$0x21F0];
	[tilespmem:s10+$0x140E0] =	vst v29  }
0x306: {  	v13 =	vcvt.s32.f32 v13;
	v46 =	vshra.s32 v11, $0x17;
	vm14 =	vgt.s32 v9, $0x0;
	v19 =	vld.idx.msk [tilespmem:v19+s23+$0x0], $0xffff;
	[tilespmem:s10+$0x16080] =	vst v30  }
0x307: {  	v15 =	vcvt.s32.f32 v15;
	v9 =	vnsel vm14, $0x0, v9;
	v20 =	vadd.s32 $0x3F, v20;
	[tilespmem:s10+$0x12170] =	vst v28;
	v23 =	vld.idx.msk [tilespmem:v23+s20+$0x0], $0xffff  }
0x308: {  	v45 =	vshra.s32 v8, $0x17;
	v9 =	vmin.u32 v9, $0x2;
	[tilespmem:s10+$0x16090] =	vst v24;
	v28 =	vld.idx.msk [tilespmem:v31+s23+$0x0], $0xffff;
	v31 =	vshra.s32 v3, $0x17  }
0x309: {  	vm13 =	vgt.s32 v7, $0x0;
	vm15 =	vgt.s32 v10, $0x0;
	v26 =	vadd.s32 $0x3F, v26;
	[tilespmem:s10+$0x160A0] =	vst v18;
	v18 =	vld.idx.msk [tilespmem:v27+s20+$0x0], $0xffff  }
0x30a: {  	v47 =	vshra.s32 v15, $0x17;
	v7 =	vnsel vm13, $0x0, v7;
	v10 =	vnsel vm15, $0x0, v10;
	v21 =	vld.idx.msk [tilespmem:v21+s23+$0x0], $0xffff  }
0x30b: {  	v4 =	vld [tilespmem:s10+$0x2180];
	vm10 =	vgt.s32 v14, $0x0;
	v7 =	vmin.u32 v7, $0x2;
	v10 =	vmin.u32 v10, $0x2  }
0x30c: {  	vm9 =	vgt.s32 v12, $0x0;
	v14 =	vnsel vm10, $0x0, v14;
	v20 =	vld.idx.msk [tilespmem:v20+s23+$0x0], $0xffff;
	v25 =	vcvt.s32.f32 v25;
	[tilespmem:s10+$0x160B0] =	vst v22  }
0x30d: {  	v12 =	vnsel vm9, $0x0, v12;
	v29 =	vshra.s32 v13, $0x17;
	v27 =	vand.u32 $0xFFFFFFF8, v23;
	v24 =	vld.idx.msk [tilespmem:v31+s20+$0x0], $0xffff;
	[tilespmem:s10+$0x14170] =	vst v28  }
0x30e: {  	[tilespmem:s10+$0x160C0] =	vst v19;
	v22 =	vshra.s32 v25, $0x17;
	vm13 =	vge.f32 v1, v27;
	v1 =	vand.u32 $0xFFFFFFF8, v18;
	v26 =	vld.idx.msk [tilespmem:v26+s23+$0x0], $0xffff  }
0x30f: {  	v19 =	vld.idx.msk [tilespmem:v45+s20+$0x0], $0xffff;
	[tilespmem:s10+$0x160E0] =	vst v21;
	v21 =	vand.u32 $0x7, v23;
	vm14 =	vge.f32 v2, v1;
	v2 =	vsel vm13, $0x1, v0  }
0x310: {  	v5 =	vld [tilespmem:s10+$0x2190];
	v14 =	vmin.u32 v14, $0x2;
	v12 =	vmin.u32 v12, $0x2;
	v2 =	vadd.s32 v2, v21  }
0x311: {  	vm12 =	vgt.s32 v17, $0x0;
	vm11 =	vgt.s32 v16, $0x0;
	[tilespmem:s10+$0x160D0] =	vst v20;
	v20 =	vld.idx.msk [tilespmem:v46+s20+$0x0], $0xffff;
	v2 =	vmul.u32 $0x3, v2  }
0x312: {  	v17 =	vnsel vm12, $0x0, v17;
	v16 =	vnsel vm11, $0x0, v16;
	v23 =	vld.idx.msk [tilespmem:v29+s20+$0x0], $0xffff;
	v18 =	vand.u32 $0x7, v18  }
0x313: {  	v27 =	vld.idx.msk [tilespmem:v47+s20+$0x0], $0xffff;
	v1 =	vand.u32 $0xFFFFFFF8, v24;
	v7 =	vadd.s32 v7, v2;
	[tilespmem:s10+$0x16170] =	vst v26;
	v26 =	vsel vm14, $0x1, v0  }
0x314: {  	vm15 =	vge.f32 v3, v1;
	v3 =	vand.u32 $0xFFFFFFF8, v19;
	v1 =	vld.idx.msk [tilespmem:v22+s20+$0x0], $0xffff;
	v22 =	vand.u32 $0x7, v24  }
0x315: {  	v6 =	vld [tilespmem:s10+$0x21A0];
	v24 =	vsel vm15, $0x1, v0;
	vm4 =	vge.f32 v8, v3;
	v3 =	vand.u32 $0x7, v19  }
0x316: {  	v30 =	vld [tilespmem:s10+$0x21C0];
	v8 =	vand.u32 $0xFFFFFFF8, v20;
	v20 =	vand.u32 $0x7, v20;
	v18 =	vadd.s32 v26, v18  }
0x317: {  	v21 =	vld [tilespmem:s10+$0x21E0];
	v19 =	vsel vm4, $0x1, v0;
	vm5 =	vge.f32 v11, v8;
	v8 =	vand.u32 $0xFFFFFFF8, v23  }
0x318: {  	v11 =	vld [tilespmem:s10+$0x61F0];
	v23 =	vand.u32 $0x7, v23;
	v22 =	vadd.s32 v24, v22;
	v18 =	vmul.u32 $0x3, v18  }
0x319: {  	v24 =	vld [tilespmem:s10+$0x61A0];
	v28 =	vsel vm5, $0x1, v0;
	vm6 =	vge.f32 v13, v8;
	v13 =	vand.u32 $0xFFFFFFF8, v27  }
0x31a: {  	v8 =	vld [tilespmem:s10+$0x21B0];
	v3 =	vadd.s32 v19, v3;
	v19 =	vmul.u32 $0x3, v22;
	v31 =	vsel vm6, $0x1, v0  }
0x31b: {  	v22 =	vld [tilespmem:s10+$0x61D0];
	vm7 =	vge.f32 v15, v13;
	v2 =	vadd.s32 v28, v20;
	v3 =	vmul.u32 $0x3, v3  }
0x31c: {  	v13 =	vld [tilespmem:s10+$0x21D0];
	v9 =	vadd.s32 v9, v18;
	v18 =	vadd.s32 v31, v23;
	v2 =	vmul.u32 $0x3, v2  }
0x31d: {  	v20 =	vld [tilespmem:s10+$0x61C0];
	v10 =	vadd.s32 v10, v19;
	v29 =	vand.u32 $0xFFFFFFF8, v1;
	v1 =	vand.u32 $0x7, v1  }
0x31e: {  	v23 =	vld [tilespmem:s10+$0x61E0];
	v18 =	vmul.u32 $0x3, v18;
	v3 =	vadd.s32 v12, v3;
	v12 =	vmin.u32 v16, $0x2  }
0x31f: {  	vm8 =	vge.f32 v25, v29;
	v25 =	vand.u32 $0x7, v27;
	v27 =	vsel vm7, $0x1, v0;
	v29 =	vld [tilespmem:s10+$0x6190]  }
0x320: {  	v15 =	vsel vm8, $0x1, v0;
	v19 =	vadd.s32 v27, v25;
	v12 =	vadd.s32 v12, v18;
	v18 =	vld.idx.msk [tilespmem:v7+s23+$0x0], $0xffff  }
0x321: {  	v14 =	vadd.s32 v14, v2;
	v1 =	vadd.s32 v15, v1;
	v15 =	vld [tilespmem:s10+$0x6180];
	v16 =	vmul.u32 $0x3, v19  }
0x322: {  	v17 =	vmin.u32 v17, $0x2;
	vm9 =	vgt.s32 v11, $0x0;
	v25 =	vld.idx.msk [tilespmem:v10+s23+$0x0], $0xffff  }
0x323: {  	v11 =	vnsel vm9, $0x0, v11;
	v1 =	vmul.u32 $0x3, v1;
	v16 =	vadd.s32 v17, v16;
	v17 =	vld.idx.msk [tilespmem:v9+s23+$0x0], $0xffff  }
0x324: {  	v11 =	vmin.u32 v11, $0x2;
	v19 =	vadd.s32 $0x15, v7;
	v27 =	vld.idx.msk [tilespmem:v3+s23+$0x0], $0xffff  }
0x325: {  	v28 =	vadd.s32 $0x15, v10;
	v1 =	vadd.s32 v11, v1;
	v11 =	vld [tilespmem:s10+$0x61B0]  }
0x326: {  	v31 =	vld.idx.msk [tilespmem:v14+s23+$0x0], $0xffff  }
0x327: {  	v26 =	vadd.s32 $0x15, v9;
	v49 =	vld.idx.msk [tilespmem:v12+s23+$0x0], $0xffff;
	[tilespmem:s10+$0x10100] =	vst v18  }
0x328: {  	v48 =	vadd.s32 $0x15, v3;
	[tilespmem:s10+$0x10120] =	vst v25;
	v18 =	vld.idx.msk [tilespmem:v16+s23+$0x0], $0xffff  }
0x329: {  	v50 =	vadd.s32 $0x15, v14;
	[tilespmem:s10+$0x10110] =	vst v17;
	v17 =	vld.idx.msk [tilespmem:v19+s23+$0x0], $0xffff  }
0x32a: {  	v51 =	vadd.s32 $0x15, v12;
	[tilespmem:s10+$0x10130] =	vst v27;
	v27 =	vld.idx.msk [tilespmem:v28+s23+$0x0], $0xffff  }
0x32b: {  	v19 =	vadd.s32 $0x15, v16;
	v2 =	vld.idx.msk [tilespmem:v1+s23+$0x0], $0xffff  }
0x32c: {  	v25 =	vld.idx.msk [tilespmem:v26+s23+$0x0], $0xffff;
	v26 =	vadd.s32 $0x2A, v7  }
0x32d: {  	v28 =	vadd.s32 $0x2A, v9;
	[tilespmem:s10+$0x10140] =	vst v31;
	v31 =	vld.idx.msk [tilespmem:v48+s23+$0x0], $0xffff  }
0x32e: {  	v52 =	vadd.s32 $0x2A, v10;
	[tilespmem:s10+$0x10150] =	vst v49;
	v53 =	vld.idx.msk [tilespmem:v50+s23+$0x0], $0xffff  }
0x32f: {  	v54 =	vadd.s32 $0x2A, v3;
	[tilespmem:s10+$0x10160] =	vst v18;
	v18 =	vld.idx.msk [tilespmem:v51+s23+$0x0], $0xffff  }
0x330: {  	v55 =	vadd.s32 $0x2A, v14;
	[tilespmem:s10+$0x12100] =	vst v17;
	v17 =	vld.idx.msk [tilespmem:v19+s23+$0x0], $0xffff  }
0x331: {  	v19 =	vadd.s32 $0x2A, v12;
	[tilespmem:s10+$0x12110] =	vst v25;
	v25 =	vld.idx.msk [tilespmem:v26+s23+$0x0], $0xffff  }
0x332: {  	[tilespmem:s10+$0x12120] =	vst v27;
	v26 =	vadd.s32 $0x2A, v16;
	v27 =	vld.idx.msk [tilespmem:v28+s23+$0x0], $0xffff  }
0x333: {  	v7 =	vadd.s32 $0x3F, v7;
	[tilespmem:s10+$0x12130] =	vst v31;
	v28 =	vld.idx.msk [tilespmem:v52+s23+$0x0], $0xffff  }
0x334: {  	v9 =	vadd.s32 $0x3F, v9;
	[tilespmem:s10+$0x12140] =	vst v53;
	v31 =	vld.idx.msk [tilespmem:v54+s23+$0x0], $0xffff  }
0x335: {  	v10 =	vadd.s32 $0x3F, v10;
	[tilespmem:s10+$0x12150] =	vst v18;
	v18 =	vld.idx.msk [tilespmem:v55+s23+$0x0], $0xffff  }
0x336: {  	v3 =	vadd.s32 $0x3F, v3;
	[tilespmem:s10+$0x12160] =	vst v17;
	v17 =	vld.idx.msk [tilespmem:v19+s23+$0x0], $0xffff  }
0x337: {  	v4 =	vcvt.s32.f32 v4;
	v21 =	vcvt.s32.f32 v21;
	v14 =	vadd.s32 $0x3F, v14;
	[tilespmem:s10+$0x14100] =	vst v25;
	v19 =	vld.idx.msk [tilespmem:v26+s23+$0x0], $0xffff  }
0x338: {  	v5 =	vcvt.s32.f32 v5;
	v6 =	vcvt.s32.f32 v6;
	v12 =	vadd.s32 $0x3F, v12;
	[tilespmem:s10+$0x14110] =	vst v27;
	v7 =	vld.idx.msk [tilespmem:v7+s23+$0x0], $0xffff  }
0x339: {  	v30 =	vcvt.s32.f32 v30;
	v56 =	vshra.s32 v21, $0x17;
	v16 =	vadd.s32 $0x3F, v16;
	[tilespmem:s10+$0x14120] =	vst v28;
	v9 =	vld.idx.msk [tilespmem:v9+s23+$0x0], $0xffff  }
0x33a: {  	vm12 =	vgt.s32 v24, $0x0;
	v8 =	vcvt.s32.f32 v8;
	v25 =	vshra.s32 v4, $0x17;
	[tilespmem:s10+$0x14130] =	vst v31;
	v10 =	vld.idx.msk [tilespmem:v10+s23+$0x0], $0xffff  }
0x33b: {  	vm15 =	vgt.s32 v22, $0x0;
	v24 =	vnsel vm12, $0x0, v24;
	v26 =	vshra.s32 v5, $0x17;
	v3 =	vld.idx.msk [tilespmem:v3+s23+$0x0], $0xffff;
	[tilespmem:s10+$0x14140] =	vst v18  }
0x33c: {  	v13 =	vcvt.s32.f32 v13;
	vm14 =	vgt.s32 v20, $0x0;
	v27 =	vshra.s32 v6, $0x17;
	v14 =	vld.idx.msk [tilespmem:v14+s23+$0x0], $0xffff;
	[tilespmem:s10+$0x14150] =	vst v17  }
0x33d: {  	vm8 =	vgt.s32 v23, $0x0;
	vm13 =	vgt.s32 v11, $0x0;
	v18 =	vshra.s32 v8, $0x17;
	v12 =	vld.idx.msk [tilespmem:v12+s23+$0x0], $0xffff;
	[tilespmem:s10+$0x14160] =	vst v19  }
0x33e: {  	vm11 =	vgt.s32 v29, $0x0;
	vm10 =	vgt.s32 v15, $0x0;
	v11 =	vnsel vm13, $0x0, v11;
	[tilespmem:s10+$0x16100] =	vst v7;
	v7 =	vld.idx.msk [tilespmem:v16+s23+$0x0], $0xffff  }
0x33f: {  	v15 =	vnsel vm10, $0x0, v15;
	v11 =	vmin.u32 v11, $0x2;
	v31 =	vshra.s32 v30, $0x17;
	v16 =	vld.idx.msk [tilespmem:v25+s20+$0x0], $0xffff;
	[tilespmem:s10+$0x16110] =	vst v9  }
0x340: {  	v28 =	vadd.s32 $0x15, v1;
	v17 =	vshra.s32 v13, $0x17;
	v19 =	vadd.s32 $0x2A, v1;
	[tilespmem:s10+$0x16120] =	vst v10;
	v25 =	vld.idx.msk [tilespmem:v26+s20+$0x0], $0xffff  }
0x341: {  	v10 =	vnsel vm14, $0x0, v20;
	v20 =	vnsel vm15, $0x0, v22;
	v22 =	vnsel vm8, $0x0, v23;
	[tilespmem:s10+$0x16130] =	vst v3;
	v23 =	vld.idx.msk [tilespmem:v27+s20+$0x0], $0xffff  }
0x342: {  	v1 =	vadd.s32 $0x3F, v1;
	v9 =	vnsel vm11, $0x0, v29;
	v3 =	vmin.u32 v15, $0x2;
	v18 =	vld.idx.msk [tilespmem:v18+s20+$0x0], $0xffff  }
0x343: {  	v15 =	vmin.u32 v24, $0x2;
	v9 =	vmin.u32 v9, $0x2;
	v10 =	vmin.u32 v10, $0x2;
	[tilespmem:s10+$0x16140] =	vst v14  }
0x344: {  	v14 =	vmin.u32 v20, $0x2;
	v20 =	vld.idx.msk [tilespmem:v31+s20+$0x0], $0xffff;
	[tilespmem:s10+$0x16150] =	vst v12;
	v12 =	vmin.u32 v22, $0x2;
	v22 =	vand.u32 $0xFFFFFFF8, v16  }
0x345: {  	v17 =	vld.idx.msk [tilespmem:v17+s20+$0x0], $0xffff;
	[tilespmem:s10+$0x16160] =	vst v7;
	v7 =	vand.u32 $0x7, v16;
	vm9 =	vge.f32 v4, v22;
	v57 =	vand.u32 $0xFFFFFFF8, v25  }
0x346: {  	v22 =	vand.u32 $0x7, v25;
	v58 =	vand.u32 $0xFFFFFFF8, v23;
	vm10 =	vge.f32 v5, v57  }
0x347: {  	v16 =	vld.idx.msk [tilespmem:v56+s20+$0x0], $0xffff;
	v59 =	vsel vm9, $0x1, v0;
	vm11 =	vge.f32 v6, v58;
	v60 =	vand.u32 $0xFFFFFFF8, v18  }
0x348: {  	v24 =	vsel vm10, $0x1, v0;
	v6 =	vsel vm11, $0x1, v0;
	vm12 =	vge.f32 v8, v60  }
0x349: {  	[tilespmem:s10+$0x101F0] =	vst v2;
	v5 =	vadd.s32 v59, v7;
	v25 =	vand.u32 $0xFFFFFFF8, v20;
	v8 =	vsel vm12, $0x1, v0  }
0x34a: {  	v61 =	vld.idx.msk [tilespmem:v28+s23+$0x0], $0xffff;
	v5 =	vmul.u32 $0x3, v5;
	vm13 =	vge.f32 v30, v25;
	v2 =	vand.u32 $0xFFFFFFF8, v17  }
0x34b: {  	v7 =	vand.u32 $0x7, v17;
	v17 =	vadd.s32 v24, v22;
	v25 =	vsel vm13, $0x1, v0  }
0x34c: {  	vm14 =	vge.f32 v13, v2;
	v2 =	vand.u32 $0xFFFFFFF8, v16;
	v13 =	vand.u32 $0x7, v23  }
0x34d: {  	v16 =	vand.u32 $0x7, v16;
	v3 =	vadd.s32 v3, v5;
	v23 =	vsel vm14, $0x1, v0  }
0x34e: {  	vm15 =	vge.f32 v21, v2;
	v2 =	vand.u32 $0x7, v18;
	v18 =	vand.u32 $0x7, v20  }
0x34f: {  	[tilespmem:s10+$0x121F0] =	vst v61;
	v6 =	vadd.s32 v6, v13;
	v35 =	vadd.s32 $0x2A, v3;
	v20 =	vsel vm15, $0x1, v0  }
0x350: {  	v2 =	vadd.s32 v8, v2;
	v62 =	vadd.s32 v25, v18;
	v7 =	vadd.s32 v23, v7;
	v8 =	vld.idx.msk [tilespmem:v19+s23+$0x0], $0xffff  }
0x351: {  	v6 =	vmul.u32 $0x3, v6;
	v13 =	vadd.s32 v20, v16;
	v16 =	vmul.u32 $0x3, v17  }
0x352: {  	v2 =	vmul.u32 $0x3, v2;
	v4 =	vmul.u32 $0x3, v62;
	v7 =	vmul.u32 $0x3, v7  }
0x353: {  	v20 =	vadd.s32 $0x15, v3;
	v6 =	vadd.s32 v15, v6;
	v63 =	vadd.s32 v9, v16  }
0x354: {  	v9 =	vmul.u32 $0x3, v13;
	v2 =	vadd.s32 v11, v2;
	v28 =	vadd.s32 v10, v4  }
0x355: {  	v24 =	vadd.s32 v14, v7;
	v19 =	vadd.s32 $0x15, v6;
	v33 =	vadd.s32 $0x2A, v6;
	[tilespmem:s10+$0x141F0] =	vst v8  }
0x356: {  	v14 =	vadd.s32 $0x3F, v3;
	v13 =	vadd.s32 $0x3F, v6;
	v21 =	vadd.s32 $0x15, v63;
	v1 =	vld.idx.msk [tilespmem:v1+s23+$0x0], $0xffff  }
0x357: {  	v23 =	vld.idx.msk [tilespmem:v3+s23+$0x0], $0xffff;
	v18 =	vadd.s32 $0x15, v2;
	v17 =	vadd.s32 $0x15, v28;
	v16 =	vadd.s32 $0x15, v24  }
0x358: {  	v34 =	vadd.s32 $0x2A, v63;
	v32 =	vadd.s32 $0x2A, v2;
	v31 =	vadd.s32 $0x2A, v28;
	v26 =	vld.idx.msk [tilespmem:v6+s23+$0x0], $0xffff  }
0x359: {  	v29 =	vadd.s32 $0x2A, v24;
	v11 =	vadd.s32 $0x3F, v2;
	v10 =	vadd.s32 $0x3F, v28;
	v25 =	vld.idx.msk [tilespmem:v63+s23+$0x0], $0xffff  }
0x35a: {  	v22 =	vadd.s32 v12, v9;
	v12 =	vadd.s32 $0x3F, v63;
	v9 =	vadd.s32 $0x3F, v24;
	v27 =	vld.idx.msk [tilespmem:v2+s23+$0x0], $0xffff  }
0x35b: {  	s13 =	simm.s32 $0x0;
	s21 =	simm.s32 $0x800;
	v15 =	vadd.s32 $0x15, v22;
	v30 =	vadd.s32 $0x2A, v22;
	v8 =	vadd.s32 $0x3F, v22;
	v28 =	vld.idx.msk [tilespmem:v28+s23+$0x0], $0xffff;
	[tilespmem:s10+$0x161F0] =	vst v1  }
.LBB2_5:
0x35c: {  	s17 =	sshra.s32 s21, $0x2;
	v24 =	vld.idx.msk [tilespmem:v24+s23+$0x0], $0xffff  }
0x35d: {  	[tilespmem:$0x1FE90] =	vst v29;
	v29 =	vld [tilespmem:s17+$0x2070]  }
0x35e: {  	[tilespmem:$0x1FEA0] =	vst v30;
	v30 =	vld [tilespmem:s17+$0x2060]  }
0x35f: {  	v43 =	vld [tilespmem:s17+$0x6070];
	[tilespmem:s10+$0x10180] =	vst v23  }
0x360: {  	[tilespmem:s10+$0x10190] =	vst v25;
	v23 =	vld [tilespmem:s17+$0x2000]  }
0x361: {  	[tilespmem:s10+$0x101A0] =	vst v26;
	v25 =	vld [tilespmem:s17+$0x2010]  }
0x362: {  	[tilespmem:s10+$0x101B0] =	vst v27;
	v26 =	vld [tilespmem:s17+$0x2020]  }
0x363: {  	[tilespmem:s10+$0x101C0] =	vst v28;
	v27 =	vld [tilespmem:s17+$0x2030]  }
0x364: {  	v28 =	vld [tilespmem:s17+$0x2040]  }
0x365: {  	v52 =	vld [tilespmem:s17+$0x6000]  }
0x366: {  	v54 =	vld [tilespmem:s17+$0x6010];
	v29 =	vcvt.s32.f32 v29  }
0x367: {  	v36 =	vld [tilespmem:s17+$0x6020];
	v30 =	vcvt.s32.f32 v30  }
0x368: {  	[tilespmem:$0x1FE80] =	vst v31;
	v38 =	vld [tilespmem:s17+$0x6030];
	v31 =	vshra.s32 v29, $0x17;
	v23 =	vcvt.s32.f32 v23  }
0x369: {  	[tilespmem:s10+$0x101D0] =	vst v24;
	v47 =	vld [tilespmem:s17+$0x6040];
	v42 =	vshra.s32 v30, $0x17;
	v25 =	vcvt.s32.f32 v25  }
0x36a: {  	v24 =	vld [tilespmem:s17+$0x2050];
	v26 =	vcvt.s32.f32 v26;
	v53 =	vshra.s32 v23, $0x17  }
0x36b: {  	v2 =	vld [tilespmem:s17+$0x20F0];
	vm13 =	vgt.s32 v43, $0x0;
	v55 =	vshra.s32 v25, $0x17  }
0x36c: {  	v56 =	vld [tilespmem:s17+$0x6050];
	v27 =	vcvt.s32.f32 v27;
	v28 =	vcvt.s32.f32 v28;
	v37 =	vshra.s32 v26, $0x17  }
0x36d: {  	[tilespmem:$0x1FE40] =	vst v35;
	vm0 =	vgt.s32 v52, $0x0;
	vm9 =	vgt.s32 v54, $0x0;
	vm10 =	vgt.s32 v36, $0x0;
	v31 =	vld.idx.msk [tilespmem:v31+s20+$0x0], $0xffff  }
0x36e: {  	[tilespmem:$0x1FE60] =	vst v33;
	vm11 =	vgt.s32 v38, $0x0;
	vm6 =	vgt.s32 v47, $0x0;
	v39 =	vshra.s32 v27, $0x17;
	v42 =	vld.idx.msk [tilespmem:v42+s20+$0x0], $0xffff  }
0x36f: {  	[tilespmem:$0x1FE70] =	vst v32;
	v24 =	vcvt.s32.f32 v24;
	v32 =	vnsel vm0, $0x0, v52;
	v40 =	vshra.s32 v28, $0x17;
	v33 =	vld.idx.msk [tilespmem:v53+s20+$0x0], $0xffff  }
0x370: {  	[tilespmem:$0x1FE50] =	vst v34;
	v34 =	vnsel vm9, $0x0, v54;
	v36 =	vnsel vm10, $0x0, v36;
	v38 =	vnsel vm11, $0x0, v38;
	v35 =	vld.idx.msk [tilespmem:v55+s20+$0x0], $0xffff  }
0x371: {  	vm7 =	vgt.s32 v56, $0x0;
	v63 =	vnsel vm6, $0x0, v47;
	v32 =	vmin.u32 v32, $0x2;
	v37 =	vld.idx.msk [tilespmem:v37+s20+$0x0], $0xffff  }
0x372: {  	v48 =	vld [tilespmem:s17+$0x20C0];
	v34 =	vmin.u32 v34, $0x2;
	v41 =	vshra.s32 v24, $0x17;
	v44 =	vand.u32 $0xFFFFFFF8, v31  }
0x373: {  	v36 =	vmin.u32 v36, $0x2;
	v38 =	vmin.u32 v38, $0x2;
	v39 =	vld.idx.msk [tilespmem:v39+s20+$0x0], $0xffff;
	vm12 =	vge.f32 v29, v44  }
0x374: {  	v4 =	vnsel vm7, $0x0, v56;
	v40 =	vld.idx.msk [tilespmem:v40+s20+$0x0], $0xffff;
	v31 =	vand.u32 $0x7, v31;
	v44 =	vsel vm12, $0x1, v0  }
0x375: {  	v52 =	vld [tilespmem:s17+$0x20D0];
	v58 =	vand.u32 $0x7, v42;
	v31 =	vadd.s32 v44, v31;
	v45 =	vand.u32 $0xFFFFFFF8, v33  }
0x376: {  	v47 =	vld [tilespmem:s17+$0x60C0];
	v33 =	vand.u32 $0x7, v33;
	v29 =	vand.u32 $0xFFFFFFF8, v35;
	v46 =	vand.u32 $0xFFFFFFF8, v37  }
0x377: {  	v41 =	vld.idx.msk [tilespmem:v41+s20+$0x0], $0xffff;
	v31 =	vmul.u32 $0x3, v31;
	v35 =	vand.u32 $0x7, v35;
	v37 =	vand.u32 $0x7, v37  }
0x378: {  	v54 =	vld [tilespmem:s17+$0x60E0];
	vm1 =	vge.f32 v23, v45;
	v23 =	vnsel vm13, $0x0, v43;
	vm14 =	vge.f32 v25, v29  }
0x379: {  	v56 =	vld [tilespmem:s17+$0x2110];
	v25 =	vand.u32 $0xFFFFFFF8, v39;
	vm2 =	vge.f32 v26, v46;
	v26 =	vand.u32 $0xFFFFFFF8, v40  }
0x37a: {  	v53 =	vld [tilespmem:s17+$0x20E0];
	v39 =	vand.u32 $0x7, v39;
	v40 =	vand.u32 $0x7, v40;
	v23 =	vmin.u32 v23, $0x2  }
0x37b: {  	v55 =	vld [tilespmem:s17+$0x2100];
	vm3 =	vge.f32 v27, v25;
	vm4 =	vge.f32 v28, v26;
	v25 =	vsel vm1, $0x1, v0  }
0x37c: {  	v29 =	vld [tilespmem:s17+$0x6060];
	v27 =	vsel vm2, $0x1, v0;
	v31 =	vadd.s32 v23, v31;
	v23 =	vand.u32 $0xFFFFFFF8, v41  }
0x37d: {  	v45 =	vld [tilespmem:s17+$0x2080];
	v57 =	vsel vm4, $0x1, v0;
	v41 =	vand.u32 $0x7, v41;
	v25 =	vadd.s32 v25, v33  }
0x37e: {  	v46 =	vld [tilespmem:s17+$0x2090];
	v27 =	vadd.s32 v27, v37;
	vm15 =	vge.f32 v24, v23;
	v23 =	vand.u32 $0xFFFFFFF8, v42  }
0x37f: {  	v26 =	vld [tilespmem:s17+$0x20A0];
	v24 =	vsel vm14, $0x1, v0;
	v59 =	vadd.s32 $0x15, v31;
	v60 =	vadd.s32 v57, v40  }
0x380: {  	v28 =	vld [tilespmem:s17+$0x20B0];
	v25 =	vmul.u32 $0x3, v25;
	v27 =	vmul.u32 $0x3, v27;
	vm5 =	vge.f32 v30, v23  }
0x381: {  	v57 =	vld [tilespmem:s17+$0x2120];
	v30 =	vsel vm3, $0x1, v0;
	v49 =	vsel vm15, $0x1, v0;
	v35 =	vadd.s32 v24, v35  }
0x382: {  	v23 =	vld [tilespmem:s17+$0x6080];
	v37 =	vmul.u32 $0x3, v60;
	v50 =	vsel vm5, $0x1, v0;
	v25 =	vadd.s32 v32, v25  }
0x383: {  	v24 =	vld [tilespmem:s17+$0x6090];
	v30 =	vadd.s32 v30, v39;
	v35 =	vmul.u32 $0x3, v35;
	v27 =	vadd.s32 v36, v27  }
0x384: {  	v61 =	vadd.s32 v49, v41;
	vm8 =	vgt.s32 v29, $0x0;
	v41 =	vmin.u32 v63, $0x2;
	v51 =	vld.idx.msk [tilespmem:v31+s23+$0x0], $0xffff  }
0x385: {  	v49 =	vld [tilespmem:s17+$0x60A0];
	v33 =	vadd.s32 v50, v58;
	v30 =	vmul.u32 $0x3, v30;
	v34 =	vadd.s32 v34, v35  }
0x386: {  	v50 =	vld [tilespmem:s17+$0x60B0];
	v29 =	vnsel vm8, $0x0, v29;
	v60 =	vadd.s32 $0x2A, v25;
	v33 =	vmul.u32 $0x3, v33  }
0x387: {  	v29 =	vmin.u32 v29, $0x2;
	v35 =	vadd.s32 v41, v37;
	v30 =	vadd.s32 v38, v30;
	v41 =	vld.idx.msk [tilespmem:v25+s23+$0x0], $0xffff  }
0x388: {  	v7 =	vadd.s32 $0x3F, v25;
	v29 =	vadd.s32 v29, v33;
	v33 =	vadd.s32 $0x15, v25;
	v25 =	vld.idx.msk [tilespmem:v27+s23+$0x0], $0xffff  }
0x389: {  	[tilespmem:s17+$0x10070] =	vst v51;
	v51 =	vld [tilespmem:s17+$0x60D0]  }
0x38a: {  	v37 =	vadd.s32 $0x15, v27;
	v3 =	vld.idx.msk [tilespmem:v34+s23+$0x0], $0xffff  }
0x38b: {  	[tilespmem:$0x1FEF0] =	vst v10;
	v44 =	vmin.u32 v4, $0x2;
	v5 =	vadd.s32 $0x2A, v31;
	v39 =	vmul.u32 $0x3, v61;
	v62 =	vld.idx.msk [tilespmem:v59+s23+$0x0], $0xffff  }
0x38c: {  	[tilespmem:$0x1FF10] =	vst v8;
	v36 =	vadd.s32 $0x15, v34;
	v61 =	vadd.s32 $0x2A, v34;
	v8 =	vadd.s32 $0x3F, v34;
	v34 =	vld.idx.msk [tilespmem:v30+s23+$0x0], $0xffff  }
0x38d: {  	v38 =	vadd.s32 $0x15, v30;
	v1 =	vadd.s32 $0x2A, v30;
	v10 =	vadd.s32 $0x3F, v30;
	v30 =	vld.idx.msk [tilespmem:v35+s23+$0x0], $0xffff;
	[tilespmem:s17+$0x10000] =	vst v41  }
0x38e: {  	v32 =	vadd.s32 v44, v39;
	[tilespmem:s17+$0x10020] =	vst v25;
	v33 =	vld.idx.msk [tilespmem:v33+s23+$0x0], $0xffff  }
0x38f: {  	v37 =	vld.idx.msk [tilespmem:v37+s23+$0x0], $0xffff;
	[tilespmem:s17+$0x10010] =	vst v3  }
0x390: {  	v3 =	vld.idx.msk [tilespmem:v29+s23+$0x0], $0xffff;
	[tilespmem:s17+$0x12070] =	vst v62  }
0x391: {  	v63 =	vadd.s32 $0x2A, v27;
	v40 =	vld.idx.msk [tilespmem:v5+s23+$0x0], $0xffff  }
0x392: {  	v31 =	vadd.s32 $0x3F, v31;
	v43 =	vadd.s32 $0x3F, v32;
	v25 =	vld.idx.msk [tilespmem:v36+s23+$0x0], $0xffff;
	[tilespmem:s17+$0x10030] =	vst v34  }
0x393: {  	v59 =	vadd.s32 $0x15, v32;
	v62 =	vadd.s32 $0x15, v29;
	[tilespmem:s17+$0x10040] =	vst v30;
	v5 =	vadd.s32 $0x2A, v32;
	v32 =	vld.idx.msk [tilespmem:v32+s23+$0x0], $0xffff  }
0x394: {  	v30 =	vld.idx.msk [tilespmem:v38+s23+$0x0], $0xffff;
	[tilespmem:s17+$0x12000] =	vst v33  }
0x395: {  	[tilespmem:s17+$0x12020] =	vst v37;
	v60 =	vld.idx.msk [tilespmem:v60+s23+$0x0], $0xffff  }
0x396: {  	v2 =	vcvt.s32.f32 v2;
	vm13 =	vgt.s32 v47, $0x0;
	v63 =	vld.idx.msk [tilespmem:v63+s23+$0x0], $0xffff;
	[tilespmem:s17+$0x14070] =	vst v40  }
0x397: {  	v47 =	vnsel vm13, $0x0, v47;
	v6 =	vadd.s32 $0x2A, v29;
	[tilespmem:s17+$0x10060] =	vst v3;
	v31 =	vld.idx.msk [tilespmem:v31+s23+$0x0], $0xffff  }
0x398: {  	v44 =	vadd.s32 $0x3F, v29;
	v29 =	vshra.s32 v2, $0x17;
	v36 =	vmin.u32 v47, $0x2;
	[tilespmem:s17+$0x12010] =	vst v25;
	v47 =	vld.idx.msk [tilespmem:v62+s23+$0x0], $0xffff  }
0x399: {  	v58 =	vadd.s32 $0x15, v35;
	[tilespmem:s17+$0x10050] =	vst v32;
	v61 =	vld.idx.msk [tilespmem:v61+s23+$0x0], $0xffff  }
0x39a: {  	[tilespmem:s17+$0x12030] =	vst v30;
	v3 =	vld.idx.msk [tilespmem:v59+s23+$0x0], $0xffff  }
0x39b: {  	v1 =	vld.idx.msk [tilespmem:v1+s23+$0x0], $0xffff;
	[tilespmem:s17+$0x14000] =	vst v60  }
0x39c: {  	vm11 =	vgt.s32 v49, $0x0;
	v60 =	vld [tilespmem:s17+$0x2170];
	[tilespmem:s17+$0x16070] =	vst v31  }
0x39d: {  	vm12 =	vgt.s32 v50, $0x0;
	v31 =	vnsel vm11, $0x0, v49;
	v49 =	vld.idx.msk [tilespmem:v29+s20+$0x0], $0xffff  }
0x39e: {  	[tilespmem:$0x1FF00] =	vst v9;
	v42 =	vcvt.s32.f32 v45;
	v29 =	vnsel vm12, $0x0, v50;
	v50 =	vld.idx.msk [tilespmem:v58+s23+$0x0], $0xffff  }
0x39f: {  	v9 =	vadd.s32 $0x3F, v27;
	[tilespmem:s17+$0x12060] =	vst v47;
	v7 =	vld.idx.msk [tilespmem:v7+s23+$0x0], $0xffff  }
0x3a0: {  	v39 =	vcvt.s32.f32 v46;
	v46 =	vshra.s32 v42, $0x17;
	vm5 =	vgt.s32 v51, $0x0;
	[tilespmem:s17+$0x14020] =	vst v63;
	v6 =	vld.idx.msk [tilespmem:v6+s23+$0x0], $0xffff  }
0x3a1: {  	v4 =	vadd.s32 $0x2A, v35;
	[tilespmem:s17+$0x14030] =	vst v1;
	v58 =	vnsel vm5, $0x0, v51;
	v51 =	vld [tilespmem:s17+$0x60F0]  }
0x3a2: {  	[tilespmem:s17+$0x14010] =	vst v61;
	v1 =	vld.idx.msk [tilespmem:v10+s23+$0x0], $0xffff  }
0x3a3: {  	v27 =	vcvt.s32.f32 v48;
	v48 =	vshra.s32 v39, $0x17;
	v41 =	vcvt.s32.f32 v26;
	[tilespmem:s17+$0x12040] =	vst v50;
	v50 =	vld.idx.msk [tilespmem:v8+s23+$0x0], $0xffff  }
0x3a4: {  	v26 =	vcvt.s32.f32 v53;
	v40 =	vcvt.s32.f32 v28;
	[tilespmem:s17+$0x16000] =	vst v7;
	v62 =	vand.u32 $0xFFFFFFF8, v49;
	v8 =	vld.idx.msk [tilespmem:v9+s23+$0x0], $0xffff  }
0x3a5: {  	v28 =	vcvt.s32.f32 v52;
	v52 =	vshra.s32 v41, $0x17;
	[tilespmem:s17+$0x12050] =	vst v3;
	v9 =	vld.idx.msk [tilespmem:v46+s20+$0x0], $0xffff;
	vm14 =	vge.f32 v2, v62  }
0x3a6: {  	[tilespmem:s17+$0x14060] =	vst v6;
	vm15 =	vgt.s32 v51, $0x0;
	v2 =	vand.u32 $0x7, v49;
	v4 =	vld.idx.msk [tilespmem:v4+s23+$0x0], $0xffff;
	v3 =	vsel vm14, $0x1, v0  }
0x3a7: {  	[tilespmem:$0x1FEC0] =	vst v12;
	v53 =	vshra.s32 v40, $0x17;
	v49 =	vnsel vm15, $0x0, v51;
	v51 =	vld.idx.msk [tilespmem:v44+s23+$0x0], $0xffff;
	v2 =	vadd.s32 v3, v2  }
0x3a8: {  	[tilespmem:$0x1FEE0] =	vst v11;
	v11 =	vadd.s32 $0x3F, v35;
	v3 =	vld.idx.msk [tilespmem:v5+s23+$0x0], $0xffff;
	v2 =	vmul.u32 $0x3, v2  }
0x3a9: {  	v5 =	vmin.u32 v49, $0x2;
	[tilespmem:s17+$0x16010] =	vst v50;
	v50 =	vld [tilespmem:s17+$0x2190]  }
0x3aa: {  	[tilespmem:s17+$0x16020] =	vst v8;
	v2 =	vadd.s32 v5, v2;
	v8 =	vld.idx.msk [tilespmem:v48+s20+$0x0], $0xffff  }
0x3ab: {  	vm9 =	vgt.s32 v23, $0x0;
	vm10 =	vgt.s32 v24, $0x0;
	[tilespmem:s17+$0x16030] =	vst v1;
	v1 =	vld.idx.msk [tilespmem:v52+s20+$0x0], $0xffff  }
0x3ac: {  	vm6 =	vgt.s32 v54, $0x0;
	v23 =	vnsel vm9, $0x0, v23;
	v24 =	vnsel vm10, $0x0, v24;
	[tilespmem:s17+$0x14040] =	vst v4;
	v52 =	vld.idx.msk [tilespmem:v53+s20+$0x0], $0xffff  }
0x3ad: {  	v12 =	vshra.s32 v27, $0x17;
	v45 =	vshra.s32 v26, $0x17;
	v33 =	vmin.u32 v24, $0x2;
	v4 =	vld.idx.msk [tilespmem:v11+s23+$0x0], $0xffff;
	[tilespmem:s17+$0x14050] =	vst v3  }
0x3ae: {  	v24 =	vcvt.s32.f32 v55;
	v32 =	vmin.u32 v23, $0x2;
	v23 =	vnsel vm6, $0x0, v54;
	v6 =	vld.idx.msk [tilespmem:v43+s23+$0x0], $0xffff  }
0x3af: {  	v25 =	vcvt.s32.f32 v56;
	v38 =	vmin.u32 v23, $0x2;
	v23 =	vcvt.s32.f32 v57;
	v3 =	vld.idx.msk [tilespmem:v2+s23+$0x0], $0xffff  }
0x3b0: {  	[tilespmem:$0x1FED0] =	vst v13;
	v13 =	vshra.s32 v28, $0x17;
	v34 =	vmin.u32 v31, $0x2;
	v5 =	vld [tilespmem:s17+$0x2150];
	v7 =	vadd.s32 $0x15, v2  }
0x3b1: {  	v35 =	vmin.u32 v29, $0x2;
	v37 =	vmin.u32 v58, $0x2;
	[tilespmem:s17+$0x16060] =	vst v51;
	v53 =	vand.u32 $0xFFFFFFF8, v9;
	v51 =	vld [tilespmem:s17+$0x21A0]  }
0x3b2: {  	v10 =	vadd.s32 $0x2A, v2;
	vm4 =	vge.f32 v42, v53;
	v11 =	vld.idx.msk [tilespmem:v45+s20+$0x0], $0xffff;
	v55 =	vand.u32 $0xFFFFFFF8, v1;
	[tilespmem:s17+$0x16040] =	vst v4  }
0x3b3: {  	v54 =	vand.u32 $0xFFFFFFF8, v8;
	v8 =	vand.u32 $0x7, v8;
	vm6 =	vge.f32 v41, v55;
	v41 =	vld [tilespmem:s17+$0x2140];
	[tilespmem:s17+$0x16050] =	vst v6  }
0x3b4: {  	v56 =	vand.u32 $0xFFFFFFF8, v52;
	v1 =	vand.u32 $0x7, v1;
	vm5 =	vge.f32 v39, v54;
	v6 =	vld.idx.msk [tilespmem:v12+s20+$0x0], $0xffff;
	[tilespmem:s17+$0x100F0] =	vst v3  }
0x3b5: {  	v2 =	vadd.s32 $0x3F, v2;
	vm7 =	vge.f32 v40, v56;
	v39 =	vsel vm5, $0x1, v0;
	v3 =	vld.idx.msk [tilespmem:v7+s23+$0x0], $0xffff  }
0x3b6: {  	v57 =	vsel vm6, $0x1, v0;
	v8 =	vadd.s32 v39, v8;
	v7 =	vand.u32 $0x7, v9;
	v9 =	vld.idx.msk [tilespmem:v13+s20+$0x0], $0xffff  }
0x3b7: {  	v40 =	vld [tilespmem:s17+$0x2160];
	v12 =	vsel vm4, $0x1, v0;
	v1 =	vadd.s32 v57, v1;
	v8 =	vmul.u32 $0x3, v8  }
0x3b8: {  	v4 =	vld [tilespmem:s17+$0x6130];
	v58 =	vsel vm7, $0x1, v0;
	v1 =	vmul.u32 $0x3, v1;
	v7 =	vadd.s32 v12, v7  }
0x3b9: {  	v39 =	vld [tilespmem:s17+$0x6150];
	v8 =	vadd.s32 v33, v8;
	v59 =	vand.u32 $0xFFFFFFF8, v6;
	v7 =	vmul.u32 $0x3, v7  }
0x3ba: {  	v13 =	vld [tilespmem:s17+$0x2130];
	v1 =	vadd.s32 v34, v1;
	v6 =	vand.u32 $0x7, v6;
	vm8 =	vge.f32 v27, v59  }
0x3bb: {  	v33 =	vld [tilespmem:s17+$0x2180];
	v61 =	vsel vm8, $0x1, v0;
	v7 =	vadd.s32 v32, v7;
	[tilespmem:s17+$0x120F0] =	vst v3;
	v27 =	vand.u32 $0xFFFFFFF8, v9  }
0x3bc: {  	v3 =	vand.u32 $0x7, v52;
	v9 =	vand.u32 $0x7, v9;
	v10 =	vld.idx.msk [tilespmem:v10+s23+$0x0], $0xffff;
	vm9 =	vge.f32 v28, v27  }
0x3bd: {  	v32 =	vld [tilespmem:s17+$0x6160];
	v6 =	vadd.s32 v61, v6;
	v3 =	vadd.s32 v58, v3;
	v62 =	vsel vm9, $0x1, v0  }
0x3be: {  	v46 =	vld.idx.msk [tilespmem:v8+s23+$0x0], $0xffff;
	v28 =	vand.u32 $0xFFFFFFF8, v11;
	v3 =	vmul.u32 $0x3, v3;
	v9 =	vadd.s32 v62, v9  }
0x3bf: {  	v48 =	vld.idx.msk [tilespmem:v1+s23+$0x0], $0xffff;
	v11 =	vand.u32 $0x7, v11;
	vm10 =	vge.f32 v26, v28;
	v9 =	vmul.u32 $0x3, v9  }
0x3c0: {  	v27 =	vld [tilespmem:s17+$0x6100];
	v6 =	vmul.u32 $0x3, v6;
	v28 =	vsel vm10, $0x1, v0;
	v3 =	vadd.s32 v35, v3  }
0x3c1: {  	v26 =	vld [tilespmem:s17+$0x6110];
	[tilespmem:s17+$0x140F0] =	vst v10;
	v10 =	vadd.s32 v28, v11;
	v11 =	vcvt.s32.f32 v60;
	v9 =	vadd.s32 v37, v9  }
0x3c2: {  	v6 =	vadd.s32 v36, v6;
	v2 =	vld.idx.msk [tilespmem:v2+s23+$0x0], $0xffff  }
0x3c3: {  	v44 =	vadd.s32 $0x15, v1;
	v36 =	vld.idx.msk [tilespmem:v7+s23+$0x0], $0xffff;
	v63 =	vshra.s32 v11, $0x17  }
0x3c4: {  	v34 =	vadd.s32 $0x15, v7;
	v43 =	vcvt.s32.f32 v13;
	v58 =	vadd.s32 $0x2A, v6;
	v28 =	vld [tilespmem:s17+$0x6140]  }
0x3c5: {  	v45 =	vadd.s32 $0x15, v3;
	v57 =	vadd.s32 $0x2A, v3;
	v61 =	vadd.s32 $0x3F, v3;
	v3 =	vld.idx.msk [tilespmem:v3+s23+$0x0], $0xffff  }
0x3c6: {  	v52 =	vadd.s32 $0x15, v9;
	v59 =	vadd.s32 $0x2A, v9;
	v13 =	vadd.s32 $0x3F, v9;
	v9 =	vld.idx.msk [tilespmem:v9+s23+$0x0], $0xffff  }
0x3c7: {  	v62 =	vadd.s32 $0x3F, v6;
	v10 =	vmul.u32 $0x3, v10;
	[tilespmem:s17+$0x160F0] =	vst v2;
	v2 =	vadd.s32 $0x15, v6;
	v6 =	vld.idx.msk [tilespmem:v6+s23+$0x0], $0xffff  }
0x3c8: {  	[tilespmem:$0x1FEB0] =	vst v14;
	v56 =	vadd.s32 $0x2A, v1;
	v54 =	vadd.s32 $0x2A, v7;
	v42 =	vld.idx.msk [tilespmem:v63+s20+$0x0], $0xffff  }
0x3c9: {  	v35 =	vcvt.s32.f32 v5;
	v37 =	vcvt.s32.f32 v41;
	v10 =	vadd.s32 v38, v10;
	[tilespmem:s17+$0x10080] =	vst v36;
	v63 =	vld [tilespmem:s17+$0x6170]  }
0x3ca: {  	[tilespmem:s17+$0x100A0] =	vst v48;
	vm13 =	vgt.s32 v27, $0x0;
	vm14 =	vgt.s32 v26, $0x0;
	v38 =	vadd.s32 $0x15, v8;
	v34 =	vld.idx.msk [tilespmem:v34+s23+$0x0], $0xffff  }
0x3cb: {  	v41 =	vld.idx.msk [tilespmem:v44+s23+$0x0], $0xffff;
	v36 =	vcvt.s32.f32 v40;
	v53 =	vadd.s32 $0x15, v10;
	vm10 =	vgt.s32 v28, $0x0;
	[tilespmem:s17+$0x100B0] =	vst v3  }
0x3cc: {  	v60 =	vadd.s32 $0x2A, v10;
	v14 =	vadd.s32 $0x3F, v10;
	v44 =	vld.idx.msk [tilespmem:v45+s23+$0x0], $0xffff;
	v45 =	vnsel vm10, $0x0, v28;
	[tilespmem:s17+$0x100D0] =	vst v9  }
0x3cd: {  	v12 =	vld [tilespmem:s17+$0x6120];
	v9 =	vnsel vm14, $0x0, v26;
	[tilespmem:s17+$0x100C0] =	vst v6;
	v6 =	vnsel vm13, $0x0, v27;
	v49 =	vand.u32 $0xFFFFFFF8, v42  }
0x3ce: {  	v5 =	vld.idx.msk [tilespmem:v10+s23+$0x0], $0xffff;
	v10 =	vand.u32 $0x7, v42;
	vm12 =	vgt.s32 v63, $0x0;
	v40 =	vmin.u32 v6, $0x2  }
0x3cf: {  	[tilespmem:s17+$0x12080] =	vst v34;
	v2 =	vld.idx.msk [tilespmem:v2+s23+$0x0], $0xffff;
	vm11 =	vge.f32 v11, v49;
	v63 =	vnsel vm12, $0x0, v63;
	vm12 =	vgt.s32 v32, $0x0  }
0x3d0: {  	[tilespmem:s17+$0x10090] =	vst v46;
	v11 =	vsel vm11, $0x1, v0;
	v3 =	vmin.u32 v63, $0x2;
	vm11 =	vgt.s32 v39, $0x0;
	v63 =	vld.idx.msk [tilespmem:v54+s23+$0x0], $0xffff  }
0x3d1: {  	[tilespmem:s17+$0x120A0] =	vst v41;
	v6 =	vnsel vm12, $0x0, v32;
	v10 =	vadd.s32 v11, v10;
	v11 =	vld.idx.msk [tilespmem:v38+s23+$0x0], $0xffff;
	v26 =	vnsel vm11, $0x0, v39  }
0x3d2: {  	[tilespmem:s17+$0x120B0] =	vst v44;
	v39 =	vmin.u32 v45, $0x2;
	v45 =	vmin.u32 v6, $0x2;
	v6 =	vld.idx.msk [tilespmem:v56+s23+$0x0], $0xffff;
	v10 =	vmul.u32 $0x3, v10  }
0x3d3: {  	vm15 =	vgt.s32 v12, $0x0;
	v7 =	vadd.s32 $0x3F, v7;
	v38 =	vmin.u32 v9, $0x2;
	v9 =	vld.idx.msk [tilespmem:v57+s23+$0x0], $0xffff  }
0x3d4: {  	v55 =	vadd.s32 $0x2A, v8;
	[tilespmem:s17+$0x100E0] =	vst v5;
	v3 =	vadd.s32 v3, v10;
	v10 =	vnsel vm15, $0x0, v12;
	v12 =	vld.idx.msk [tilespmem:v52+s23+$0x0], $0xffff  }
0x3d5: {  	v1 =	vadd.s32 $0x3F, v1;
	[tilespmem:s17+$0x120C0] =	vst v2;
	v52 =	vld.idx.msk [tilespmem:v53+s23+$0x0], $0xffff  }
0x3d6: {  	v41 =	vmin.u32 v10, $0x2;
	v10 =	vld.idx.msk [tilespmem:v58+s23+$0x0], $0xffff  }
0x3d7: {  	[tilespmem:s17+$0x14080] =	vst v63;
	v63 =	vld [tilespmem:s17+$0x21D0]  }
0x3d8: {  	[tilespmem:s17+$0x12090] =	vst v11;
	v56 =	vld.idx.msk [tilespmem:v7+s23+$0x0], $0xffff  }
0x3d9: {  	[tilespmem:s17+$0x140A0] =	vst v6;
	v55 =	vld.idx.msk [tilespmem:v55+s23+$0x0], $0xffff  }
0x3da: {  	[tilespmem:s17+$0x140B0] =	vst v9;
	v1 =	vld.idx.msk [tilespmem:v1+s23+$0x0], $0xffff  }
0x3db: {  	v29 =	vshra.s32 v24, $0x17;
	v7 =	vld.idx.msk [tilespmem:v61+s23+$0x0], $0xffff  }
0x3dc: {  	v54 =	vld.idx.msk [tilespmem:v3+s23+$0x0], $0xffff;
	[tilespmem:s17+$0x120D0] =	vst v12  }
0x3dd: {  	[tilespmem:s17+$0x120E0] =	vst v52;
	v11 =	vld.idx.msk [tilespmem:v59+s23+$0x0], $0xffff  }
0x3de: {  	v8 =	vadd.s32 $0x3F, v8;
	v12 =	vld.idx.msk [tilespmem:v60+s23+$0x0], $0xffff;
	[tilespmem:s17+$0x16080] =	vst v56  }
0x3df: {  	v2 =	vadd.s32 $0x15, v3;
	v6 =	vadd.s32 $0x2A, v3;
	[tilespmem:s17+$0x160A0] =	vst v1;
	v1 =	vadd.s32 $0x3F, v3;
	v3 =	vld [tilespmem:s17+$0x21F0]  }
0x3e0: {  	v58 =	vld.idx.msk [tilespmem:v29+s20+$0x0], $0xffff  }
0x3e1: {  	v30 =	vshra.s32 v23, $0x17;
	[tilespmem:s17+$0x14090] =	vst v55;
	v55 =	vld [tilespmem:s17+$0x61F0]  }
0x3e2: {  	v20 =	vld.idx.msk [tilespmem:v20+s23+$0x0], $0xffff  }
0x3e3: {  	[tilespmem:s17+$0x140C0] =	vst v10;
	v5 =	vld.idx.msk [tilespmem:v8+s23+$0x0], $0xffff  }
0x3e4: {  	v8 =	vld.idx.msk [tilespmem:v62+s23+$0x0], $0xffff;
	[tilespmem:s17+$0x10170] =	vst v54  }
0x3e5: {  	v47 =	vshra.s32 v43, $0x17;
	[tilespmem:s17+$0x160B0] =	vst v7;
	v2 =	vld.idx.msk [tilespmem:v2+s23+$0x0], $0xffff  }
0x3e6: {  	v7 =	vld.idx.msk [tilespmem:v30+s20+$0x0], $0xffff;
	[tilespmem:s17+$0x140E0] =	vst v12  }
0x3e7: {  	v31 =	vshra.s32 v25, $0x17;
	v57 =	vld.idx.msk [tilespmem:v14+s23+$0x0], $0xffff  }
0x3e8: {  	v48 =	vshra.s32 v36, $0x17;
	v30 =	vld [tilespmem:s17+$0x6180];
	[tilespmem:s17+$0x140D0] =	vst v11  }
0x3e9: {  	v9 =	vld.idx.msk [tilespmem:v13+s23+$0x0], $0xffff;
	[tilespmem:s17+$0x160C0] =	vst v8  }
0x3ea: {  	vm9 =	vgt.s32 v4, $0x0;
	v59 =	vand.u32 $0xFFFFFFF8, v58;
	v8 =	vld.idx.msk [tilespmem:v47+s20+$0x0], $0xffff;
	[tilespmem:s17+$0x12170] =	vst v2  }
0x3eb: {  	v4 =	vnsel vm9, $0x0, v4;
	v46 =	vshra.s32 v37, $0x17;
	[tilespmem:s17+$0x16090] =	vst v5;
	vm13 =	vge.f32 v24, v59;
	v2 =	vld.idx.msk [tilespmem:v6+s23+$0x0], $0xffff  }
0x3ec: {  	v28 =	vcvt.s32.f32 v50;
	v5 =	vand.u32 $0x7, v58;
	v12 =	vsel vm13, $0x1, v0;
	v6 =	vld.idx.msk [tilespmem:v31+s20+$0x0], $0xffff;
	[tilespmem:s17+$0x160E0] =	vst v57  }
0x3ed: {  	v42 =	vmin.u32 v4, $0x2;
	v49 =	vshra.s32 v35, $0x17;
	v5 =	vadd.s32 v12, v5;
	v11 =	vld.idx.msk [tilespmem:v48+s20+$0x0], $0xffff  }
0x3ee: {  	v44 =	vmin.u32 v26, $0x2;
	v19 =	vld.idx.msk [tilespmem:v19+s23+$0x0], $0xffff;
	vm9 =	vgt.s32 v55, $0x0;
	v5 =	vmul.u32 $0x3, v5  }
0x3ef: {  	v18 =	vld.idx.msk [tilespmem:v18+s23+$0x0], $0xffff;
	v61 =	vand.u32 $0xFFFFFFF8, v7;
	v7 =	vand.u32 $0x7, v7;
	v62 =	vand.u32 $0xFFFFFFF8, v8  }
0x3f0: {  	v14 =	vld [tilespmem:s17+$0x21C0];
	vm15 =	vge.f32 v23, v61;
	v5 =	vadd.s32 v40, v5;
	vm4 =	vge.f32 v43, v62  }
0x3f1: {  	[tilespmem:s17+$0x14170] =	vst v2;
	v2 =	vcvt.s32.f32 v3;
	v3 =	vld.idx.msk [tilespmem:v46+s20+$0x0], $0xffff;
	v60 =	vand.u32 $0xFFFFFFF8, v6;
	v6 =	vand.u32 $0x7, v6  }
0x3f2: {  	[tilespmem:s17+$0x160D0] =	vst v9;
	v1 =	vld.idx.msk [tilespmem:v1+s23+$0x0], $0xffff;
	vm14 =	vge.f32 v25, v60;
	v25 =	vsel vm15, $0x1, v0;
	v53 =	vand.u32 $0xFFFFFFF8, v11  }
0x3f3: {  	v9 =	vld.idx.msk [tilespmem:v49+s20+$0x0], $0xffff;
	v11 =	vand.u32 $0x7, v11;
	v10 =	vshra.s32 v2, $0x17;
	vm7 =	vge.f32 v36, v53  }
0x3f4: {  	v24 =	vld [tilespmem:s17+$0x21B0];
	v13 =	vsel vm14, $0x1, v0;
	v7 =	vadd.s32 v25, v7;
	v12 =	vsel vm7, $0x1, v0  }
0x3f5: {  	v17 =	vld.idx.msk [tilespmem:v17+s23+$0x0], $0xffff;
	v6 =	vadd.s32 v13, v6;
	v7 =	vmul.u32 $0x3, v7;
	v11 =	vadd.s32 v12, v11  }
0x3f6: {  	v31 =	vld [tilespmem:s17+$0x21E0];
	v23 =	vand.u32 $0xFFFFFFF8, v3;
	v3 =	vand.u32 $0x7, v3;
	v11 =	vmul.u32 $0x3, v11  }
0x3f7: {  	v22 =	vld.idx.msk [tilespmem:v22+s23+$0x0], $0xffff;
	v7 =	vadd.s32 v41, v7;
	[tilespmem:s17+$0x16170] =	vst v1;
	v1 =	vand.u32 $0x7, v8;
	v8 =	vsel vm4, $0x1, v0  }
0x3f8: {  	v16 =	vld.idx.msk [tilespmem:v16+s23+$0x0], $0xffff;
	vm5 =	vge.f32 v37, v23;
	v23 =	vand.u32 $0xFFFFFFF8, v9;
	v9 =	vand.u32 $0x7, v9  }
0x3f9: {  	v10 =	vld.idx.msk [tilespmem:v10+s20+$0x0], $0xffff;
	v29 =	vsel vm5, $0x1, v0;
	vm6 =	vge.f32 v35, v23;
	v1 =	vadd.s32 v8, v1  }
0x3fa: {  	[tilespmem:s10+$0x12180] =	vst v20;
	v36 =	vld [tilespmem:s17+$0x61C0];
	v11 =	vadd.s32 v45, v11;
	v54 =	vsel vm6, $0x1, v0;
	v3 =	vadd.s32 v29, v3  }
0x3fb: {  	v56 =	vld.idx.msk [tilespmem:v5+s23+$0x0], $0xffff;
	v1 =	vmul.u32 $0x3, v1;
	v50 =	vadd.s32 $0x2A, v11;
	v29 =	vcvt.s32.f32 v24  }
0x3fc: {  	v13 =	vld [tilespmem:s17+$0x61A0];
	v24 =	vcvt.s32.f32 v14;
	v9 =	vadd.s32 v54, v9;
	v3 =	vmul.u32 $0x3, v3  }
0x3fd: {  	v37 =	vld [tilespmem:s17+$0x61E0];
	v14 =	vadd.s32 $0x3F, v11;
	v9 =	vmul.u32 $0x3, v9;
	v1 =	vadd.s32 v42, v1  }
0x3fe: {  	v23 =	vld [tilespmem:s17+$0x6190];
	v3 =	vadd.s32 v39, v3;
	v39 =	vadd.s32 $0x15, v1;
	v25 =	vand.u32 $0xFFFFFFF8, v10  }
0x3ff: {  	[tilespmem:s10+$0x121A0] =	vst v19;
	v8 =	vld [tilespmem:s17+$0x61B0];
	v10 =	vand.u32 $0x7, v10;
	v9 =	vadd.s32 v44, v9;
	vm8 =	vge.f32 v2, v25  }
0x400: {  	[tilespmem:s10+$0x101E0] =	vst v22;
	v19 =	vld.idx.msk [tilespmem:v7+s23+$0x0], $0xffff;
	v40 =	vadd.s32 $0x15, v3;
	v2 =	vmul.u32 $0x3, v6;
	v12 =	vsel vm8, $0x1, v0  }
0x401: {  	[tilespmem:s10+$0x121B0] =	vst v18;
	v44 =	vadd.s32 $0x15, v11;
	v11 =	vld.idx.msk [tilespmem:v11+s23+$0x0], $0xffff;
	v10 =	vadd.s32 v12, v10;
	v12 =	vnsel vm9, $0x0, v55  }
0x402: {  	[tilespmem:s10+$0x121C0] =	vst v17;
	v2 =	vadd.s32 v38, v2;
	v38 =	vadd.s32 $0x15, v7;
	v18 =	vld.idx.msk [tilespmem:v1+s23+$0x0], $0xffff;
	v10 =	vmul.u32 $0x3, v10  }
0x403: {  	v48 =	vadd.s32 $0x2A, v3;
	v58 =	vadd.s32 $0x3F, v3;
	v12 =	vmin.u32 v12, $0x2;
	v3 =	vld.idx.msk [tilespmem:v3+s23+$0x0], $0xffff  }
0x404: {  	v6 =	vld [tilespmem:s17+$0x61D0];
	v10 =	vadd.s32 v12, v10  }
0x405: {  	[tilespmem:s10+$0x121D0] =	vst v16;
	v12 =	vld.idx.msk [tilespmem:v21+s23+$0x0], $0xffff;
	v21 =	vadd.s32 $0x15, v5  }
0x406: {  	v41 =	vadd.s32 $0x15, v9;
	v49 =	vadd.s32 $0x2A, v9;
	v59 =	vadd.s32 $0x3F, v9;
	[tilespmem:s17+$0x10120] =	vst v19;
	v9 =	vld.idx.msk [tilespmem:v9+s23+$0x0], $0xffff  }
0x407: {  	[tilespmem:s17+$0x10130] =	vst v18;
	v38 =	vld.idx.msk [tilespmem:v38+s23+$0x0], $0xffff  }
0x408: {  	vm10 =	vgt.s32 v30, $0x0;
	vm12 =	vgt.s32 v13, $0x0;
	[tilespmem:s17+$0x10140] =	vst v3;
	v3 =	vld.idx.msk [tilespmem:v39+s23+$0x0], $0xffff  }
0x409: {  	v46 =	vadd.s32 $0x2A, v7;
	[tilespmem:s17+$0x10100] =	vst v56;
	v13 =	vnsel vm12, $0x0, v13;
	v47 =	vadd.s32 $0x2A, v1;
	v22 =	vld.idx.msk [tilespmem:v10+s23+$0x0], $0xffff  }
0x40a: {  	vm11 =	vgt.s32 v23, $0x0;
	v16 =	vnsel vm10, $0x0, v30;
	vm8 =	vgt.s32 v37, $0x0;
	[tilespmem:s17+$0x10160] =	vst v11;
	v62 =	vld.idx.msk [tilespmem:v21+s23+$0x0], $0xffff  }
0x40b: {  	[tilespmem:s17+$0x10150] =	vst v9;
	v9 =	vnsel vm8, $0x0, v37;
	v21 =	vmin.u32 v16, $0x2;
	v16 =	vmin.u32 v13, $0x2;
	v13 =	vld.idx.msk [tilespmem:v40+s23+$0x0], $0xffff  }
0x40c: {  	v18 =	vnsel vm11, $0x0, v23;
	[tilespmem:s10+$0x12190] =	vst v12;
	v23 =	vmin.u32 v9, $0x2;
	v9 =	vld.idx.msk [tilespmem:v44+s23+$0x0], $0xffff  }
0x40d: {  	vm13 =	vgt.s32 v8, $0x0;
	v57 =	vadd.s32 $0x15, v10;
	v12 =	vld.idx.msk [tilespmem:v2+s23+$0x0], $0xffff;
	[tilespmem:s17+$0x12120] =	vst v38  }
0x40e: {  	v42 =	vadd.s32 $0x2A, v5;
	v8 =	vnsel vm13, $0x0, v8;
	[tilespmem:s17+$0x12130] =	vst v3;
	v3 =	vld.idx.msk [tilespmem:v46+s23+$0x0], $0xffff  }
0x40f: {  	v35 =	vadd.s32 $0x15, v2;
	[tilespmem:s17+$0x101F0] =	vst v22;
	v22 =	vmin.u32 v18, $0x2;
	v18 =	vmin.u32 v8, $0x2;
	v8 =	vld.idx.msk [tilespmem:v41+s23+$0x0], $0xffff  }
0x410: {  	v7 =	vadd.s32 $0x3F, v7;
	[tilespmem:s17+$0x12140] =	vst v13;
	v13 =	vld.idx.msk [tilespmem:v47+s23+$0x0], $0xffff  }
0x411: {  	[tilespmem:s17+$0x12100] =	vst v62;
	v62 =	vld [tilespmem:$0x1FE90]  }
0x412: {  	v17 =	vld.idx.msk [tilespmem:v57+s23+$0x0], $0xffff  }
0x413: {  	v25 =	vcvt.s32.f32 v63;
	v63 =	vadd.s32 $0x2A, v10;
	[tilespmem:s17+$0x10110] =	vst v12;
	v11 =	vld.idx.msk [tilespmem:v42+s23+$0x0], $0xffff  }
0x414: {  	v30 =	vld.idx.msk [tilespmem:v35+s23+$0x0], $0xffff;
	[tilespmem:s17+$0x14120] =	vst v3  }
0x415: {  	v3 =	vld.idx.msk [tilespmem:v7+s23+$0x0], $0xffff;
	[tilespmem:s17+$0x12150] =	vst v8  }
0x416: {  	v1 =	vadd.s32 $0x3F, v1;
	vm15 =	vgt.s32 v6, $0x0;
	v8 =	vld.idx.msk [tilespmem:v48+s23+$0x0], $0xffff;
	[tilespmem:s17+$0x14130] =	vst v13  }
0x417: {  	v5 =	vadd.s32 $0x3F, v5;
	v6 =	vnsel vm15, $0x0, v6;
	v13 =	vld [tilespmem:$0x1FE50];
	[tilespmem:s17+$0x121F0] =	vst v17  }
0x418: {  	v26 =	vcvt.s32.f32 v51;
	v43 =	vadd.s32 $0x2A, v2;
	v17 =	vmin.u32 v6, $0x2;
	v6 =	vld.idx.msk [tilespmem:v63+s23+$0x0], $0xffff  }
0x419: {  	v10 =	vadd.s32 $0x3F, v10;
	[tilespmem:s17+$0x12160] =	vst v9;
	v9 =	vld.idx.msk [tilespmem:v49+s23+$0x0], $0xffff  }
0x41a: {  	v32 =	vshra.s32 v26, $0x17;
	[tilespmem:s17+$0x14100] =	vst v11;
	v11 =	vld [tilespmem:$0x1FE40]  }
0x41b: {  	v1 =	vld.idx.msk [tilespmem:v1+s23+$0x0], $0xffff  }
0x41c: {  	[tilespmem:s17+$0x12110] =	vst v30;
	v5 =	vld.idx.msk [tilespmem:v5+s23+$0x0], $0xffff  }
0x41d: {  	v30 =	vld.idx.msk [tilespmem:v43+s23+$0x0], $0xffff;
	[tilespmem:s17+$0x141F0] =	vst v6  }
0x41e: {  	[tilespmem:s17+$0x16120] =	vst v3;
	v6 =	vld.idx.msk [tilespmem:v10+s23+$0x0], $0xffff  }
0x41f: {  	v2 =	vadd.s32 $0x3F, v2;
	[tilespmem:s17+$0x14140] =	vst v8;
	v3 =	vld.idx.msk [tilespmem:v32+s20+$0x0], $0xffff  }
0x420: {  	v27 =	vcvt.s32.f32 v33;
	v60 =	vshra.s32 v29, $0x17;
	[tilespmem:s17+$0x14150] =	vst v9;
	v10 =	vld.idx.msk [tilespmem:v50+s23+$0x0], $0xffff  }
0x421: {  	v7 =	vld.idx.msk [tilespmem:v59+s23+$0x0], $0xffff;
	[tilespmem:s17+$0x16100] =	vst v5  }
0x422: {  	v33 =	vshra.s32 v27, $0x17;
	[tilespmem:s17+$0x14110] =	vst v30;
	v11 =	vld.idx.msk [tilespmem:v11+s23+$0x0], $0xffff  }
0x423: {  	[tilespmem:s17+$0x161F0] =	vst v6;
	v6 =	vld.idx.msk [tilespmem:v58+s23+$0x0], $0xffff  }
0x424: {  	v20 =	vcvt.s32.f32 v31;
	v31 =	vshra.s32 v24, $0x17;
	[tilespmem:s17+$0x16130] =	vst v1;
	v2 =	vld.idx.msk [tilespmem:v2+s23+$0x0], $0xffff  }
0x425: {  	v34 =	vshra.s32 v28, $0x17;
	v1 =	vld.idx.msk [tilespmem:v60+s20+$0x0], $0xffff;
	[tilespmem:s17+$0x14160] =	vst v10  }
0x426: {  	v12 =	vshra.s32 v25, $0x17;
	v53 =	vld.idx.msk [tilespmem:v14+s23+$0x0], $0xffff  }
0x427: {  	v8 =	vld.idx.msk [tilespmem:v33+s20+$0x0], $0xffff;
	[tilespmem:s10+$0x14180] =	vst v11  }
0x428: {  	v11 =	vld [tilespmem:$0x1FEA0];
	[tilespmem:s17+$0x16140] =	vst v6  }
0x429: {  	v61 =	vshra.s32 v20, $0x17;
	[tilespmem:s17+$0x16110] =	vst v2;
	v54 =	vld.idx.msk [tilespmem:v31+s20+$0x0], $0xffff  }
0x42a: {  	[tilespmem:s17+$0x16150] =	vst v7;
	v2 =	vld.idx.msk [tilespmem:v34+s20+$0x0], $0xffff  }
0x42b: {  	v6 =	vld.idx.msk [tilespmem:v12+s20+$0x0], $0xffff;
	[tilespmem:s17+$0x16160] =	vst v53  }
0x42c: {  	v9 =	vld.idx.msk [tilespmem:v15+s23+$0x0], $0xffff  }
0x42d: {  	v15 =	vld [tilespmem:$0x1FE60]  }
0x42e: {  	v55 =	vand.u32 $0xFFFFFFF8, v8;
	v7 =	vand.u32 $0x7, v8;
	v8 =	vld.idx.msk [tilespmem:v61+s20+$0x0], $0xffff;
	v59 =	vand.u32 $0xFFFFFFF8, v54  }
0x42f: {  	vm9 =	vge.f32 v27, v55;
	v56 =	vand.u32 $0xFFFFFFF8, v2;
	vm13 =	vge.f32 v24, v59;
	v24 =	vld [tilespmem:$0x1FE70]  }
0x430: {  	v10 =	vsel vm9, $0x1, v0;
	v13 =	vld.idx.msk [tilespmem:v13+s23+$0x0], $0xffff;
	vm10 =	vge.f32 v28, v56  }
0x431: {  	v7 =	vadd.s32 v10, v7;
	v10 =	vld [tilespmem:$0x1FEB0];
	v2 =	vand.u32 $0x7, v2;
	v12 =	vsel vm10, $0x1, v0  }
0x432: {  	vm14 =	vgt.s32 v36, $0x0;
	v60 =	vand.u32 $0xFFFFFFF8, v6;
	v2 =	vadd.s32 v12, v2;
	v12 =	vld [tilespmem:$0x1FED0]  }
0x433: {  	v19 =	vnsel vm14, $0x0, v36;
	vm14 =	vge.f32 v25, v60;
	v25 =	vld [tilespmem:$0x1FE80];
	v61 =	vand.u32 $0xFFFFFFF8, v8;
	[tilespmem:s10+$0x121E0] =	vst v9  }
0x434: {  	vm15 =	vge.f32 v20, v61;
	v11 =	vld.idx.msk [tilespmem:v11+s23+$0x0], $0xffff  }
0x435: {  	v7 =	vmul.u32 $0x3, v7;
	v8 =	vand.u32 $0x7, v8;
	v9 =	vsel vm15, $0x1, v0;
	v15 =	vld.idx.msk [tilespmem:v15+s23+$0x0], $0xffff  }
0x436: {  	v8 =	vadd.s32 v9, v8;
	v9 =	vld [tilespmem:$0x1FEC0]  }
0x437: {  	v63 =	vadd.s32 v21, v7;
	v6 =	vand.u32 $0x7, v6;
	v24 =	vld.idx.msk [tilespmem:v24+s23+$0x0], $0xffff  }
0x438: {  	v2 =	vmul.u32 $0x3, v2;
	v28 =	vsel vm14, $0x1, v0;
	v7 =	vmul.u32 $0x3, v8;
	v8 =	vld [tilespmem:$0x1FEE0]  }
0x439: {  	v6 =	vadd.s32 v28, v6;
	[tilespmem:s10+$0x141E0] =	vst v11;
	v11 =	vld [tilespmem:$0x1FEF0]  }
0x43a: {  	v2 =	vadd.s32 v22, v2;
	v6 =	vmul.u32 $0x3, v6;
	v22 =	vadd.s32 v23, v7;
	v7 =	vld [tilespmem:$0x1FF10]  }
0x43b: {  	v57 =	vand.u32 $0xFFFFFFF8, v3;
	v25 =	vld.idx.msk [tilespmem:v25+s23+$0x0], $0xffff  }
0x43c: {  	vm11 =	vge.f32 v26, v57;
	v58 =	vand.u32 $0xFFFFFFF8, v1;
	[tilespmem:s10+$0x141B0] =	vst v24;
	v24 =	vadd.s32 v17, v6;
	v6 =	vld [tilespmem:$0x1FF00]  }
0x43d: {  	v3 =	vand.u32 $0x7, v3;
	v5 =	vld.idx.msk [tilespmem:v62+s23+$0x0], $0xffff;
	v14 =	vsel vm11, $0x1, v0;
	vm12 =	vge.f32 v29, v58  }
0x43e: {  	v1 =	vand.u32 $0x7, v1;
	v26 =	vsel vm12, $0x1, v0;
	v3 =	vadd.s32 v14, v3;
	v10 =	vld.idx.msk [tilespmem:v10+s23+$0x0], $0xffff;
	[tilespmem:s10+$0x141A0] =	vst v15  }
0x43f: {  	v1 =	vadd.s32 v26, v1;
	v3 =	vmul.u32 $0x3, v3;
	[tilespmem:s10+$0x14190] =	vst v13;
	v12 =	vld.idx.msk [tilespmem:v12+s23+$0x0], $0xffff  }
0x440: {  	v1 =	vmul.u32 $0x3, v1;
	v4 =	vand.u32 $0x7, v54;
	v27 =	vsel vm13, $0x1, v0;
	v9 =	vld.idx.msk [tilespmem:v9+s23+$0x0], $0xffff  }
0x441: {  	v19 =	vmin.u32 v19, $0x2;
	v3 =	vadd.s32 v16, v3;
	v4 =	vadd.s32 v27, v4;
	[tilespmem:s10+$0x141C0] =	vst v25;
	v8 =	vld.idx.msk [tilespmem:v8+s23+$0x0], $0xffff  }
0x442: {  	[tilespmem:s10+$0x141D0] =	vst v5;
	v1 =	vadd.s32 v18, v1;
	v33 =	vadd.s32 $0x2A, v3;
	v4 =	vmul.u32 $0x3, v4;
	v11 =	vld.idx.msk [tilespmem:v11+s23+$0x0], $0xffff  }
0x443: {  	s13 =	sadd.s32 $0x80, s13;
	v18 =	vadd.s32 $0x15, v1;
	v35 =	vadd.s32 $0x2A, v63;
	v32 =	vadd.s32 $0x2A, v1;
	[tilespmem:s10+$0x16180] =	vst v10;
	v7 =	vld.idx.msk [tilespmem:v7+s23+$0x0], $0xffff  }
0x444: {  	p0 =	slt.u32 s13, $0x780;
	v14 =	vadd.s32 $0x3F, v63;
	v13 =	vadd.s32 $0x3F, v3;
	v4 =	vadd.s32 v19, v4;
	[tilespmem:s10+$0x161A0] =	vst v12;
	v6 =	vld.idx.msk [tilespmem:v6+s23+$0x0], $0xffff  }
.Ltmp3:
0x445: {  	v20 =	vadd.s32 $0x15, v63;
	v21 =	vadd.s32 $0x15, v2;
	v34 =	vadd.s32 $0x2A, v2;
	v23 =	vld.idx.msk [tilespmem:v63+s23+$0x0], $0xffff;
	[tilespmem:s10+$0x16190] =	vst v9;
	(pc) =	sbr.rel @p0 .LBB2_5-.Ltmp3, $4  }
0x446: {  	v19 =	vadd.s32 $0x15, v3;
	v31 =	vadd.s32 $0x2A, v4;
	v10 =	vadd.s32 $0x3F, v4;
	v26 =	vld.idx.msk [tilespmem:v3+s23+$0x0], $0xffff;
	[tilespmem:s10+$0x161B0] =	vst v8  }
0x447: {  	v30 =	vadd.s32 $0x2A, v22;
	v15 =	vadd.s32 $0x15, v22;
	v17 =	vadd.s32 $0x15, v4;
	v25 =	vld.idx.msk [tilespmem:v2+s23+$0x0], $0xffff;
	[tilespmem:s10+$0x161C0] =	vst v11  }
0x448: {  	v16 =	vadd.s32 $0x15, v24;
	v29 =	vadd.s32 $0x2A, v24;
	v12 =	vadd.s32 $0x3F, v2;
	[tilespmem:s10+$0x161E0] =	vst v7;
	v27 =	vld.idx.msk [tilespmem:v1+s23+$0x0], $0xffff  }
0x449: {  	s21 =	sadd.s32 $0x800, s21;
	v9 =	vadd.s32 $0x3F, v24;
	v11 =	vadd.s32 $0x3F, v1;
	v8 =	vadd.s32 $0x3F, v22;
	v28 =	vld.idx.msk [tilespmem:v4+s23+$0x0], $0xffff;
	[tilespmem:s10+$0x161D0] =	vst v6;
	s10 =	smov.u32 s17  }
0x44a: {  	_ =	sdelay $0x3  }
0x44b: {  	v1 =	vld.idx.msk [tilespmem:v24+s23+$0x0], $0xffff;
	[tilespmem:s10+$0x10180] =	vst v23  }
0x44c: {  	v2 =	vld.idx.msk [tilespmem:v22+s23+$0x0], $0xffff;
	[tilespmem:s10+$0x101A0] =	vst v26  }
0x44d: {  	v3 =	vld.idx.msk [tilespmem:v20+s23+$0x0], $0xffff;
	[tilespmem:s10+$0x10190] =	vst v25  }
0x44e: {  	v5 =	vld.idx.msk [tilespmem:v19+s23+$0x0], $0xffff;
	[tilespmem:s10+$0x101B0] =	vst v27  }
0x44f: {  	v4 =	vld.idx.msk [tilespmem:v21+s23+$0x0], $0xffff;
	[tilespmem:s10+$0x101C0] =	vst v28  }
0x450: {  	[tilespmem:s10+$0x101D0] =	vst v1;
	v1 =	vld.idx.msk [tilespmem:v18+s23+$0x0], $0xffff  }
0x451: {  	v6 =	vld.idx.msk [tilespmem:v17+s23+$0x0], $0xffff;
	[tilespmem:s10+$0x101E0] =	vst v2  }
0x452: {  	v2 =	vld.idx.msk [tilespmem:v16+s23+$0x0], $0xffff;
	[tilespmem:s10+$0x12180] =	vst v3  }
0x453: {  	v3 =	vld.idx.msk [tilespmem:v15+s23+$0x0], $0xffff;
	[tilespmem:s10+$0x121A0] =	vst v5  }
0x454: {  	v60 =	vld.idx.msk [tilespmem:v35+s23+$0x0], $0xffff;
	[tilespmem:s10+$0x12190] =	vst v4  }
0x455: {  	v5 =	vld.idx.msk [tilespmem:v33+s23+$0x0], $0xffff;
	[tilespmem:s10+$0x121B0] =	vst v1  }
0x456: {  	v1 =	vld.idx.msk [tilespmem:v34+s23+$0x0], $0xffff;
	[tilespmem:s10+$0x121C0] =	vst v6  }
0x457: {  	[tilespmem:s10+$0x121D0] =	vst v2;
	v2 =	vld.idx.msk [tilespmem:v32+s23+$0x0], $0xffff  }
0x458: {  	v6 =	vld.idx.msk [tilespmem:v31+s23+$0x0], $0xffff;
	[tilespmem:s10+$0x121E0] =	vst v3  }
0x459: {  	v3 =	vld.idx.msk [tilespmem:v29+s23+$0x0], $0xffff;
	[tilespmem:s10+$0x14180] =	vst v60  }
0x45a: {  	v61 =	vld.idx.msk [tilespmem:v30+s23+$0x0], $0xffff;
	[tilespmem:s10+$0x141A0] =	vst v5  }
0x45b: {  	v5 =	vld.idx.msk [tilespmem:v13+s23+$0x0], $0xffff;
	[tilespmem:s10+$0x14190] =	vst v1  }
0x45c: {  	v1 =	vld.idx.msk [tilespmem:v14+s23+$0x0], $0xffff;
	[tilespmem:s10+$0x141B0] =	vst v2  }
0x45d: {  	v2 =	vld.idx.msk [tilespmem:v12+s23+$0x0], $0xffff;
	[tilespmem:s10+$0x141C0] =	vst v6  }
0x45e: {  	[tilespmem:s10+$0x141D0] =	vst v3;
	v3 =	vld.idx.msk [tilespmem:v11+s23+$0x0], $0xffff  }
0x45f: {  	[tilespmem:s10+$0x141E0] =	vst v61;
	v62 =	vld.idx.msk [tilespmem:v10+s23+$0x0], $0xffff  }
0x460: {  	v63 =	vld.idx.msk [tilespmem:v8+s23+$0x0], $0xffff;
	[tilespmem:s10+$0x161A0] =	vst v5  }
0x461: {  	[tilespmem:s10+$0x16180] =	vst v1;
	v1 =	vld.idx.msk [tilespmem:v9+s23+$0x0], $0xffff  }
0x462: {  	[tilespmem:s10+$0x16190] =	vst v2  }
0x463: {  	[tilespmem:s10+$0x161B0] =	vst v3  }
0x464: {  	[tilespmem:s10+$0x161C0] =	vst v62  }
0x465: {  	[tilespmem:s10+$0x161E0] =	vst v63  }
0x466: {  	s5 =	sadd.s32 s9, s12;
	s13 =	sor.u32 $0x80040, s9;
	[tilespmem:s10+$0x161D0] =	vst v1  }
0x467: {  	[hbm4b:s5+s15] =	stream.strided.scatter [tilespmem:s30], [sflag:$0x4], $0x2000, s16, s15, $0x38;
	[tilespmem:$0x18380] =	vst v63  }
0x468: {  	s5 =	sadd.s32 s4, s13  }
0x469: {  	[hbm4b:s5+s15] =	stream.strided.scatter [tilespmem:s31], [sflag:$0x4], $0x2000, s16, s15, $0x38;
	[tilespmem:$0x18380] =	vst v63  }
.Ltmp4:
0x46a: {  	s17 =	sor.u32 $0x100040, s9;
	(pc) =	sbr.rel @p1 .LBB2_8-.Ltmp4, $4  }
0x46b: {  	s21 =	sor.u32 $0x180040, s9;
	s5 =	sadd.s32 s4, s17  }
0x46c: {  	[hbm4b:s5+s15] =	stream.strided.scatter [tilespmem:s3], [sflag:$0x4], $0x2000, s16, s15, $0x38;
	[tilespmem:$0x18380] =	vst v63  }
0x46d: {  	s5 =	sadd.s32 s4, s21  }
0x46e: {  	[hbm4b:s5+s15] =	stream.strided.scatter [tilespmem:s0], [sflag:$0x4], $0x2000, s16, s15, $0x38;
	[tilespmem:$0x18380] =	vst v63  }
0x46f: {  	s5 =	sadd.s32 s8, s11  }
0x470: {  	s5 =	sshrl.u32 s5, $0x3  }
.Ltmp5:
0x471: {  	s5 =	sor.u32 $0x40, s5;
	(pc) =	sbr.rel .LBB2_2-.Ltmp5, $4  }
0x472: {  	s21 =	sadd.s32 s1, s5  }
0x473: {  	[tilespmem:s18], [sflag:$0x2] =	stream.strided.gather [hbm4b:s21+s15], $0x2000, s16, s15, $0x38;
	[tilespmem:$0x18380] =	vst v63  }
0x474: {  	s7 =	sadd.s32 $0x1, s7;
	s5 =	sadd.s32 s2, s5  }
0x475: {  	[tilespmem:s19], [sflag:$0x2] =	stream.strided.gather [hbm4b:s5+s15], $0x2000, s16, s15, $0x38;
	[tilespmem:$0x18380] =	vst v63  }
.LBB2_9:
0x476: {  	_ =	sfence.sel $0x180000  }
0x477: {  	[bflag:$0x0] =	sbarrier.arrive $0xFFFF  }
0x478: {  	_ =	strace $0x90000047  }
0x479: {  	s0 =	stileid.u32;
	[bflag:$0x2] =	sbarrier.arrive $0xFFFF  }
0x47a: {  	p0 =	sne.s32 s0, $0x0;
	s0 =	rddreg [dreg:$0x4]  }
0x47b: {  	s0 =	sadd.s32 @!p0 $0x100000, s0  }
0x47c: {  	[sflag:s0] =	ssyncadd.tile.s32 @!p0 $0x1;
	_ =	shalt  }
.Lfunc_end2:
_tile_overlayer_lowered:
.L_overlay_start_2:
0x47d: {  	(tag) =	ssettag $0x2  }
0x47e: {  	s0 =	rddreg [dreg:$0x0];
	s2 =	stileid.u32  }
0x47f: {  	s1 =	rddreg [dreg:$0x1];
	p0 =	sne.s32 s2, $0x0  }
0x480: {  	s3 =	rddreg [dreg:$0x2];
	[bflag:$0x3] =	sbarrier.arrive $0xFFFF;
	s2 =	simm.s32 @!p0 $0x1C05  }
0x481: {  	[timem:s3], [sflag:s2] =	dma.local @!p0 [hbm:s0], s1  }
0x482: {  	s0 =	simm.s32 @!p0 $0x5  }
0x483: {  	_ =	swait.ge @!p0 [sflag:s0], s1  }
0x484: {  	s1 =	ssub.s32 @!p0 $0x0, s1;
	[sflag:s0] =	ssyncset.done @!p0 $0x0  }
0x485: {  	[sflag:s0] =	ssyncadd.s32 @!p0 s1  }
0x486: {  	[bflag:$0x3] =	sbarrier.arrive $0xFFFF  }
0x487: {  	_ =	shalt  }

</sc_bundles>
